<compile_context>
chip_gen: v7x
topology: tpu7x:2x2x1
jax: 0.10.2.dev20260603
libtpu: 0.0.44.dev20260713+nightly
codegen_flags: <defaults>
</compile_context>

<pallas_src>
import functools

import jax
import jax.numpy as jnp
from jax import lax
from jax.experimental import pallas as pl
from jax.experimental.pallas import tpu as pltpu
from jax.experimental.pallas import tpu_sc as plsc

_N = 10000
_E = 640000
_HID = 128
_NODE1 = 83
_NC = 2
_NS = 16
_NW = _NC * _NS

_RCHUNK = 2000
_RCH_PER_W = _E // (_NW * _RCHUNK)

_GCHUNK = 512
_NG_CHUNKS = 2 * _E // _GCHUNK
_G_ITERS = (_NG_CHUNKS + _NW - 1) // _NW

_SCHUNK = 256
_SCH_PER_CORE = (_E // 2) // _SCHUNK
_S_ITERS = (_SCH_PER_CORE + _NS - 1) // _NS
_STRIPE = 624
_TAIL = _N - _NS * _STRIPE

_mesh = plsc.VectorSubcoreMesh(
    core_axis_name="c", subcore_axis_name="s", num_cores=_NC, num_subcores=_NS)
_sc_params = pltpu.CompilerParams(needs_layout_passes=False)


@functools.partial(
    pl.kernel,
    out_type=(jax.ShapeDtypeStruct((_E,), jnp.float32),
              jax.ShapeDtypeStruct((2 * _E,), jnp.int32)),
    mesh=_mesh,
    scratch_types=[
        pltpu.VMEM((_N * 3,), jnp.float32),
        pltpu.VMEM((_RCHUNK,), jnp.int32),
        pltpu.VMEM((_RCHUNK,), jnp.int32),
        pltpu.VMEM((_RCHUNK,), jnp.float32),
        pltpu.VMEM((_RCHUNK,), jnp.int32),
    ],
    compiler_params=_sc_params,
)
def _radial_sc(coords_hbm, row_hbm, col_hbm, rad_out, idx2_out,
               cv, rowv, colv, radv, colnv):
    wid = lax.axis_index("s") * _NC + lax.axis_index("c")
    pltpu.sync_copy(coords_hbm, cv)

    def chunk(k, carry):
        base = (wid * _RCH_PER_W + k) * _RCHUNK
        pltpu.sync_copy(row_hbm.at[pl.ds(base, _RCHUNK)], rowv)
        pltpu.sync_copy(col_hbm.at[pl.ds(base, _RCHUNK)], colv)

        def inner(i, c2):
            s = i * 16
            ir = rowv[pl.ds(s, 16)]
            ic = colv[pl.ds(s, 16)]
            fr = ir * 3
            fc = ic * 3
            dx = plsc.load_gather(cv, [fr]) - plsc.load_gather(cv, [fc])
            dy = plsc.load_gather(cv, [fr + 1]) - plsc.load_gather(cv, [fc + 1])
            dz = plsc.load_gather(cv, [fr + 2]) - plsc.load_gather(cv, [fc + 2])
            radv[pl.ds(s, 16)] = dx * dx + dy * dy + dz * dz
            colnv[pl.ds(s, 16)] = ic + _N
            return c2

        lax.fori_loop(0, _RCHUNK // 16, inner, 0)
        pltpu.sync_copy(radv, rad_out.at[pl.ds(base, _RCHUNK)])
        pltpu.sync_copy(rowv, idx2_out.at[pl.ds(base, _RCHUNK)])
        pltpu.sync_copy(colnv, idx2_out.at[pl.ds(_E + base, _RCHUNK)])
        return carry

    lax.fori_loop(0, _RCH_PER_W, chunk, 0)


@functools.partial(
    pl.kernel,
    out_type=jax.ShapeDtypeStruct((2 * _E, _HID), jnp.float32),
    mesh=_mesh,
    scratch_types=[
        pltpu.VMEM((_GCHUNK // 128, 128), jnp.int32),
        pltpu.VMEM((_GCHUNK, _HID), jnp.float32),
        pltpu.SemaphoreType.DMA,
    ],
    compiler_params=_sc_params,
)
def _gather_sc(tab_hbm, idx_hbm, out_hbm, idxv, buf, sem):
    wid = lax.axis_index("s") * _NC + lax.axis_index("c")

    def chunk(k, carry):
        c = wid + k * _NW

        @pl.when(c < _NG_CHUNKS)
        def _():
            pltpu.sync_copy(idx_hbm.at[pl.ds(c * (_GCHUNK // 128), _GCHUNK // 128)],
                            idxv)
            cps = [pltpu.async_copy(tab_hbm.at[idxv.at[j]],
                                    buf.at[pl.ds(j * 128, 128)], sem)
                   for j in range(_GCHUNK // 128)]
            for cp in cps:
                cp.wait()
            pltpu.sync_copy(buf, out_hbm.at[pl.ds(c * _GCHUNK, _GCHUNK)])

        return carry

    lax.fori_loop(0, _G_ITERS, chunk, 0)


@functools.partial(
    pl.kernel,
    out_type=jax.ShapeDtypeStruct((_NC, _N, _HID), jnp.float32),
    mesh=_mesh,
    scratch_types=[
        pltpu.VMEM_SHARED((_N, _HID), jnp.float32),
        pltpu.VMEM((_SCHUNK // 128, 128), jnp.int32),
        pltpu.VMEM((_SCHUNK, _HID), jnp.float32),
    ],
    compiler_params=_sc_params,
)
def _scatter_sc(msg_hbm, row_hbm, zeros_hbm, agg_out, acc, idxv, buf):
    cid = lax.axis_index("c")
    sid = lax.axis_index("s")
    pltpu.sync_copy(zeros_hbm.at[pl.ds(sid * _STRIPE, _STRIPE)],
                    acc.at[pl.ds(sid * _STRIPE, _STRIPE)])

    @pl.when(sid == 0)
    def _():
        pltpu.sync_copy(zeros_hbm.at[pl.ds(_NS * _STRIPE, _TAIL)],
                        acc.at[pl.ds(_NS * _STRIPE, _TAIL)])

    plsc.subcore_barrier()

    def chunk(k, carry):
        local = sid + k * _NS

        @pl.when(local < _SCH_PER_CORE)
        def _():
            c = cid * _SCH_PER_CORE + local
            pltpu.sync_copy(msg_hbm.at[pl.ds(c * _SCHUNK, _SCHUNK)], buf)
            pltpu.sync_copy(row_hbm.at[pl.ds(c * (_SCHUNK // 128), _SCHUNK // 128)],
                            idxv)
            for j in range(_SCHUNK // 128):
                pltpu.sync_copy(buf.at[pl.ds(j * 128, 128)],
                                acc.at[idxv.at[j]], add=True)

        return carry

    lax.fori_loop(0, _S_ITERS, chunk, 0)
    plsc.subcore_barrier()
    pltpu.sync_copy(acc.at[pl.ds(sid * _STRIPE, _STRIPE)],
                    agg_out.at[cid, pl.ds(sid * _STRIPE, _STRIPE)])

    @pl.when(sid == 0)
    def _():
        pltpu.sync_copy(acc.at[pl.ds(_NS * _STRIPE, _TAIL)],
                        agg_out.at[cid, pl.ds(_NS * _STRIPE, _TAIL)])


_BN = 400
_BE = 512


def _emb_body(h0_ref, w_ref, b_ref, o_ref):
    o_ref[...] = jnp.dot(h0_ref[...], w_ref[...],
                         preferred_element_type=jnp.float32) + b_ref[...]


def _emb_tc(h0, W, b):
    return pl.pallas_call(
        _emb_body,
        grid=(_N // _BN,),
        in_specs=[pl.BlockSpec((_BN, _NODE1), lambda i: (i, 0)),
                  pl.BlockSpec((_NODE1, _HID), lambda i: (0, 0)),
                  pl.BlockSpec((1, _HID), lambda i: (0, 0))],
        out_specs=pl.BlockSpec((_BN, _HID), lambda i: (i, 0)),
        out_shape=jax.ShapeDtypeStruct((_N, _HID), jnp.float32),
    )(h0, W, b)


def _ab_body(h_ref, w_ref, o_ref):
    o_ref[...] = jnp.dot(h_ref[...], w_ref[0],
                         preferred_element_type=jnp.float32)


def _ab_tc(h, Wab):
    return pl.pallas_call(
        _ab_body,
        grid=(2, _N // _BN),
        in_specs=[pl.BlockSpec((_BN, _HID), lambda g, j: (j, 0)),
                  pl.BlockSpec((1, _HID, _HID), lambda g, j: (g, 0, 0))],
        out_specs=pl.BlockSpec((_BN, _HID), lambda g, j: (g * (_N // _BN) + j, 0)),
        out_shape=jax.ShapeDtypeStruct((2 * _N, _HID), jnp.float32),
    )(h, Wab)


def _sig(x):
    return 0.5 * jnp.tanh(0.5 * x) + 0.5


def _edge_body(g1_ref, g2_ref, r_ref, a_ref, wr_ref, wa_ref, b1_ref,
               w2_ref, b2_ref, watt_ref, batt_ref, o_ref):
    rc = r_ref[...].reshape(_BE, 1)
    ac = a_ref[...].reshape(_BE, 1)
    pre = (g1_ref[...] + g2_ref[...]
           + rc * wr_ref[...] + ac * wa_ref[...] + b1_ref[...])
    m = pre * _sig(pre)
    t = jnp.dot(m, w2_ref[...], preferred_element_type=jnp.float32) + b2_ref[...]
    m2 = t * _sig(t)
    logit = jnp.dot(m2, watt_ref[...],
                    preferred_element_type=jnp.float32) + batt_ref[...]
    o_ref[...] = m2 * _sig(logit)


def _edge_tc(G, r2, a2, wr, wa, b1, W2, b2, watt, batt):
    nblk = _E // _BE
    return pl.pallas_call(
        _edge_body,
        grid=(nblk,),
        in_specs=[pl.BlockSpec((_BE, _HID), lambda j: (j, 0)),
                  pl.BlockSpec((_BE, _HID), lambda j: (j + nblk, 0)),
                  pl.BlockSpec((_BE,), lambda j: (j,)),
                  pl.BlockSpec((_BE,), lambda j: (j,)),
                  pl.BlockSpec((1, _HID), lambda j: (0, 0)),
                  pl.BlockSpec((1, _HID), lambda j: (0, 0)),
                  pl.BlockSpec((1, _HID), lambda j: (0, 0)),
                  pl.BlockSpec((_HID, _HID), lambda j: (0, 0)),
                  pl.BlockSpec((1, _HID), lambda j: (0, 0)),
                  pl.BlockSpec((_HID, 1), lambda j: (0, 0)),
                  pl.BlockSpec((1, 1), lambda j: (0, 0))],
        out_specs=pl.BlockSpec((_BE, _HID), lambda j: (j, 0)),
        out_shape=jax.ShapeDtypeStruct((_E, _HID), jnp.float32),
    )(G, G, r2, a2, wr, wa, b1, W2, b2, watt, batt)


def _node_body(h_ref, a0_ref, a1_ref, h0_ref, wh_ref, wg_ref, w0_ref,
               b1_ref, w2_ref, b2_ref, o_ref):
    agg = a0_ref[...] + a1_ref[...]
    t = (jnp.dot(h_ref[...], wh_ref[...], preferred_element_type=jnp.float32)
         + jnp.dot(agg, wg_ref[...], preferred_element_type=jnp.float32)
         + jnp.dot(h0_ref[...], w0_ref[...], preferred_element_type=jnp.float32)
         + b1_ref[...])
    s = t * jax.nn.sigmoid(t)
    o_ref[...] = h_ref[...] + jnp.dot(
        s, w2_ref[...], preferred_element_type=jnp.float32) + b2_ref[...]


def _node_tc(h, a0, a1, h0, Wh, Wg, W0, b1, W2, b2):
    return pl.pallas_call(
        _node_body,
        grid=(_N // _BN,),
        in_specs=[pl.BlockSpec((_BN, _HID), lambda j: (j, 0)),
                  pl.BlockSpec((_BN, _HID), lambda j: (j, 0)),
                  pl.BlockSpec((_BN, _HID), lambda j: (j, 0)),
                  pl.BlockSpec((_BN, _NODE1), lambda j: (j, 0)),
                  pl.BlockSpec((_HID, _HID), lambda j: (0, 0)),
                  pl.BlockSpec((_HID, _HID), lambda j: (0, 0)),
                  pl.BlockSpec((_NODE1, _HID), lambda j: (0, 0)),
                  pl.BlockSpec((1, _HID), lambda j: (0, 0)),
                  pl.BlockSpec((_HID, _HID), lambda j: (0, 0)),
                  pl.BlockSpec((1, _HID), lambda j: (0, 0))],
        out_specs=pl.BlockSpec((_BN, _HID), lambda j: (j, 0)),
        out_shape=jax.ShapeDtypeStruct((_N, _HID), jnp.float32),
    )(h, a0, a1, h0, Wh, Wg, W0, b1, W2, b2)


def _final_body(h_ref, e_ref, wd1_ref, bd1_ref, wd2_ref, bd2_ref,
                wf1_ref, bf1_ref, wf2_ref, bf2_ref,
                wl1a_ref, wl1b_ref, bl1_ref, wl2_ref, bl2_ref, o_ref):
    t = jnp.dot(h_ref[...], wd1_ref[...],
                preferred_element_type=jnp.float32) + bd1_ref[...]
    hd = jnp.dot(t * jax.nn.sigmoid(t), wd2_ref[...],
                 preferred_element_type=jnp.float32) + bd2_ref[...]
    e1 = jax.nn.relu(jnp.dot(e_ref[...], wf1_ref[...],
                             preferred_element_type=jnp.float32) + bf1_ref[...])
    e2 = jax.nn.relu(jnp.dot(e1, wf2_ref[...],
                             preferred_element_type=jnp.float32) + bf2_ref[...])
    u = (jnp.dot(hd, wl1a_ref[...], preferred_element_type=jnp.float32)
         + jnp.dot(e2, wl1b_ref[...], preferred_element_type=jnp.float32)
         + bl1_ref[...])
    u = u * jax.nn.sigmoid(u)
    o_ref[...] = jax.nn.sigmoid(
        jnp.sum(u * wl2_ref[...], axis=1, keepdims=True) + bl2_ref[...])


def _final_tc(h, esm, Wd1, bd1, Wd2, bd2, Wf1, bf1, Wf2, bf2,
              Wl1a, Wl1b, bl1, wl2, bl2):
    i256 = _HID + 128
    return pl.pallas_call(
        _final_body,
        grid=(_N // _BN,),
        in_specs=[pl.BlockSpec((_BN, _HID), lambda j: (j, 0)),
                  pl.BlockSpec((_BN, 1280), lambda j: (j, 0)),
                  pl.BlockSpec((_HID, _HID), lambda j: (0, 0)),
                  pl.BlockSpec((1, _HID), lambda j: (0, 0)),
                  pl.BlockSpec((_HID, _HID), lambda j: (0, 0)),
                  pl.BlockSpec((1, _HID), lambda j: (0, 0)),
                  pl.BlockSpec((1280, 256), lambda j: (0, 0)),
                  pl.BlockSpec((1, 256), lambda j: (0, 0)),
                  pl.BlockSpec((256, 128), lambda j: (0, 0)),
                  pl.BlockSpec((1, 128), lambda j: (0, 0)),
                  pl.BlockSpec((_HID, i256), lambda j: (0, 0)),
                  pl.BlockSpec((128, i256), lambda j: (0, 0)),
                  pl.BlockSpec((1, i256), lambda j: (0, 0)),
                  pl.BlockSpec((1, i256), lambda j: (0, 0)),
                  pl.BlockSpec((1, 1), lambda j: (0, 0))],
        out_specs=pl.BlockSpec((_BN, 1), lambda j: (j, 0)),
        out_shape=jax.ShapeDtypeStruct((_N, 1), jnp.float32),
    )(h, esm, Wd1, bd1, Wd2, bd2, Wf1, bf1, Wf2, bf2,
      Wl1a, Wl1b, bl1, wl2, bl2)


def kernel(node_attrs, coords, edge_index, edge_attrs, W_emb, b_emb,
           We1, be1, We2, be2, Wa, ba, Wn1, bn1, Wn2, bn2, Wd1, bd1,
           Wd2, bd2, Wf1, bf1, Wf2, bf2, Wl1, bl1, Wl2, bl2):
    f32 = jnp.float32
    h0 = node_attrs[:, :_NODE1]
    esm_in = node_attrs[:, _NODE1:]
    row = edge_index[0]
    col = edge_index[1]

    radial, idx2 = _radial_sc(coords.reshape(-1), row, col)
    idx2d = idx2.reshape(2 * _E // 128, 128)
    row2d = row.reshape(_E // 128, 128)
    zeros = jnp.zeros((_N, _HID), f32)

    h = _emb_tc(h0, W_emb, b_emb.reshape(1, _HID))

    for i in range(4):
        Wab = jnp.stack([We1[i, :_HID], We1[i, _HID:2 * _HID]])
        T = _ab_tc(h, Wab)
        G = _gather_sc(T, idx2d)
        msg = _edge_tc(G, radial, edge_attrs,
                       We1[i, 2 * _HID].reshape(1, _HID),
                       We1[i, 2 * _HID + 1].reshape(1, _HID),
                       be1[i].reshape(1, _HID),
                       We2[i], be2[i].reshape(1, _HID),
                       Wa[i], ba[i].reshape(1, 1))
        agg = _scatter_sc(msg, row2d, zeros)
        h = _node_tc(h, agg[0], agg[1], h0,
                     Wn1[i, :_HID], Wn1[i, _HID:2 * _HID], Wn1[i, 2 * _HID:],
                     bn1[i].reshape(1, _HID), Wn2[i], bn2[i].reshape(1, _HID))

    return _final_tc(h, esm_in, Wd1, bd1.reshape(1, _HID), Wd2,
                     bd2.reshape(1, _HID), Wf1, bf1.reshape(1, 256),
                     Wf2, bf2.reshape(1, 128), Wl1[:_HID], Wl1[_HID:],
                     bl1.reshape(1, 256), Wl2.reshape(1, 256),
                     bl2.reshape(1, 1))

# --- scband reference (transcript-rebuilt; emitter-appended) ---
"""Pipeline reference for scband-joint-model-31327491457606 (READ-ONLY COPY).

The authoritative reference and input builder live on the scoring server;
editing this copy changes nothing except your own understanding.
"""

import jax, jax.numpy as jnp
import numpy as np

N = 10000
E = 640000
HID = 128
NODE1 = 83
ESM_IN = 1280
ESM_HID = 256
ESM_OUT = 128
N_LAYERS = 4


def _lin(key, fan_in, fan_out):
    k1, k2 = jax.random.split(key)
    s = 1.0 / np.sqrt(fan_in)
    W = jax.random.uniform(k1, (fan_in, fan_out), jnp.float32, -s, s)
    b = jax.random.uniform(k2, (fan_out,), jnp.float32, -s, s)
    return W, b


def _stack_lin(key, fan_in, fan_out, n):
    Ws, bs = [], []
    for i in range(n):
        W, b = _lin(jax.random.fold_in(key, i), fan_in, fan_out)
        Ws.append(W)
        bs.append(b)
    return jnp.stack(Ws), jnp.stack(bs)


def setup_inputs(seed: int = 0):
    key = jax.random.key(seed)
    ks = jax.random.split(key, 20)
    inp = {}
    inp["node_attrs"] = jax.random.normal(ks[0], (N, NODE1 + ESM_IN), jnp.float32)
    inp["coords"] = jax.random.normal(ks[1], (N, 3), jnp.float32)
    inp["edge_index"] = jax.random.randint(ks[2], (2, E), 0, N, jnp.int32)
    inp["edge_attrs"] = jax.random.normal(ks[3], (E,), jnp.float32)
    inp["W_emb"], inp["b_emb"] = _lin(ks[4], NODE1, HID)
    inp["We1"], inp["be1"] = _stack_lin(ks[5], 2 * HID + 1 + 1, HID, N_LAYERS)
    inp["We2"], inp["be2"] = _stack_lin(ks[6], HID, HID, N_LAYERS)
    inp["Wa"], inp["ba"] = _stack_lin(ks[7], HID, 1, N_LAYERS)
    inp["Wn1"], inp["bn1"] = _stack_lin(ks[8], HID + HID + NODE1, HID, N_LAYERS)
    inp["Wn2"], inp["bn2"] = _stack_lin(ks[9], HID, HID, N_LAYERS)
    inp["Wd1"], inp["bd1"] = _lin(ks[10], HID, HID)
    inp["Wd2"], inp["bd2"] = _lin(ks[11], HID, HID)
    inp["Wf1"], inp["bf1"] = _lin(ks[12], ESM_IN, ESM_HID)
    inp["Wf2"], inp["bf2"] = _lin(ks[13], ESM_HID, ESM_OUT)
    inp["Wl1"], inp["bl1"] = _lin(ks[14], HID + ESM_OUT, HID + ESM_OUT)
    inp["Wl2"], inp["bl2"] = _lin(ks[15], HID + ESM_OUT, 1)
    return inp


def _silu(x):
    return x * jax.nn.sigmoid(x)


def reference(node_attrs, coords, edge_index, edge_attrs, W_emb, b_emb, We1, be1, We2, be2, Wa, ba, Wn1, bn1, Wn2, bn2, Wd1, bd1, Wd2, bd2, Wf1, bf1, Wf2, bf2, Wl1, bl1, Wl2, bl2):
    h0 = node_attrs[:, :NODE1]
    esm_in = node_attrs[:, NODE1:]
    edge_attr = edge_attrs.reshape(-1, 1)
    row, col = edge_index[0], edge_index[1]
    # EGNN_block: embedding then n_layers of E_GCL_mask (node_mask=1, edge_mask=1)
    h = h0 @ W_emb + b_emb
    for i in range(N_LAYERS):
        # coord2radial
        coord_diff = coords[row] - coords[col]
        radial = jnp.sum(coord_diff ** 2, axis=1, keepdims=True)
        # edge_model (attention=True)
        e_in = jnp.concatenate([h[row], h[col], radial, edge_attr], axis=1)
        m = _silu(e_in @ We1[i] + be1[i])
        m = _silu(m @ We2[i] + be2[i])
        att = jax.nn.sigmoid(m @ Wa[i] + ba[i])
        m = m * att
        # edge_mask == 1 -> no-op; node_model with node_attr=h0 (node_attr=1), recurrent=True
        agg = jax.ops.segment_sum(m, row, num_segments=N)
        n_in = jnp.concatenate([h, agg, h0], axis=1)
        h = h + (_silu(n_in @ Wn1[i] + bn1[i]) @ Wn2[i] + bn2[i])
    # node_dec, node_mask == 1
    h = _silu(h @ Wd1 + bd1) @ Wd2 + bd2
    # FFNN_block on ESM features
    esm = jax.nn.relu(esm_in @ Wf1 + bf1)
    esm = jax.nn.relu(esm @ Wf2 + bf2)
    # last_dec + sigmoid
    feat = jnp.concatenate([h, esm], axis=1)
    out = _silu(feat @ Wl1 + bl1) @ Wl2 + bl2
    return jax.nn.sigmoid(out)

if __name__ == "__main__":
    import jax
    _d = setup_inputs()
    print(jax.jit(kernel)(*tuple(_d.values())))

</pallas_src>

<mosaic_0001>
#map = affine_map<(d0, d1) -> (0, 0)>
#map1 = affine_map<(d0, d1) -> (0, 0, 0)>
module attributes {stable_mosaic.version = 14 : i64} {
  func.func @_scatter_sc(%arg0: i32, %arg1: i32, %arg2: memref<640000x128xf32, #tpu.memory_space<hbm>>, %arg3: memref<5000x128xi32, #tpu.memory_space<hbm>>, %arg4: memref<10000x128xf32, #tpu.memory_space<hbm>>, %arg5: memref<2x10000x128xf32, #tpu.memory_space<hbm>>, %arg6: memref<10000x128xf32, #tpu.memory_space<vmem_shared>>, %arg7: memref<2x128xi32, #tpu.memory_space<vmem>>, %arg8: memref<256x128xf32, #tpu.memory_space<vmem>>) attributes {dimension_semantics = [#tpu.dimension_semantics<core_parallel>, #tpu.dimension_semantics<subcore_parallel>], iteration_bounds = array<i64: 2, 16>, scalar_prefetch = 0 : i64, scratch_operands = 3 : i64, tpu.core_type = #tpu.core_type<sc_vector_subcore>, window_params = [{transform_indices = #map}, {transform_indices = #map}, {transform_indices = #map}, {transform_indices = #map1}]} {
    %mul3A = arith.constant 624 : i32
    %mul3A_0 = arith.muli %arg1, %mul3A : i32
    %mul3A_1 = arith.constant 624 : i32
    %mul3A_2 = arith.muli %arg1, %mul3A_1 : i32
    "tpu.region"() ({
      %run_scoped3A = tpu.sem_alloc : memref<!tpu.dma_semaphore, #tpu.memory_space<semaphore_mem>>
      %dma_start3A = arith.constant 0 : i32
      %dma_start3A_20 = tpu.memref_slice %arg6[%mul3A_2, %dma_start3A] : memref<10000x128xf32, #tpu.memory_space<vmem_shared>> -> memref<624x128xf32, #tpu.memory_space<vmem_shared>>
      %dma_start3A_21 = arith.constant 0 : i32
      %dma_start3A_22 = tpu.memref_slice %arg4[%mul3A_0, %dma_start3A_21] : memref<10000x128xf32, #tpu.memory_space<hbm>> -> memref<624x128xf32, #tpu.memory_space<hbm>>
      tpu.enqueue_dma source(%dma_start3A_22 : memref<624x128xf32, #tpu.memory_space<hbm>>) target(%dma_start3A_20 : memref<624x128xf32, #tpu.memory_space<vmem_shared>>) target_semaphore(%run_scoped3A : memref<!tpu.dma_semaphore, #tpu.memory_space<semaphore_mem>>)
      %dma_wait3A = arith.constant 0 : i32
      %dma_wait3A_23 = tpu.memref_slice %arg6[%mul3A_2, %dma_wait3A] : memref<10000x128xf32, #tpu.memory_space<vmem_shared>> -> memref<624x128xf32, #tpu.memory_space<vmem_shared>>
      %dma_wait3A_24 = arith.constant 0 : i32
      %dma_wait3A_25 = tpu.memref_slice %arg4[%mul3A_0, %dma_wait3A_24] : memref<10000x128xf32, #tpu.memory_space<hbm>> -> memref<624x128xf32, #tpu.memory_space<hbm>>
      tpu.wait_dma2 semaphore(%run_scoped3A : memref<!tpu.dma_semaphore, #tpu.memory_space<semaphore_mem>>) src(%dma_wait3A_25 : memref<624x128xf32, #tpu.memory_space<hbm>>) dst(%dma_wait3A_23 : memref<624x128xf32, #tpu.memory_space<vmem_shared>>)
      tpu.yield
    }) : () -> ()
    %eq3A = arith.constant 0 : i32
    %eq3A_3 = arith.cmpi eq, %arg1, %eq3A : i32
    %convert_element_type3A = arith.extui %eq3A_3 : i1 to i32
    %cond3A = arith.constant 0 : i32
    %cond3A_4 = arith.cmpi ne, %convert_element_type3A, %cond3A : i32
    scf.if %cond3A_4 {
      "tpu.region"() ({
        %run_scoped3A = tpu.sem_alloc : memref<!tpu.dma_semaphore, #tpu.memory_space<semaphore_mem>>
        %dma_start3A = arith.constant 9984 : i32
        %dma_start3A_20 = arith.constant 0 : i32
        %dma_start3A_21 = tpu.memref_slice %arg6[%dma_start3A, %dma_start3A_20] : memref<10000x128xf32, #tpu.memory_space<vmem_shared>> -> memref<16x128xf32, #tpu.memory_space<vmem_shared>>
        %dma_start3A_22 = arith.constant 9984 : i32
        %dma_start3A_23 = arith.constant 0 : i32
        %dma_start3A_24 = tpu.memref_slice %arg4[%dma_start3A_22, %dma_start3A_23] : memref<10000x128xf32, #tpu.memory_space<hbm>> -> memref<16x128xf32, #tpu.memory_space<hbm>>
        tpu.enqueue_dma source(%dma_start3A_24 : memref<16x128xf32, #tpu.memory_space<hbm>>) target(%dma_start3A_21 : memref<16x128xf32, #tpu.memory_space<vmem_shared>>) target_semaphore(%run_scoped3A : memref<!tpu.dma_semaphore, #tpu.memory_space<semaphore_mem>>)
        %dma_wait3A = arith.constant 9984 : i32
        %dma_wait3A_25 = arith.constant 0 : i32
        %dma_wait3A_26 = tpu.memref_slice %arg6[%dma_wait3A, %dma_wait3A_25] : memref<10000x128xf32, #tpu.memory_space<vmem_shared>> -> memref<16x128xf32, #tpu.memory_space<vmem_shared>>
        %dma_wait3A_27 = arith.constant 9984 : i32
        %dma_wait3A_28 = arith.constant 0 : i32
        %dma_wait3A_29 = tpu.memref_slice %arg4[%dma_wait3A_27, %dma_wait3A_28] : memref<10000x128xf32, #tpu.memory_space<hbm>> -> memref<16x128xf32, #tpu.memory_space<hbm>>
        tpu.wait_dma2 semaphore(%run_scoped3A : memref<!tpu.dma_semaphore, #tpu.memory_space<semaphore_mem>>) src(%dma_wait3A_29 : memref<16x128xf32, #tpu.memory_space<hbm>>) dst(%dma_wait3A_26 : memref<16x128xf32, #tpu.memory_space<vmem_shared>>)
        tpu.yield
      }) : () -> ()
    } else {
    }
    %barrier3A = arith.constant 0 : index
    tpu.barrier barrier_id(%barrier3A)
    %scan3A = arith.constant 0 : i32
    %scan3A_5 = arith.constant 0 : i32
    %scan3A_6 = arith.constant 79 : i32
    %scan3A_7 = arith.addi %scan3A_5, %scan3A_6 : i32
    %scan3A_8 = arith.constant 1 : i32
    scf.for %scan3A_20 = %scan3A_5 to %scan3A_7 step %scan3A_8  : i32 {
      %mul3A_21 = arith.constant 16 : i32
      %mul3A_22 = arith.muli %scan3A_20, %mul3A_21 : i32
      %add3A = arith.addi %arg1, %mul3A_22 : i32
      %lt3A = arith.constant 1250 : i32
      %lt3A_23 = arith.cmpi slt, %add3A, %lt3A : i32
      %convert_element_type3A_24 = arith.extui %lt3A_23 : i1 to i32
      %cond3A_25 = arith.constant 0 : i32
      %cond3A_26 = arith.cmpi ne, %convert_element_type3A_24, %cond3A_25 : i32
      scf.if %cond3A_26 {
        %mul3A_27 = arith.constant 1250 : i32
        %mul3A_28 = arith.muli %arg0, %mul3A_27 : i32
        %add3A_29 = arith.addi %mul3A_28, %add3A : i32
        %mul3A_30 = arith.constant 256 : i32
        %mul3A_31 = arith.muli %add3A_29, %mul3A_30 : i32
        "tpu.region"() ({
          %run_scoped3A_35 = tpu.sem_alloc : memref<!tpu.dma_semaphore, #tpu.memory_space<semaphore_mem>>
          %dma_start3A = arith.constant 0 : i32
          %dma_start3A_36 = tpu.memref_slice %arg2[%mul3A_31, %dma_start3A] : memref<640000x128xf32, #tpu.memory_space<hbm>> -> memref<256x128xf32, #tpu.memory_space<hbm>>
          %dma_start3A_37 = arith.constant 0 : i32
          %dma_start3A_38 = tpu.memref_slice %arg2[%mul3A_31, %dma_start3A_37] : memref<640000x128xf32, #tpu.memory_space<hbm>> -> memref<256x128xf32, #tpu.memory_space<hbm>>
          tpu.enqueue_dma source(%dma_start3A_38 : memref<256x128xf32, #tpu.memory_space<hbm>>) target(%arg8 : memref<256x128xf32, #tpu.memory_space<vmem>>) target_semaphore(%run_scoped3A_35 : memref<!tpu.dma_semaphore, #tpu.memory_space<semaphore_mem>>)
          %dma_wait3A = arith.constant 0 : i32
          %dma_wait3A_39 = tpu.memref_slice %arg2[%mul3A_31, %dma_wait3A] : memref<640000x128xf32, #tpu.memory_space<hbm>> -> memref<256x128xf32, #tpu.memory_space<hbm>>
          %dma_wait3A_40 = arith.constant 0 : i32
          %dma_wait3A_41 = tpu.memref_slice %arg2[%mul3A_31, %dma_wait3A_40] : memref<640000x128xf32, #tpu.memory_space<hbm>> -> memref<256x128xf32, #tpu.memory_space<hbm>>
          tpu.wait_dma2 semaphore(%run_scoped3A_35 : memref<!tpu.dma_semaphore, #tpu.memory_space<semaphore_mem>>) src(%dma_wait3A_41 : memref<256x128xf32, #tpu.memory_space<hbm>>) dst(%arg8 : memref<256x128xf32, #tpu.memory_space<vmem>>)
          tpu.yield
        }) : () -> ()
        %mul3A_32 = arith.constant 2 : i32
        %mul3A_33 = arith.muli %add3A_29, %mul3A_32 : i32
        "tpu.region"() ({
          %run_scoped3A_35 = tpu.sem_alloc : memref<!tpu.dma_semaphore, #tpu.memory_space<semaphore_mem>>
          %dma_start3A = arith.constant 0 : i32
          %dma_start3A_36 = tpu.memref_slice %arg3[%mul3A_33, %dma_start3A] : memref<5000x128xi32, #tpu.memory_space<hbm>> -> memref<2x128xi32, #tpu.memory_space<hbm>>
          %dma_start3A_37 = arith.constant 0 : i32
          %dma_start3A_38 = tpu.memref_slice %arg3[%mul3A_33, %dma_start3A_37] : memref<5000x128xi32, #tpu.memory_space<hbm>> -> memref<2x128xi32, #tpu.memory_space<hbm>>
          tpu.enqueue_dma source(%dma_start3A_38 : memref<2x128xi32, #tpu.memory_space<hbm>>) target(%arg7 : memref<2x128xi32, #tpu.memory_space<vmem>>) target_semaphore(%run_scoped3A_35 : memref<!tpu.dma_semaphore, #tpu.memory_space<semaphore_mem>>)
          %dma_wait3A = arith.constant 0 : i32
          %dma_wait3A_39 = tpu.memref_slice %arg3[%mul3A_33, %dma_wait3A] : memref<5000x128xi32, #tpu.memory_space<hbm>> -> memref<2x128xi32, #tpu.memory_space<hbm>>
          %dma_wait3A_40 = arith.constant 0 : i32
          %dma_wait3A_41 = tpu.memref_slice %arg3[%mul3A_33, %dma_wait3A_40] : memref<5000x128xi32, #tpu.memory_space<hbm>> -> memref<2x128xi32, #tpu.memory_space<hbm>>
          tpu.wait_dma2 semaphore(%run_scoped3A_35 : memref<!tpu.dma_semaphore, #tpu.memory_space<semaphore_mem>>) src(%dma_wait3A_41 : memref<2x128xi32, #tpu.memory_space<hbm>>) dst(%arg7 : memref<2x128xi32, #tpu.memory_space<vmem>>)
          tpu.yield
        }) : () -> ()
        %run_scoped3A = arith.constant 0 : i32
        "tpu.region"() ({
          %run_scoped3A_35 = tpu.sem_alloc : memref<!tpu.dma_semaphore, #tpu.memory_space<semaphore_mem>>
          %dma_start3A = arith.constant 0 : i32
          %dma_start3A_36 = arith.constant 0 : i32
          %dma_start3A_37 = tpu.memref_slice %arg8[%dma_start3A, %dma_start3A_36] : memref<256x128xf32, #tpu.memory_space<vmem>> -> memref<128x128xf32, #tpu.memory_space<vmem>>
          %dma_start3A_38 = arith.constant 0 : i32
          %dma_start3A_39 = tpu.memref_slice %arg7[%run_scoped3A, %dma_start3A_38] : memref<2x128xi32, #tpu.memory_space<vmem>> -> memref<1x128xi32, #tpu.memory_space<vmem>>
          %dma_start3A_40 = tpu.memref_squeeze %dma_start3A_39 : memref<1x128xi32, #tpu.memory_space<vmem>> -> memref<128xi32, #tpu.memory_space<vmem>>
          %dma_start3A_41 = arith.constant 0 : i32
          %dma_start3A_42 = arith.constant 0 : i32
          %dma_start3A_43 = tpu.memref_slice %arg6[%dma_start3A_41, %dma_start3A_42] : memref<10000x128xf32, #tpu.memory_space<vmem_shared>> -> memref<10000x128xf32, #tpu.memory_space<vmem_shared>>
          tpu.enqueue_indirect_dma source(%dma_start3A_37 : memref<128x128xf32, #tpu.memory_space<vmem>>) target(%dma_start3A_43 : memref<10000x128xf32, #tpu.memory_space<vmem_shared>>) offsets(%dma_start3A_40 : memref<128xi32, #tpu.memory_space<vmem>>) semaphore(%run_scoped3A_35 : memref<!tpu.dma_semaphore, #tpu.memory_space<semaphore_mem>>) {add = true}
          %dma_wait3A = arith.constant 0 : i32
          %dma_wait3A_44 = arith.constant 0 : i32
          %dma_wait3A_45 = tpu.memref_slice %arg8[%dma_wait3A, %dma_wait3A_44] : memref<256x128xf32, #tpu.memory_space<vmem>> -> memref<128x128xf32, #tpu.memory_space<vmem>>
          %dma_wait3A_46 = arith.constant 0 : i32
          %dma_wait3A_47 = tpu.memref_slice %arg7[%run_scoped3A, %dma_wait3A_46] : memref<2x128xi32, #tpu.memory_space<vmem>> -> memref<1x128xi32, #tpu.memory_space<vmem>>
          %dma_wait3A_48 = tpu.memref_squeeze %dma_wait3A_47 : memref<1x128xi32, #tpu.memory_space<vmem>> -> memref<128xi32, #tpu.memory_space<vmem>>
          %dma_wait3A_49 = arith.constant 0 : i32
          %dma_wait3A_50 = arith.constant 0 : i32
          %dma_wait3A_51 = tpu.memref_slice %arg6[%dma_wait3A_49, %dma_wait3A_50] : memref<10000x128xf32, #tpu.memory_space<vmem_shared>> -> memref<10000x128xf32, #tpu.memory_space<vmem_shared>>
          tpu.wait_indirect_dma semaphore(%run_scoped3A_35 : memref<!tpu.dma_semaphore, #tpu.memory_space<semaphore_mem>>) src(%dma_wait3A_45 : memref<128x128xf32, #tpu.memory_space<vmem>>) dst(%dma_wait3A_51 : memref<10000x128xf32, #tpu.memory_space<vmem_shared>>)
          tpu.yield
        }) : () -> ()
        %run_scoped3A_34 = arith.constant 1 : i32
        "tpu.region"() ({
          %run_scoped3A_35 = tpu.sem_alloc : memref<!tpu.dma_semaphore, #tpu.memory_space<semaphore_mem>>
          %dma_start3A = arith.constant 128 : i32
          %dma_start3A_36 = arith.constant 0 : i32
          %dma_start3A_37 = tpu.memref_slice %arg8[%dma_start3A, %dma_start3A_36] : memref<256x128xf32, #tpu.memory_space<vmem>> -> memref<128x128xf32, #tpu.memory_space<vmem>>
          %dma_start3A_38 = arith.constant 0 : i32
          %dma_start3A_39 = tpu.memref_slice %arg7[%run_scoped3A_34, %dma_start3A_38] : memref<2x128xi32, #tpu.memory_space<vmem>> -> memref<1x128xi32, #tpu.memory_space<vmem>>
          %dma_start3A_40 = tpu.memref_squeeze %dma_start3A_39 : memref<1x128xi32, #tpu.memory_space<vmem>> -> memref<128xi32, #tpu.memory_space<vmem>>
          %dma_start3A_41 = arith.constant 0 : i32
          %dma_start3A_42 = arith.constant 0 : i32
          %dma_start3A_43 = tpu.memref_slice %arg6[%dma_start3A_41, %dma_start3A_42] : memref<10000x128xf32, #tpu.memory_space<vmem_shared>> -> memref<10000x128xf32, #tpu.memory_space<vmem_shared>>
          tpu.enqueue_indirect_dma source(%dma_start3A_37 : memref<128x128xf32, #tpu.memory_space<vmem>>) target(%dma_start3A_43 : memref<10000x128xf32, #tpu.memory_space<vmem_shared>>) offsets(%dma_start3A_40 : memref<128xi32, #tpu.memory_space<vmem>>) semaphore(%run_scoped3A_35 : memref<!tpu.dma_semaphore, #tpu.memory_space<semaphore_mem>>) {add = true}
          %dma_wait3A = arith.constant 128 : i32
          %dma_wait3A_44 = arith.constant 0 : i32
          %dma_wait3A_45 = tpu.memref_slice %arg8[%dma_wait3A, %dma_wait3A_44] : memref<256x128xf32, #tpu.memory_space<vmem>> -> memref<128x128xf32, #tpu.memory_space<vmem>>
          %dma_wait3A_46 = arith.constant 0 : i32
          %dma_wait3A_47 = tpu.memref_slice %arg7[%run_scoped3A_34, %dma_wait3A_46] : memref<2x128xi32, #tpu.memory_space<vmem>> -> memref<1x128xi32, #tpu.memory_space<vmem>>
          %dma_wait3A_48 = tpu.memref_squeeze %dma_wait3A_47 : memref<1x128xi32, #tpu.memory_space<vmem>> -> memref<128xi32, #tpu.memory_space<vmem>>
          %dma_wait3A_49 = arith.constant 0 : i32
          %dma_wait3A_50 = arith.constant 0 : i32
          %dma_wait3A_51 = tpu.memref_slice %arg6[%dma_wait3A_49, %dma_wait3A_50] : memref<10000x128xf32, #tpu.memory_space<vmem_shared>> -> memref<10000x128xf32, #tpu.memory_space<vmem_shared>>
          tpu.wait_indirect_dma semaphore(%run_scoped3A_35 : memref<!tpu.dma_semaphore, #tpu.memory_space<semaphore_mem>>) src(%dma_wait3A_45 : memref<128x128xf32, #tpu.memory_space<vmem>>) dst(%dma_wait3A_51 : memref<10000x128xf32, #tpu.memory_space<vmem_shared>>)
          tpu.yield
        }) : () -> ()
      } else {
      }
    }
    %scan3A_9 = arith.constant 79 : i32
    %barrier3A_10 = arith.constant 0 : index
    tpu.barrier barrier_id(%barrier3A_10)
    %mul3A_11 = arith.constant 624 : i32
    %mul3A_12 = arith.muli %arg1, %mul3A_11 : i32
    %mul3A_13 = arith.constant 624 : i32
    %mul3A_14 = arith.muli %arg1, %mul3A_13 : i32
    "tpu.region"() ({
      %run_scoped3A = tpu.sem_alloc : memref<!tpu.dma_semaphore, #tpu.memory_space<semaphore_mem>>
      %dma_start3A = arith.constant 0 : i32
      %dma_start3A_20 = tpu.memref_slice %arg5[%arg0, %mul3A_14, %dma_start3A] : memref<2x10000x128xf32, #tpu.memory_space<hbm>> -> memref<1x624x128xf32, #tpu.memory_space<hbm>>
      %dma_start3A_21 = tpu.memref_squeeze %dma_start3A_20 : memref<1x624x128xf32, #tpu.memory_space<hbm>> -> memref<624x128xf32, #tpu.memory_space<hbm>>
      %dma_start3A_22 = arith.constant 0 : i32
      %dma_start3A_23 = tpu.memref_slice %arg6[%mul3A_12, %dma_start3A_22] : memref<10000x128xf32, #tpu.memory_space<vmem_shared>> -> memref<624x128xf32, #tpu.memory_space<vmem_shared>>
      tpu.enqueue_dma source(%dma_start3A_23 : memref<624x128xf32, #tpu.memory_space<vmem_shared>>) target(%dma_start3A_21 : memref<624x128xf32, #tpu.memory_space<hbm>>) target_semaphore(%run_scoped3A : memref<!tpu.dma_semaphore, #tpu.memory_space<semaphore_mem>>)
      %dma_wait3A = arith.constant 0 : i32
      %dma_wait3A_24 = tpu.memref_slice %arg5[%arg0, %mul3A_14, %dma_wait3A] : memref<2x10000x128xf32, #tpu.memory_space<hbm>> -> memref<1x624x128xf32, #tpu.memory_space<hbm>>
      %dma_wait3A_25 = tpu.memref_squeeze %dma_wait3A_24 : memref<1x624x128xf32, #tpu.memory_space<hbm>> -> memref<624x128xf32, #tpu.memory_space<hbm>>
      %dma_wait3A_26 = arith.constant 0 : i32
      %dma_wait3A_27 = tpu.memref_slice %arg6[%mul3A_12, %dma_wait3A_26] : memref<10000x128xf32, #tpu.memory_space<vmem_shared>> -> memref<624x128xf32, #tpu.memory_space<vmem_shared>>
      tpu.wait_dma2 semaphore(%run_scoped3A : memref<!tpu.dma_semaphore, #tpu.memory_space<semaphore_mem>>) src(%dma_wait3A_27 : memref<624x128xf32, #tpu.memory_space<vmem_shared>>) dst(%dma_wait3A_25 : memref<624x128xf32, #tpu.memory_space<hbm>>)
      tpu.yield
    }) : () -> ()
    %eq3A_15 = arith.constant 0 : i32
    %eq3A_16 = arith.cmpi eq, %arg1, %eq3A_15 : i32
    %convert_element_type3A_17 = arith.extui %eq3A_16 : i1 to i32
    %cond3A_18 = arith.constant 0 : i32
    %cond3A_19 = arith.cmpi ne, %convert_element_type3A_17, %cond3A_18 : i32
    scf.if %cond3A_19 {
      "tpu.region"() ({
        %run_scoped3A = tpu.sem_alloc : memref<!tpu.dma_semaphore, #tpu.memory_space<semaphore_mem>>
        %dma_start3A = arith.constant 9984 : i32
        %dma_start3A_20 = arith.constant 0 : i32
        %dma_start3A_21 = tpu.memref_slice %arg5[%arg0, %dma_start3A, %dma_start3A_20] : memref<2x10000x128xf32, #tpu.memory_space<hbm>> -> memref<1x16x128xf32, #tpu.memory_space<hbm>>
        %dma_start3A_22 = tpu.memref_squeeze %dma_start3A_21 : memref<1x16x128xf32, #tpu.memory_space<hbm>> -> memref<16x128xf32, #tpu.memory_space<hbm>>
        %dma_start3A_23 = arith.constant 9984 : i32
        %dma_start3A_24 = arith.constant 0 : i32
        %dma_start3A_25 = tpu.memref_slice %arg6[%dma_start3A_23, %dma_start3A_24] : memref<10000x128xf32, #tpu.memory_space<vmem_shared>> -> memref<16x128xf32, #tpu.memory_space<vmem_shared>>
        tpu.enqueue_dma source(%dma_start3A_25 : memref<16x128xf32, #tpu.memory_space<vmem_shared>>) target(%dma_start3A_22 : memref<16x128xf32, #tpu.memory_space<hbm>>) target_semaphore(%run_scoped3A : memref<!tpu.dma_semaphore, #tpu.memory_space<semaphore_mem>>)
        %dma_wait3A = arith.constant 9984 : i32
        %dma_wait3A_26 = arith.constant 0 : i32
        %dma_wait3A_27 = tpu.memref_slice %arg5[%arg0, %dma_wait3A, %dma_wait3A_26] : memref<2x10000x128xf32, #tpu.memory_space<hbm>> -> memref<1x16x128xf32, #tpu.memory_space<hbm>>
        %dma_wait3A_28 = tpu.memref_squeeze %dma_wait3A_27 : memref<1x16x128xf32, #tpu.memory_space<hbm>> -> memref<16x128xf32, #tpu.memory_space<hbm>>
        %dma_wait3A_29 = arith.constant 9984 : i32
        %dma_wait3A_30 = arith.constant 0 : i32
        %dma_wait3A_31 = tpu.memref_slice %arg6[%dma_wait3A_29, %dma_wait3A_30] : memref<10000x128xf32, #tpu.memory_space<vmem_shared>> -> memref<16x128xf32, #tpu.memory_space<vmem_shared>>
        tpu.wait_dma2 semaphore(%run_scoped3A : memref<!tpu.dma_semaphore, #tpu.memory_space<semaphore_mem>>) src(%dma_wait3A_31 : memref<16x128xf32, #tpu.memory_space<vmem_shared>>) dst(%dma_wait3A_28 : memref<16x128xf32, #tpu.memory_space<hbm>>)
        tpu.yield
      }) : () -> ()
    } else {
    }
    return
  }
}

#map = affine_map<(d0, d1) -> (0, 0)>
module attributes {stable_mosaic.version = 14 : i64} {
  func.func @_gather_sc(%arg0: i32, %arg1: i32, %arg2: memref<20000x128xf32, #tpu.memory_space<hbm>>, %arg3: memref<10000x128xi32, #tpu.memory_space<hbm>>, %arg4: memref<1280000x128xf32, #tpu.memory_space<hbm>>, %arg5: memref<4x128xi32, #tpu.memory_space<vmem>>, %arg6: memref<512x128xf32, #tpu.memory_space<vmem>>, %arg7: memref<!tpu.dma_semaphore, #tpu.memory_space<semaphore_mem>>) attributes {dimension_semantics = [#tpu.dimension_semantics<core_parallel>, #tpu.dimension_semantics<subcore_parallel>], iteration_bounds = array<i64: 2, 16>, scalar_prefetch = 0 : i64, scratch_operands = 3 : i64, tpu.core_type = #tpu.core_type<sc_vector_subcore>, window_params = [{transform_indices = #map}, {transform_indices = #map}, {transform_indices = #map}]} {
    %mul3A = arith.constant 2 : i32
    %mul3A_0 = arith.muli %arg1, %mul3A : i32
    %add3A = arith.addi %mul3A_0, %arg0 : i32
    %scan3A = arith.constant 0 : i32
    %scan3A_1 = arith.constant 0 : i32
    %scan3A_2 = arith.constant 79 : i32
    %scan3A_3 = arith.addi %scan3A_1, %scan3A_2 : i32
    %scan3A_4 = arith.constant 1 : i32
    scf.for %scan3A_6 = %scan3A_1 to %scan3A_3 step %scan3A_4  : i32 {
      %mul3A_7 = arith.constant 32 : i32
      %mul3A_8 = arith.muli %scan3A_6, %mul3A_7 : i32
      %add3A_9 = arith.addi %add3A, %mul3A_8 : i32
      %lt3A = arith.constant 2500 : i32
      %lt3A_10 = arith.cmpi slt, %add3A_9, %lt3A : i32
      %convert_element_type3A = arith.extui %lt3A_10 : i1 to i32
      %cond3A = arith.constant 0 : i32
      %cond3A_11 = arith.cmpi ne, %convert_element_type3A, %cond3A : i32
      scf.if %cond3A_11 {
        %mul3A_12 = arith.constant 4 : i32
        %mul3A_13 = arith.muli %add3A_9, %mul3A_12 : i32
        "tpu.region"() ({
          %run_scoped3A = tpu.sem_alloc : memref<!tpu.dma_semaphore, #tpu.memory_space<semaphore_mem>>
          %dma_start3A_94 = arith.constant 0 : i32
          %dma_start3A_95 = tpu.memref_slice %arg3[%mul3A_13, %dma_start3A_94] : memref<10000x128xi32, #tpu.memory_space<hbm>> -> memref<4x128xi32, #tpu.memory_space<hbm>>
          %dma_start3A_96 = arith.constant 0 : i32
          %dma_start3A_97 = tpu.memref_slice %arg3[%mul3A_13, %dma_start3A_96] : memref<10000x128xi32, #tpu.memory_space<hbm>> -> memref<4x128xi32, #tpu.memory_space<hbm>>
          tpu.enqueue_dma source(%dma_start3A_97 : memref<4x128xi32, #tpu.memory_space<hbm>>) target(%arg5 : memref<4x128xi32, #tpu.memory_space<vmem>>) target_semaphore(%run_scoped3A : memref<!tpu.dma_semaphore, #tpu.memory_space<semaphore_mem>>)
          %dma_wait3A_98 = arith.constant 0 : i32
          %dma_wait3A_99 = tpu.memref_slice %arg3[%mul3A_13, %dma_wait3A_98] : memref<10000x128xi32, #tpu.memory_space<hbm>> -> memref<4x128xi32, #tpu.memory_space<hbm>>
          %dma_wait3A_100 = arith.constant 0 : i32
          %dma_wait3A_101 = tpu.memref_slice %arg3[%mul3A_13, %dma_wait3A_100] : memref<10000x128xi32, #tpu.memory_space<hbm>> -> memref<4x128xi32, #tpu.memory_space<hbm>>
          tpu.wait_dma2 semaphore(%run_scoped3A : memref<!tpu.dma_semaphore, #tpu.memory_space<semaphore_mem>>) src(%dma_wait3A_101 : memref<4x128xi32, #tpu.memory_space<hbm>>) dst(%arg5 : memref<4x128xi32, #tpu.memory_space<vmem>>)
          tpu.yield
        }) : () -> ()
        %dma_start3A = arith.constant 0 : i32
        %dma_start3A_14 = arith.constant 0 : i32
        %dma_start3A_15 = arith.constant 0 : i32
        %dma_start3A_16 = tpu.memref_slice %arg6[%dma_start3A_14, %dma_start3A_15] : memref<512x128xf32, #tpu.memory_space<vmem>> -> memref<128x128xf32, #tpu.memory_space<vmem>>
        %dma_start3A_17 = arith.constant 0 : i32
        %dma_start3A_18 = tpu.memref_slice %arg5[%dma_start3A, %dma_start3A_17] : memref<4x128xi32, #tpu.memory_space<vmem>> -> memref<1x128xi32, #tpu.memory_space<vmem>>
        %dma_start3A_19 = tpu.memref_squeeze %dma_start3A_18 : memref<1x128xi32, #tpu.memory_space<vmem>> -> memref<128xi32, #tpu.memory_space<vmem>>
        %dma_start3A_20 = arith.constant 0 : i32
        %dma_start3A_21 = arith.constant 0 : i32
        %dma_start3A_22 = tpu.memref_slice %arg2[%dma_start3A_20, %dma_start3A_21] : memref<20000x128xf32, #tpu.memory_space<hbm>> -> memref<20000x128xf32, #tpu.memory_space<hbm>>
        tpu.enqueue_indirect_dma source(%dma_start3A_22 : memref<20000x128xf32, #tpu.memory_space<hbm>>) target(%dma_start3A_16 : memref<128x128xf32, #tpu.memory_space<vmem>>) offsets(%dma_start3A_19 : memref<128xi32, #tpu.memory_space<vmem>>) semaphore(%arg7 : memref<!tpu.dma_semaphore, #tpu.memory_space<semaphore_mem>>)
        %dma_start3A_23 = arith.constant 1 : i32
        %dma_start3A_24 = arith.constant 128 : i32
        %dma_start3A_25 = arith.constant 0 : i32
        %dma_start3A_26 = tpu.memref_slice %arg6[%dma_start3A_24, %dma_start3A_25] : memref<512x128xf32, #tpu.memory_space<vmem>> -> memref<128x128xf32, #tpu.memory_space<vmem>>
        %dma_start3A_27 = arith.constant 0 : i32
        %dma_start3A_28 = tpu.memref_slice %arg5[%dma_start3A_23, %dma_start3A_27] : memref<4x128xi32, #tpu.memory_space<vmem>> -> memref<1x128xi32, #tpu.memory_space<vmem>>
        %dma_start3A_29 = tpu.memref_squeeze %dma_start3A_28 : memref<1x128xi32, #tpu.memory_space<vmem>> -> memref<128xi32, #tpu.memory_space<vmem>>
        %dma_start3A_30 = arith.constant 0 : i32
        %dma_start3A_31 = arith.constant 0 : i32
        %dma_start3A_32 = tpu.memref_slice %arg2[%dma_start3A_30, %dma_start3A_31] : memref<20000x128xf32, #tpu.memory_space<hbm>> -> memref<20000x128xf32, #tpu.memory_space<hbm>>
        tpu.enqueue_indirect_dma source(%dma_start3A_32 : memref<20000x128xf32, #tpu.memory_space<hbm>>) target(%dma_start3A_26 : memref<128x128xf32, #tpu.memory_space<vmem>>) offsets(%dma_start3A_29 : memref<128xi32, #tpu.memory_space<vmem>>) semaphore(%arg7 : memref<!tpu.dma_semaphore, #tpu.memory_space<semaphore_mem>>)
        %dma_start3A_33 = arith.constant 2 : i32
        %dma_start3A_34 = arith.constant 256 : i32
        %dma_start3A_35 = arith.constant 0 : i32
        %dma_start3A_36 = tpu.memref_slice %arg6[%dma_start3A_34, %dma_start3A_35] : memref<512x128xf32, #tpu.memory_space<vmem>> -> memref<128x128xf32, #tpu.memory_space<vmem>>
        %dma_start3A_37 = arith.constant 0 : i32
        %dma_start3A_38 = tpu.memref_slice %arg5[%dma_start3A_33, %dma_start3A_37] : memref<4x128xi32, #tpu.memory_space<vmem>> -> memref<1x128xi32, #tpu.memory_space<vmem>>
        %dma_start3A_39 = tpu.memref_squeeze %dma_start3A_38 : memref<1x128xi32, #tpu.memory_space<vmem>> -> memref<128xi32, #tpu.memory_space<vmem>>
        %dma_start3A_40 = arith.constant 0 : i32
        %dma_start3A_41 = arith.constant 0 : i32
        %dma_start3A_42 = tpu.memref_slice %arg2[%dma_start3A_40, %dma_start3A_41] : memref<20000x128xf32, #tpu.memory_space<hbm>> -> memref<20000x128xf32, #tpu.memory_space<hbm>>
        tpu.enqueue_indirect_dma source(%dma_start3A_42 : memref<20000x128xf32, #tpu.memory_space<hbm>>) target(%dma_start3A_36 : memref<128x128xf32, #tpu.memory_space<vmem>>) offsets(%dma_start3A_39 : memref<128xi32, #tpu.memory_space<vmem>>) semaphore(%arg7 : memref<!tpu.dma_semaphore, #tpu.memory_space<semaphore_mem>>)
        %dma_start3A_43 = arith.constant 3 : i32
        %dma_start3A_44 = arith.constant 384 : i32
        %dma_start3A_45 = arith.constant 0 : i32
        %dma_start3A_46 = tpu.memref_slice %arg6[%dma_start3A_44, %dma_start3A_45] : memref<512x128xf32, #tpu.memory_space<vmem>> -> memref<128x128xf32, #tpu.memory_space<vmem>>
        %dma_start3A_47 = arith.constant 0 : i32
        %dma_start3A_48 = tpu.memref_slice %arg5[%dma_start3A_43, %dma_start3A_47] : memref<4x128xi32, #tpu.memory_space<vmem>> -> memref<1x128xi32, #tpu.memory_space<vmem>>
        %dma_start3A_49 = tpu.memref_squeeze %dma_start3A_48 : memref<1x128xi32, #tpu.memory_space<vmem>> -> memref<128xi32, #tpu.memory_space<vmem>>
        %dma_start3A_50 = arith.constant 0 : i32
        %dma_start3A_51 = arith.constant 0 : i32
        %dma_start3A_52 = tpu.memref_slice %arg2[%dma_start3A_50, %dma_start3A_51] : memref<20000x128xf32, #tpu.memory_space<hbm>> -> memref<20000x128xf32, #tpu.memory_space<hbm>>
        tpu.enqueue_indirect_dma source(%dma_start3A_52 : memref<20000x128xf32, #tpu.memory_space<hbm>>) target(%dma_start3A_46 : memref<128x128xf32, #tpu.memory_space<vmem>>) offsets(%dma_start3A_49 : memref<128xi32, #tpu.memory_space<vmem>>) semaphore(%arg7 : memref<!tpu.dma_semaphore, #tpu.memory_space<semaphore_mem>>)
        %dma_wait3A = arith.constant 0 : i32
        %dma_wait3A_53 = arith.constant 0 : i32
        %dma_wait3A_54 = arith.constant 0 : i32
        %dma_wait3A_55 = tpu.memref_slice %arg6[%dma_wait3A_53, %dma_wait3A_54] : memref<512x128xf32, #tpu.memory_space<vmem>> -> memref<128x128xf32, #tpu.memory_space<vmem>>
        %dma_wait3A_56 = arith.constant 0 : i32
        %dma_wait3A_57 = tpu.memref_slice %arg5[%dma_wait3A, %dma_wait3A_56] : memref<4x128xi32, #tpu.memory_space<vmem>> -> memref<1x128xi32, #tpu.memory_space<vmem>>
        %dma_wait3A_58 = tpu.memref_squeeze %dma_wait3A_57 : memref<1x128xi32, #tpu.memory_space<vmem>> -> memref<128xi32, #tpu.memory_space<vmem>>
        %dma_wait3A_59 = arith.constant 0 : i32
        %dma_wait3A_60 = arith.constant 0 : i32
        %dma_wait3A_61 = tpu.memref_slice %arg2[%dma_wait3A_59, %dma_wait3A_60] : memref<20000x128xf32, #tpu.memory_space<hbm>> -> memref<20000x128xf32, #tpu.memory_space<hbm>>
        tpu.wait_indirect_dma semaphore(%arg7 : memref<!tpu.dma_semaphore, #tpu.memory_space<semaphore_mem>>) src(%dma_wait3A_61 : memref<20000x128xf32, #tpu.memory_space<hbm>>) dst(%dma_wait3A_55 : memref<128x128xf32, #tpu.memory_space<vmem>>)
        %dma_wait3A_62 = arith.constant 1 : i32
        %dma_wait3A_63 = arith.constant 128 : i32
        %dma_wait3A_64 = arith.constant 0 : i32
        %dma_wait3A_65 = tpu.memref_slice %arg6[%dma_wait3A_63, %dma_wait3A_64] : memref<512x128xf32, #tpu.memory_space<vmem>> -> memref<128x128xf32, #tpu.memory_space<vmem>>
        %dma_wait3A_66 = arith.constant 0 : i32
        %dma_wait3A_67 = tpu.memref_slice %arg5[%dma_wait3A_62, %dma_wait3A_66] : memref<4x128xi32, #tpu.memory_space<vmem>> -> memref<1x128xi32, #tpu.memory_space<vmem>>
        %dma_wait3A_68 = tpu.memref_squeeze %dma_wait3A_67 : memref<1x128xi32, #tpu.memory_space<vmem>> -> memref<128xi32, #tpu.memory_space<vmem>>
        %dma_wait3A_69 = arith.constant 0 : i32
        %dma_wait3A_70 = arith.constant 0 : i32
        %dma_wait3A_71 = tpu.memref_slice %arg2[%dma_wait3A_69, %dma_wait3A_70] : memref<20000x128xf32, #tpu.memory_space<hbm>> -> memref<20000x128xf32, #tpu.memory_space<hbm>>
        tpu.wait_indirect_dma semaphore(%arg7 : memref<!tpu.dma_semaphore, #tpu.memory_space<semaphore_mem>>) src(%dma_wait3A_71 : memref<20000x128xf32, #tpu.memory_space<hbm>>) dst(%dma_wait3A_65 : memref<128x128xf32, #tpu.memory_space<vmem>>)
        %dma_wait3A_72 = arith.constant 2 : i32
        %dma_wait3A_73 = arith.constant 256 : i32
        %dma_wait3A_74 = arith.constant 0 : i32
        %dma_wait3A_75 = tpu.memref_slice %arg6[%dma_wait3A_73, %dma_wait3A_74] : memref<512x128xf32, #tpu.memory_space<vmem>> -> memref<128x128xf32, #tpu.memory_space<vmem>>
        %dma_wait3A_76 = arith.constant 0 : i32
        %dma_wait3A_77 = tpu.memref_slice %arg5[%dma_wait3A_72, %dma_wait3A_76] : memref<4x128xi32, #tpu.memory_space<vmem>> -> memref<1x128xi32, #tpu.memory_space<vmem>>
        %dma_wait3A_78 = tpu.memref_squeeze %dma_wait3A_77 : memref<1x128xi32, #tpu.memory_space<vmem>> -> memref<128xi32, #tpu.memory_space<vmem>>
        %dma_wait3A_79 = arith.constant 0 : i32
        %dma_wait3A_80 = arith.constant 0 : i32
        %dma_wait3A_81 = tpu.memref_slice %arg2[%dma_wait3A_79, %dma_wait3A_80] : memref<20000x128xf32, #tpu.memory_space<hbm>> -> memref<20000x128xf32, #tpu.memory_space<hbm>>
        tpu.wait_indirect_dma semaphore(%arg7 : memref<!tpu.dma_semaphore, #tpu.memory_space<semaphore_mem>>) src(%dma_wait3A_81 : memref<20000x128xf32, #tpu.memory_space<hbm>>) dst(%dma_wait3A_75 : memref<128x128xf32, #tpu.memory_space<vmem>>)
        %dma_wait3A_82 = arith.constant 3 : i32
        %dma_wait3A_83 = arith.constant 384 : i32
        %dma_wait3A_84 = arith.constant 0 : i32
        %dma_wait3A_85 = tpu.memref_slice %arg6[%dma_wait3A_83, %dma_wait3A_84] : memref<512x128xf32, #tpu.memory_space<vmem>> -> memref<128x128xf32, #tpu.memory_space<vmem>>
        %dma_wait3A_86 = arith.constant 0 : i32
        %dma_wait3A_87 = tpu.memref_slice %arg5[%dma_wait3A_82, %dma_wait3A_86] : memref<4x128xi32, #tpu.memory_space<vmem>> -> memref<1x128xi32, #tpu.memory_space<vmem>>
        %dma_wait3A_88 = tpu.memref_squeeze %dma_wait3A_87 : memref<1x128xi32, #tpu.memory_space<vmem>> -> memref<128xi32, #tpu.memory_space<vmem>>
        %dma_wait3A_89 = arith.constant 0 : i32
        %dma_wait3A_90 = arith.constant 0 : i32
        %dma_wait3A_91 = tpu.memref_slice %arg2[%dma_wait3A_89, %dma_wait3A_90] : memref<20000x128xf32, #tpu.memory_space<hbm>> -> memref<20000x128xf32, #tpu.memory_space<hbm>>
        tpu.wait_indirect_dma semaphore(%arg7 : memref<!tpu.dma_semaphore, #tpu.memory_space<semaphore_mem>>) src(%dma_wait3A_91 : memref<20000x128xf32, #tpu.memory_space<hbm>>) dst(%dma_wait3A_85 : memref<128x128xf32, #tpu.memory_space<vmem>>)
        %mul3A_92 = arith.constant 512 : i32
        %mul3A_93 = arith.muli %add3A_9, %mul3A_92 : i32
        "tpu.region"() ({
          %run_scoped3A = tpu.sem_alloc : memref<!tpu.dma_semaphore, #tpu.memory_space<semaphore_mem>>
          %dma_start3A_94 = arith.constant 0 : i32
          %dma_start3A_95 = tpu.memref_slice %arg4[%mul3A_93, %dma_start3A_94] : memref<1280000x128xf32, #tpu.memory_space<hbm>> -> memref<512x128xf32, #tpu.memory_space<hbm>>
          %dma_start3A_96 = arith.constant 0 : i32
          %dma_start3A_97 = tpu.memref_slice %arg4[%mul3A_93, %dma_start3A_96] : memref<1280000x128xf32, #tpu.memory_space<hbm>> -> memref<512x128xf32, #tpu.memory_space<hbm>>
          tpu.enqueue_dma source(%arg6 : memref<512x128xf32, #tpu.memory_space<vmem>>) target(%dma_start3A_97 : memref<512x128xf32, #tpu.memory_space<hbm>>) target_semaphore(%run_scoped3A : memref<!tpu.dma_semaphore, #tpu.memory_space<semaphore_mem>>)
          %dma_wait3A_98 = arith.constant 0 : i32
          %dma_wait3A_99 = tpu.memref_slice %arg4[%mul3A_93, %dma_wait3A_98] : memref<1280000x128xf32, #tpu.memory_space<hbm>> -> memref<512x128xf32, #tpu.memory_space<hbm>>
          %dma_wait3A_100 = arith.constant 0 : i32
          %dma_wait3A_101 = tpu.memref_slice %arg4[%mul3A_93, %dma_wait3A_100] : memref<1280000x128xf32, #tpu.memory_space<hbm>> -> memref<512x128xf32, #tpu.memory_space<hbm>>
          tpu.wait_dma2 semaphore(%run_scoped3A : memref<!tpu.dma_semaphore, #tpu.memory_space<semaphore_mem>>) src(%arg6 : memref<512x128xf32, #tpu.memory_space<vmem>>) dst(%dma_wait3A_101 : memref<512x128xf32, #tpu.memory_space<hbm>>)
          tpu.yield
        }) : () -> ()
      } else {
      }
    }
    %scan3A_5 = arith.constant 79 : i32
    return
  }
}

#map = affine_map<(d0, d1) -> (0)>
module attributes {stable_mosaic.version = 14 : i64} {
  func.func @_radial_sc(%arg0: i32, %arg1: i32, %arg2: memref<30000xf32, #tpu.memory_space<hbm>>, %arg3: memref<640000xi32, #tpu.memory_space<hbm>>, %arg4: memref<640000xi32, #tpu.memory_space<hbm>>, %arg5: memref<640000xf32, #tpu.memory_space<hbm>>, %arg6: memref<1280000xi32, #tpu.memory_space<hbm>>, %arg7: memref<30000xf32, #tpu.memory_space<vmem>>, %arg8: memref<2000xi32, #tpu.memory_space<vmem>>, %arg9: memref<2000xi32, #tpu.memory_space<vmem>>, %arg10: memref<2000xf32, #tpu.memory_space<vmem>>, %arg11: memref<2000xi32, #tpu.memory_space<vmem>>) attributes {dimension_semantics = [#tpu.dimension_semantics<core_parallel>, #tpu.dimension_semantics<subcore_parallel>], iteration_bounds = array<i64: 2, 16>, scalar_prefetch = 0 : i64, scratch_operands = 5 : i64, tpu.core_type = #tpu.core_type<sc_vector_subcore>, window_params = [{transform_indices = #map}, {transform_indices = #map}, {transform_indices = #map}, {transform_indices = #map}, {transform_indices = #map}]} {
    %mul3A = arith.constant 2 : i32
    %mul3A_0 = arith.muli %arg1, %mul3A : i32
    %add3A = arith.addi %mul3A_0, %arg0 : i32
    "tpu.region"() ({
      %run_scoped3A = tpu.sem_alloc : memref<!tpu.dma_semaphore, #tpu.memory_space<semaphore_mem>>
      tpu.enqueue_dma source(%arg2 : memref<30000xf32, #tpu.memory_space<hbm>>) target(%arg7 : memref<30000xf32, #tpu.memory_space<vmem>>) target_semaphore(%run_scoped3A : memref<!tpu.dma_semaphore, #tpu.memory_space<semaphore_mem>>)
      tpu.wait_dma2 semaphore(%run_scoped3A : memref<!tpu.dma_semaphore, #tpu.memory_space<semaphore_mem>>) src(%arg2 : memref<30000xf32, #tpu.memory_space<hbm>>) dst(%arg7 : memref<30000xf32, #tpu.memory_space<vmem>>)
      tpu.yield
    }) : () -> ()
    %scan3A = arith.constant 0 : i32
    %scan3A_1 = arith.constant 0 : i32
    %scan3A_2 = arith.constant 10 : i32
    %scan3A_3 = arith.addi %scan3A_1, %scan3A_2 : i32
    %scan3A_4 = arith.constant 1 : i32
    scf.for %scan3A_6 = %scan3A_1 to %scan3A_3 step %scan3A_4  : i32 {
      %mul3A_7 = arith.constant 10 : i32
      %mul3A_8 = arith.muli %add3A, %mul3A_7 : i32
      %add3A_9 = arith.addi %mul3A_8, %scan3A_6 : i32
      %mul3A_10 = arith.constant 2000 : i32
      %mul3A_11 = arith.muli %add3A_9, %mul3A_10 : i32
      "tpu.region"() ({
        %run_scoped3A = tpu.sem_alloc : memref<!tpu.dma_semaphore, #tpu.memory_space<semaphore_mem>>
        %dma_start3A = tpu.memref_slice %arg3[%mul3A_11] : memref<640000xi32, #tpu.memory_space<hbm>> -> memref<2000xi32, #tpu.memory_space<hbm>>
        %dma_start3A_20 = tpu.memref_slice %arg3[%mul3A_11] : memref<640000xi32, #tpu.memory_space<hbm>> -> memref<2000xi32, #tpu.memory_space<hbm>>
        tpu.enqueue_dma source(%dma_start3A_20 : memref<2000xi32, #tpu.memory_space<hbm>>) target(%arg8 : memref<2000xi32, #tpu.memory_space<vmem>>) target_semaphore(%run_scoped3A : memref<!tpu.dma_semaphore, #tpu.memory_space<semaphore_mem>>)
        %dma_wait3A = tpu.memref_slice %arg3[%mul3A_11] : memref<640000xi32, #tpu.memory_space<hbm>> -> memref<2000xi32, #tpu.memory_space<hbm>>
        %dma_wait3A_21 = tpu.memref_slice %arg3[%mul3A_11] : memref<640000xi32, #tpu.memory_space<hbm>> -> memref<2000xi32, #tpu.memory_space<hbm>>
        tpu.wait_dma2 semaphore(%run_scoped3A : memref<!tpu.dma_semaphore, #tpu.memory_space<semaphore_mem>>) src(%dma_wait3A_21 : memref<2000xi32, #tpu.memory_space<hbm>>) dst(%arg8 : memref<2000xi32, #tpu.memory_space<vmem>>)
        tpu.yield
      }) : () -> ()
      "tpu.region"() ({
        %run_scoped3A = tpu.sem_alloc : memref<!tpu.dma_semaphore, #tpu.memory_space<semaphore_mem>>
        %dma_start3A = tpu.memref_slice %arg4[%mul3A_11] : memref<640000xi32, #tpu.memory_space<hbm>> -> memref<2000xi32, #tpu.memory_space<hbm>>
        %dma_start3A_20 = tpu.memref_slice %arg4[%mul3A_11] : memref<640000xi32, #tpu.memory_space<hbm>> -> memref<2000xi32, #tpu.memory_space<hbm>>
        tpu.enqueue_dma source(%dma_start3A_20 : memref<2000xi32, #tpu.memory_space<hbm>>) target(%arg9 : memref<2000xi32, #tpu.memory_space<vmem>>) target_semaphore(%run_scoped3A : memref<!tpu.dma_semaphore, #tpu.memory_space<semaphore_mem>>)
        %dma_wait3A = tpu.memref_slice %arg4[%mul3A_11] : memref<640000xi32, #tpu.memory_space<hbm>> -> memref<2000xi32, #tpu.memory_space<hbm>>
        %dma_wait3A_21 = tpu.memref_slice %arg4[%mul3A_11] : memref<640000xi32, #tpu.memory_space<hbm>> -> memref<2000xi32, #tpu.memory_space<hbm>>
        tpu.wait_dma2 semaphore(%run_scoped3A : memref<!tpu.dma_semaphore, #tpu.memory_space<semaphore_mem>>) src(%dma_wait3A_21 : memref<2000xi32, #tpu.memory_space<hbm>>) dst(%arg9 : memref<2000xi32, #tpu.memory_space<vmem>>)
        tpu.yield
      }) : () -> ()
      %scan3A_12 = arith.constant 0 : i32
      %scan3A_13 = arith.constant 0 : i32
      %scan3A_14 = arith.constant 125 : i32
      %scan3A_15 = arith.addi %scan3A_13, %scan3A_14 : i32
      %scan3A_16 = arith.constant 1 : i32
      scf.for %scan3A_20 = %scan3A_13 to %scan3A_15 step %scan3A_16  : i32 {
        %mul3A_21 = arith.constant 16 : i32
        %mul3A_22 = arith.muli %scan3A_20, %mul3A_21 : i32
        %get3A = arith.index_cast %mul3A_22 : i32 to index
        %get3A_23 = tpu.vector_load %arg8[%get3A] {strides = array<i32>} : memref<2000xi32, #tpu.memory_space<vmem>>, vector<16xi32>,
        %get3A_24 = arith.index_cast %mul3A_22 : i32 to index
        %get3A_25 = tpu.vector_load %arg9[%get3A_24] {strides = array<i32>} : memref<2000xi32, #tpu.memory_space<vmem>>, vector<16xi32>,
        %mul3A_26 = arith.constant 3 : i32
        %mul3A_27 = vector.broadcast %mul3A_26 : i32 to vector<16xi32>
        %mul3A_28 = arith.muli %get3A_23, %mul3A_27 : vector<16xi32>
        %mul3A_29 = arith.constant 3 : i32
        %mul3A_30 = vector.broadcast %mul3A_29 : i32 to vector<16xi32>
        %mul3A_31 = arith.muli %get3A_25, %mul3A_30 : vector<16xi32>
        %gather3A = tpu.vector_load_idx %arg7[%mul3A_28] : memref<30000xf32, #tpu.memory_space<vmem>>[vector<16xi32>], vector<16xf32>,
        %gather3A_32 = tpu.vector_load_idx %arg7[%mul3A_31] : memref<30000xf32, #tpu.memory_space<vmem>>[vector<16xi32>], vector<16xf32>,
        %sub3A = arith.subf %gather3A, %gather3A_32 : vector<16xf32>
        %add3A_33 = arith.constant 1 : i32
        %add3A_34 = vector.broadcast %add3A_33 : i32 to vector<16xi32>
        %add3A_35 = arith.addi %mul3A_28, %add3A_34 : vector<16xi32>
        %gather3A_36 = tpu.vector_load_idx %arg7[%add3A_35] : memref<30000xf32, #tpu.memory_space<vmem>>[vector<16xi32>], vector<16xf32>,
        %add3A_37 = arith.constant 1 : i32
        %add3A_38 = vector.broadcast %add3A_37 : i32 to vector<16xi32>
        %add3A_39 = arith.addi %mul3A_31, %add3A_38 : vector<16xi32>
        %gather3A_40 = tpu.vector_load_idx %arg7[%add3A_39] : memref<30000xf32, #tpu.memory_space<vmem>>[vector<16xi32>], vector<16xf32>,
        %sub3A_41 = arith.subf %gather3A_36, %gather3A_40 : vector<16xf32>
        %add3A_42 = arith.constant 2 : i32
        %add3A_43 = vector.broadcast %add3A_42 : i32 to vector<16xi32>
        %add3A_44 = arith.addi %mul3A_28, %add3A_43 : vector<16xi32>
        %gather3A_45 = tpu.vector_load_idx %arg7[%add3A_44] : memref<30000xf32, #tpu.memory_space<vmem>>[vector<16xi32>], vector<16xf32>,
        %add3A_46 = arith.constant 2 : i32
        %add3A_47 = vector.broadcast %add3A_46 : i32 to vector<16xi32>
        %add3A_48 = arith.addi %mul3A_31, %add3A_47 : vector<16xi32>
        %gather3A_49 = tpu.vector_load_idx %arg7[%add3A_48] : memref<30000xf32, #tpu.memory_space<vmem>>[vector<16xi32>], vector<16xf32>,
        %sub3A_50 = arith.subf %gather3A_45, %gather3A_49 : vector<16xf32>
        %mul3A_51 = arith.mulf %sub3A, %sub3A : vector<16xf32>
        %mul3A_52 = arith.mulf %sub3A_41, %sub3A_41 : vector<16xf32>
        %add3A_53 = arith.addf %mul3A_51, %mul3A_52 : vector<16xf32>
        %mul3A_54 = arith.mulf %sub3A_50, %sub3A_50 : vector<16xf32>
        %add3A_55 = arith.addf %add3A_53, %mul3A_54 : vector<16xf32>
        %swap3A = arith.index_cast %mul3A_22 : i32 to index
        %swap3A_56 = tpu.vector_load %arg10[%swap3A] {strides = array<i32>} : memref<2000xf32, #tpu.memory_space<vmem>>, vector<16xf32>,
        tpu.vector_store %arg10[%swap3A], %add3A_55 {strides = array<i32>} : memref<2000xf32, #tpu.memory_space<vmem>>, vector<16xf32>,
        %add3A_57 = arith.constant 10000 : i32
        %add3A_58 = vector.broadcast %add3A_57 : i32 to vector<16xi32>
        %add3A_59 = arith.addi %get3A_25, %add3A_58 : vector<16xi32>
        %swap3A_60 = arith.index_cast %mul3A_22 : i32 to index
        %swap3A_61 = tpu.vector_load %arg11[%swap3A_60] {strides = array<i32>} : memref<2000xi32, #tpu.memory_space<vmem>>, vector<16xi32>,
        tpu.vector_store %arg11[%swap3A_60], %add3A_59 {strides = array<i32>} : memref<2000xi32, #tpu.memory_space<vmem>>, vector<16xi32>,
      }
      %scan3A_17 = arith.constant 125 : i32
      "tpu.region"() ({
        %run_scoped3A = tpu.sem_alloc : memref<!tpu.dma_semaphore, #tpu.memory_space<semaphore_mem>>
        %dma_start3A = tpu.memref_slice %arg5[%mul3A_11] : memref<640000xf32, #tpu.memory_space<hbm>> -> memref<2000xf32, #tpu.memory_space<hbm>>
        %dma_start3A_20 = tpu.memref_slice %arg5[%mul3A_11] : memref<640000xf32, #tpu.memory_space<hbm>> -> memref<2000xf32, #tpu.memory_space<hbm>>
        tpu.enqueue_dma source(%arg10 : memref<2000xf32, #tpu.memory_space<vmem>>) target(%dma_start3A_20 : memref<2000xf32, #tpu.memory_space<hbm>>) target_semaphore(%run_scoped3A : memref<!tpu.dma_semaphore, #tpu.memory_space<semaphore_mem>>)
        %dma_wait3A = tpu.memref_slice %arg5[%mul3A_11] : memref<640000xf32, #tpu.memory_space<hbm>> -> memref<2000xf32, #tpu.memory_space<hbm>>
        %dma_wait3A_21 = tpu.memref_slice %arg5[%mul3A_11] : memref<640000xf32, #tpu.memory_space<hbm>> -> memref<2000xf32, #tpu.memory_space<hbm>>
        tpu.wait_dma2 semaphore(%run_scoped3A : memref<!tpu.dma_semaphore, #tpu.memory_space<semaphore_mem>>) src(%arg10 : memref<2000xf32, #tpu.memory_space<vmem>>) dst(%dma_wait3A_21 : memref<2000xf32, #tpu.memory_space<hbm>>)
        tpu.yield
      }) : () -> ()
      "tpu.region"() ({
        %run_scoped3A = tpu.sem_alloc : memref<!tpu.dma_semaphore, #tpu.memory_space<semaphore_mem>>
        %dma_start3A = tpu.memref_slice %arg6[%mul3A_11] : memref<1280000xi32, #tpu.memory_space<hbm>> -> memref<2000xi32, #tpu.memory_space<hbm>>
        %dma_start3A_20 = tpu.memref_slice %arg6[%mul3A_11] : memref<1280000xi32, #tpu.memory_space<hbm>> -> memref<2000xi32, #tpu.memory_space<hbm>>
        tpu.enqueue_dma source(%arg8 : memref<2000xi32, #tpu.memory_space<vmem>>) target(%dma_start3A_20 : memref<2000xi32, #tpu.memory_space<hbm>>) target_semaphore(%run_scoped3A : memref<!tpu.dma_semaphore, #tpu.memory_space<semaphore_mem>>)
        %dma_wait3A = tpu.memref_slice %arg6[%mul3A_11] : memref<1280000xi32, #tpu.memory_space<hbm>> -> memref<2000xi32, #tpu.memory_space<hbm>>
        %dma_wait3A_21 = tpu.memref_slice %arg6[%mul3A_11] : memref<1280000xi32, #tpu.memory_space<hbm>> -> memref<2000xi32, #tpu.memory_space<hbm>>
        tpu.wait_dma2 semaphore(%run_scoped3A : memref<!tpu.dma_semaphore, #tpu.memory_space<semaphore_mem>>) src(%arg8 : memref<2000xi32, #tpu.memory_space<vmem>>) dst(%dma_wait3A_21 : memref<2000xi32, #tpu.memory_space<hbm>>)
        tpu.yield
      }) : () -> ()
      %add3A_18 = arith.constant 640000 : i32
      %add3A_19 = arith.addi %add3A_18, %mul3A_11 : i32
      "tpu.region"() ({
        %run_scoped3A = tpu.sem_alloc : memref<!tpu.dma_semaphore, #tpu.memory_space<semaphore_mem>>
        %dma_start3A = tpu.memref_slice %arg6[%add3A_19] : memref<1280000xi32, #tpu.memory_space<hbm>> -> memref<2000xi32, #tpu.memory_space<hbm>>
        %dma_start3A_20 = tpu.memref_slice %arg6[%add3A_19] : memref<1280000xi32, #tpu.memory_space<hbm>> -> memref<2000xi32, #tpu.memory_space<hbm>>
        tpu.enqueue_dma source(%arg11 : memref<2000xi32, #tpu.memory_space<vmem>>) target(%dma_start3A_20 : memref<2000xi32, #tpu.memory_space<hbm>>) target_semaphore(%run_scoped3A : memref<!tpu.dma_semaphore, #tpu.memory_space<semaphore_mem>>)
        %dma_wait3A = tpu.memref_slice %arg6[%add3A_19] : memref<1280000xi32, #tpu.memory_space<hbm>> -> memref<2000xi32, #tpu.memory_space<hbm>>
        %dma_wait3A_21 = tpu.memref_slice %arg6[%add3A_19] : memref<1280000xi32, #tpu.memory_space<hbm>> -> memref<2000xi32, #tpu.memory_space<hbm>>
        tpu.wait_dma2 semaphore(%run_scoped3A : memref<!tpu.dma_semaphore, #tpu.memory_space<semaphore_mem>>) src(%arg11 : memref<2000xi32, #tpu.memory_space<vmem>>) dst(%dma_wait3A_21 : memref<2000xi32, #tpu.memory_space<hbm>>)
        tpu.yield
      }) : () -> ()
    }
    %scan3A_5 = arith.constant 10 : i32
    return
  }
}

#map = affine_map<(d0, d1) -> (0, 0)>
module attributes {stable_mosaic.version = 14 : i64} {
  func.func @_gather_sc(%arg0: i32, %arg1: i32, %arg2: memref<20000x128xf32, #tpu.memory_space<hbm>>, %arg3: memref<10000x128xi32, #tpu.memory_space<hbm>>, %arg4: memref<1280000x128xf32, #tpu.memory_space<hbm>>, %arg5: memref<4x128xi32, #tpu.memory_space<vmem>>, %arg6: memref<512x128xf32, #tpu.memory_space<vmem>>, %arg7: memref<!tpu.dma_semaphore, #tpu.memory_space<semaphore_mem>>) attributes {dimension_semantics = [#tpu.dimension_semantics<core_parallel>, #tpu.dimension_semantics<subcore_parallel>], iteration_bounds = array<i64: 2, 16>, scalar_prefetch = 0 : i64, scratch_operands = 3 : i64, tpu.core_type = #tpu.core_type<sc_vector_subcore>, window_params = [{transform_indices = #map}, {transform_indices = #map}, {transform_indices = #map}]} {
    %mul3A = arith.constant 2 : i32
    %mul3A_0 = arith.muli %arg1, %mul3A : i32
    %add3A = arith.addi %mul3A_0, %arg0 : i32
    %scan3A = arith.constant 0 : i32
    %scan3A_1 = arith.constant 0 : i32
    %scan3A_2 = arith.constant 79 : i32
    %scan3A_3 = arith.addi %scan3A_1, %scan3A_2 : i32
    %scan3A_4 = arith.constant 1 : i32
    scf.for %scan3A_6 = %scan3A_1 to %scan3A_3 step %scan3A_4  : i32 {
      %mul3A_7 = arith.constant 32 : i32
      %mul3A_8 = arith.muli %scan3A_6, %mul3A_7 : i32
      %add3A_9 = arith.addi %add3A, %mul3A_8 : i32
      %lt3A = arith.constant 2500 : i32
      %lt3A_10 = arith.cmpi slt, %add3A_9, %lt3A : i32
      %convert_element_type3A = arith.extui %lt3A_10 : i1 to i32
      %cond3A = arith.constant 0 : i32
      %cond3A_11 = arith.cmpi ne, %convert_element_type3A, %cond3A : i32
      scf.if %cond3A_11 {
        %mul3A_12 = arith.constant 4 : i32
        %mul3A_13 = arith.muli %add3A_9, %mul3A_12 : i32
        "tpu.region"() ({
          %run_scoped3A = tpu.sem_alloc : memref<!tpu.dma_semaphore, #tpu.memory_space<semaphore_mem>>
          %dma_start3A_94 = arith.constant 0 : i32
          %dma_start3A_95 = tpu.memref_slice %arg3[%mul3A_13, %dma_start3A_94] : memref<10000x128xi32, #tpu.memory_space<hbm>> -> memref<4x128xi32, #tpu.memory_space<hbm>>
          %dma_start3A_96 = arith.constant 0 : i32
          %dma_start3A_97 = tpu.memref_slice %arg3[%mul3A_13, %dma_start3A_96] : memref<10000x128xi32, #tpu.memory_space<hbm>> -> memref<4x128xi32, #tpu.memory_space<hbm>>
          tpu.enqueue_dma source(%dma_start3A_97 : memref<4x128xi32, #tpu.memory_space<hbm>>) target(%arg5 : memref<4x128xi32, #tpu.memory_space<vmem>>) target_semaphore(%run_scoped3A : memref<!tpu.dma_semaphore, #tpu.memory_space<semaphore_mem>>)
          %dma_wait3A_98 = arith.constant 0 : i32
          %dma_wait3A_99 = tpu.memref_slice %arg3[%mul3A_13, %dma_wait3A_98] : memref<10000x128xi32, #tpu.memory_space<hbm>> -> memref<4x128xi32, #tpu.memory_space<hbm>>
          %dma_wait3A_100 = arith.constant 0 : i32
          %dma_wait3A_101 = tpu.memref_slice %arg3[%mul3A_13, %dma_wait3A_100] : memref<10000x128xi32, #tpu.memory_space<hbm>> -> memref<4x128xi32, #tpu.memory_space<hbm>>
          tpu.wait_dma2 semaphore(%run_scoped3A : memref<!tpu.dma_semaphore, #tpu.memory_space<semaphore_mem>>) src(%dma_wait3A_101 : memref<4x128xi32, #tpu.memory_space<hbm>>) dst(%arg5 : memref<4x128xi32, #tpu.memory_space<vmem>>)
          tpu.yield
        }) : () -> ()
        %dma_start3A = arith.constant 0 : i32
        %dma_start3A_14 = arith.constant 0 : i32
        %dma_start3A_15 = arith.constant 0 : i32
        %dma_start3A_16 = tpu.memref_slice %arg6[%dma_start3A_14, %dma_start3A_15] : memref<512x128xf32, #tpu.memory_space<vmem>> -> memref<128x128xf32, #tpu.memory_space<vmem>>
        %dma_start3A_17 = arith.constant 0 : i32
        %dma_start3A_18 = tpu.memref_slice %arg5[%dma_start3A, %dma_start3A_17] : memref<4x128xi32, #tpu.memory_space<vmem>> -> memref<1x128xi32, #tpu.memory_space<vmem>>
        %dma_start3A_19 = tpu.memref_squeeze %dma_start3A_18 : memref<1x128xi32, #tpu.memory_space<vmem>> -> memref<128xi32, #tpu.memory_space<vmem>>
        %dma_start3A_20 = arith.constant 0 : i32
        %dma_start3A_21 = arith.constant 0 : i32
        %dma_start3A_22 = tpu.memref_slice %arg2[%dma_start3A_20, %dma_start3A_21] : memref<20000x128xf32, #tpu.memory_space<hbm>> -> memref<20000x128xf32, #tpu.memory_space<hbm>>
        tpu.enqueue_indirect_dma source(%dma_start3A_22 : memref<20000x128xf32, #tpu.memory_space<hbm>>) target(%dma_start3A_16 : memref<128x128xf32, #tpu.memory_space<vmem>>) offsets(%dma_start3A_19 : memref<128xi32, #tpu.memory_space<vmem>>) semaphore(%arg7 : memref<!tpu.dma_semaphore, #tpu.memory_space<semaphore_mem>>)
        %dma_start3A_23 = arith.constant 1 : i32
        %dma_start3A_24 = arith.constant 128 : i32
        %dma_start3A_25 = arith.constant 0 : i32
        %dma_start3A_26 = tpu.memref_slice %arg6[%dma_start3A_24, %dma_start3A_25] : memref<512x128xf32, #tpu.memory_space<vmem>> -> memref<128x128xf32, #tpu.memory_space<vmem>>
        %dma_start3A_27 = arith.constant 0 : i32
        %dma_start3A_28 = tpu.memref_slice %arg5[%dma_start3A_23, %dma_start3A_27] : memref<4x128xi32, #tpu.memory_space<vmem>> -> memref<1x128xi32, #tpu.memory_space<vmem>>
        %dma_start3A_29 = tpu.memref_squeeze %dma_start3A_28 : memref<1x128xi32, #tpu.memory_space<vmem>> -> memref<128xi32, #tpu.memory_space<vmem>>
        %dma_start3A_30 = arith.constant 0 : i32
        %dma_start3A_31 = arith.constant 0 : i32
        %dma_start3A_32 = tpu.memref_slice %arg2[%dma_start3A_30, %dma_start3A_31] : memref<20000x128xf32, #tpu.memory_space<hbm>> -> memref<20000x128xf32, #tpu.memory_space<hbm>>
        tpu.enqueue_indirect_dma source(%dma_start3A_32 : memref<20000x128xf32, #tpu.memory_space<hbm>>) target(%dma_start3A_26 : memref<128x128xf32, #tpu.memory_space<vmem>>) offsets(%dma_start3A_29 : memref<128xi32, #tpu.memory_space<vmem>>) semaphore(%arg7 : memref<!tpu.dma_semaphore, #tpu.memory_space<semaphore_mem>>)
        %dma_start3A_33 = arith.constant 2 : i32
        %dma_start3A_34 = arith.constant 256 : i32
        %dma_start3A_35 = arith.constant 0 : i32
        %dma_start3A_36 = tpu.memref_slice %arg6[%dma_start3A_34, %dma_start3A_35] : memref<512x128xf32, #tpu.memory_space<vmem>> -> memref<128x128xf32, #tpu.memory_space<vmem>>
        %dma_start3A_37 = arith.constant 0 : i32
        %dma_start3A_38 = tpu.memref_slice %arg5[%dma_start3A_33, %dma_start3A_37] : memref<4x128xi32, #tpu.memory_space<vmem>> -> memref<1x128xi32, #tpu.memory_space<vmem>>
        %dma_start3A_39 = tpu.memref_squeeze %dma_start3A_38 : memref<1x128xi32, #tpu.memory_space<vmem>> -> memref<128xi32, #tpu.memory_space<vmem>>
        %dma_start3A_40 = arith.constant 0 : i32
        %dma_start3A_41 = arith.constant 0 : i32
        %dma_start3A_42 = tpu.memref_slice %arg2[%dma_start3A_40, %dma_start3A_41] : memref<20000x128xf32, #tpu.memory_space<hbm>> -> memref<20000x128xf32, #tpu.memory_space<hbm>>
        tpu.enqueue_indirect_dma source(%dma_start3A_42 : memref<20000x128xf32, #tpu.memory_space<hbm>>) target(%dma_start3A_36 : memref<128x128xf32, #tpu.memory_space<vmem>>) offsets(%dma_start3A_39 : memref<128xi32, #tpu.memory_space<vmem>>) semaphore(%arg7 : memref<!tpu.dma_semaphore, #tpu.memory_space<semaphore_mem>>)
        %dma_start3A_43 = arith.constant 3 : i32
        %dma_start3A_44 = arith.constant 384 : i32
        %dma_start3A_45 = arith.constant 0 : i32
        %dma_start3A_46 = tpu.memref_slice %arg6[%dma_start3A_44, %dma_start3A_45] : memref<512x128xf32, #tpu.memory_space<vmem>> -> memref<128x128xf32, #tpu.memory_space<vmem>>
        %dma_start3A_47 = arith.constant 0 : i32
        %dma_start3A_48 = tpu.memref_slice %arg5[%dma_start3A_43, %dma_start3A_47] : memref<4x128xi32, #tpu.memory_space<vmem>> -> memref<1x128xi32, #tpu.memory_space<vmem>>
        %dma_start3A_49 = tpu.memref_squeeze %dma_start3A_48 : memref<1x128xi32, #tpu.memory_space<vmem>> -> memref<128xi32, #tpu.memory_space<vmem>>
        %dma_start3A_50 = arith.constant 0 : i32
        %dma_start3A_51 = arith.constant 0 : i32
        %dma_start3A_52 = tpu.memref_slice %arg2[%dma_start3A_50, %dma_start3A_51] : memref<20000x128xf32, #tpu.memory_space<hbm>> -> memref<20000x128xf32, #tpu.memory_space<hbm>>
        tpu.enqueue_indirect_dma source(%dma_start3A_52 : memref<20000x128xf32, #tpu.memory_space<hbm>>) target(%dma_start3A_46 : memref<128x128xf32, #tpu.memory_space<vmem>>) offsets(%dma_start3A_49 : memref<128xi32, #tpu.memory_space<vmem>>) semaphore(%arg7 : memref<!tpu.dma_semaphore, #tpu.memory_space<semaphore_mem>>)
        %dma_wait3A = arith.constant 0 : i32
        %dma_wait3A_53 = arith.constant 0 : i32
        %dma_wait3A_54 = arith.constant 0 : i32
        %dma_wait3A_55 = tpu.memref_slice %arg6[%dma_wait3A_53, %dma_wait3A_54] : memref<512x128xf32, #tpu.memory_space<vmem>> -> memref<128x128xf32, #tpu.memory_space<vmem>>
        %dma_wait3A_56 = arith.constant 0 : i32
        %dma_wait3A_57 = tpu.memref_slice %arg5[%dma_wait3A, %dma_wait3A_56] : memref<4x128xi32, #tpu.memory_space<vmem>> -> memref<1x128xi32, #tpu.memory_space<vmem>>
        %dma_wait3A_58 = tpu.memref_squeeze %dma_wait3A_57 : memref<1x128xi32, #tpu.memory_space<vmem>> -> memref<128xi32, #tpu.memory_space<vmem>>
        %dma_wait3A_59 = arith.constant 0 : i32
        %dma_wait3A_60 = arith.constant 0 : i32
        %dma_wait3A_61 = tpu.memref_slice %arg2[%dma_wait3A_59, %dma_wait3A_60] : memref<20000x128xf32, #tpu.memory_space<hbm>> -> memref<20000x128xf32, #tpu.memory_space<hbm>>
        tpu.wait_indirect_dma semaphore(%arg7 : memref<!tpu.dma_semaphore, #tpu.memory_space<semaphore_mem>>) src(%dma_wait3A_61 : memref<20000x128xf32, #tpu.memory_space<hbm>>) dst(%dma_wait3A_55 : memref<128x128xf32, #tpu.memory_space<vmem>>)
        %dma_wait3A_62 = arith.constant 1 : i32
        %dma_wait3A_63 = arith.constant 128 : i32
        %dma_wait3A_64 = arith.constant 0 : i32
        %dma_wait3A_65 = tpu.memref_slice %arg6[%dma_wait3A_63, %dma_wait3A_64] : memref<512x128xf32, #tpu.memory_space<vmem>> -> memref<128x128xf32, #tpu.memory_space<vmem>>
        %dma_wait3A_66 = arith.constant 0 : i32
        %dma_wait3A_67 = tpu.memref_slice %arg5[%dma_wait3A_62, %dma_wait3A_66] : memref<4x128xi32, #tpu.memory_space<vmem>> -> memref<1x128xi32, #tpu.memory_space<vmem>>
        %dma_wait3A_68 = tpu.memref_squeeze %dma_wait3A_67 : memref<1x128xi32, #tpu.memory_space<vmem>> -> memref<128xi32, #tpu.memory_space<vmem>>
        %dma_wait3A_69 = arith.constant 0 : i32
        %dma_wait3A_70 = arith.constant 0 : i32
        %dma_wait3A_71 = tpu.memref_slice %arg2[%dma_wait3A_69, %dma_wait3A_70] : memref<20000x128xf32, #tpu.memory_space<hbm>> -> memref<20000x128xf32, #tpu.memory_space<hbm>>
        tpu.wait_indirect_dma semaphore(%arg7 : memref<!tpu.dma_semaphore, #tpu.memory_space<semaphore_mem>>) src(%dma_wait3A_71 : memref<20000x128xf32, #tpu.memory_space<hbm>>) dst(%dma_wait3A_65 : memref<128x128xf32, #tpu.memory_space<vmem>>)
        %dma_wait3A_72 = arith.constant 2 : i32
        %dma_wait3A_73 = arith.constant 256 : i32
        %dma_wait3A_74 = arith.constant 0 : i32
        %dma_wait3A_75 = tpu.memref_slice %arg6[%dma_wait3A_73, %dma_wait3A_74] : memref<512x128xf32, #tpu.memory_space<vmem>> -> memref<128x128xf32, #tpu.memory_space<vmem>>
        %dma_wait3A_76 = arith.constant 0 : i32
        %dma_wait3A_77 = tpu.memref_slice %arg5[%dma_wait3A_72, %dma_wait3A_76] : memref<4x128xi32, #tpu.memory_space<vmem>> -> memref<1x128xi32, #tpu.memory_space<vmem>>
        %dma_wait3A_78 = tpu.memref_squeeze %dma_wait3A_77 : memref<1x128xi32, #tpu.memory_space<vmem>> -> memref<128xi32, #tpu.memory_space<vmem>>
        %dma_wait3A_79 = arith.constant 0 : i32
        %dma_wait3A_80 = arith.constant 0 : i32
        %dma_wait3A_81 = tpu.memref_slice %arg2[%dma_wait3A_79, %dma_wait3A_80] : memref<20000x128xf32, #tpu.memory_space<hbm>> -> memref<20000x128xf32, #tpu.memory_space<hbm>>
        tpu.wait_indirect_dma semaphore(%arg7 : memref<!tpu.dma_semaphore, #tpu.memory_space<semaphore_mem>>) src(%dma_wait3A_81 : memref<20000x128xf32, #tpu.memory_space<hbm>>) dst(%dma_wait3A_75 : memref<128x128xf32, #tpu.memory_space<vmem>>)
        %dma_wait3A_82 = arith.constant 3 : i32
        %dma_wait3A_83 = arith.constant 384 : i32
        %dma_wait3A_84 = arith.constant 0 : i32
        %dma_wait3A_85 = tpu.memref_slice %arg6[%dma_wait3A_83, %dma_wait3A_84] : memref<512x128xf32, #tpu.memory_space<vmem>> -> memref<128x128xf32, #tpu.memory_space<vmem>>
        %dma_wait3A_86 = arith.constant 0 : i32
        %dma_wait3A_87 = tpu.memref_slice %arg5[%dma_wait3A_82, %dma_wait3A_86] : memref<4x128xi32, #tpu.memory_space<vmem>> -> memref<1x128xi32, #tpu.memory_space<vmem>>
        %dma_wait3A_88 = tpu.memref_squeeze %dma_wait3A_87 : memref<1x128xi32, #tpu.memory_space<vmem>> -> memref<128xi32, #tpu.memory_space<vmem>>
        %dma_wait3A_89 = arith.constant 0 : i32
        %dma_wait3A_90 = arith.constant 0 : i32
        %dma_wait3A_91 = tpu.memref_slice %arg2[%dma_wait3A_89, %dma_wait3A_90] : memref<20000x128xf32, #tpu.memory_space<hbm>> -> memref<20000x128xf32, #tpu.memory_space<hbm>>
        tpu.wait_indirect_dma semaphore(%arg7 : memref<!tpu.dma_semaphore, #tpu.memory_space<semaphore_mem>>) src(%dma_wait3A_91 : memref<20000x128xf32, #tpu.memory_space<hbm>>) dst(%dma_wait3A_85 : memref<128x128xf32, #tpu.memory_space<vmem>>)
        %mul3A_92 = arith.constant 512 : i32
        %mul3A_93 = arith.muli %add3A_9, %mul3A_92 : i32
        "tpu.region"() ({
          %run_scoped3A = tpu.sem_alloc : memref<!tpu.dma_semaphore, #tpu.memory_space<semaphore_mem>>
          %dma_start3A_94 = arith.constant 0 : i32
          %dma_start3A_95 = tpu.memref_slice %arg4[%mul3A_93, %dma_start3A_94] : memref<1280000x128xf32, #tpu.memory_space<hbm>> -> memref<512x128xf32, #tpu.memory_space<hbm>>
          %dma_start3A_96 = arith.constant 0 : i32
          %dma_start3A_97 = tpu.memref_slice %arg4[%mul3A_93, %dma_start3A_96] : memref<1280000x128xf32, #tpu.memory_space<hbm>> -> memref<512x128xf32, #tpu.memory_space<hbm>>
          tpu.enqueue_dma source(%arg6 : memref<512x128xf32, #tpu.memory_space<vmem>>) target(%dma_start3A_97 : memref<512x128xf32, #tpu.memory_space<hbm>>) target_semaphore(%run_scoped3A : memref<!tpu.dma_semaphore, #tpu.memory_space<semaphore_mem>>)
          %dma_wait3A_98 = arith.constant 0 : i32
          %dma_wait3A_99 = tpu.memref_slice %arg4[%mul3A_93, %dma_wait3A_98] : memref<1280000x128xf32, #tpu.memory_space<hbm>> -> memref<512x128xf32, #tpu.memory_space<hbm>>
          %dma_wait3A_100 = arith.constant 0 : i32
          %dma_wait3A_101 = tpu.memref_slice %arg4[%mul3A_93, %dma_wait3A_100] : memref<1280000x128xf32, #tpu.memory_space<hbm>> -> memref<512x128xf32, #tpu.memory_space<hbm>>
          tpu.wait_dma2 semaphore(%run_scoped3A : memref<!tpu.dma_semaphore, #tpu.memory_space<semaphore_mem>>) src(%arg6 : memref<512x128xf32, #tpu.memory_space<vmem>>) dst(%dma_wait3A_101 : memref<512x128xf32, #tpu.memory_space<hbm>>)
          tpu.yield
        }) : () -> ()
      } else {
      }
    }
    %scan3A_5 = arith.constant 79 : i32
    return
  }
}

#map = affine_map<(d0, d1) -> (0, 0)>
#map1 = affine_map<(d0, d1) -> (0, 0, 0)>
module attributes {stable_mosaic.version = 14 : i64} {
  func.func @_scatter_sc(%arg0: i32, %arg1: i32, %arg2: memref<640000x128xf32, #tpu.memory_space<hbm>>, %arg3: memref<5000x128xi32, #tpu.memory_space<hbm>>, %arg4: memref<10000x128xf32, #tpu.memory_space<hbm>>, %arg5: memref<2x10000x128xf32, #tpu.memory_space<hbm>>, %arg6: memref<10000x128xf32, #tpu.memory_space<vmem_shared>>, %arg7: memref<2x128xi32, #tpu.memory_space<vmem>>, %arg8: memref<256x128xf32, #tpu.memory_space<vmem>>) attributes {dimension_semantics = [#tpu.dimension_semantics<core_parallel>, #tpu.dimension_semantics<subcore_parallel>], iteration_bounds = array<i64: 2, 16>, scalar_prefetch = 0 : i64, scratch_operands = 3 : i64, tpu.core_type = #tpu.core_type<sc_vector_subcore>, window_params = [{transform_indices = #map}, {transform_indices = #map}, {transform_indices = #map}, {transform_indices = #map1}]} {
    %mul3A = arith.constant 624 : i32
    %mul3A_0 = arith.muli %arg1, %mul3A : i32
    %mul3A_1 = arith.constant 624 : i32
    %mul3A_2 = arith.muli %arg1, %mul3A_1 : i32
    "tpu.region"() ({
      %run_scoped3A = tpu.sem_alloc : memref<!tpu.dma_semaphore, #tpu.memory_space<semaphore_mem>>
      %dma_start3A = arith.constant 0 : i32
      %dma_start3A_20 = tpu.memref_slice %arg6[%mul3A_2, %dma_start3A] : memref<10000x128xf32, #tpu.memory_space<vmem_shared>> -> memref<624x128xf32, #tpu.memory_space<vmem_shared>>
      %dma_start3A_21 = arith.constant 0 : i32
      %dma_start3A_22 = tpu.memref_slice %arg4[%mul3A_0, %dma_start3A_21] : memref<10000x128xf32, #tpu.memory_space<hbm>> -> memref<624x128xf32, #tpu.memory_space<hbm>>
      tpu.enqueue_dma source(%dma_start3A_22 : memref<624x128xf32, #tpu.memory_space<hbm>>) target(%dma_start3A_20 : memref<624x128xf32, #tpu.memory_space<vmem_shared>>) target_semaphore(%run_scoped3A : memref<!tpu.dma_semaphore, #tpu.memory_space<semaphore_mem>>)
      %dma_wait3A = arith.constant 0 : i32
      %dma_wait3A_23 = tpu.memref_slice %arg6[%mul3A_2, %dma_wait3A] : memref<10000x128xf32, #tpu.memory_space<vmem_shared>> -> memref<624x128xf32, #tpu.memory_space<vmem_shared>>
      %dma_wait3A_24 = arith.constant 0 : i32
      %dma_wait3A_25 = tpu.memref_slice %arg4[%mul3A_0, %dma_wait3A_24] : memref<10000x128xf32, #tpu.memory_space<hbm>> -> memref<624x128xf32, #tpu.memory_space<hbm>>
      tpu.wait_dma2 semaphore(%run_scoped3A : memref<!tpu.dma_semaphore, #tpu.memory_space<semaphore_mem>>) src(%dma_wait3A_25 : memref<624x128xf32, #tpu.memory_space<hbm>>) dst(%dma_wait3A_23 : memref<624x128xf32, #tpu.memory_space<vmem_shared>>)
      tpu.yield
    }) : () -> ()
    %eq3A = arith.constant 0 : i32
    %eq3A_3 = arith.cmpi eq, %arg1, %eq3A : i32
    %convert_element_type3A = arith.extui %eq3A_3 : i1 to i32
    %cond3A = arith.constant 0 : i32
    %cond3A_4 = arith.cmpi ne, %convert_element_type3A, %cond3A : i32
    scf.if %cond3A_4 {
      "tpu.region"() ({
        %run_scoped3A = tpu.sem_alloc : memref<!tpu.dma_semaphore, #tpu.memory_space<semaphore_mem>>
        %dma_start3A = arith.constant 9984 : i32
        %dma_start3A_20 = arith.constant 0 : i32
        %dma_start3A_21 = tpu.memref_slice %arg6[%dma_start3A, %dma_start3A_20] : memref<10000x128xf32, #tpu.memory_space<vmem_shared>> -> memref<16x128xf32, #tpu.memory_space<vmem_shared>>
        %dma_start3A_22 = arith.constant 9984 : i32
        %dma_start3A_23 = arith.constant 0 : i32
        %dma_start3A_24 = tpu.memref_slice %arg4[%dma_start3A_22, %dma_start3A_23] : memref<10000x128xf32, #tpu.memory_space<hbm>> -> memref<16x128xf32, #tpu.memory_space<hbm>>
        tpu.enqueue_dma source(%dma_start3A_24 : memref<16x128xf32, #tpu.memory_space<hbm>>) target(%dma_start3A_21 : memref<16x128xf32, #tpu.memory_space<vmem_shared>>) target_semaphore(%run_scoped3A : memref<!tpu.dma_semaphore, #tpu.memory_space<semaphore_mem>>)
        %dma_wait3A = arith.constant 9984 : i32
        %dma_wait3A_25 = arith.constant 0 : i32
        %dma_wait3A_26 = tpu.memref_slice %arg6[%dma_wait3A, %dma_wait3A_25] : memref<10000x128xf32, #tpu.memory_space<vmem_shared>> -> memref<16x128xf32, #tpu.memory_space<vmem_shared>>
        %dma_wait3A_27 = arith.constant 9984 : i32
        %dma_wait3A_28 = arith.constant 0 : i32
        %dma_wait3A_29 = tpu.memref_slice %arg4[%dma_wait3A_27, %dma_wait3A_28] : memref<10000x128xf32, #tpu.memory_space<hbm>> -> memref<16x128xf32, #tpu.memory_space<hbm>>
        tpu.wait_dma2 semaphore(%run_scoped3A : memref<!tpu.dma_semaphore, #tpu.memory_space<semaphore_mem>>) src(%dma_wait3A_29 : memref<16x128xf32, #tpu.memory_space<hbm>>) dst(%dma_wait3A_26 : memref<16x128xf32, #tpu.memory_space<vmem_shared>>)
        tpu.yield
      }) : () -> ()
    } else {
    }
    %barrier3A = arith.constant 0 : index
    tpu.barrier barrier_id(%barrier3A)
    %scan3A = arith.constant 0 : i32
    %scan3A_5 = arith.constant 0 : i32
    %scan3A_6 = arith.constant 79 : i32
    %scan3A_7 = arith.addi %scan3A_5, %scan3A_6 : i32
    %scan3A_8 = arith.constant 1 : i32
    scf.for %scan3A_20 = %scan3A_5 to %scan3A_7 step %scan3A_8  : i32 {
      %mul3A_21 = arith.constant 16 : i32
      %mul3A_22 = arith.muli %scan3A_20, %mul3A_21 : i32
      %add3A = arith.addi %arg1, %mul3A_22 : i32
      %lt3A = arith.constant 1250 : i32
      %lt3A_23 = arith.cmpi slt, %add3A, %lt3A : i32
      %convert_element_type3A_24 = arith.extui %lt3A_23 : i1 to i32
      %cond3A_25 = arith.constant 0 : i32
      %cond3A_26 = arith.cmpi ne, %convert_element_type3A_24, %cond3A_25 : i32
      scf.if %cond3A_26 {
        %mul3A_27 = arith.constant 1250 : i32
        %mul3A_28 = arith.muli %arg0, %mul3A_27 : i32
        %add3A_29 = arith.addi %mul3A_28, %add3A : i32
        %mul3A_30 = arith.constant 256 : i32
        %mul3A_31 = arith.muli %add3A_29, %mul3A_30 : i32
        "tpu.region"() ({
          %run_scoped3A_35 = tpu.sem_alloc : memref<!tpu.dma_semaphore, #tpu.memory_space<semaphore_mem>>
          %dma_start3A = arith.constant 0 : i32
          %dma_start3A_36 = tpu.memref_slice %arg2[%mul3A_31, %dma_start3A] : memref<640000x128xf32, #tpu.memory_space<hbm>> -> memref<256x128xf32, #tpu.memory_space<hbm>>
          %dma_start3A_37 = arith.constant 0 : i32
          %dma_start3A_38 = tpu.memref_slice %arg2[%mul3A_31, %dma_start3A_37] : memref<640000x128xf32, #tpu.memory_space<hbm>> -> memref<256x128xf32, #tpu.memory_space<hbm>>
          tpu.enqueue_dma source(%dma_start3A_38 : memref<256x128xf32, #tpu.memory_space<hbm>>) target(%arg8 : memref<256x128xf32, #tpu.memory_space<vmem>>) target_semaphore(%run_scoped3A_35 : memref<!tpu.dma_semaphore, #tpu.memory_space<semaphore_mem>>)
          %dma_wait3A = arith.constant 0 : i32
          %dma_wait3A_39 = tpu.memref_slice %arg2[%mul3A_31, %dma_wait3A] : memref<640000x128xf32, #tpu.memory_space<hbm>> -> memref<256x128xf32, #tpu.memory_space<hbm>>
          %dma_wait3A_40 = arith.constant 0 : i32
          %dma_wait3A_41 = tpu.memref_slice %arg2[%mul3A_31, %dma_wait3A_40] : memref<640000x128xf32, #tpu.memory_space<hbm>> -> memref<256x128xf32, #tpu.memory_space<hbm>>
          tpu.wait_dma2 semaphore(%run_scoped3A_35 : memref<!tpu.dma_semaphore, #tpu.memory_space<semaphore_mem>>) src(%dma_wait3A_41 : memref<256x128xf32, #tpu.memory_space<hbm>>) dst(%arg8 : memref<256x128xf32, #tpu.memory_space<vmem>>)
          tpu.yield
        }) : () -> ()
        %mul3A_32 = arith.constant 2 : i32
        %mul3A_33 = arith.muli %add3A_29, %mul3A_32 : i32
        "tpu.region"() ({
          %run_scoped3A_35 = tpu.sem_alloc : memref<!tpu.dma_semaphore, #tpu.memory_space<semaphore_mem>>
          %dma_start3A = arith.constant 0 : i32
          %dma_start3A_36 = tpu.memref_slice %arg3[%mul3A_33, %dma_start3A] : memref<5000x128xi32, #tpu.memory_space<hbm>> -> memref<2x128xi32, #tpu.memory_space<hbm>>
          %dma_start3A_37 = arith.constant 0 : i32
          %dma_start3A_38 = tpu.memref_slice %arg3[%mul3A_33, %dma_start3A_37] : memref<5000x128xi32, #tpu.memory_space<hbm>> -> memref<2x128xi32, #tpu.memory_space<hbm>>
          tpu.enqueue_dma source(%dma_start3A_38 : memref<2x128xi32, #tpu.memory_space<hbm>>) target(%arg7 : memref<2x128xi32, #tpu.memory_space<vmem>>) target_semaphore(%run_scoped3A_35 : memref<!tpu.dma_semaphore, #tpu.memory_space<semaphore_mem>>)
          %dma_wait3A = arith.constant 0 : i32
          %dma_wait3A_39 = tpu.memref_slice %arg3[%mul3A_33, %dma_wait3A] : memref<5000x128xi32, #tpu.memory_space<hbm>> -> memref<2x128xi32, #tpu.memory_space<hbm>>
          %dma_wait3A_40 = arith.constant 0 : i32
          %dma_wait3A_41 = tpu.memref_slice %arg3[%mul3A_33, %dma_wait3A_40] : memref<5000x128xi32, #tpu.memory_space<hbm>> -> memref<2x128xi32, #tpu.memory_space<hbm>>
          tpu.wait_dma2 semaphore(%run_scoped3A_35 : memref<!tpu.dma_semaphore, #tpu.memory_space<semaphore_mem>>) src(%dma_wait3A_41 : memref<2x128xi32, #tpu.memory_space<hbm>>) dst(%arg7 : memref<2x128xi32, #tpu.memory_space<vmem>>)
          tpu.yield
        }) : () -> ()
        %run_scoped3A = arith.constant 0 : i32
        "tpu.region"() ({
          %run_scoped3A_35 = tpu.sem_alloc : memref<!tpu.dma_semaphore, #tpu.memory_space<semaphore_mem>>
          %dma_start3A = arith.constant 0 : i32
          %dma_start3A_36 = arith.constant 0 : i32
          %dma_start3A_37 = tpu.memref_slice %arg8[%dma_start3A, %dma_start3A_36] : memref<256x128xf32, #tpu.memory_space<vmem>> -> memref<128x128xf32, #tpu.memory_space<vmem>>
          %dma_start3A_38 = arith.constant 0 : i32
          %dma_start3A_39 = tpu.memref_slice %arg7[%run_scoped3A, %dma_start3A_38] : memref<2x128xi32, #tpu.memory_space<vmem>> -> memref<1x128xi32, #tpu.memory_space<vmem>>
          %dma_start3A_40 = tpu.memref_squeeze %dma_start3A_39 : memref<1x128xi32, #tpu.memory_space<vmem>> -> memref<128xi32, #tpu.memory_space<vmem>>
          %dma_start3A_41 = arith.constant 0 : i32
          %dma_start3A_42 = arith.constant 0 : i32
          %dma_start3A_43 = tpu.memref_slice %arg6[%dma_start3A_41, %dma_start3A_42] : memref<10000x128xf32, #tpu.memory_space<vmem_shared>> -> memref<10000x128xf32, #tpu.memory_space<vmem_shared>>
          tpu.enqueue_indirect_dma source(%dma_start3A_37 : memref<128x128xf32, #tpu.memory_space<vmem>>) target(%dma_start3A_43 : memref<10000x128xf32, #tpu.memory_space<vmem_shared>>) offsets(%dma_start3A_40 : memref<128xi32, #tpu.memory_space<vmem>>) semaphore(%run_scoped3A_35 : memref<!tpu.dma_semaphore, #tpu.memory_space<semaphore_mem>>) {add = true}
          %dma_wait3A = arith.constant 0 : i32
          %dma_wait3A_44 = arith.constant 0 : i32
          %dma_wait3A_45 = tpu.memref_slice %arg8[%dma_wait3A, %dma_wait3A_44] : memref<256x128xf32, #tpu.memory_space<vmem>> -> memref<128x128xf32, #tpu.memory_space<vmem>>
          %dma_wait3A_46 = arith.constant 0 : i32
          %dma_wait3A_47 = tpu.memref_slice %arg7[%run_scoped3A, %dma_wait3A_46] : memref<2x128xi32, #tpu.memory_space<vmem>> -> memref<1x128xi32, #tpu.memory_space<vmem>>
          %dma_wait3A_48 = tpu.memref_squeeze %dma_wait3A_47 : memref<1x128xi32, #tpu.memory_space<vmem>> -> memref<128xi32, #tpu.memory_space<vmem>>
          %dma_wait3A_49 = arith.constant 0 : i32
          %dma_wait3A_50 = arith.constant 0 : i32
          %dma_wait3A_51 = tpu.memref_slice %arg6[%dma_wait3A_49, %dma_wait3A_50] : memref<10000x128xf32, #tpu.memory_space<vmem_shared>> -> memref<10000x128xf32, #tpu.memory_space<vmem_shared>>
          tpu.wait_indirect_dma semaphore(%run_scoped3A_35 : memref<!tpu.dma_semaphore, #tpu.memory_space<semaphore_mem>>) src(%dma_wait3A_45 : memref<128x128xf32, #tpu.memory_space<vmem>>) dst(%dma_wait3A_51 : memref<10000x128xf32, #tpu.memory_space<vmem_shared>>)
          tpu.yield
        }) : () -> ()
        %run_scoped3A_34 = arith.constant 1 : i32
        "tpu.region"() ({
          %run_scoped3A_35 = tpu.sem_alloc : memref<!tpu.dma_semaphore, #tpu.memory_space<semaphore_mem>>
          %dma_start3A = arith.constant 128 : i32
          %dma_start3A_36 = arith.constant 0 : i32
          %dma_start3A_37 = tpu.memref_slice %arg8[%dma_start3A, %dma_start3A_36] : memref<256x128xf32, #tpu.memory_space<vmem>> -> memref<128x128xf32, #tpu.memory_space<vmem>>
          %dma_start3A_38 = arith.constant 0 : i32
          %dma_start3A_39 = tpu.memref_slice %arg7[%run_scoped3A_34, %dma_start3A_38] : memref<2x128xi32, #tpu.memory_space<vmem>> -> memref<1x128xi32, #tpu.memory_space<vmem>>
          %dma_start3A_40 = tpu.memref_squeeze %dma_start3A_39 : memref<1x128xi32, #tpu.memory_space<vmem>> -> memref<128xi32, #tpu.memory_space<vmem>>
          %dma_start3A_41 = arith.constant 0 : i32
          %dma_start3A_42 = arith.constant 0 : i32
          %dma_start3A_43 = tpu.memref_slice %arg6[%dma_start3A_41, %dma_start3A_42] : memref<10000x128xf32, #tpu.memory_space<vmem_shared>> -> memref<10000x128xf32, #tpu.memory_space<vmem_shared>>
          tpu.enqueue_indirect_dma source(%dma_start3A_37 : memref<128x128xf32, #tpu.memory_space<vmem>>) target(%dma_start3A_43 : memref<10000x128xf32, #tpu.memory_space<vmem_shared>>) offsets(%dma_start3A_40 : memref<128xi32, #tpu.memory_space<vmem>>) semaphore(%run_scoped3A_35 : memref<!tpu.dma_semaphore, #tpu.memory_space<semaphore_mem>>) {add = true}
          %dma_wait3A = arith.constant 128 : i32
          %dma_wait3A_44 = arith.constant 0 : i32
          %dma_wait3A_45 = tpu.memref_slice %arg8[%dma_wait3A, %dma_wait3A_44] : memref<256x128xf32, #tpu.memory_space<vmem>> -> memref<128x128xf32, #tpu.memory_space<vmem>>
          %dma_wait3A_46 = arith.constant 0 : i32
          %dma_wait3A_47 = tpu.memref_slice %arg7[%run_scoped3A_34, %dma_wait3A_46] : memref<2x128xi32, #tpu.memory_space<vmem>> -> memref<1x128xi32, #tpu.memory_space<vmem>>
          %dma_wait3A_48 = tpu.memref_squeeze %dma_wait3A_47 : memref<1x128xi32, #tpu.memory_space<vmem>> -> memref<128xi32, #tpu.memory_space<vmem>>
          %dma_wait3A_49 = arith.constant 0 : i32
          %dma_wait3A_50 = arith.constant 0 : i32
          %dma_wait3A_51 = tpu.memref_slice %arg6[%dma_wait3A_49, %dma_wait3A_50] : memref<10000x128xf32, #tpu.memory_space<vmem_shared>> -> memref<10000x128xf32, #tpu.memory_space<vmem_shared>>
          tpu.wait_indirect_dma semaphore(%run_scoped3A_35 : memref<!tpu.dma_semaphore, #tpu.memory_space<semaphore_mem>>) src(%dma_wait3A_45 : memref<128x128xf32, #tpu.memory_space<vmem>>) dst(%dma_wait3A_51 : memref<10000x128xf32, #tpu.memory_space<vmem_shared>>)
          tpu.yield
        }) : () -> ()
      } else {
      }
    }
    %scan3A_9 = arith.constant 79 : i32
    %barrier3A_10 = arith.constant 0 : index
    tpu.barrier barrier_id(%barrier3A_10)
    %mul3A_11 = arith.constant 624 : i32
    %mul3A_12 = arith.muli %arg1, %mul3A_11 : i32
    %mul3A_13 = arith.constant 624 : i32
    %mul3A_14 = arith.muli %arg1, %mul3A_13 : i32
    "tpu.region"() ({
      %run_scoped3A = tpu.sem_alloc : memref<!tpu.dma_semaphore, #tpu.memory_space<semaphore_mem>>
      %dma_start3A = arith.constant 0 : i32
      %dma_start3A_20 = tpu.memref_slice %arg5[%arg0, %mul3A_14, %dma_start3A] : memref<2x10000x128xf32, #tpu.memory_space<hbm>> -> memref<1x624x128xf32, #tpu.memory_space<hbm>>
      %dma_start3A_21 = tpu.memref_squeeze %dma_start3A_20 : memref<1x624x128xf32, #tpu.memory_space<hbm>> -> memref<624x128xf32, #tpu.memory_space<hbm>>
      %dma_start3A_22 = arith.constant 0 : i32
      %dma_start3A_23 = tpu.memref_slice %arg6[%mul3A_12, %dma_start3A_22] : memref<10000x128xf32, #tpu.memory_space<vmem_shared>> -> memref<624x128xf32, #tpu.memory_space<vmem_shared>>
      tpu.enqueue_dma source(%dma_start3A_23 : memref<624x128xf32, #tpu.memory_space<vmem_shared>>) target(%dma_start3A_21 : memref<624x128xf32, #tpu.memory_space<hbm>>) target_semaphore(%run_scoped3A : memref<!tpu.dma_semaphore, #tpu.memory_space<semaphore_mem>>)
      %dma_wait3A = arith.constant 0 : i32
      %dma_wait3A_24 = tpu.memref_slice %arg5[%arg0, %mul3A_14, %dma_wait3A] : memref<2x10000x128xf32, #tpu.memory_space<hbm>> -> memref<1x624x128xf32, #tpu.memory_space<hbm>>
      %dma_wait3A_25 = tpu.memref_squeeze %dma_wait3A_24 : memref<1x624x128xf32, #tpu.memory_space<hbm>> -> memref<624x128xf32, #tpu.memory_space<hbm>>
      %dma_wait3A_26 = arith.constant 0 : i32
      %dma_wait3A_27 = tpu.memref_slice %arg6[%mul3A_12, %dma_wait3A_26] : memref<10000x128xf32, #tpu.memory_space<vmem_shared>> -> memref<624x128xf32, #tpu.memory_space<vmem_shared>>
      tpu.wait_dma2 semaphore(%run_scoped3A : memref<!tpu.dma_semaphore, #tpu.memory_space<semaphore_mem>>) src(%dma_wait3A_27 : memref<624x128xf32, #tpu.memory_space<vmem_shared>>) dst(%dma_wait3A_25 : memref<624x128xf32, #tpu.memory_space<hbm>>)
      tpu.yield
    }) : () -> ()
    %eq3A_15 = arith.constant 0 : i32
    %eq3A_16 = arith.cmpi eq, %arg1, %eq3A_15 : i32
    %convert_element_type3A_17 = arith.extui %eq3A_16 : i1 to i32
    %cond3A_18 = arith.constant 0 : i32
    %cond3A_19 = arith.cmpi ne, %convert_element_type3A_17, %cond3A_18 : i32
    scf.if %cond3A_19 {
      "tpu.region"() ({
        %run_scoped3A = tpu.sem_alloc : memref<!tpu.dma_semaphore, #tpu.memory_space<semaphore_mem>>
        %dma_start3A = arith.constant 9984 : i32
        %dma_start3A_20 = arith.constant 0 : i32
        %dma_start3A_21 = tpu.memref_slice %arg5[%arg0, %dma_start3A, %dma_start3A_20] : memref<2x10000x128xf32, #tpu.memory_space<hbm>> -> memref<1x16x128xf32, #tpu.memory_space<hbm>>
        %dma_start3A_22 = tpu.memref_squeeze %dma_start3A_21 : memref<1x16x128xf32, #tpu.memory_space<hbm>> -> memref<16x128xf32, #tpu.memory_space<hbm>>
        %dma_start3A_23 = arith.constant 9984 : i32
        %dma_start3A_24 = arith.constant 0 : i32
        %dma_start3A_25 = tpu.memref_slice %arg6[%dma_start3A_23, %dma_start3A_24] : memref<10000x128xf32, #tpu.memory_space<vmem_shared>> -> memref<16x128xf32, #tpu.memory_space<vmem_shared>>
        tpu.enqueue_dma source(%dma_start3A_25 : memref<16x128xf32, #tpu.memory_space<vmem_shared>>) target(%dma_start3A_22 : memref<16x128xf32, #tpu.memory_space<hbm>>) target_semaphore(%run_scoped3A : memref<!tpu.dma_semaphore, #tpu.memory_space<semaphore_mem>>)
        %dma_wait3A = arith.constant 9984 : i32
        %dma_wait3A_26 = arith.constant 0 : i32
        %dma_wait3A_27 = tpu.memref_slice %arg5[%arg0, %dma_wait3A, %dma_wait3A_26] : memref<2x10000x128xf32, #tpu.memory_space<hbm>> -> memref<1x16x128xf32, #tpu.memory_space<hbm>>
        %dma_wait3A_28 = tpu.memref_squeeze %dma_wait3A_27 : memref<1x16x128xf32, #tpu.memory_space<hbm>> -> memref<16x128xf32, #tpu.memory_space<hbm>>
        %dma_wait3A_29 = arith.constant 9984 : i32
        %dma_wait3A_30 = arith.constant 0 : i32
        %dma_wait3A_31 = tpu.memref_slice %arg6[%dma_wait3A_29, %dma_wait3A_30] : memref<10000x128xf32, #tpu.memory_space<vmem_shared>> -> memref<16x128xf32, #tpu.memory_space<vmem_shared>>
        tpu.wait_dma2 semaphore(%run_scoped3A : memref<!tpu.dma_semaphore, #tpu.memory_space<semaphore_mem>>) src(%dma_wait3A_31 : memref<16x128xf32, #tpu.memory_space<vmem_shared>>) dst(%dma_wait3A_28 : memref<16x128xf32, #tpu.memory_space<hbm>>)
        tpu.yield
      }) : () -> ()
    } else {
    }
    return
  }
}

#map = affine_map<(d0, d1) -> (0, 0)>
module attributes {stable_mosaic.version = 14 : i64} {
  func.func @_gather_sc(%arg0: i32, %arg1: i32, %arg2: memref<20000x128xf32, #tpu.memory_space<hbm>>, %arg3: memref<10000x128xi32, #tpu.memory_space<hbm>>, %arg4: memref<1280000x128xf32, #tpu.memory_space<hbm>>, %arg5: memref<4x128xi32, #tpu.memory_space<vmem>>, %arg6: memref<512x128xf32, #tpu.memory_space<vmem>>, %arg7: memref<!tpu.dma_semaphore, #tpu.memory_space<semaphore_mem>>) attributes {dimension_semantics = [#tpu.dimension_semantics<core_parallel>, #tpu.dimension_semantics<subcore_parallel>], iteration_bounds = array<i64: 2, 16>, scalar_prefetch = 0 : i64, scratch_operands = 3 : i64, tpu.core_type = #tpu.core_type<sc_vector_subcore>, window_params = [{transform_indices = #map}, {transform_indices = #map}, {transform_indices = #map}]} {
    %mul3A = arith.constant 2 : i32
    %mul3A_0 = arith.muli %arg1, %mul3A : i32
    %add3A = arith.addi %mul3A_0, %arg0 : i32
    %scan3A = arith.constant 0 : i32
    %scan3A_1 = arith.constant 0 : i32
    %scan3A_2 = arith.constant 79 : i32
    %scan3A_3 = arith.addi %scan3A_1, %scan3A_2 : i32
    %scan3A_4 = arith.constant 1 : i32
    scf.for %scan3A_6 = %scan3A_1 to %scan3A_3 step %scan3A_4  : i32 {
      %mul3A_7 = arith.constant 32 : i32
      %mul3A_8 = arith.muli %scan3A_6, %mul3A_7 : i32
      %add3A_9 = arith.addi %add3A, %mul3A_8 : i32
      %lt3A = arith.constant 2500 : i32
      %lt3A_10 = arith.cmpi slt, %add3A_9, %lt3A : i32
      %convert_element_type3A = arith.extui %lt3A_10 : i1 to i32
      %cond3A = arith.constant 0 : i32
      %cond3A_11 = arith.cmpi ne, %convert_element_type3A, %cond3A : i32
      scf.if %cond3A_11 {
        %mul3A_12 = arith.constant 4 : i32
        %mul3A_13 = arith.muli %add3A_9, %mul3A_12 : i32
        "tpu.region"() ({
          %run_scoped3A = tpu.sem_alloc : memref<!tpu.dma_semaphore, #tpu.memory_space<semaphore_mem>>
          %dma_start3A_94 = arith.constant 0 : i32
          %dma_start3A_95 = tpu.memref_slice %arg3[%mul3A_13, %dma_start3A_94] : memref<10000x128xi32, #tpu.memory_space<hbm>> -> memref<4x128xi32, #tpu.memory_space<hbm>>
          %dma_start3A_96 = arith.constant 0 : i32
          %dma_start3A_97 = tpu.memref_slice %arg3[%mul3A_13, %dma_start3A_96] : memref<10000x128xi32, #tpu.memory_space<hbm>> -> memref<4x128xi32, #tpu.memory_space<hbm>>
          tpu.enqueue_dma source(%dma_start3A_97 : memref<4x128xi32, #tpu.memory_space<hbm>>) target(%arg5 : memref<4x128xi32, #tpu.memory_space<vmem>>) target_semaphore(%run_scoped3A : memref<!tpu.dma_semaphore, #tpu.memory_space<semaphore_mem>>)
          %dma_wait3A_98 = arith.constant 0 : i32
          %dma_wait3A_99 = tpu.memref_slice %arg3[%mul3A_13, %dma_wait3A_98] : memref<10000x128xi32, #tpu.memory_space<hbm>> -> memref<4x128xi32, #tpu.memory_space<hbm>>
          %dma_wait3A_100 = arith.constant 0 : i32
          %dma_wait3A_101 = tpu.memref_slice %arg3[%mul3A_13, %dma_wait3A_100] : memref<10000x128xi32, #tpu.memory_space<hbm>> -> memref<4x128xi32, #tpu.memory_space<hbm>>
          tpu.wait_dma2 semaphore(%run_scoped3A : memref<!tpu.dma_semaphore, #tpu.memory_space<semaphore_mem>>) src(%dma_wait3A_101 : memref<4x128xi32, #tpu.memory_space<hbm>>) dst(%arg5 : memref<4x128xi32, #tpu.memory_space<vmem>>)
          tpu.yield
        }) : () -> ()
        %dma_start3A = arith.constant 0 : i32
        %dma_start3A_14 = arith.constant 0 : i32
        %dma_start3A_15 = arith.constant 0 : i32
        %dma_start3A_16 = tpu.memref_slice %arg6[%dma_start3A_14, %dma_start3A_15] : memref<512x128xf32, #tpu.memory_space<vmem>> -> memref<128x128xf32, #tpu.memory_space<vmem>>
        %dma_start3A_17 = arith.constant 0 : i32
        %dma_start3A_18 = tpu.memref_slice %arg5[%dma_start3A, %dma_start3A_17] : memref<4x128xi32, #tpu.memory_space<vmem>> -> memref<1x128xi32, #tpu.memory_space<vmem>>
        %dma_start3A_19 = tpu.memref_squeeze %dma_start3A_18 : memref<1x128xi32, #tpu.memory_space<vmem>> -> memref<128xi32, #tpu.memory_space<vmem>>
        %dma_start3A_20 = arith.constant 0 : i32
        %dma_start3A_21 = arith.constant 0 : i32
        %dma_start3A_22 = tpu.memref_slice %arg2[%dma_start3A_20, %dma_start3A_21] : memref<20000x128xf32, #tpu.memory_space<hbm>> -> memref<20000x128xf32, #tpu.memory_space<hbm>>
        tpu.enqueue_indirect_dma source(%dma_start3A_22 : memref<20000x128xf32, #tpu.memory_space<hbm>>) target(%dma_start3A_16 : memref<128x128xf32, #tpu.memory_space<vmem>>) offsets(%dma_start3A_19 : memref<128xi32, #tpu.memory_space<vmem>>) semaphore(%arg7 : memref<!tpu.dma_semaphore, #tpu.memory_space<semaphore_mem>>)
        %dma_start3A_23 = arith.constant 1 : i32
        %dma_start3A_24 = arith.constant 128 : i32
        %dma_start3A_25 = arith.constant 0 : i32
        %dma_start3A_26 = tpu.memref_slice %arg6[%dma_start3A_24, %dma_start3A_25] : memref<512x128xf32, #tpu.memory_space<vmem>> -> memref<128x128xf32, #tpu.memory_space<vmem>>
        %dma_start3A_27 = arith.constant 0 : i32
        %dma_start3A_28 = tpu.memref_slice %arg5[%dma_start3A_23, %dma_start3A_27] : memref<4x128xi32, #tpu.memory_space<vmem>> -> memref<1x128xi32, #tpu.memory_space<vmem>>
        %dma_start3A_29 = tpu.memref_squeeze %dma_start3A_28 : memref<1x128xi32, #tpu.memory_space<vmem>> -> memref<128xi32, #tpu.memory_space<vmem>>
        %dma_start3A_30 = arith.constant 0 : i32
        %dma_start3A_31 = arith.constant 0 : i32
        %dma_start3A_32 = tpu.memref_slice %arg2[%dma_start3A_30, %dma_start3A_31] : memref<20000x128xf32, #tpu.memory_space<hbm>> -> memref<20000x128xf32, #tpu.memory_space<hbm>>
        tpu.enqueue_indirect_dma source(%dma_start3A_32 : memref<20000x128xf32, #tpu.memory_space<hbm>>) target(%dma_start3A_26 : memref<128x128xf32, #tpu.memory_space<vmem>>) offsets(%dma_start3A_29 : memref<128xi32, #tpu.memory_space<vmem>>) semaphore(%arg7 : memref<!tpu.dma_semaphore, #tpu.memory_space<semaphore_mem>>)
        %dma_start3A_33 = arith.constant 2 : i32
        %dma_start3A_34 = arith.constant 256 : i32
        %dma_start3A_35 = arith.constant 0 : i32
        %dma_start3A_36 = tpu.memref_slice %arg6[%dma_start3A_34, %dma_start3A_35] : memref<512x128xf32, #tpu.memory_space<vmem>> -> memref<128x128xf32, #tpu.memory_space<vmem>>
        %dma_start3A_37 = arith.constant 0 : i32
        %dma_start3A_38 = tpu.memref_slice %arg5[%dma_start3A_33, %dma_start3A_37] : memref<4x128xi32, #tpu.memory_space<vmem>> -> memref<1x128xi32, #tpu.memory_space<vmem>>
        %dma_start3A_39 = tpu.memref_squeeze %dma_start3A_38 : memref<1x128xi32, #tpu.memory_space<vmem>> -> memref<128xi32, #tpu.memory_space<vmem>>
        %dma_start3A_40 = arith.constant 0 : i32
        %dma_start3A_41 = arith.constant 0 : i32
        %dma_start3A_42 = tpu.memref_slice %arg2[%dma_start3A_40, %dma_start3A_41] : memref<20000x128xf32, #tpu.memory_space<hbm>> -> memref<20000x128xf32, #tpu.memory_space<hbm>>
        tpu.enqueue_indirect_dma source(%dma_start3A_42 : memref<20000x128xf32, #tpu.memory_space<hbm>>) target(%dma_start3A_36 : memref<128x128xf32, #tpu.memory_space<vmem>>) offsets(%dma_start3A_39 : memref<128xi32, #tpu.memory_space<vmem>>) semaphore(%arg7 : memref<!tpu.dma_semaphore, #tpu.memory_space<semaphore_mem>>)
        %dma_start3A_43 = arith.constant 3 : i32
        %dma_start3A_44 = arith.constant 384 : i32
        %dma_start3A_45 = arith.constant 0 : i32
        %dma_start3A_46 = tpu.memref_slice %arg6[%dma_start3A_44, %dma_start3A_45] : memref<512x128xf32, #tpu.memory_space<vmem>> -> memref<128x128xf32, #tpu.memory_space<vmem>>
        %dma_start3A_47 = arith.constant 0 : i32
        %dma_start3A_48 = tpu.memref_slice %arg5[%dma_start3A_43, %dma_start3A_47] : memref<4x128xi32, #tpu.memory_space<vmem>> -> memref<1x128xi32, #tpu.memory_space<vmem>>
        %dma_start3A_49 = tpu.memref_squeeze %dma_start3A_48 : memref<1x128xi32, #tpu.memory_space<vmem>> -> memref<128xi32, #tpu.memory_space<vmem>>
        %dma_start3A_50 = arith.constant 0 : i32
        %dma_start3A_51 = arith.constant 0 : i32
        %dma_start3A_52 = tpu.memref_slice %arg2[%dma_start3A_50, %dma_start3A_51] : memref<20000x128xf32, #tpu.memory_space<hbm>> -> memref<20000x128xf32, #tpu.memory_space<hbm>>
        tpu.enqueue_indirect_dma source(%dma_start3A_52 : memref<20000x128xf32, #tpu.memory_space<hbm>>) target(%dma_start3A_46 : memref<128x128xf32, #tpu.memory_space<vmem>>) offsets(%dma_start3A_49 : memref<128xi32, #tpu.memory_space<vmem>>) semaphore(%arg7 : memref<!tpu.dma_semaphore, #tpu.memory_space<semaphore_mem>>)
        %dma_wait3A = arith.constant 0 : i32
        %dma_wait3A_53 = arith.constant 0 : i32
        %dma_wait3A_54 = arith.constant 0 : i32
        %dma_wait3A_55 = tpu.memref_slice %arg6[%dma_wait3A_53, %dma_wait3A_54] : memref<512x128xf32, #tpu.memory_space<vmem>> -> memref<128x128xf32, #tpu.memory_space<vmem>>
        %dma_wait3A_56 = arith.constant 0 : i32
        %dma_wait3A_57 = tpu.memref_slice %arg5[%dma_wait3A, %dma_wait3A_56] : memref<4x128xi32, #tpu.memory_space<vmem>> -> memref<1x128xi32, #tpu.memory_space<vmem>>
        %dma_wait3A_58 = tpu.memref_squeeze %dma_wait3A_57 : memref<1x128xi32, #tpu.memory_space<vmem>> -> memref<128xi32, #tpu.memory_space<vmem>>
        %dma_wait3A_59 = arith.constant 0 : i32
        %dma_wait3A_60 = arith.constant 0 : i32
        %dma_wait3A_61 = tpu.memref_slice %arg2[%dma_wait3A_59, %dma_wait3A_60] : memref<20000x128xf32, #tpu.memory_space<hbm>> -> memref<20000x128xf32, #tpu.memory_space<hbm>>
        tpu.wait_indirect_dma semaphore(%arg7 : memref<!tpu.dma_semaphore, #tpu.memory_space<semaphore_mem>>) src(%dma_wait3A_61 : memref<20000x128xf32, #tpu.memory_space<hbm>>) dst(%dma_wait3A_55 : memref<128x128xf32, #tpu.memory_space<vmem>>)
        %dma_wait3A_62 = arith.constant 1 : i32
        %dma_wait3A_63 = arith.constant 128 : i32
        %dma_wait3A_64 = arith.constant 0 : i32
        %dma_wait3A_65 = tpu.memref_slice %arg6[%dma_wait3A_63, %dma_wait3A_64] : memref<512x128xf32, #tpu.memory_space<vmem>> -> memref<128x128xf32, #tpu.memory_space<vmem>>
        %dma_wait3A_66 = arith.constant 0 : i32
        %dma_wait3A_67 = tpu.memref_slice %arg5[%dma_wait3A_62, %dma_wait3A_66] : memref<4x128xi32, #tpu.memory_space<vmem>> -> memref<1x128xi32, #tpu.memory_space<vmem>>
        %dma_wait3A_68 = tpu.memref_squeeze %dma_wait3A_67 : memref<1x128xi32, #tpu.memory_space<vmem>> -> memref<128xi32, #tpu.memory_space<vmem>>
        %dma_wait3A_69 = arith.constant 0 : i32
        %dma_wait3A_70 = arith.constant 0 : i32
        %dma_wait3A_71 = tpu.memref_slice %arg2[%dma_wait3A_69, %dma_wait3A_70] : memref<20000x128xf32, #tpu.memory_space<hbm>> -> memref<20000x128xf32, #tpu.memory_space<hbm>>
        tpu.wait_indirect_dma semaphore(%arg7 : memref<!tpu.dma_semaphore, #tpu.memory_space<semaphore_mem>>) src(%dma_wait3A_71 : memref<20000x128xf32, #tpu.memory_space<hbm>>) dst(%dma_wait3A_65 : memref<128x128xf32, #tpu.memory_space<vmem>>)
        %dma_wait3A_72 = arith.constant 2 : i32
        %dma_wait3A_73 = arith.constant 256 : i32
        %dma_wait3A_74 = arith.constant 0 : i32
        %dma_wait3A_75 = tpu.memref_slice %arg6[%dma_wait3A_73, %dma_wait3A_74] : memref<512x128xf32, #tpu.memory_space<vmem>> -> memref<128x128xf32, #tpu.memory_space<vmem>>
        %dma_wait3A_76 = arith.constant 0 : i32
        %dma_wait3A_77 = tpu.memref_slice %arg5[%dma_wait3A_72, %dma_wait3A_76] : memref<4x128xi32, #tpu.memory_space<vmem>> -> memref<1x128xi32, #tpu.memory_space<vmem>>
        %dma_wait3A_78 = tpu.memref_squeeze %dma_wait3A_77 : memref<1x128xi32, #tpu.memory_space<vmem>> -> memref<128xi32, #tpu.memory_space<vmem>>
        %dma_wait3A_79 = arith.constant 0 : i32
        %dma_wait3A_80 = arith.constant 0 : i32
        %dma_wait3A_81 = tpu.memref_slice %arg2[%dma_wait3A_79, %dma_wait3A_80] : memref<20000x128xf32, #tpu.memory_space<hbm>> -> memref<20000x128xf32, #tpu.memory_space<hbm>>
        tpu.wait_indirect_dma semaphore(%arg7 : memref<!tpu.dma_semaphore, #tpu.memory_space<semaphore_mem>>) src(%dma_wait3A_81 : memref<20000x128xf32, #tpu.memory_space<hbm>>) dst(%dma_wait3A_75 : memref<128x128xf32, #tpu.memory_space<vmem>>)
        %dma_wait3A_82 = arith.constant 3 : i32
        %dma_wait3A_83 = arith.constant 384 : i32
        %dma_wait3A_84 = arith.constant 0 : i32
        %dma_wait3A_85 = tpu.memref_slice %arg6[%dma_wait3A_83, %dma_wait3A_84] : memref<512x128xf32, #tpu.memory_space<vmem>> -> memref<128x128xf32, #tpu.memory_space<vmem>>
        %dma_wait3A_86 = arith.constant 0 : i32
        %dma_wait3A_87 = tpu.memref_slice %arg5[%dma_wait3A_82, %dma_wait3A_86] : memref<4x128xi32, #tpu.memory_space<vmem>> -> memref<1x128xi32, #tpu.memory_space<vmem>>
        %dma_wait3A_88 = tpu.memref_squeeze %dma_wait3A_87 : memref<1x128xi32, #tpu.memory_space<vmem>> -> memref<128xi32, #tpu.memory_space<vmem>>
        %dma_wait3A_89 = arith.constant 0 : i32
        %dma_wait3A_90 = arith.constant 0 : i32
        %dma_wait3A_91 = tpu.memref_slice %arg2[%dma_wait3A_89, %dma_wait3A_90] : memref<20000x128xf32, #tpu.memory_space<hbm>> -> memref<20000x128xf32, #tpu.memory_space<hbm>>
        tpu.wait_indirect_dma semaphore(%arg7 : memref<!tpu.dma_semaphore, #tpu.memory_space<semaphore_mem>>) src(%dma_wait3A_91 : memref<20000x128xf32, #tpu.memory_space<hbm>>) dst(%dma_wait3A_85 : memref<128x128xf32, #tpu.memory_space<vmem>>)
        %mul3A_92 = arith.constant 512 : i32
        %mul3A_93 = arith.muli %add3A_9, %mul3A_92 : i32
        "tpu.region"() ({
          %run_scoped3A = tpu.sem_alloc : memref<!tpu.dma_semaphore, #tpu.memory_space<semaphore_mem>>
          %dma_start3A_94 = arith.constant 0 : i32
          %dma_start3A_95 = tpu.memref_slice %arg4[%mul3A_93, %dma_start3A_94] : memref<1280000x128xf32, #tpu.memory_space<hbm>> -> memref<512x128xf32, #tpu.memory_space<hbm>>
          %dma_start3A_96 = arith.constant 0 : i32
          %dma_start3A_97 = tpu.memref_slice %arg4[%mul3A_93, %dma_start3A_96] : memref<1280000x128xf32, #tpu.memory_space<hbm>> -> memref<512x128xf32, #tpu.memory_space<hbm>>
          tpu.enqueue_dma source(%arg6 : memref<512x128xf32, #tpu.memory_space<vmem>>) target(%dma_start3A_97 : memref<512x128xf32, #tpu.memory_space<hbm>>) target_semaphore(%run_scoped3A : memref<!tpu.dma_semaphore, #tpu.memory_space<semaphore_mem>>)
          %dma_wait3A_98 = arith.constant 0 : i32
          %dma_wait3A_99 = tpu.memref_slice %arg4[%mul3A_93, %dma_wait3A_98] : memref<1280000x128xf32, #tpu.memory_space<hbm>> -> memref<512x128xf32, #tpu.memory_space<hbm>>
          %dma_wait3A_100 = arith.constant 0 : i32
          %dma_wait3A_101 = tpu.memref_slice %arg4[%mul3A_93, %dma_wait3A_100] : memref<1280000x128xf32, #tpu.memory_space<hbm>> -> memref<512x128xf32, #tpu.memory_space<hbm>>
          tpu.wait_dma2 semaphore(%run_scoped3A : memref<!tpu.dma_semaphore, #tpu.memory_space<semaphore_mem>>) src(%arg6 : memref<512x128xf32, #tpu.memory_space<vmem>>) dst(%dma_wait3A_101 : memref<512x128xf32, #tpu.memory_space<hbm>>)
          tpu.yield
        }) : () -> ()
      } else {
      }
    }
    %scan3A_5 = arith.constant 79 : i32
    return
  }
}

#map = affine_map<(d0, d1) -> (0, 0)>
module attributes {stable_mosaic.version = 14 : i64} {
  func.func @_gather_sc(%arg0: i32, %arg1: i32, %arg2: memref<20000x128xf32, #tpu.memory_space<hbm>>, %arg3: memref<10000x128xi32, #tpu.memory_space<hbm>>, %arg4: memref<1280000x128xf32, #tpu.memory_space<hbm>>, %arg5: memref<4x128xi32, #tpu.memory_space<vmem>>, %arg6: memref<512x128xf32, #tpu.memory_space<vmem>>, %arg7: memref<!tpu.dma_semaphore, #tpu.memory_space<semaphore_mem>>) attributes {dimension_semantics = [#tpu.dimension_semantics<core_parallel>, #tpu.dimension_semantics<subcore_parallel>], iteration_bounds = array<i64: 2, 16>, scalar_prefetch = 0 : i64, scratch_operands = 3 : i64, tpu.core_type = #tpu.core_type<sc_vector_subcore>, window_params = [{transform_indices = #map}, {transform_indices = #map}, {transform_indices = #map}]} {
    %mul3A = arith.constant 2 : i32
    %mul3A_0 = arith.muli %arg1, %mul3A : i32
    %add3A = arith.addi %mul3A_0, %arg0 : i32
    %scan3A = arith.constant 0 : i32
    %scan3A_1 = arith.constant 0 : i32
    %scan3A_2 = arith.constant 79 : i32
    %scan3A_3 = arith.addi %scan3A_1, %scan3A_2 : i32
    %scan3A_4 = arith.constant 1 : i32
    scf.for %scan3A_6 = %scan3A_1 to %scan3A_3 step %scan3A_4  : i32 {
      %mul3A_7 = arith.constant 32 : i32
      %mul3A_8 = arith.muli %scan3A_6, %mul3A_7 : i32
      %add3A_9 = arith.addi %add3A, %mul3A_8 : i32
      %lt3A = arith.constant 2500 : i32
      %lt3A_10 = arith.cmpi slt, %add3A_9, %lt3A : i32
      %convert_element_type3A = arith.extui %lt3A_10 : i1 to i32
      %cond3A = arith.constant 0 : i32
      %cond3A_11 = arith.cmpi ne, %convert_element_type3A, %cond3A : i32
      scf.if %cond3A_11 {
        %mul3A_12 = arith.constant 4 : i32
        %mul3A_13 = arith.muli %add3A_9, %mul3A_12 : i32
        "tpu.region"() ({
          %run_scoped3A = tpu.sem_alloc : memref<!tpu.dma_semaphore, #tpu.memory_space<semaphore_mem>>
          %dma_start3A_94 = arith.constant 0 : i32
          %dma_start3A_95 = tpu.memref_slice %arg3[%mul3A_13, %dma_start3A_94] : memref<10000x128xi32, #tpu.memory_space<hbm>> -> memref<4x128xi32, #tpu.memory_space<hbm>>
          %dma_start3A_96 = arith.constant 0 : i32
          %dma_start3A_97 = tpu.memref_slice %arg3[%mul3A_13, %dma_start3A_96] : memref<10000x128xi32, #tpu.memory_space<hbm>> -> memref<4x128xi32, #tpu.memory_space<hbm>>
          tpu.enqueue_dma source(%dma_start3A_97 : memref<4x128xi32, #tpu.memory_space<hbm>>) target(%arg5 : memref<4x128xi32, #tpu.memory_space<vmem>>) target_semaphore(%run_scoped3A : memref<!tpu.dma_semaphore, #tpu.memory_space<semaphore_mem>>)
          %dma_wait3A_98 = arith.constant 0 : i32
          %dma_wait3A_99 = tpu.memref_slice %arg3[%mul3A_13, %dma_wait3A_98] : memref<10000x128xi32, #tpu.memory_space<hbm>> -> memref<4x128xi32, #tpu.memory_space<hbm>>
          %dma_wait3A_100 = arith.constant 0 : i32
          %dma_wait3A_101 = tpu.memref_slice %arg3[%mul3A_13, %dma_wait3A_100] : memref<10000x128xi32, #tpu.memory_space<hbm>> -> memref<4x128xi32, #tpu.memory_space<hbm>>
          tpu.wait_dma2 semaphore(%run_scoped3A : memref<!tpu.dma_semaphore, #tpu.memory_space<semaphore_mem>>) src(%dma_wait3A_101 : memref<4x128xi32, #tpu.memory_space<hbm>>) dst(%arg5 : memref<4x128xi32, #tpu.memory_space<vmem>>)
          tpu.yield
        }) : () -> ()
        %dma_start3A = arith.constant 0 : i32
        %dma_start3A_14 = arith.constant 0 : i32
        %dma_start3A_15 = arith.constant 0 : i32
        %dma_start3A_16 = tpu.memref_slice %arg6[%dma_start3A_14, %dma_start3A_15] : memref<512x128xf32, #tpu.memory_space<vmem>> -> memref<128x128xf32, #tpu.memory_space<vmem>>
        %dma_start3A_17 = arith.constant 0 : i32
        %dma_start3A_18 = tpu.memref_slice %arg5[%dma_start3A, %dma_start3A_17] : memref<4x128xi32, #tpu.memory_space<vmem>> -> memref<1x128xi32, #tpu.memory_space<vmem>>
        %dma_start3A_19 = tpu.memref_squeeze %dma_start3A_18 : memref<1x128xi32, #tpu.memory_space<vmem>> -> memref<128xi32, #tpu.memory_space<vmem>>
        %dma_start3A_20 = arith.constant 0 : i32
        %dma_start3A_21 = arith.constant 0 : i32
        %dma_start3A_22 = tpu.memref_slice %arg2[%dma_start3A_20, %dma_start3A_21] : memref<20000x128xf32, #tpu.memory_space<hbm>> -> memref<20000x128xf32, #tpu.memory_space<hbm>>
        tpu.enqueue_indirect_dma source(%dma_start3A_22 : memref<20000x128xf32, #tpu.memory_space<hbm>>) target(%dma_start3A_16 : memref<128x128xf32, #tpu.memory_space<vmem>>) offsets(%dma_start3A_19 : memref<128xi32, #tpu.memory_space<vmem>>) semaphore(%arg7 : memref<!tpu.dma_semaphore, #tpu.memory_space<semaphore_mem>>)
        %dma_start3A_23 = arith.constant 1 : i32
        %dma_start3A_24 = arith.constant 128 : i32
        %dma_start3A_25 = arith.constant 0 : i32
        %dma_start3A_26 = tpu.memref_slice %arg6[%dma_start3A_24, %dma_start3A_25] : memref<512x128xf32, #tpu.memory_space<vmem>> -> memref<128x128xf32, #tpu.memory_space<vmem>>
        %dma_start3A_27 = arith.constant 0 : i32
        %dma_start3A_28 = tpu.memref_slice %arg5[%dma_start3A_23, %dma_start3A_27] : memref<4x128xi32, #tpu.memory_space<vmem>> -> memref<1x128xi32, #tpu.memory_space<vmem>>
        %dma_start3A_29 = tpu.memref_squeeze %dma_start3A_28 : memref<1x128xi32, #tpu.memory_space<vmem>> -> memref<128xi32, #tpu.memory_space<vmem>>
        %dma_start3A_30 = arith.constant 0 : i32
        %dma_start3A_31 = arith.constant 0 : i32
        %dma_start3A_32 = tpu.memref_slice %arg2[%dma_start3A_30, %dma_start3A_31] : memref<20000x128xf32, #tpu.memory_space<hbm>> -> memref<20000x128xf32, #tpu.memory_space<hbm>>
        tpu.enqueue_indirect_dma source(%dma_start3A_32 : memref<20000x128xf32, #tpu.memory_space<hbm>>) target(%dma_start3A_26 : memref<128x128xf32, #tpu.memory_space<vmem>>) offsets(%dma_start3A_29 : memref<128xi32, #tpu.memory_space<vmem>>) semaphore(%arg7 : memref<!tpu.dma_semaphore, #tpu.memory_space<semaphore_mem>>)
        %dma_start3A_33 = arith.constant 2 : i32
        %dma_start3A_34 = arith.constant 256 : i32
        %dma_start3A_35 = arith.constant 0 : i32
        %dma_start3A_36 = tpu.memref_slice %arg6[%dma_start3A_34, %dma_start3A_35] : memref<512x128xf32, #tpu.memory_space<vmem>> -> memref<128x128xf32, #tpu.memory_space<vmem>>
        %dma_start3A_37 = arith.constant 0 : i32
        %dma_start3A_38 = tpu.memref_slice %arg5[%dma_start3A_33, %dma_start3A_37] : memref<4x128xi32, #tpu.memory_space<vmem>> -> memref<1x128xi32, #tpu.memory_space<vmem>>
        %dma_start3A_39 = tpu.memref_squeeze %dma_start3A_38 : memref<1x128xi32, #tpu.memory_space<vmem>> -> memref<128xi32, #tpu.memory_space<vmem>>
        %dma_start3A_40 = arith.constant 0 : i32
        %dma_start3A_41 = arith.constant 0 : i32
        %dma_start3A_42 = tpu.memref_slice %arg2[%dma_start3A_40, %dma_start3A_41] : memref<20000x128xf32, #tpu.memory_space<hbm>> -> memref<20000x128xf32, #tpu.memory_space<hbm>>
        tpu.enqueue_indirect_dma source(%dma_start3A_42 : memref<20000x128xf32, #tpu.memory_space<hbm>>) target(%dma_start3A_36 : memref<128x128xf32, #tpu.memory_space<vmem>>) offsets(%dma_start3A_39 : memref<128xi32, #tpu.memory_space<vmem>>) semaphore(%arg7 : memref<!tpu.dma_semaphore, #tpu.memory_space<semaphore_mem>>)
        %dma_start3A_43 = arith.constant 3 : i32
        %dma_start3A_44 = arith.constant 384 : i32
        %dma_start3A_45 = arith.constant 0 : i32
        %dma_start3A_46 = tpu.memref_slice %arg6[%dma_start3A_44, %dma_start3A_45] : memref<512x128xf32, #tpu.memory_space<vmem>> -> memref<128x128xf32, #tpu.memory_space<vmem>>
        %dma_start3A_47 = arith.constant 0 : i32
        %dma_start3A_48 = tpu.memref_slice %arg5[%dma_start3A_43, %dma_start3A_47] : memref<4x128xi32, #tpu.memory_space<vmem>> -> memref<1x128xi32, #tpu.memory_space<vmem>>
        %dma_start3A_49 = tpu.memref_squeeze %dma_start3A_48 : memref<1x128xi32, #tpu.memory_space<vmem>> -> memref<128xi32, #tpu.memory_space<vmem>>
        %dma_start3A_50 = arith.constant 0 : i32
        %dma_start3A_51 = arith.constant 0 : i32
        %dma_start3A_52 = tpu.memref_slice %arg2[%dma_start3A_50, %dma_start3A_51] : memref<20000x128xf32, #tpu.memory_space<hbm>> -> memref<20000x128xf32, #tpu.memory_space<hbm>>
        tpu.enqueue_indirect_dma source(%dma_start3A_52 : memref<20000x128xf32, #tpu.memory_space<hbm>>) target(%dma_start3A_46 : memref<128x128xf32, #tpu.memory_space<vmem>>) offsets(%dma_start3A_49 : memref<128xi32, #tpu.memory_space<vmem>>) semaphore(%arg7 : memref<!tpu.dma_semaphore, #tpu.memory_space<semaphore_mem>>)
        %dma_wait3A = arith.constant 0 : i32
        %dma_wait3A_53 = arith.constant 0 : i32
        %dma_wait3A_54 = arith.constant 0 : i32
        %dma_wait3A_55 = tpu.memref_slice %arg6[%dma_wait3A_53, %dma_wait3A_54] : memref<512x128xf32, #tpu.memory_space<vmem>> -> memref<128x128xf32, #tpu.memory_space<vmem>>
        %dma_wait3A_56 = arith.constant 0 : i32
        %dma_wait3A_57 = tpu.memref_slice %arg5[%dma_wait3A, %dma_wait3A_56] : memref<4x128xi32, #tpu.memory_space<vmem>> -> memref<1x128xi32, #tpu.memory_space<vmem>>
        %dma_wait3A_58 = tpu.memref_squeeze %dma_wait3A_57 : memref<1x128xi32, #tpu.memory_space<vmem>> -> memref<128xi32, #tpu.memory_space<vmem>>
        %dma_wait3A_59 = arith.constant 0 : i32
        %dma_wait3A_60 = arith.constant 0 : i32
        %dma_wait3A_61 = tpu.memref_slice %arg2[%dma_wait3A_59, %dma_wait3A_60] : memref<20000x128xf32, #tpu.memory_space<hbm>> -> memref<20000x128xf32, #tpu.memory_space<hbm>>
        tpu.wait_indirect_dma semaphore(%arg7 : memref<!tpu.dma_semaphore, #tpu.memory_space<semaphore_mem>>) src(%dma_wait3A_61 : memref<20000x128xf32, #tpu.memory_space<hbm>>) dst(%dma_wait3A_55 : memref<128x128xf32, #tpu.memory_space<vmem>>)
        %dma_wait3A_62 = arith.constant 1 : i32
        %dma_wait3A_63 = arith.constant 128 : i32
        %dma_wait3A_64 = arith.constant 0 : i32
        %dma_wait3A_65 = tpu.memref_slice %arg6[%dma_wait3A_63, %dma_wait3A_64] : memref<512x128xf32, #tpu.memory_space<vmem>> -> memref<128x128xf32, #tpu.memory_space<vmem>>
        %dma_wait3A_66 = arith.constant 0 : i32
        %dma_wait3A_67 = tpu.memref_slice %arg5[%dma_wait3A_62, %dma_wait3A_66] : memref<4x128xi32, #tpu.memory_space<vmem>> -> memref<1x128xi32, #tpu.memory_space<vmem>>
        %dma_wait3A_68 = tpu.memref_squeeze %dma_wait3A_67 : memref<1x128xi32, #tpu.memory_space<vmem>> -> memref<128xi32, #tpu.memory_space<vmem>>
        %dma_wait3A_69 = arith.constant 0 : i32
        %dma_wait3A_70 = arith.constant 0 : i32
        %dma_wait3A_71 = tpu.memref_slice %arg2[%dma_wait3A_69, %dma_wait3A_70] : memref<20000x128xf32, #tpu.memory_space<hbm>> -> memref<20000x128xf32, #tpu.memory_space<hbm>>
        tpu.wait_indirect_dma semaphore(%arg7 : memref<!tpu.dma_semaphore, #tpu.memory_space<semaphore_mem>>) src(%dma_wait3A_71 : memref<20000x128xf32, #tpu.memory_space<hbm>>) dst(%dma_wait3A_65 : memref<128x128xf32, #tpu.memory_space<vmem>>)
        %dma_wait3A_72 = arith.constant 2 : i32
        %dma_wait3A_73 = arith.constant 256 : i32
        %dma_wait3A_74 = arith.constant 0 : i32
        %dma_wait3A_75 = tpu.memref_slice %arg6[%dma_wait3A_73, %dma_wait3A_74] : memref<512x128xf32, #tpu.memory_space<vmem>> -> memref<128x128xf32, #tpu.memory_space<vmem>>
        %dma_wait3A_76 = arith.constant 0 : i32
        %dma_wait3A_77 = tpu.memref_slice %arg5[%dma_wait3A_72, %dma_wait3A_76] : memref<4x128xi32, #tpu.memory_space<vmem>> -> memref<1x128xi32, #tpu.memory_space<vmem>>
        %dma_wait3A_78 = tpu.memref_squeeze %dma_wait3A_77 : memref<1x128xi32, #tpu.memory_space<vmem>> -> memref<128xi32, #tpu.memory_space<vmem>>
        %dma_wait3A_79 = arith.constant 0 : i32
        %dma_wait3A_80 = arith.constant 0 : i32
        %dma_wait3A_81 = tpu.memref_slice %arg2[%dma_wait3A_79, %dma_wait3A_80] : memref<20000x128xf32, #tpu.memory_space<hbm>> -> memref<20000x128xf32, #tpu.memory_space<hbm>>
        tpu.wait_indirect_dma semaphore(%arg7 : memref<!tpu.dma_semaphore, #tpu.memory_space<semaphore_mem>>) src(%dma_wait3A_81 : memref<20000x128xf32, #tpu.memory_space<hbm>>) dst(%dma_wait3A_75 : memref<128x128xf32, #tpu.memory_space<vmem>>)
        %dma_wait3A_82 = arith.constant 3 : i32
        %dma_wait3A_83 = arith.constant 384 : i32
        %dma_wait3A_84 = arith.constant 0 : i32
        %dma_wait3A_85 = tpu.memref_slice %arg6[%dma_wait3A_83, %dma_wait3A_84] : memref<512x128xf32, #tpu.memory_space<vmem>> -> memref<128x128xf32, #tpu.memory_space<vmem>>
        %dma_wait3A_86 = arith.constant 0 : i32
        %dma_wait3A_87 = tpu.memref_slice %arg5[%dma_wait3A_82, %dma_wait3A_86] : memref<4x128xi32, #tpu.memory_space<vmem>> -> memref<1x128xi32, #tpu.memory_space<vmem>>
        %dma_wait3A_88 = tpu.memref_squeeze %dma_wait3A_87 : memref<1x128xi32, #tpu.memory_space<vmem>> -> memref<128xi32, #tpu.memory_space<vmem>>
        %dma_wait3A_89 = arith.constant 0 : i32
        %dma_wait3A_90 = arith.constant 0 : i32
        %dma_wait3A_91 = tpu.memref_slice %arg2[%dma_wait3A_89, %dma_wait3A_90] : memref<20000x128xf32, #tpu.memory_space<hbm>> -> memref<20000x128xf32, #tpu.memory_space<hbm>>
        tpu.wait_indirect_dma semaphore(%arg7 : memref<!tpu.dma_semaphore, #tpu.memory_space<semaphore_mem>>) src(%dma_wait3A_91 : memref<20000x128xf32, #tpu.memory_space<hbm>>) dst(%dma_wait3A_85 : memref<128x128xf32, #tpu.memory_space<vmem>>)
        %mul3A_92 = arith.constant 512 : i32
        %mul3A_93 = arith.muli %add3A_9, %mul3A_92 : i32
        "tpu.region"() ({
          %run_scoped3A = tpu.sem_alloc : memref<!tpu.dma_semaphore, #tpu.memory_space<semaphore_mem>>
          %dma_start3A_94 = arith.constant 0 : i32
          %dma_start3A_95 = tpu.memref_slice %arg4[%mul3A_93, %dma_start3A_94] : memref<1280000x128xf32, #tpu.memory_space<hbm>> -> memref<512x128xf32, #tpu.memory_space<hbm>>
          %dma_start3A_96 = arith.constant 0 : i32
          %dma_start3A_97 = tpu.memref_slice %arg4[%mul3A_93, %dma_start3A_96] : memref<1280000x128xf32, #tpu.memory_space<hbm>> -> memref<512x128xf32, #tpu.memory_space<hbm>>
          tpu.enqueue_dma source(%arg6 : memref<512x128xf32, #tpu.memory_space<vmem>>) target(%dma_start3A_97 : memref<512x128xf32, #tpu.memory_space<hbm>>) target_semaphore(%run_scoped3A : memref<!tpu.dma_semaphore, #tpu.memory_space<semaphore_mem>>)
          %dma_wait3A_98 = arith.constant 0 : i32
          %dma_wait3A_99 = tpu.memref_slice %arg4[%mul3A_93, %dma_wait3A_98] : memref<1280000x128xf32, #tpu.memory_space<hbm>> -> memref<512x128xf32, #tpu.memory_space<hbm>>
          %dma_wait3A_100 = arith.constant 0 : i32
          %dma_wait3A_101 = tpu.memref_slice %arg4[%mul3A_93, %dma_wait3A_100] : memref<1280000x128xf32, #tpu.memory_space<hbm>> -> memref<512x128xf32, #tpu.memory_space<hbm>>
          tpu.wait_dma2 semaphore(%run_scoped3A : memref<!tpu.dma_semaphore, #tpu.memory_space<semaphore_mem>>) src(%arg6 : memref<512x128xf32, #tpu.memory_space<vmem>>) dst(%dma_wait3A_101 : memref<512x128xf32, #tpu.memory_space<hbm>>)
          tpu.yield
        }) : () -> ()
      } else {
      }
    }
    %scan3A_5 = arith.constant 79 : i32
    return
  }
}

#map = affine_map<(d0, d1) -> (0, 0)>
#map1 = affine_map<(d0, d1) -> (0, 0, 0)>
module attributes {stable_mosaic.version = 14 : i64} {
  func.func @_scatter_sc(%arg0: i32, %arg1: i32, %arg2: memref<640000x128xf32, #tpu.memory_space<hbm>>, %arg3: memref<5000x128xi32, #tpu.memory_space<hbm>>, %arg4: memref<10000x128xf32, #tpu.memory_space<hbm>>, %arg5: memref<2x10000x128xf32, #tpu.memory_space<hbm>>, %arg6: memref<10000x128xf32, #tpu.memory_space<vmem_shared>>, %arg7: memref<2x128xi32, #tpu.memory_space<vmem>>, %arg8: memref<256x128xf32, #tpu.memory_space<vmem>>) attributes {dimension_semantics = [#tpu.dimension_semantics<core_parallel>, #tpu.dimension_semantics<subcore_parallel>], iteration_bounds = array<i64: 2, 16>, scalar_prefetch = 0 : i64, scratch_operands = 3 : i64, tpu.core_type = #tpu.core_type<sc_vector_subcore>, window_params = [{transform_indices = #map}, {transform_indices = #map}, {transform_indices = #map}, {transform_indices = #map1}]} {
    %mul3A = arith.constant 624 : i32
    %mul3A_0 = arith.muli %arg1, %mul3A : i32
    %mul3A_1 = arith.constant 624 : i32
    %mul3A_2 = arith.muli %arg1, %mul3A_1 : i32
    "tpu.region"() ({
      %run_scoped3A = tpu.sem_alloc : memref<!tpu.dma_semaphore, #tpu.memory_space<semaphore_mem>>
      %dma_start3A = arith.constant 0 : i32
      %dma_start3A_20 = tpu.memref_slice %arg6[%mul3A_2, %dma_start3A] : memref<10000x128xf32, #tpu.memory_space<vmem_shared>> -> memref<624x128xf32, #tpu.memory_space<vmem_shared>>
      %dma_start3A_21 = arith.constant 0 : i32
      %dma_start3A_22 = tpu.memref_slice %arg4[%mul3A_0, %dma_start3A_21] : memref<10000x128xf32, #tpu.memory_space<hbm>> -> memref<624x128xf32, #tpu.memory_space<hbm>>
      tpu.enqueue_dma source(%dma_start3A_22 : memref<624x128xf32, #tpu.memory_space<hbm>>) target(%dma_start3A_20 : memref<624x128xf32, #tpu.memory_space<vmem_shared>>) target_semaphore(%run_scoped3A : memref<!tpu.dma_semaphore, #tpu.memory_space<semaphore_mem>>)
      %dma_wait3A = arith.constant 0 : i32
      %dma_wait3A_23 = tpu.memref_slice %arg6[%mul3A_2, %dma_wait3A] : memref<10000x128xf32, #tpu.memory_space<vmem_shared>> -> memref<624x128xf32, #tpu.memory_space<vmem_shared>>
      %dma_wait3A_24 = arith.constant 0 : i32
      %dma_wait3A_25 = tpu.memref_slice %arg4[%mul3A_0, %dma_wait3A_24] : memref<10000x128xf32, #tpu.memory_space<hbm>> -> memref<624x128xf32, #tpu.memory_space<hbm>>
      tpu.wait_dma2 semaphore(%run_scoped3A : memref<!tpu.dma_semaphore, #tpu.memory_space<semaphore_mem>>) src(%dma_wait3A_25 : memref<624x128xf32, #tpu.memory_space<hbm>>) dst(%dma_wait3A_23 : memref<624x128xf32, #tpu.memory_space<vmem_shared>>)
      tpu.yield
    }) : () -> ()
    %eq3A = arith.constant 0 : i32
    %eq3A_3 = arith.cmpi eq, %arg1, %eq3A : i32
    %convert_element_type3A = arith.extui %eq3A_3 : i1 to i32
    %cond3A = arith.constant 0 : i32
    %cond3A_4 = arith.cmpi ne, %convert_element_type3A, %cond3A : i32
    scf.if %cond3A_4 {
      "tpu.region"() ({
        %run_scoped3A = tpu.sem_alloc : memref<!tpu.dma_semaphore, #tpu.memory_space<semaphore_mem>>
        %dma_start3A = arith.constant 9984 : i32
        %dma_start3A_20 = arith.constant 0 : i32
        %dma_start3A_21 = tpu.memref_slice %arg6[%dma_start3A, %dma_start3A_20] : memref<10000x128xf32, #tpu.memory_space<vmem_shared>> -> memref<16x128xf32, #tpu.memory_space<vmem_shared>>
        %dma_start3A_22 = arith.constant 9984 : i32
        %dma_start3A_23 = arith.constant 0 : i32
        %dma_start3A_24 = tpu.memref_slice %arg4[%dma_start3A_22, %dma_start3A_23] : memref<10000x128xf32, #tpu.memory_space<hbm>> -> memref<16x128xf32, #tpu.memory_space<hbm>>
        tpu.enqueue_dma source(%dma_start3A_24 : memref<16x128xf32, #tpu.memory_space<hbm>>) target(%dma_start3A_21 : memref<16x128xf32, #tpu.memory_space<vmem_shared>>) target_semaphore(%run_scoped3A : memref<!tpu.dma_semaphore, #tpu.memory_space<semaphore_mem>>)
        %dma_wait3A = arith.constant 9984 : i32
        %dma_wait3A_25 = arith.constant 0 : i32
        %dma_wait3A_26 = tpu.memref_slice %arg6[%dma_wait3A, %dma_wait3A_25] : memref<10000x128xf32, #tpu.memory_space<vmem_shared>> -> memref<16x128xf32, #tpu.memory_space<vmem_shared>>
        %dma_wait3A_27 = arith.constant 9984 : i32
        %dma_wait3A_28 = arith.constant 0 : i32
        %dma_wait3A_29 = tpu.memref_slice %arg4[%dma_wait3A_27, %dma_wait3A_28] : memref<10000x128xf32, #tpu.memory_space<hbm>> -> memref<16x128xf32, #tpu.memory_space<hbm>>
        tpu.wait_dma2 semaphore(%run_scoped3A : memref<!tpu.dma_semaphore, #tpu.memory_space<semaphore_mem>>) src(%dma_wait3A_29 : memref<16x128xf32, #tpu.memory_space<hbm>>) dst(%dma_wait3A_26 : memref<16x128xf32, #tpu.memory_space<vmem_shared>>)
        tpu.yield
      }) : () -> ()
    } else {
    }
    %barrier3A = arith.constant 0 : index
    tpu.barrier barrier_id(%barrier3A)
    %scan3A = arith.constant 0 : i32
    %scan3A_5 = arith.constant 0 : i32
    %scan3A_6 = arith.constant 79 : i32
    %scan3A_7 = arith.addi %scan3A_5, %scan3A_6 : i32
    %scan3A_8 = arith.constant 1 : i32
    scf.for %scan3A_20 = %scan3A_5 to %scan3A_7 step %scan3A_8  : i32 {
      %mul3A_21 = arith.constant 16 : i32
      %mul3A_22 = arith.muli %scan3A_20, %mul3A_21 : i32
      %add3A = arith.addi %arg1, %mul3A_22 : i32
      %lt3A = arith.constant 1250 : i32
      %lt3A_23 = arith.cmpi slt, %add3A, %lt3A : i32
      %convert_element_type3A_24 = arith.extui %lt3A_23 : i1 to i32
      %cond3A_25 = arith.constant 0 : i32
      %cond3A_26 = arith.cmpi ne, %convert_element_type3A_24, %cond3A_25 : i32
      scf.if %cond3A_26 {
        %mul3A_27 = arith.constant 1250 : i32
        %mul3A_28 = arith.muli %arg0, %mul3A_27 : i32
        %add3A_29 = arith.addi %mul3A_28, %add3A : i32
        %mul3A_30 = arith.constant 256 : i32
        %mul3A_31 = arith.muli %add3A_29, %mul3A_30 : i32
        "tpu.region"() ({
          %run_scoped3A_35 = tpu.sem_alloc : memref<!tpu.dma_semaphore, #tpu.memory_space<semaphore_mem>>
          %dma_start3A = arith.constant 0 : i32
          %dma_start3A_36 = tpu.memref_slice %arg2[%mul3A_31, %dma_start3A] : memref<640000x128xf32, #tpu.memory_space<hbm>> -> memref<256x128xf32, #tpu.memory_space<hbm>>
          %dma_start3A_37 = arith.constant 0 : i32
          %dma_start3A_38 = tpu.memref_slice %arg2[%mul3A_31, %dma_start3A_37] : memref<640000x128xf32, #tpu.memory_space<hbm>> -> memref<256x128xf32, #tpu.memory_space<hbm>>
          tpu.enqueue_dma source(%dma_start3A_38 : memref<256x128xf32, #tpu.memory_space<hbm>>) target(%arg8 : memref<256x128xf32, #tpu.memory_space<vmem>>) target_semaphore(%run_scoped3A_35 : memref<!tpu.dma_semaphore, #tpu.memory_space<semaphore_mem>>)
          %dma_wait3A = arith.constant 0 : i32
          %dma_wait3A_39 = tpu.memref_slice %arg2[%mul3A_31, %dma_wait3A] : memref<640000x128xf32, #tpu.memory_space<hbm>> -> memref<256x128xf32, #tpu.memory_space<hbm>>
          %dma_wait3A_40 = arith.constant 0 : i32
          %dma_wait3A_41 = tpu.memref_slice %arg2[%mul3A_31, %dma_wait3A_40] : memref<640000x128xf32, #tpu.memory_space<hbm>> -> memref<256x128xf32, #tpu.memory_space<hbm>>
          tpu.wait_dma2 semaphore(%run_scoped3A_35 : memref<!tpu.dma_semaphore, #tpu.memory_space<semaphore_mem>>) src(%dma_wait3A_41 : memref<256x128xf32, #tpu.memory_space<hbm>>) dst(%arg8 : memref<256x128xf32, #tpu.memory_space<vmem>>)
          tpu.yield
        }) : () -> ()
        %mul3A_32 = arith.constant 2 : i32
        %mul3A_33 = arith.muli %add3A_29, %mul3A_32 : i32
        "tpu.region"() ({
          %run_scoped3A_35 = tpu.sem_alloc : memref<!tpu.dma_semaphore, #tpu.memory_space<semaphore_mem>>
          %dma_start3A = arith.constant 0 : i32
          %dma_start3A_36 = tpu.memref_slice %arg3[%mul3A_33, %dma_start3A] : memref<5000x128xi32, #tpu.memory_space<hbm>> -> memref<2x128xi32, #tpu.memory_space<hbm>>
          %dma_start3A_37 = arith.constant 0 : i32
          %dma_start3A_38 = tpu.memref_slice %arg3[%mul3A_33, %dma_start3A_37] : memref<5000x128xi32, #tpu.memory_space<hbm>> -> memref<2x128xi32, #tpu.memory_space<hbm>>
          tpu.enqueue_dma source(%dma_start3A_38 : memref<2x128xi32, #tpu.memory_space<hbm>>) target(%arg7 : memref<2x128xi32, #tpu.memory_space<vmem>>) target_semaphore(%run_scoped3A_35 : memref<!tpu.dma_semaphore, #tpu.memory_space<semaphore_mem>>)
          %dma_wait3A = arith.constant 0 : i32
          %dma_wait3A_39 = tpu.memref_slice %arg3[%mul3A_33, %dma_wait3A] : memref<5000x128xi32, #tpu.memory_space<hbm>> -> memref<2x128xi32, #tpu.memory_space<hbm>>
          %dma_wait3A_40 = arith.constant 0 : i32
          %dma_wait3A_41 = tpu.memref_slice %arg3[%mul3A_33, %dma_wait3A_40] : memref<5000x128xi32, #tpu.memory_space<hbm>> -> memref<2x128xi32, #tpu.memory_space<hbm>>
          tpu.wait_dma2 semaphore(%run_scoped3A_35 : memref<!tpu.dma_semaphore, #tpu.memory_space<semaphore_mem>>) src(%dma_wait3A_41 : memref<2x128xi32, #tpu.memory_space<hbm>>) dst(%arg7 : memref<2x128xi32, #tpu.memory_space<vmem>>)
          tpu.yield
        }) : () -> ()
        %run_scoped3A = arith.constant 0 : i32
        "tpu.region"() ({
          %run_scoped3A_35 = tpu.sem_alloc : memref<!tpu.dma_semaphore, #tpu.memory_space<semaphore_mem>>
          %dma_start3A = arith.constant 0 : i32
          %dma_start3A_36 = arith.constant 0 : i32
          %dma_start3A_37 = tpu.memref_slice %arg8[%dma_start3A, %dma_start3A_36] : memref<256x128xf32, #tpu.memory_space<vmem>> -> memref<128x128xf32, #tpu.memory_space<vmem>>
          %dma_start3A_38 = arith.constant 0 : i32
          %dma_start3A_39 = tpu.memref_slice %arg7[%run_scoped3A, %dma_start3A_38] : memref<2x128xi32, #tpu.memory_space<vmem>> -> memref<1x128xi32, #tpu.memory_space<vmem>>
          %dma_start3A_40 = tpu.memref_squeeze %dma_start3A_39 : memref<1x128xi32, #tpu.memory_space<vmem>> -> memref<128xi32, #tpu.memory_space<vmem>>
          %dma_start3A_41 = arith.constant 0 : i32
          %dma_start3A_42 = arith.constant 0 : i32
          %dma_start3A_43 = tpu.memref_slice %arg6[%dma_start3A_41, %dma_start3A_42] : memref<10000x128xf32, #tpu.memory_space<vmem_shared>> -> memref<10000x128xf32, #tpu.memory_space<vmem_shared>>
          tpu.enqueue_indirect_dma source(%dma_start3A_37 : memref<128x128xf32, #tpu.memory_space<vmem>>) target(%dma_start3A_43 : memref<10000x128xf32, #tpu.memory_space<vmem_shared>>) offsets(%dma_start3A_40 : memref<128xi32, #tpu.memory_space<vmem>>) semaphore(%run_scoped3A_35 : memref<!tpu.dma_semaphore, #tpu.memory_space<semaphore_mem>>) {add = true}
          %dma_wait3A = arith.constant 0 : i32
          %dma_wait3A_44 = arith.constant 0 : i32
          %dma_wait3A_45 = tpu.memref_slice %arg8[%dma_wait3A, %dma_wait3A_44] : memref<256x128xf32, #tpu.memory_space<vmem>> -> memref<128x128xf32, #tpu.memory_space<vmem>>
          %dma_wait3A_46 = arith.constant 0 : i32
          %dma_wait3A_47 = tpu.memref_slice %arg7[%run_scoped3A, %dma_wait3A_46] : memref<2x128xi32, #tpu.memory_space<vmem>> -> memref<1x128xi32, #tpu.memory_space<vmem>>
          %dma_wait3A_48 = tpu.memref_squeeze %dma_wait3A_47 : memref<1x128xi32, #tpu.memory_space<vmem>> -> memref<128xi32, #tpu.memory_space<vmem>>
          %dma_wait3A_49 = arith.constant 0 : i32
          %dma_wait3A_50 = arith.constant 0 : i32
          %dma_wait3A_51 = tpu.memref_slice %arg6[%dma_wait3A_49, %dma_wait3A_50] : memref<10000x128xf32, #tpu.memory_space<vmem_shared>> -> memref<10000x128xf32, #tpu.memory_space<vmem_shared>>
          tpu.wait_indirect_dma semaphore(%run_scoped3A_35 : memref<!tpu.dma_semaphore, #tpu.memory_space<semaphore_mem>>) src(%dma_wait3A_45 : memref<128x128xf32, #tpu.memory_space<vmem>>) dst(%dma_wait3A_51 : memref<10000x128xf32, #tpu.memory_space<vmem_shared>>)
          tpu.yield
        }) : () -> ()
        %run_scoped3A_34 = arith.constant 1 : i32
        "tpu.region"() ({
          %run_scoped3A_35 = tpu.sem_alloc : memref<!tpu.dma_semaphore, #tpu.memory_space<semaphore_mem>>
          %dma_start3A = arith.constant 128 : i32
          %dma_start3A_36 = arith.constant 0 : i32
          %dma_start3A_37 = tpu.memref_slice %arg8[%dma_start3A, %dma_start3A_36] : memref<256x128xf32, #tpu.memory_space<vmem>> -> memref<128x128xf32, #tpu.memory_space<vmem>>
          %dma_start3A_38 = arith.constant 0 : i32
          %dma_start3A_39 = tpu.memref_slice %arg7[%run_scoped3A_34, %dma_start3A_38] : memref<2x128xi32, #tpu.memory_space<vmem>> -> memref<1x128xi32, #tpu.memory_space<vmem>>
          %dma_start3A_40 = tpu.memref_squeeze %dma_start3A_39 : memref<1x128xi32, #tpu.memory_space<vmem>> -> memref<128xi32, #tpu.memory_space<vmem>>
          %dma_start3A_41 = arith.constant 0 : i32
          %dma_start3A_42 = arith.constant 0 : i32
          %dma_start3A_43 = tpu.memref_slice %arg6[%dma_start3A_41, %dma_start3A_42] : memref<10000x128xf32, #tpu.memory_space<vmem_shared>> -> memref<10000x128xf32, #tpu.memory_space<vmem_shared>>
          tpu.enqueue_indirect_dma source(%dma_start3A_37 : memref<128x128xf32, #tpu.memory_space<vmem>>) target(%dma_start3A_43 : memref<10000x128xf32, #tpu.memory_space<vmem_shared>>) offsets(%dma_start3A_40 : memref<128xi32, #tpu.memory_space<vmem>>) semaphore(%run_scoped3A_35 : memref<!tpu.dma_semaphore, #tpu.memory_space<semaphore_mem>>) {add = true}
          %dma_wait3A = arith.constant 128 : i32
          %dma_wait3A_44 = arith.constant 0 : i32
          %dma_wait3A_45 = tpu.memref_slice %arg8[%dma_wait3A, %dma_wait3A_44] : memref<256x128xf32, #tpu.memory_space<vmem>> -> memref<128x128xf32, #tpu.memory_space<vmem>>
          %dma_wait3A_46 = arith.constant 0 : i32
          %dma_wait3A_47 = tpu.memref_slice %arg7[%run_scoped3A_34, %dma_wait3A_46] : memref<2x128xi32, #tpu.memory_space<vmem>> -> memref<1x128xi32, #tpu.memory_space<vmem>>
          %dma_wait3A_48 = tpu.memref_squeeze %dma_wait3A_47 : memref<1x128xi32, #tpu.memory_space<vmem>> -> memref<128xi32, #tpu.memory_space<vmem>>
          %dma_wait3A_49 = arith.constant 0 : i32
          %dma_wait3A_50 = arith.constant 0 : i32
          %dma_wait3A_51 = tpu.memref_slice %arg6[%dma_wait3A_49, %dma_wait3A_50] : memref<10000x128xf32, #tpu.memory_space<vmem_shared>> -> memref<10000x128xf32, #tpu.memory_space<vmem_shared>>
          tpu.wait_indirect_dma semaphore(%run_scoped3A_35 : memref<!tpu.dma_semaphore, #tpu.memory_space<semaphore_mem>>) src(%dma_wait3A_45 : memref<128x128xf32, #tpu.memory_space<vmem>>) dst(%dma_wait3A_51 : memref<10000x128xf32, #tpu.memory_space<vmem_shared>>)
          tpu.yield
        }) : () -> ()
      } else {
      }
    }
    %scan3A_9 = arith.constant 79 : i32
    %barrier3A_10 = arith.constant 0 : index
    tpu.barrier barrier_id(%barrier3A_10)
    %mul3A_11 = arith.constant 624 : i32
    %mul3A_12 = arith.muli %arg1, %mul3A_11 : i32
    %mul3A_13 = arith.constant 624 : i32
    %mul3A_14 = arith.muli %arg1, %mul3A_13 : i32
    "tpu.region"() ({
      %run_scoped3A = tpu.sem_alloc : memref<!tpu.dma_semaphore, #tpu.memory_space<semaphore_mem>>
      %dma_start3A = arith.constant 0 : i32
      %dma_start3A_20 = tpu.memref_slice %arg5[%arg0, %mul3A_14, %dma_start3A] : memref<2x10000x128xf32, #tpu.memory_space<hbm>> -> memref<1x624x128xf32, #tpu.memory_space<hbm>>
      %dma_start3A_21 = tpu.memref_squeeze %dma_start3A_20 : memref<1x624x128xf32, #tpu.memory_space<hbm>> -> memref<624x128xf32, #tpu.memory_space<hbm>>
      %dma_start3A_22 = arith.constant 0 : i32
      %dma_start3A_23 = tpu.memref_slice %arg6[%mul3A_12, %dma_start3A_22] : memref<10000x128xf32, #tpu.memory_space<vmem_shared>> -> memref<624x128xf32, #tpu.memory_space<vmem_shared>>
      tpu.enqueue_dma source(%dma_start3A_23 : memref<624x128xf32, #tpu.memory_space<vmem_shared>>) target(%dma_start3A_21 : memref<624x128xf32, #tpu.memory_space<hbm>>) target_semaphore(%run_scoped3A : memref<!tpu.dma_semaphore, #tpu.memory_space<semaphore_mem>>)
      %dma_wait3A = arith.constant 0 : i32
      %dma_wait3A_24 = tpu.memref_slice %arg5[%arg0, %mul3A_14, %dma_wait3A] : memref<2x10000x128xf32, #tpu.memory_space<hbm>> -> memref<1x624x128xf32, #tpu.memory_space<hbm>>
      %dma_wait3A_25 = tpu.memref_squeeze %dma_wait3A_24 : memref<1x624x128xf32, #tpu.memory_space<hbm>> -> memref<624x128xf32, #tpu.memory_space<hbm>>
      %dma_wait3A_26 = arith.constant 0 : i32
      %dma_wait3A_27 = tpu.memref_slice %arg6[%mul3A_12, %dma_wait3A_26] : memref<10000x128xf32, #tpu.memory_space<vmem_shared>> -> memref<624x128xf32, #tpu.memory_space<vmem_shared>>
      tpu.wait_dma2 semaphore(%run_scoped3A : memref<!tpu.dma_semaphore, #tpu.memory_space<semaphore_mem>>) src(%dma_wait3A_27 : memref<624x128xf32, #tpu.memory_space<vmem_shared>>) dst(%dma_wait3A_25 : memref<624x128xf32, #tpu.memory_space<hbm>>)
      tpu.yield
    }) : () -> ()
    %eq3A_15 = arith.constant 0 : i32
    %eq3A_16 = arith.cmpi eq, %arg1, %eq3A_15 : i32
    %convert_element_type3A_17 = arith.extui %eq3A_16 : i1 to i32
    %cond3A_18 = arith.constant 0 : i32
    %cond3A_19 = arith.cmpi ne, %convert_element_type3A_17, %cond3A_18 : i32
    scf.if %cond3A_19 {
      "tpu.region"() ({
        %run_scoped3A = tpu.sem_alloc : memref<!tpu.dma_semaphore, #tpu.memory_space<semaphore_mem>>
        %dma_start3A = arith.constant 9984 : i32
        %dma_start3A_20 = arith.constant 0 : i32
        %dma_start3A_21 = tpu.memref_slice %arg5[%arg0, %dma_start3A, %dma_start3A_20] : memref<2x10000x128xf32, #tpu.memory_space<hbm>> -> memref<1x16x128xf32, #tpu.memory_space<hbm>>
        %dma_start3A_22 = tpu.memref_squeeze %dma_start3A_21 : memref<1x16x128xf32, #tpu.memory_space<hbm>> -> memref<16x128xf32, #tpu.memory_space<hbm>>
        %dma_start3A_23 = arith.constant 9984 : i32
        %dma_start3A_24 = arith.constant 0 : i32
        %dma_start3A_25 = tpu.memref_slice %arg6[%dma_start3A_23, %dma_start3A_24] : memref<10000x128xf32, #tpu.memory_space<vmem_shared>> -> memref<16x128xf32, #tpu.memory_space<vmem_shared>>
        tpu.enqueue_dma source(%dma_start3A_25 : memref<16x128xf32, #tpu.memory_space<vmem_shared>>) target(%dma_start3A_22 : memref<16x128xf32, #tpu.memory_space<hbm>>) target_semaphore(%run_scoped3A : memref<!tpu.dma_semaphore, #tpu.memory_space<semaphore_mem>>)
        %dma_wait3A = arith.constant 9984 : i32
        %dma_wait3A_26 = arith.constant 0 : i32
        %dma_wait3A_27 = tpu.memref_slice %arg5[%arg0, %dma_wait3A, %dma_wait3A_26] : memref<2x10000x128xf32, #tpu.memory_space<hbm>> -> memref<1x16x128xf32, #tpu.memory_space<hbm>>
        %dma_wait3A_28 = tpu.memref_squeeze %dma_wait3A_27 : memref<1x16x128xf32, #tpu.memory_space<hbm>> -> memref<16x128xf32, #tpu.memory_space<hbm>>
        %dma_wait3A_29 = arith.constant 9984 : i32
        %dma_wait3A_30 = arith.constant 0 : i32
        %dma_wait3A_31 = tpu.memref_slice %arg6[%dma_wait3A_29, %dma_wait3A_30] : memref<10000x128xf32, #tpu.memory_space<vmem_shared>> -> memref<16x128xf32, #tpu.memory_space<vmem_shared>>
        tpu.wait_dma2 semaphore(%run_scoped3A : memref<!tpu.dma_semaphore, #tpu.memory_space<semaphore_mem>>) src(%dma_wait3A_31 : memref<16x128xf32, #tpu.memory_space<vmem_shared>>) dst(%dma_wait3A_28 : memref<16x128xf32, #tpu.memory_space<hbm>>)
        tpu.yield
      }) : () -> ()
    } else {
    }
    return
  }
}

#map = affine_map<(d0, d1) -> (0, 0)>
#map1 = affine_map<(d0, d1) -> (0, 0, 0)>
module attributes {stable_mosaic.version = 14 : i64} {
  func.func @_scatter_sc(%arg0: i32, %arg1: i32, %arg2: memref<640000x128xf32, #tpu.memory_space<hbm>>, %arg3: memref<5000x128xi32, #tpu.memory_space<hbm>>, %arg4: memref<10000x128xf32, #tpu.memory_space<hbm>>, %arg5: memref<2x10000x128xf32, #tpu.memory_space<hbm>>, %arg6: memref<10000x128xf32, #tpu.memory_space<vmem_shared>>, %arg7: memref<2x128xi32, #tpu.memory_space<vmem>>, %arg8: memref<256x128xf32, #tpu.memory_space<vmem>>) attributes {dimension_semantics = [#tpu.dimension_semantics<core_parallel>, #tpu.dimension_semantics<subcore_parallel>], iteration_bounds = array<i64: 2, 16>, scalar_prefetch = 0 : i64, scratch_operands = 3 : i64, tpu.core_type = #tpu.core_type<sc_vector_subcore>, window_params = [{transform_indices = #map}, {transform_indices = #map}, {transform_indices = #map}, {transform_indices = #map1}]} {
    %mul3A = arith.constant 624 : i32
    %mul3A_0 = arith.muli %arg1, %mul3A : i32
    %mul3A_1 = arith.constant 624 : i32
    %mul3A_2 = arith.muli %arg1, %mul3A_1 : i32
    "tpu.region"() ({
      %run_scoped3A = tpu.sem_alloc : memref<!tpu.dma_semaphore, #tpu.memory_space<semaphore_mem>>
      %dma_start3A = arith.constant 0 : i32
      %dma_start3A_20 = tpu.memref_slice %arg6[%mul3A_2, %dma_start3A] : memref<10000x128xf32, #tpu.memory_space<vmem_shared>> -> memref<624x128xf32, #tpu.memory_space<vmem_shared>>
      %dma_start3A_21 = arith.constant 0 : i32
      %dma_start3A_22 = tpu.memref_slice %arg4[%mul3A_0, %dma_start3A_21] : memref<10000x128xf32, #tpu.memory_space<hbm>> -> memref<624x128xf32, #tpu.memory_space<hbm>>
      tpu.enqueue_dma source(%dma_start3A_22 : memref<624x128xf32, #tpu.memory_space<hbm>>) target(%dma_start3A_20 : memref<624x128xf32, #tpu.memory_space<vmem_shared>>) target_semaphore(%run_scoped3A : memref<!tpu.dma_semaphore, #tpu.memory_space<semaphore_mem>>)
      %dma_wait3A = arith.constant 0 : i32
      %dma_wait3A_23 = tpu.memref_slice %arg6[%mul3A_2, %dma_wait3A] : memref<10000x128xf32, #tpu.memory_space<vmem_shared>> -> memref<624x128xf32, #tpu.memory_space<vmem_shared>>
      %dma_wait3A_24 = arith.constant 0 : i32
      %dma_wait3A_25 = tpu.memref_slice %arg4[%mul3A_0, %dma_wait3A_24] : memref<10000x128xf32, #tpu.memory_space<hbm>> -> memref<624x128xf32, #tpu.memory_space<hbm>>
      tpu.wait_dma2 semaphore(%run_scoped3A : memref<!tpu.dma_semaphore, #tpu.memory_space<semaphore_mem>>) src(%dma_wait3A_25 : memref<624x128xf32, #tpu.memory_space<hbm>>) dst(%dma_wait3A_23 : memref<624x128xf32, #tpu.memory_space<vmem_shared>>)
      tpu.yield
    }) : () -> ()
    %eq3A = arith.constant 0 : i32
    %eq3A_3 = arith.cmpi eq, %arg1, %eq3A : i32
    %convert_element_type3A = arith.extui %eq3A_3 : i1 to i32
    %cond3A = arith.constant 0 : i32
    %cond3A_4 = arith.cmpi ne, %convert_element_type3A, %cond3A : i32
    scf.if %cond3A_4 {
      "tpu.region"() ({
        %run_scoped3A = tpu.sem_alloc : memref<!tpu.dma_semaphore, #tpu.memory_space<semaphore_mem>>
        %dma_start3A = arith.constant 9984 : i32
        %dma_start3A_20 = arith.constant 0 : i32
        %dma_start3A_21 = tpu.memref_slice %arg6[%dma_start3A, %dma_start3A_20] : memref<10000x128xf32, #tpu.memory_space<vmem_shared>> -> memref<16x128xf32, #tpu.memory_space<vmem_shared>>
        %dma_start3A_22 = arith.constant 9984 : i32
        %dma_start3A_23 = arith.constant 0 : i32
        %dma_start3A_24 = tpu.memref_slice %arg4[%dma_start3A_22, %dma_start3A_23] : memref<10000x128xf32, #tpu.memory_space<hbm>> -> memref<16x128xf32, #tpu.memory_space<hbm>>
        tpu.enqueue_dma source(%dma_start3A_24 : memref<16x128xf32, #tpu.memory_space<hbm>>) target(%dma_start3A_21 : memref<16x128xf32, #tpu.memory_space<vmem_shared>>) target_semaphore(%run_scoped3A : memref<!tpu.dma_semaphore, #tpu.memory_space<semaphore_mem>>)
        %dma_wait3A = arith.constant 9984 : i32
        %dma_wait3A_25 = arith.constant 0 : i32
        %dma_wait3A_26 = tpu.memref_slice %arg6[%dma_wait3A, %dma_wait3A_25] : memref<10000x128xf32, #tpu.memory_space<vmem_shared>> -> memref<16x128xf32, #tpu.memory_space<vmem_shared>>
        %dma_wait3A_27 = arith.constant 9984 : i32
        %dma_wait3A_28 = arith.constant 0 : i32
        %dma_wait3A_29 = tpu.memref_slice %arg4[%dma_wait3A_27, %dma_wait3A_28] : memref<10000x128xf32, #tpu.memory_space<hbm>> -> memref<16x128xf32, #tpu.memory_space<hbm>>
        tpu.wait_dma2 semaphore(%run_scoped3A : memref<!tpu.dma_semaphore, #tpu.memory_space<semaphore_mem>>) src(%dma_wait3A_29 : memref<16x128xf32, #tpu.memory_space<hbm>>) dst(%dma_wait3A_26 : memref<16x128xf32, #tpu.memory_space<vmem_shared>>)
        tpu.yield
      }) : () -> ()
    } else {
    }
    %barrier3A = arith.constant 0 : index
    tpu.barrier barrier_id(%barrier3A)
    %scan3A = arith.constant 0 : i32
    %scan3A_5 = arith.constant 0 : i32
    %scan3A_6 = arith.constant 79 : i32
    %scan3A_7 = arith.addi %scan3A_5, %scan3A_6 : i32
    %scan3A_8 = arith.constant 1 : i32
    scf.for %scan3A_20 = %scan3A_5 to %scan3A_7 step %scan3A_8  : i32 {
      %mul3A_21 = arith.constant 16 : i32
      %mul3A_22 = arith.muli %scan3A_20, %mul3A_21 : i32
      %add3A = arith.addi %arg1, %mul3A_22 : i32
      %lt3A = arith.constant 1250 : i32
      %lt3A_23 = arith.cmpi slt, %add3A, %lt3A : i32
      %convert_element_type3A_24 = arith.extui %lt3A_23 : i1 to i32
      %cond3A_25 = arith.constant 0 : i32
      %cond3A_26 = arith.cmpi ne, %convert_element_type3A_24, %cond3A_25 : i32
      scf.if %cond3A_26 {
        %mul3A_27 = arith.constant 1250 : i32
        %mul3A_28 = arith.muli %arg0, %mul3A_27 : i32
        %add3A_29 = arith.addi %mul3A_28, %add3A : i32
        %mul3A_30 = arith.constant 256 : i32
        %mul3A_31 = arith.muli %add3A_29, %mul3A_30 : i32
        "tpu.region"() ({
          %run_scoped3A_35 = tpu.sem_alloc : memref<!tpu.dma_semaphore, #tpu.memory_space<semaphore_mem>>
          %dma_start3A = arith.constant 0 : i32
          %dma_start3A_36 = tpu.memref_slice %arg2[%mul3A_31, %dma_start3A] : memref<640000x128xf32, #tpu.memory_space<hbm>> -> memref<256x128xf32, #tpu.memory_space<hbm>>
          %dma_start3A_37 = arith.constant 0 : i32
          %dma_start3A_38 = tpu.memref_slice %arg2[%mul3A_31, %dma_start3A_37] : memref<640000x128xf32, #tpu.memory_space<hbm>> -> memref<256x128xf32, #tpu.memory_space<hbm>>
          tpu.enqueue_dma source(%dma_start3A_38 : memref<256x128xf32, #tpu.memory_space<hbm>>) target(%arg8 : memref<256x128xf32, #tpu.memory_space<vmem>>) target_semaphore(%run_scoped3A_35 : memref<!tpu.dma_semaphore, #tpu.memory_space<semaphore_mem>>)
          %dma_wait3A = arith.constant 0 : i32
          %dma_wait3A_39 = tpu.memref_slice %arg2[%mul3A_31, %dma_wait3A] : memref<640000x128xf32, #tpu.memory_space<hbm>> -> memref<256x128xf32, #tpu.memory_space<hbm>>
          %dma_wait3A_40 = arith.constant 0 : i32
          %dma_wait3A_41 = tpu.memref_slice %arg2[%mul3A_31, %dma_wait3A_40] : memref<640000x128xf32, #tpu.memory_space<hbm>> -> memref<256x128xf32, #tpu.memory_space<hbm>>
          tpu.wait_dma2 semaphore(%run_scoped3A_35 : memref<!tpu.dma_semaphore, #tpu.memory_space<semaphore_mem>>) src(%dma_wait3A_41 : memref<256x128xf32, #tpu.memory_space<hbm>>) dst(%arg8 : memref<256x128xf32, #tpu.memory_space<vmem>>)
          tpu.yield
        }) : () -> ()
        %mul3A_32 = arith.constant 2 : i32
        %mul3A_33 = arith.muli %add3A_29, %mul3A_32 : i32
        "tpu.region"() ({
          %run_scoped3A_35 = tpu.sem_alloc : memref<!tpu.dma_semaphore, #tpu.memory_space<semaphore_mem>>
          %dma_start3A = arith.constant 0 : i32
          %dma_start3A_36 = tpu.memref_slice %arg3[%mul3A_33, %dma_start3A] : memref<5000x128xi32, #tpu.memory_space<hbm>> -> memref<2x128xi32, #tpu.memory_space<hbm>>
          %dma_start3A_37 = arith.constant 0 : i32
          %dma_start3A_38 = tpu.memref_slice %arg3[%mul3A_33, %dma_start3A_37] : memref<5000x128xi32, #tpu.memory_space<hbm>> -> memref<2x128xi32, #tpu.memory_space<hbm>>
          tpu.enqueue_dma source(%dma_start3A_38 : memref<2x128xi32, #tpu.memory_space<hbm>>) target(%arg7 : memref<2x128xi32, #tpu.memory_space<vmem>>) target_semaphore(%run_scoped3A_35 : memref<!tpu.dma_semaphore, #tpu.memory_space<semaphore_mem>>)
          %dma_wait3A = arith.constant 0 : i32
          %dma_wait3A_39 = tpu.memref_slice %arg3[%mul3A_33, %dma_wait3A] : memref<5000x128xi32, #tpu.memory_space<hbm>> -> memref<2x128xi32, #tpu.memory_space<hbm>>
          %dma_wait3A_40 = arith.constant 0 : i32
          %dma_wait3A_41 = tpu.memref_slice %arg3[%mul3A_33, %dma_wait3A_40] : memref<5000x128xi32, #tpu.memory_space<hbm>> -> memref<2x128xi32, #tpu.memory_space<hbm>>
          tpu.wait_dma2 semaphore(%run_scoped3A_35 : memref<!tpu.dma_semaphore, #tpu.memory_space<semaphore_mem>>) src(%dma_wait3A_41 : memref<2x128xi32, #tpu.memory_space<hbm>>) dst(%arg7 : memref<2x128xi32, #tpu.memory_space<vmem>>)
          tpu.yield
        }) : () -> ()
        %run_scoped3A = arith.constant 0 : i32
        "tpu.region"() ({
          %run_scoped3A_35 = tpu.sem_alloc : memref<!tpu.dma_semaphore, #tpu.memory_space<semaphore_mem>>
          %dma_start3A = arith.constant 0 : i32
          %dma_start3A_36 = arith.constant 0 : i32
          %dma_start3A_37 = tpu.memref_slice %arg8[%dma_start3A, %dma_start3A_36] : memref<256x128xf32, #tpu.memory_space<vmem>> -> memref<128x128xf32, #tpu.memory_space<vmem>>
          %dma_start3A_38 = arith.constant 0 : i32
          %dma_start3A_39 = tpu.memref_slice %arg7[%run_scoped3A, %dma_start3A_38] : memref<2x128xi32, #tpu.memory_space<vmem>> -> memref<1x128xi32, #tpu.memory_space<vmem>>
          %dma_start3A_40 = tpu.memref_squeeze %dma_start3A_39 : memref<1x128xi32, #tpu.memory_space<vmem>> -> memref<128xi32, #tpu.memory_space<vmem>>
          %dma_start3A_41 = arith.constant 0 : i32
          %dma_start3A_42 = arith.constant 0 : i32
          %dma_start3A_43 = tpu.memref_slice %arg6[%dma_start3A_41, %dma_start3A_42] : memref<10000x128xf32, #tpu.memory_space<vmem_shared>> -> memref<10000x128xf32, #tpu.memory_space<vmem_shared>>
          tpu.enqueue_indirect_dma source(%dma_start3A_37 : memref<128x128xf32, #tpu.memory_space<vmem>>) target(%dma_start3A_43 : memref<10000x128xf32, #tpu.memory_space<vmem_shared>>) offsets(%dma_start3A_40 : memref<128xi32, #tpu.memory_space<vmem>>) semaphore(%run_scoped3A_35 : memref<!tpu.dma_semaphore, #tpu.memory_space<semaphore_mem>>) {add = true}
          %dma_wait3A = arith.constant 0 : i32
          %dma_wait3A_44 = arith.constant 0 : i32
          %dma_wait3A_45 = tpu.memref_slice %arg8[%dma_wait3A, %dma_wait3A_44] : memref<256x128xf32, #tpu.memory_space<vmem>> -> memref<128x128xf32, #tpu.memory_space<vmem>>
          %dma_wait3A_46 = arith.constant 0 : i32
          %dma_wait3A_47 = tpu.memref_slice %arg7[%run_scoped3A, %dma_wait3A_46] : memref<2x128xi32, #tpu.memory_space<vmem>> -> memref<1x128xi32, #tpu.memory_space<vmem>>
          %dma_wait3A_48 = tpu.memref_squeeze %dma_wait3A_47 : memref<1x128xi32, #tpu.memory_space<vmem>> -> memref<128xi32, #tpu.memory_space<vmem>>
          %dma_wait3A_49 = arith.constant 0 : i32
          %dma_wait3A_50 = arith.constant 0 : i32
          %dma_wait3A_51 = tpu.memref_slice %arg6[%dma_wait3A_49, %dma_wait3A_50] : memref<10000x128xf32, #tpu.memory_space<vmem_shared>> -> memref<10000x128xf32, #tpu.memory_space<vmem_shared>>
          tpu.wait_indirect_dma semaphore(%run_scoped3A_35 : memref<!tpu.dma_semaphore, #tpu.memory_space<semaphore_mem>>) src(%dma_wait3A_45 : memref<128x128xf32, #tpu.memory_space<vmem>>) dst(%dma_wait3A_51 : memref<10000x128xf32, #tpu.memory_space<vmem_shared>>)
          tpu.yield
        }) : () -> ()
        %run_scoped3A_34 = arith.constant 1 : i32
        "tpu.region"() ({
          %run_scoped3A_35 = tpu.sem_alloc : memref<!tpu.dma_semaphore, #tpu.memory_space<semaphore_mem>>
          %dma_start3A = arith.constant 128 : i32
          %dma_start3A_36 = arith.constant 0 : i32
          %dma_start3A_37 = tpu.memref_slice %arg8[%dma_start3A, %dma_start3A_36] : memref<256x128xf32, #tpu.memory_space<vmem>> -> memref<128x128xf32, #tpu.memory_space<vmem>>
          %dma_start3A_38 = arith.constant 0 : i32
          %dma_start3A_39 = tpu.memref_slice %arg7[%run_scoped3A_34, %dma_start3A_38] : memref<2x128xi32, #tpu.memory_space<vmem>> -> memref<1x128xi32, #tpu.memory_space<vmem>>
          %dma_start3A_40 = tpu.memref_squeeze %dma_start3A_39 : memref<1x128xi32, #tpu.memory_space<vmem>> -> memref<128xi32, #tpu.memory_space<vmem>>
          %dma_start3A_41 = arith.constant 0 : i32
          %dma_start3A_42 = arith.constant 0 : i32
          %dma_start3A_43 = tpu.memref_slice %arg6[%dma_start3A_41, %dma_start3A_42] : memref<10000x128xf32, #tpu.memory_space<vmem_shared>> -> memref<10000x128xf32, #tpu.memory_space<vmem_shared>>
          tpu.enqueue_indirect_dma source(%dma_start3A_37 : memref<128x128xf32, #tpu.memory_space<vmem>>) target(%dma_start3A_43 : memref<10000x128xf32, #tpu.memory_space<vmem_shared>>) offsets(%dma_start3A_40 : memref<128xi32, #tpu.memory_space<vmem>>) semaphore(%run_scoped3A_35 : memref<!tpu.dma_semaphore, #tpu.memory_space<semaphore_mem>>) {add = true}
          %dma_wait3A = arith.constant 128 : i32
          %dma_wait3A_44 = arith.constant 0 : i32
          %dma_wait3A_45 = tpu.memref_slice %arg8[%dma_wait3A, %dma_wait3A_44] : memref<256x128xf32, #tpu.memory_space<vmem>> -> memref<128x128xf32, #tpu.memory_space<vmem>>
          %dma_wait3A_46 = arith.constant 0 : i32
          %dma_wait3A_47 = tpu.memref_slice %arg7[%run_scoped3A_34, %dma_wait3A_46] : memref<2x128xi32, #tpu.memory_space<vmem>> -> memref<1x128xi32, #tpu.memory_space<vmem>>
          %dma_wait3A_48 = tpu.memref_squeeze %dma_wait3A_47 : memref<1x128xi32, #tpu.memory_space<vmem>> -> memref<128xi32, #tpu.memory_space<vmem>>
          %dma_wait3A_49 = arith.constant 0 : i32
          %dma_wait3A_50 = arith.constant 0 : i32
          %dma_wait3A_51 = tpu.memref_slice %arg6[%dma_wait3A_49, %dma_wait3A_50] : memref<10000x128xf32, #tpu.memory_space<vmem_shared>> -> memref<10000x128xf32, #tpu.memory_space<vmem_shared>>
          tpu.wait_indirect_dma semaphore(%run_scoped3A_35 : memref<!tpu.dma_semaphore, #tpu.memory_space<semaphore_mem>>) src(%dma_wait3A_45 : memref<128x128xf32, #tpu.memory_space<vmem>>) dst(%dma_wait3A_51 : memref<10000x128xf32, #tpu.memory_space<vmem_shared>>)
          tpu.yield
        }) : () -> ()
      } else {
      }
    }
    %scan3A_9 = arith.constant 79 : i32
    %barrier3A_10 = arith.constant 0 : index
    tpu.barrier barrier_id(%barrier3A_10)
    %mul3A_11 = arith.constant 624 : i32
    %mul3A_12 = arith.muli %arg1, %mul3A_11 : i32
    %mul3A_13 = arith.constant 624 : i32
    %mul3A_14 = arith.muli %arg1, %mul3A_13 : i32
    "tpu.region"() ({
      %run_scoped3A = tpu.sem_alloc : memref<!tpu.dma_semaphore, #tpu.memory_space<semaphore_mem>>
      %dma_start3A = arith.constant 0 : i32
      %dma_start3A_20 = tpu.memref_slice %arg5[%arg0, %mul3A_14, %dma_start3A] : memref<2x10000x128xf32, #tpu.memory_space<hbm>> -> memref<1x624x128xf32, #tpu.memory_space<hbm>>
      %dma_start3A_21 = tpu.memref_squeeze %dma_start3A_20 : memref<1x624x128xf32, #tpu.memory_space<hbm>> -> memref<624x128xf32, #tpu.memory_space<hbm>>
      %dma_start3A_22 = arith.constant 0 : i32
      %dma_start3A_23 = tpu.memref_slice %arg6[%mul3A_12, %dma_start3A_22] : memref<10000x128xf32, #tpu.memory_space<vmem_shared>> -> memref<624x128xf32, #tpu.memory_space<vmem_shared>>
      tpu.enqueue_dma source(%dma_start3A_23 : memref<624x128xf32, #tpu.memory_space<vmem_shared>>) target(%dma_start3A_21 : memref<624x128xf32, #tpu.memory_space<hbm>>) target_semaphore(%run_scoped3A : memref<!tpu.dma_semaphore, #tpu.memory_space<semaphore_mem>>)
      %dma_wait3A = arith.constant 0 : i32
      %dma_wait3A_24 = tpu.memref_slice %arg5[%arg0, %mul3A_14, %dma_wait3A] : memref<2x10000x128xf32, #tpu.memory_space<hbm>> -> memref<1x624x128xf32, #tpu.memory_space<hbm>>
      %dma_wait3A_25 = tpu.memref_squeeze %dma_wait3A_24 : memref<1x624x128xf32, #tpu.memory_space<hbm>> -> memref<624x128xf32, #tpu.memory_space<hbm>>
      %dma_wait3A_26 = arith.constant 0 : i32
      %dma_wait3A_27 = tpu.memref_slice %arg6[%mul3A_12, %dma_wait3A_26] : memref<10000x128xf32, #tpu.memory_space<vmem_shared>> -> memref<624x128xf32, #tpu.memory_space<vmem_shared>>
      tpu.wait_dma2 semaphore(%run_scoped3A : memref<!tpu.dma_semaphore, #tpu.memory_space<semaphore_mem>>) src(%dma_wait3A_27 : memref<624x128xf32, #tpu.memory_space<vmem_shared>>) dst(%dma_wait3A_25 : memref<624x128xf32, #tpu.memory_space<hbm>>)
      tpu.yield
    }) : () -> ()
    %eq3A_15 = arith.constant 0 : i32
    %eq3A_16 = arith.cmpi eq, %arg1, %eq3A_15 : i32
    %convert_element_type3A_17 = arith.extui %eq3A_16 : i1 to i32
    %cond3A_18 = arith.constant 0 : i32
    %cond3A_19 = arith.cmpi ne, %convert_element_type3A_17, %cond3A_18 : i32
    scf.if %cond3A_19 {
      "tpu.region"() ({
        %run_scoped3A = tpu.sem_alloc : memref<!tpu.dma_semaphore, #tpu.memory_space<semaphore_mem>>
        %dma_start3A = arith.constant 9984 : i32
        %dma_start3A_20 = arith.constant 0 : i32
        %dma_start3A_21 = tpu.memref_slice %arg5[%arg0, %dma_start3A, %dma_start3A_20] : memref<2x10000x128xf32, #tpu.memory_space<hbm>> -> memref<1x16x128xf32, #tpu.memory_space<hbm>>
        %dma_start3A_22 = tpu.memref_squeeze %dma_start3A_21 : memref<1x16x128xf32, #tpu.memory_space<hbm>> -> memref<16x128xf32, #tpu.memory_space<hbm>>
        %dma_start3A_23 = arith.constant 9984 : i32
        %dma_start3A_24 = arith.constant 0 : i32
        %dma_start3A_25 = tpu.memref_slice %arg6[%dma_start3A_23, %dma_start3A_24] : memref<10000x128xf32, #tpu.memory_space<vmem_shared>> -> memref<16x128xf32, #tpu.memory_space<vmem_shared>>
        tpu.enqueue_dma source(%dma_start3A_25 : memref<16x128xf32, #tpu.memory_space<vmem_shared>>) target(%dma_start3A_22 : memref<16x128xf32, #tpu.memory_space<hbm>>) target_semaphore(%run_scoped3A : memref<!tpu.dma_semaphore, #tpu.memory_space<semaphore_mem>>)
        %dma_wait3A = arith.constant 9984 : i32
        %dma_wait3A_26 = arith.constant 0 : i32
        %dma_wait3A_27 = tpu.memref_slice %arg5[%arg0, %dma_wait3A, %dma_wait3A_26] : memref<2x10000x128xf32, #tpu.memory_space<hbm>> -> memref<1x16x128xf32, #tpu.memory_space<hbm>>
        %dma_wait3A_28 = tpu.memref_squeeze %dma_wait3A_27 : memref<1x16x128xf32, #tpu.memory_space<hbm>> -> memref<16x128xf32, #tpu.memory_space<hbm>>
        %dma_wait3A_29 = arith.constant 9984 : i32
        %dma_wait3A_30 = arith.constant 0 : i32
        %dma_wait3A_31 = tpu.memref_slice %arg6[%dma_wait3A_29, %dma_wait3A_30] : memref<10000x128xf32, #tpu.memory_space<vmem_shared>> -> memref<16x128xf32, #tpu.memory_space<vmem_shared>>
        tpu.wait_dma2 semaphore(%run_scoped3A : memref<!tpu.dma_semaphore, #tpu.memory_space<semaphore_mem>>) src(%dma_wait3A_31 : memref<16x128xf32, #tpu.memory_space<vmem_shared>>) dst(%dma_wait3A_28 : memref<16x128xf32, #tpu.memory_space<hbm>>)
        tpu.yield
      }) : () -> ()
    } else {
    }
    return
  }
}

module attributes {stable_mosaic.version = 14 : i64} {
  func.func @_emb_body(%arg0: i32, %arg1: memref<400x83xf32, #tpu.memory_space<vmem>>, %arg2: memref<83x128xf32, #tpu.memory_space<vmem>>, %arg3: memref<1x128xf32, #tpu.memory_space<vmem>>, %arg4: memref<400x128xf32, #tpu.memory_space<vmem>>) attributes {dimension_semantics = [#tpu.dimension_semantics<arbitrary>], iteration_bounds = array<i64: 25>, scalar_prefetch = 0 : i64, scratch_operands = 0 : i64, tpu.core_type = #tpu.core_type<tc>, window_params = [{transform_indices = @transform_0, window_bounds = array<i64: 400, 83>}, {pipeline_mode = #tpu.pipeline_mode<synchronous>, transform_indices = @transform_1, window_bounds = array<i64: 83, 128>}, {pipeline_mode = #tpu.pipeline_mode<synchronous>, transform_indices = @transform_2, window_bounds = array<i64: 1, 128>}, {transform_indices = @transform_3, window_bounds = array<i64: 400, 128>}]} {
    %get3A = arith.constant 0 : index
    %get3A_0 = arith.constant 0 : index
    %get3A_1 = vector.load %arg1[%get3A, %get3A_0] : memref<400x83xf32, #tpu.memory_space<vmem>>, vector<400x83xf32>
    %get3A_2 = arith.constant 0 : index
    %get3A_3 = arith.constant 0 : index
    %get3A_4 = vector.load %arg2[%get3A_2, %get3A_3] : memref<83x128xf32, #tpu.memory_space<vmem>>, vector<83x128xf32>
    %dot_general3A = arith.constant dense<0.000000e+00> : vector<400x128xf32>
    %dot_general3A_5 = tpu.matmul %get3A_1, %get3A_4, %dot_general3A {dimension_numbers = #tpu.dot_dimension_numbers<[1], [0], [0], [1], [0, 0, 1, 1], [], []>, transpose_lhs_hint = false} : vector<400x83xf32>, vector<83x128xf32>, vector<400x128xf32> -> vector<400x128xf32>
    %get3A_6 = arith.constant 0 : index
    %get3A_7 = arith.constant 0 : index
    %get3A_8 = vector.load %arg3[%get3A_6, %get3A_7] : memref<1x128xf32, #tpu.memory_space<vmem>>, vector<1x128xf32>
    %add3A = vector.broadcast %get3A_8 : vector<1x128xf32> to vector<400x128xf32>
    %add3A_9 = arith.addf %dot_general3A_5, %add3A : vector<400x128xf32>
    %swap3A = arith.constant 0 : index
    %swap3A_10 = arith.constant 0 : index
    %swap3A_11 = vector.load %arg4[%swap3A, %swap3A_10] : memref<400x128xf32, #tpu.memory_space<vmem>>, vector<400x128xf32>
    tpu.vector_store %arg4[%swap3A, %swap3A_10], %add3A_9 {strides = array<i32>} : memref<400x128xf32, #tpu.memory_space<vmem>>, vector<400x128xf32>,
    return
  }
  func.func @transform_0(%arg0: i32) -> (i32, i32) {
    %c0_i32 = arith.constant 0 : i32
    %c0_i32_0 = arith.constant 0 : i32
    return %arg0, %c0_i32 : i32, i32
  }
  func.func @transform_1(%arg0: i32) -> (i32, i32) {
    %c0_i32 = arith.constant 0 : i32
    %c0_i32_0 = arith.constant 0 : i32
    %c0_i32_1 = arith.constant 0 : i32
    return %c0_i32, %c0_i32_0 : i32, i32
  }
  func.func @transform_2(%arg0: i32) -> (i32, i32) {
    %c0_i32 = arith.constant 0 : i32
    %c0_i32_0 = arith.constant 0 : i32
    %c0_i32_1 = arith.constant 0 : i32
    return %c0_i32, %c0_i32_0 : i32, i32
  }
  func.func @transform_3(%arg0: i32) -> (i32, i32) {
    %c0_i32 = arith.constant 0 : i32
    %c0_i32_0 = arith.constant 0 : i32
    return %arg0, %c0_i32 : i32, i32
  }
}

module attributes {stable_mosaic.version = 14 : i64} {
  func.func @_ab_body(%arg0: i32, %arg1: i32, %arg2: memref<400x128xf32, #tpu.memory_space<vmem>>, %arg3: memref<1x128x128xf32, #tpu.memory_space<vmem>>, %arg4: memref<400x128xf32, #tpu.memory_space<vmem>>) attributes {dimension_semantics = [#tpu.dimension_semantics<arbitrary>, #tpu.dimension_semantics<arbitrary>], iteration_bounds = array<i64: 2, 25>, scalar_prefetch = 0 : i64, scratch_operands = 0 : i64, tpu.core_type = #tpu.core_type<tc>, window_params = [{transform_indices = @transform_0, window_bounds = array<i64: 400, 128>}, {transform_indices = @transform_1, window_bounds = array<i64: 1, 128, 128>}, {transform_indices = @transform_2, window_bounds = array<i64: 400, 128>}]} {
    %get3A = arith.constant 0 : index
    %get3A_0 = arith.constant 0 : index
    %get3A_1 = vector.load %arg2[%get3A, %get3A_0] : memref<400x128xf32, #tpu.memory_space<vmem>>, vector<400x128xf32>
    %get3A_2 = arith.constant 0 : index
    %get3A_3 = arith.constant 0 : index
    %get3A_4 = arith.constant 0 : index
    %get3A_5 = vector.load %arg3[%get3A_2, %get3A_3, %get3A_4] : memref<1x128x128xf32, #tpu.memory_space<vmem>>, vector<1x128x128xf32>
    %get3A_6 = vector.shape_cast %get3A_5 : vector<1x128x128xf32> to vector<128x128xf32>
    %dot_general3A = arith.constant dense<0.000000e+00> : vector<400x128xf32>
    %dot_general3A_7 = tpu.matmul %get3A_1, %get3A_6, %dot_general3A {dimension_numbers = #tpu.dot_dimension_numbers<[1], [0], [0], [1], [0, 0, 1, 1], [], []>, transpose_lhs_hint = false} : vector<400x128xf32>, vector<128x128xf32>, vector<400x128xf32> -> vector<400x128xf32>
    %swap3A = arith.constant 0 : index
    %swap3A_8 = arith.constant 0 : index
    %swap3A_9 = vector.load %arg4[%swap3A, %swap3A_8] : memref<400x128xf32, #tpu.memory_space<vmem>>, vector<400x128xf32>
    tpu.vector_store %arg4[%swap3A, %swap3A_8], %dot_general3A_7 {strides = array<i32>} : memref<400x128xf32, #tpu.memory_space<vmem>>, vector<400x128xf32>,
    return
  }
  func.func @transform_0(%arg0: i32, %arg1: i32) -> (i32, i32) {
    %c0_i32 = arith.constant 0 : i32
    %c0_i32_0 = arith.constant 0 : i32
    return %arg1, %c0_i32 : i32, i32
  }
  func.func @transform_1(%arg0: i32, %arg1: i32) -> (i32, i32, i32) {
    %c0_i32 = arith.constant 0 : i32
    %c0_i32_0 = arith.constant 0 : i32
    %c0_i32_1 = arith.constant 0 : i32
    return %arg0, %c0_i32, %c0_i32_0 : i32, i32, i32
  }
  func.func @transform_2(%arg0: i32, %arg1: i32) -> (i32, i32) {
    %mul3A = arith.constant 25 : i32
    %mul3A_0 = arith.muli %arg0, %mul3A : i32
    %add3A = arith.addi %mul3A_0, %arg1 : i32
    %c0_i32 = arith.constant 0 : i32
    %c0_i32_1 = arith.constant 0 : i32
    return %add3A, %c0_i32 : i32, i32
  }
}

module attributes {stable_mosaic.version = 14 : i64} {
  func.func @_edge_body(%arg0: i32, %arg1: memref<512x128xf32, #tpu.memory_space<vmem>>, %arg2: memref<512x128xf32, #tpu.memory_space<vmem>>, %arg3: memref<512xf32, #tpu.memory_space<vmem>>, %arg4: memref<512xf32, #tpu.memory_space<vmem>>, %arg5: memref<1x128xf32, #tpu.memory_space<vmem>>, %arg6: memref<1x128xf32, #tpu.memory_space<vmem>>, %arg7: memref<1x128xf32, #tpu.memory_space<vmem>>, %arg8: memref<128x128xf32, #tpu.memory_space<vmem>>, %arg9: memref<1x128xf32, #tpu.memory_space<vmem>>, %arg10: memref<128x1xf32, #tpu.memory_space<vmem>>, %arg11: memref<1x1xf32, #tpu.memory_space<vmem>>, %arg12: memref<512x128xf32, #tpu.memory_space<vmem>>) attributes {dimension_semantics = [#tpu.dimension_semantics<arbitrary>], iteration_bounds = array<i64: 1250>, scalar_prefetch = 0 : i64, scratch_operands = 0 : i64, tpu.core_type = #tpu.core_type<tc>, window_params = [{transform_indices = @transform_0, window_bounds = array<i64: 512, 128>}, {transform_indices = @transform_1, window_bounds = array<i64: 512, 128>}, {transform_indices = @transform_2, window_bounds = array<i64: 512>}, {transform_indices = @transform_3, window_bounds = array<i64: 512>}, {pipeline_mode = #tpu.pipeline_mode<synchronous>, transform_indices = @transform_4, window_bounds = array<i64: 1, 128>}, {pipeline_mode = #tpu.pipeline_mode<synchronous>, transform_indices = @transform_5, window_bounds = array<i64: 1, 128>}, {pipeline_mode = #tpu.pipeline_mode<synchronous>, transform_indices = @transform_6, window_bounds = array<i64: 1, 128>}, {pipeline_mode = #tpu.pipeline_mode<synchronous>, transform_indices = @transform_7, window_bounds = array<i64: 128, 128>}, {pipeline_mode = #tpu.pipeline_mode<synchronous>, transform_indices = @transform_8, window_bounds = array<i64: 1, 128>}, {pipeline_mode = #tpu.pipeline_mode<synchronous>, transform_indices = @transform_9, window_bounds = array<i64: 128, 1>}, {pipeline_mode = #tpu.pipeline_mode<synchronous>, transform_indices = @transform_10, window_bounds = array<i64: 1, 1>}, {transform_indices = @transform_11, window_bounds = array<i64: 512, 128>}]} {
    %get3A = arith.constant 0 : index
    %get3A_0 = vector.load %arg3[%get3A] : memref<512xf32, #tpu.memory_space<vmem>>, vector<512xf32>
    %reshape3A = vector.shape_cast %get3A_0 : vector<512xf32> to vector<512x1xf32>
    %get3A_1 = arith.constant 0 : index
    %get3A_2 = vector.load %arg4[%get3A_1] : memref<512xf32, #tpu.memory_space<vmem>>, vector<512xf32>
    %reshape3A_3 = vector.shape_cast %get3A_2 : vector<512xf32> to vector<512x1xf32>
    %get3A_4 = arith.constant 0 : index
    %get3A_5 = arith.constant 0 : index
    %get3A_6 = vector.load %arg1[%get3A_4, %get3A_5] : memref<512x128xf32, #tpu.memory_space<vmem>>, vector<512x128xf32>
    %get3A_7 = arith.constant 0 : index
    %get3A_8 = arith.constant 0 : index
    %get3A_9 = vector.load %arg2[%get3A_7, %get3A_8] : memref<512x128xf32, #tpu.memory_space<vmem>>, vector<512x128xf32>
    %add3A = arith.addf %get3A_6, %get3A_9 : vector<512x128xf32>
    %get3A_10 = arith.constant 0 : index
    %get3A_11 = arith.constant 0 : index
    %get3A_12 = vector.load %arg5[%get3A_10, %get3A_11] : memref<1x128xf32, #tpu.memory_space<vmem>>, vector<1x128xf32>
    %mul3A = vector.broadcast %reshape3A : vector<512x1xf32> to vector<512x128xf32>
    %mul3A_13 = vector.broadcast %get3A_12 : vector<1x128xf32> to vector<512x128xf32>
    %mul3A_14 = arith.mulf %mul3A, %mul3A_13 : vector<512x128xf32>
    %add3A_15 = arith.addf %add3A, %mul3A_14 : vector<512x128xf32>
    %get3A_16 = arith.constant 0 : index
    %get3A_17 = arith.constant 0 : index
    %get3A_18 = vector.load %arg6[%get3A_16, %get3A_17] : memref<1x128xf32, #tpu.memory_space<vmem>>, vector<1x128xf32>
    %mul3A_19 = vector.broadcast %reshape3A_3 : vector<512x1xf32> to vector<512x128xf32>
    %mul3A_20 = vector.broadcast %get3A_18 : vector<1x128xf32> to vector<512x128xf32>
    %mul3A_21 = arith.mulf %mul3A_19, %mul3A_20 : vector<512x128xf32>
    %add3A_22 = arith.addf %add3A_15, %mul3A_21 : vector<512x128xf32>
    %get3A_23 = arith.constant 0 : index
    %get3A_24 = arith.constant 0 : index
    %get3A_25 = vector.load %arg7[%get3A_23, %get3A_24] : memref<1x128xf32, #tpu.memory_space<vmem>>, vector<1x128xf32>
    %add3A_26 = vector.broadcast %get3A_25 : vector<1x128xf32> to vector<512x128xf32>
    %add3A_27 = arith.addf %add3A_22, %add3A_26 : vector<512x128xf32>
    %mul3A_28 = arith.constant 5.000000e-01 : f32
    %mul3A_29 = vector.broadcast %mul3A_28 : f32 to vector<512x128xf32>
    %mul3A_30 = arith.mulf %mul3A_29, %add3A_27 : vector<512x128xf32>
    %tanh3A = math.tanh %mul3A_30 : vector<512x128xf32>
    %mul3A_31 = arith.constant 5.000000e-01 : f32
    %mul3A_32 = vector.broadcast %mul3A_31 : f32 to vector<512x128xf32>
    %mul3A_33 = arith.mulf %mul3A_32, %tanh3A : vector<512x128xf32>
    %add3A_34 = arith.constant 5.000000e-01 : f32
    %add3A_35 = vector.broadcast %add3A_34 : f32 to vector<512x128xf32>
    %add3A_36 = arith.addf %mul3A_33, %add3A_35 : vector<512x128xf32>
    %mul3A_37 = arith.mulf %add3A_27, %add3A_36 : vector<512x128xf32>
    %get3A_38 = arith.constant 0 : index
    %get3A_39 = arith.constant 0 : index
    %get3A_40 = vector.load %arg8[%get3A_38, %get3A_39] : memref<128x128xf32, #tpu.memory_space<vmem>>, vector<128x128xf32>
    %dot_general3A = arith.constant dense<0.000000e+00> : vector<512x128xf32>
    %dot_general3A_41 = tpu.matmul %mul3A_37, %get3A_40, %dot_general3A {dimension_numbers = #tpu.dot_dimension_numbers<[1], [0], [0], [1], [0, 0, 1, 1], [], []>, transpose_lhs_hint = false} : vector<512x128xf32>, vector<128x128xf32>, vector<512x128xf32> -> vector<512x128xf32>
    %get3A_42 = arith.constant 0 : index
    %get3A_43 = arith.constant 0 : index
    %get3A_44 = vector.load %arg9[%get3A_42, %get3A_43] : memref<1x128xf32, #tpu.memory_space<vmem>>, vector<1x128xf32>
    %add3A_45 = vector.broadcast %get3A_44 : vector<1x128xf32> to vector<512x128xf32>
    %add3A_46 = arith.addf %dot_general3A_41, %add3A_45 : vector<512x128xf32>
    %mul3A_47 = arith.constant 5.000000e-01 : f32
    %mul3A_48 = vector.broadcast %mul3A_47 : f32 to vector<512x128xf32>
    %mul3A_49 = arith.mulf %mul3A_48, %add3A_46 : vector<512x128xf32>
    %tanh3A_50 = math.tanh %mul3A_49 : vector<512x128xf32>
    %mul3A_51 = arith.constant 5.000000e-01 : f32
    %mul3A_52 = vector.broadcast %mul3A_51 : f32 to vector<512x128xf32>
    %mul3A_53 = arith.mulf %mul3A_52, %tanh3A_50 : vector<512x128xf32>
    %add3A_54 = arith.constant 5.000000e-01 : f32
    %add3A_55 = vector.broadcast %add3A_54 : f32 to vector<512x128xf32>
    %add3A_56 = arith.addf %mul3A_53, %add3A_55 : vector<512x128xf32>
    %mul3A_57 = arith.mulf %add3A_46, %add3A_56 : vector<512x128xf32>
    %get3A_58 = arith.constant 0 : index
    %get3A_59 = arith.constant 0 : index
    %get3A_60 = vector.load %arg10[%get3A_58, %get3A_59] : memref<128x1xf32, #tpu.memory_space<vmem>>, vector<128x1xf32>
    %dot_general3A_61 = arith.constant dense<0.000000e+00> : vector<512x1xf32>
    %dot_general3A_62 = tpu.matmul %mul3A_57, %get3A_60, %dot_general3A_61 {dimension_numbers = #tpu.dot_dimension_numbers<[1], [0], [0], [1], [0, 0, 1, 1], [], []>, transpose_lhs_hint = false} : vector<512x128xf32>, vector<128x1xf32>, vector<512x1xf32> -> vector<512x1xf32>
    %get3A_63 = arith.constant 0 : index
    %get3A_64 = arith.constant 0 : index
    %get3A_65 = vector.load %arg11[%get3A_63, %get3A_64] : memref<1x1xf32, #tpu.memory_space<vmem>>, vector<1x1xf32>
    %add3A_66 = vector.broadcast %get3A_65 : vector<1x1xf32> to vector<512x1xf32>
    %add3A_67 = arith.addf %dot_general3A_62, %add3A_66 : vector<512x1xf32>
    %mul3A_68 = arith.constant 5.000000e-01 : f32
    %mul3A_69 = vector.broadcast %mul3A_68 : f32 to vector<512x1xf32>
    %mul3A_70 = arith.mulf %mul3A_69, %add3A_67 : vector<512x1xf32>
    %tanh3A_71 = math.tanh %mul3A_70 : vector<512x1xf32>
    %mul3A_72 = arith.constant 5.000000e-01 : f32
    %mul3A_73 = vector.broadcast %mul3A_72 : f32 to vector<512x1xf32>
    %mul3A_74 = arith.mulf %mul3A_73, %tanh3A_71 : vector<512x1xf32>
    %add3A_75 = arith.constant 5.000000e-01 : f32
    %add3A_76 = vector.broadcast %add3A_75 : f32 to vector<512x1xf32>
    %add3A_77 = arith.addf %mul3A_74, %add3A_76 : vector<512x1xf32>
    %mul3A_78 = vector.broadcast %add3A_77 : vector<512x1xf32> to vector<512x128xf32>
    %mul3A_79 = arith.mulf %mul3A_57, %mul3A_78 : vector<512x128xf32>
    %swap3A = arith.constant 0 : index
    %swap3A_80 = arith.constant 0 : index
    %swap3A_81 = vector.load %arg12[%swap3A, %swap3A_80] : memref<512x128xf32, #tpu.memory_space<vmem>>, vector<512x128xf32>
    tpu.vector_store %arg12[%swap3A, %swap3A_80], %mul3A_79 {strides = array<i32>} : memref<512x128xf32, #tpu.memory_space<vmem>>, vector<512x128xf32>,
    return
  }
  func.func @transform_0(%arg0: i32) -> (i32, i32) {
    %c0_i32 = arith.constant 0 : i32
    %c0_i32_0 = arith.constant 0 : i32
    return %arg0, %c0_i32 : i32, i32
  }
  func.func @transform_1(%arg0: i32) -> (i32, i32) {
    %add3A = arith.constant 1250 : i32
    %add3A_0 = arith.addi %arg0, %add3A : i32
    %c0_i32 = arith.constant 0 : i32
    %c0_i32_1 = arith.constant 0 : i32
    return %add3A_0, %c0_i32 : i32, i32
  }
  func.func @transform_2(%arg0: i32) -> i32 {
    %c0_i32 = arith.constant 0 : i32
    return %arg0 : i32
  }
  func.func @transform_3(%arg0: i32) -> i32 {
    %c0_i32 = arith.constant 0 : i32
    return %arg0 : i32
  }
  func.func @transform_4(%arg0: i32) -> (i32, i32) {
    %c0_i32 = arith.constant 0 : i32
    %c0_i32_0 = arith.constant 0 : i32
    %c0_i32_1 = arith.constant 0 : i32
    return %c0_i32, %c0_i32_0 : i32, i32
  }
  func.func @transform_5(%arg0: i32) -> (i32, i32) {
    %c0_i32 = arith.constant 0 : i32
    %c0_i32_0 = arith.constant 0 : i32
    %c0_i32_1 = arith.constant 0 : i32
    return %c0_i32, %c0_i32_0 : i32, i32
  }
  func.func @transform_6(%arg0: i32) -> (i32, i32) {
    %c0_i32 = arith.constant 0 : i32
    %c0_i32_0 = arith.constant 0 : i32
    %c0_i32_1 = arith.constant 0 : i32
    return %c0_i32, %c0_i32_0 : i32, i32
  }
  func.func @transform_7(%arg0: i32) -> (i32, i32) {
    %c0_i32 = arith.constant 0 : i32
    %c0_i32_0 = arith.constant 0 : i32
    %c0_i32_1 = arith.constant 0 : i32
    return %c0_i32, %c0_i32_0 : i32, i32
  }
  func.func @transform_8(%arg0: i32) -> (i32, i32) {
    %c0_i32 = arith.constant 0 : i32
    %c0_i32_0 = arith.constant 0 : i32
    %c0_i32_1 = arith.constant 0 : i32
    return %c0_i32, %c0_i32_0 : i32, i32
  }
  func.func @transform_9(%arg0: i32) -> (i32, i32) {
    %c0_i32 = arith.constant 0 : i32
    %c0_i32_0 = arith.constant 0 : i32
    %c0_i32_1 = arith.constant 0 : i32
    return %c0_i32, %c0_i32_0 : i32, i32
  }
  func.func @transform_10(%arg0: i32) -> (i32, i32) {
    %c0_i32 = arith.constant 0 : i32
    %c0_i32_0 = arith.constant 0 : i32
    %c0_i32_1 = arith.constant 0 : i32
    return %c0_i32, %c0_i32_0 : i32, i32
  }
  func.func @transform_11(%arg0: i32) -> (i32, i32) {
    %c0_i32 = arith.constant 0 : i32
    %c0_i32_0 = arith.constant 0 : i32
    return %arg0, %c0_i32 : i32, i32
  }
}

module attributes {stable_mosaic.version = 14 : i64} {
  func.func @_node_body(%arg0: i32, %arg1: memref<400x128xf32, #tpu.memory_space<vmem>>, %arg2: memref<400x128xf32, #tpu.memory_space<vmem>>, %arg3: memref<400x128xf32, #tpu.memory_space<vmem>>, %arg4: memref<400x83xf32, #tpu.memory_space<vmem>>, %arg5: memref<128x128xf32, #tpu.memory_space<vmem>>, %arg6: memref<128x128xf32, #tpu.memory_space<vmem>>, %arg7: memref<83x128xf32, #tpu.memory_space<vmem>>, %arg8: memref<1x128xf32, #tpu.memory_space<vmem>>, %arg9: memref<128x128xf32, #tpu.memory_space<vmem>>, %arg10: memref<1x128xf32, #tpu.memory_space<vmem>>, %arg11: memref<400x128xf32, #tpu.memory_space<vmem>>) attributes {dimension_semantics = [#tpu.dimension_semantics<arbitrary>], iteration_bounds = array<i64: 25>, scalar_prefetch = 0 : i64, scratch_operands = 0 : i64, tpu.core_type = #tpu.core_type<tc>, window_params = [{transform_indices = @transform_0, window_bounds = array<i64: 400, 128>}, {transform_indices = @transform_1, window_bounds = array<i64: 400, 128>}, {transform_indices = @transform_2, window_bounds = array<i64: 400, 128>}, {transform_indices = @transform_3, window_bounds = array<i64: 400, 83>}, {pipeline_mode = #tpu.pipeline_mode<synchronous>, transform_indices = @transform_4, window_bounds = array<i64: 128, 128>}, {pipeline_mode = #tpu.pipeline_mode<synchronous>, transform_indices = @transform_5, window_bounds = array<i64: 128, 128>}, {pipeline_mode = #tpu.pipeline_mode<synchronous>, transform_indices = @transform_6, window_bounds = array<i64: 83, 128>}, {pipeline_mode = #tpu.pipeline_mode<synchronous>, transform_indices = @transform_7, window_bounds = array<i64: 1, 128>}, {pipeline_mode = #tpu.pipeline_mode<synchronous>, transform_indices = @transform_8, window_bounds = array<i64: 128, 128>}, {pipeline_mode = #tpu.pipeline_mode<synchronous>, transform_indices = @transform_9, window_bounds = array<i64: 1, 128>}, {transform_indices = @transform_10, window_bounds = array<i64: 400, 128>}]} {
    %get3A = arith.constant 0 : index
    %get3A_0 = arith.constant 0 : index
    %get3A_1 = vector.load %arg2[%get3A, %get3A_0] : memref<400x128xf32, #tpu.memory_space<vmem>>, vector<400x128xf32>
    %get3A_2 = arith.constant 0 : index
    %get3A_3 = arith.constant 0 : index
    %get3A_4 = vector.load %arg3[%get3A_2, %get3A_3] : memref<400x128xf32, #tpu.memory_space<vmem>>, vector<400x128xf32>
    %add3A = arith.addf %get3A_1, %get3A_4 : vector<400x128xf32>
    %get3A_5 = arith.constant 0 : index
    %get3A_6 = arith.constant 0 : index
    %get3A_7 = vector.load %arg1[%get3A_5, %get3A_6] : memref<400x128xf32, #tpu.memory_space<vmem>>, vector<400x128xf32>
    %get3A_8 = arith.constant 0 : index
    %get3A_9 = arith.constant 0 : index
    %get3A_10 = vector.load %arg5[%get3A_8, %get3A_9] : memref<128x128xf32, #tpu.memory_space<vmem>>, vector<128x128xf32>
    %dot_general3A = arith.constant dense<0.000000e+00> : vector<400x128xf32>
    %dot_general3A_11 = tpu.matmul %get3A_7, %get3A_10, %dot_general3A {dimension_numbers = #tpu.dot_dimension_numbers<[1], [0], [0], [1], [0, 0, 1, 1], [], []>, transpose_lhs_hint = false} : vector<400x128xf32>, vector<128x128xf32>, vector<400x128xf32> -> vector<400x128xf32>
    %get3A_12 = arith.constant 0 : index
    %get3A_13 = arith.constant 0 : index
    %get3A_14 = vector.load %arg6[%get3A_12, %get3A_13] : memref<128x128xf32, #tpu.memory_space<vmem>>, vector<128x128xf32>
    %dot_general3A_15 = arith.constant dense<0.000000e+00> : vector<400x128xf32>
    %dot_general3A_16 = tpu.matmul %add3A, %get3A_14, %dot_general3A_15 {dimension_numbers = #tpu.dot_dimension_numbers<[1], [0], [0], [1], [0, 0, 1, 1], [], []>, transpose_lhs_hint = false} : vector<400x128xf32>, vector<128x128xf32>, vector<400x128xf32> -> vector<400x128xf32>
    %add3A_17 = arith.addf %dot_general3A_11, %dot_general3A_16 : vector<400x128xf32>
    %get3A_18 = arith.constant 0 : index
    %get3A_19 = arith.constant 0 : index
    %get3A_20 = vector.load %arg4[%get3A_18, %get3A_19] : memref<400x83xf32, #tpu.memory_space<vmem>>, vector<400x83xf32>
    %get3A_21 = arith.constant 0 : index
    %get3A_22 = arith.constant 0 : index
    %get3A_23 = vector.load %arg7[%get3A_21, %get3A_22] : memref<83x128xf32, #tpu.memory_space<vmem>>, vector<83x128xf32>
    %dot_general3A_24 = arith.constant dense<0.000000e+00> : vector<400x128xf32>
    %dot_general3A_25 = tpu.matmul %get3A_20, %get3A_23, %dot_general3A_24 {dimension_numbers = #tpu.dot_dimension_numbers<[1], [0], [0], [1], [0, 0, 1, 1], [], []>, transpose_lhs_hint = false} : vector<400x83xf32>, vector<83x128xf32>, vector<400x128xf32> -> vector<400x128xf32>
    %add3A_26 = arith.addf %add3A_17, %dot_general3A_25 : vector<400x128xf32>
    %get3A_27 = arith.constant 0 : index
    %get3A_28 = arith.constant 0 : index
    %get3A_29 = vector.load %arg8[%get3A_27, %get3A_28] : memref<1x128xf32, #tpu.memory_space<vmem>>, vector<1x128xf32>
    %add3A_30 = vector.broadcast %get3A_29 : vector<1x128xf32> to vector<400x128xf32>
    %add3A_31 = arith.addf %add3A_26, %add3A_30 : vector<400x128xf32>
    %logistic3A = arith.negf %add3A_31 : vector<400x128xf32>
    %logistic3A_32 = math.exp %logistic3A : vector<400x128xf32>
    %logistic3A_33 = arith.constant 1.000000e+00 : f32
    %logistic3A_34 = vector.broadcast %logistic3A_33 : f32 to vector<400x128xf32>
    %logistic3A_35 = arith.addf %logistic3A_34, %logistic3A_32 : vector<400x128xf32>
    %logistic3A_36 = arith.divf %logistic3A_34, %logistic3A_35 : vector<400x128xf32>
    %mul3A = arith.mulf %add3A_31, %logistic3A_36 : vector<400x128xf32>
    %get3A_37 = arith.constant 0 : index
    %get3A_38 = arith.constant 0 : index
    %get3A_39 = vector.load %arg1[%get3A_37, %get3A_38] : memref<400x128xf32, #tpu.memory_space<vmem>>, vector<400x128xf32>
    %get3A_40 = arith.constant 0 : index
    %get3A_41 = arith.constant 0 : index
    %get3A_42 = vector.load %arg9[%get3A_40, %get3A_41] : memref<128x128xf32, #tpu.memory_space<vmem>>, vector<128x128xf32>
    %dot_general3A_43 = arith.constant dense<0.000000e+00> : vector<400x128xf32>
    %dot_general3A_44 = tpu.matmul %mul3A, %get3A_42, %dot_general3A_43 {dimension_numbers = #tpu.dot_dimension_numbers<[1], [0], [0], [1], [0, 0, 1, 1], [], []>, transpose_lhs_hint = false} : vector<400x128xf32>, vector<128x128xf32>, vector<400x128xf32> -> vector<400x128xf32>
    %add3A_45 = arith.addf %get3A_39, %dot_general3A_44 : vector<400x128xf32>
    %get3A_46 = arith.constant 0 : index
    %get3A_47 = arith.constant 0 : index
    %get3A_48 = vector.load %arg10[%get3A_46, %get3A_47] : memref<1x128xf32, #tpu.memory_space<vmem>>, vector<1x128xf32>
    %add3A_49 = vector.broadcast %get3A_48 : vector<1x128xf32> to vector<400x128xf32>
    %add3A_50 = arith.addf %add3A_45, %add3A_49 : vector<400x128xf32>
    %swap3A = arith.constant 0 : index
    %swap3A_51 = arith.constant 0 : index
    %swap3A_52 = vector.load %arg11[%swap3A, %swap3A_51] : memref<400x128xf32, #tpu.memory_space<vmem>>, vector<400x128xf32>
    tpu.vector_store %arg11[%swap3A, %swap3A_51], %add3A_50 {strides = array<i32>} : memref<400x128xf32, #tpu.memory_space<vmem>>, vector<400x128xf32>,
    return
  }
  func.func @transform_0(%arg0: i32) -> (i32, i32) {
    %c0_i32 = arith.constant 0 : i32
    %c0_i32_0 = arith.constant 0 : i32
    return %arg0, %c0_i32 : i32, i32
  }
  func.func @transform_1(%arg0: i32) -> (i32, i32) {
    %c0_i32 = arith.constant 0 : i32
    %c0_i32_0 = arith.constant 0 : i32
    return %arg0, %c0_i32 : i32, i32
  }
  func.func @transform_2(%arg0: i32) -> (i32, i32) {
    %c0_i32 = arith.constant 0 : i32
    %c0_i32_0 = arith.constant 0 : i32
    return %arg0, %c0_i32 : i32, i32
  }
  func.func @transform_3(%arg0: i32) -> (i32, i32) {
    %c0_i32 = arith.constant 0 : i32
    %c0_i32_0 = arith.constant 0 : i32
    return %arg0, %c0_i32 : i32, i32
  }
  func.func @transform_4(%arg0: i32) -> (i32, i32) {
    %c0_i32 = arith.constant 0 : i32
    %c0_i32_0 = arith.constant 0 : i32
    %c0_i32_1 = arith.constant 0 : i32
    return %c0_i32, %c0_i32_0 : i32, i32
  }
  func.func @transform_5(%arg0: i32) -> (i32, i32) {
    %c0_i32 = arith.constant 0 : i32
    %c0_i32_0 = arith.constant 0 : i32
    %c0_i32_1 = arith.constant 0 : i32
    return %c0_i32, %c0_i32_0 : i32, i32
  }
  func.func @transform_6(%arg0: i32) -> (i32, i32) {
    %c0_i32 = arith.constant 0 : i32
    %c0_i32_0 = arith.constant 0 : i32
    %c0_i32_1 = arith.constant 0 : i32
    return %c0_i32, %c0_i32_0 : i32, i32
  }
  func.func @transform_7(%arg0: i32) -> (i32, i32) {
    %c0_i32 = arith.constant 0 : i32
    %c0_i32_0 = arith.constant 0 : i32
    %c0_i32_1 = arith.constant 0 : i32
    return %c0_i32, %c0_i32_0 : i32, i32
  }
  func.func @transform_8(%arg0: i32) -> (i32, i32) {
    %c0_i32 = arith.constant 0 : i32
    %c0_i32_0 = arith.constant 0 : i32
    %c0_i32_1 = arith.constant 0 : i32
    return %c0_i32, %c0_i32_0 : i32, i32
  }
  func.func @transform_9(%arg0: i32) -> (i32, i32) {
    %c0_i32 = arith.constant 0 : i32
    %c0_i32_0 = arith.constant 0 : i32
    %c0_i32_1 = arith.constant 0 : i32
    return %c0_i32, %c0_i32_0 : i32, i32
  }
  func.func @transform_10(%arg0: i32) -> (i32, i32) {
    %c0_i32 = arith.constant 0 : i32
    %c0_i32_0 = arith.constant 0 : i32
    return %arg0, %c0_i32 : i32, i32
  }
}

module attributes {stable_mosaic.version = 14 : i64} {
  func.func @_final_body(%arg0: i32, %arg1: memref<400x128xf32, #tpu.memory_space<vmem>>, %arg2: memref<400x1280xf32, #tpu.memory_space<vmem>>, %arg3: memref<128x128xf32, #tpu.memory_space<vmem>>, %arg4: memref<1x128xf32, #tpu.memory_space<vmem>>, %arg5: memref<128x128xf32, #tpu.memory_space<vmem>>, %arg6: memref<1x128xf32, #tpu.memory_space<vmem>>, %arg7: memref<1280x256xf32, #tpu.memory_space<vmem>>, %arg8: memref<1x256xf32, #tpu.memory_space<vmem>>, %arg9: memref<256x128xf32, #tpu.memory_space<vmem>>, %arg10: memref<1x128xf32, #tpu.memory_space<vmem>>, %arg11: memref<128x256xf32, #tpu.memory_space<vmem>>, %arg12: memref<128x256xf32, #tpu.memory_space<vmem>>, %arg13: memref<1x256xf32, #tpu.memory_space<vmem>>, %arg14: memref<1x256xf32, #tpu.memory_space<vmem>>, %arg15: memref<1x1xf32, #tpu.memory_space<vmem>>, %arg16: memref<400x1xf32, #tpu.memory_space<vmem>>) attributes {dimension_semantics = [#tpu.dimension_semantics<arbitrary>], iteration_bounds = array<i64: 25>, scalar_prefetch = 0 : i64, scratch_operands = 0 : i64, tpu.core_type = #tpu.core_type<tc>, window_params = [{transform_indices = @transform_0, window_bounds = array<i64: 400, 128>}, {transform_indices = @transform_1, window_bounds = array<i64: 400, 1280>}, {pipeline_mode = #tpu.pipeline_mode<synchronous>, transform_indices = @transform_2, window_bounds = array<i64: 128, 128>}, {pipeline_mode = #tpu.pipeline_mode<synchronous>, transform_indices = @transform_3, window_bounds = array<i64: 1, 128>}, {pipeline_mode = #tpu.pipeline_mode<synchronous>, transform_indices = @transform_4, window_bounds = array<i64: 128, 128>}, {pipeline_mode = #tpu.pipeline_mode<synchronous>, transform_indices = @transform_5, window_bounds = array<i64: 1, 128>}, {pipeline_mode = #tpu.pipeline_mode<synchronous>, transform_indices = @transform_6, window_bounds = array<i64: 1280, 256>}, {pipeline_mode = #tpu.pipeline_mode<synchronous>, transform_indices = @transform_7, window_bounds = array<i64: 1, 256>}, {pipeline_mode = #tpu.pipeline_mode<synchronous>, transform_indices = @transform_8, window_bounds = array<i64: 256, 128>}, {pipeline_mode = #tpu.pipeline_mode<synchronous>, transform_indices = @transform_9, window_bounds = array<i64: 1, 128>}, {pipeline_mode = #tpu.pipeline_mode<synchronous>, transform_indices = @transform_10, window_bounds = array<i64: 128, 256>}, {pipeline_mode = #tpu.pipeline_mode<synchronous>, transform_indices = @transform_11, window_bounds = array<i64: 128, 256>}, {pipeline_mode = #tpu.pipeline_mode<synchronous>, transform_indices = @transform_12, window_bounds = array<i64: 1, 256>}, {pipeline_mode = #tpu.pipeline_mode<synchronous>, transform_indices = @transform_13, window_bounds = array<i64: 1, 256>}, {pipeline_mode = #tpu.pipeline_mode<synchronous>, transform_indices = @transform_14, window_bounds = array<i64: 1, 1>}, {transform_indices = @transform_15, window_bounds = array<i64: 400, 1>}]} {
    %get3A = arith.constant 0 : index
    %get3A_0 = arith.constant 0 : index
    %get3A_1 = vector.load %arg1[%get3A, %get3A_0] : memref<400x128xf32, #tpu.memory_space<vmem>>, vector<400x128xf32>
    %get3A_2 = arith.constant 0 : index
    %get3A_3 = arith.constant 0 : index
    %get3A_4 = vector.load %arg3[%get3A_2, %get3A_3] : memref<128x128xf32, #tpu.memory_space<vmem>>, vector<128x128xf32>
    %dot_general3A = arith.constant dense<0.000000e+00> : vector<400x128xf32>
    %dot_general3A_5 = tpu.matmul %get3A_1, %get3A_4, %dot_general3A {dimension_numbers = #tpu.dot_dimension_numbers<[1], [0], [0], [1], [0, 0, 1, 1], [], []>, transpose_lhs_hint = false} : vector<400x128xf32>, vector<128x128xf32>, vector<400x128xf32> -> vector<400x128xf32>
    %get3A_6 = arith.constant 0 : index
    %get3A_7 = arith.constant 0 : index
    %get3A_8 = vector.load %arg4[%get3A_6, %get3A_7] : memref<1x128xf32, #tpu.memory_space<vmem>>, vector<1x128xf32>
    %add3A = vector.broadcast %get3A_8 : vector<1x128xf32> to vector<400x128xf32>
    %add3A_9 = arith.addf %dot_general3A_5, %add3A : vector<400x128xf32>
    %logistic3A = arith.negf %add3A_9 : vector<400x128xf32>
    %logistic3A_10 = math.exp %logistic3A : vector<400x128xf32>
    %logistic3A_11 = arith.constant 1.000000e+00 : f32
    %logistic3A_12 = vector.broadcast %logistic3A_11 : f32 to vector<400x128xf32>
    %logistic3A_13 = arith.addf %logistic3A_12, %logistic3A_10 : vector<400x128xf32>
    %logistic3A_14 = arith.divf %logistic3A_12, %logistic3A_13 : vector<400x128xf32>
    %mul3A = arith.mulf %add3A_9, %logistic3A_14 : vector<400x128xf32>
    %get3A_15 = arith.constant 0 : index
    %get3A_16 = arith.constant 0 : index
    %get3A_17 = vector.load %arg5[%get3A_15, %get3A_16] : memref<128x128xf32, #tpu.memory_space<vmem>>, vector<128x128xf32>
    %dot_general3A_18 = arith.constant dense<0.000000e+00> : vector<400x128xf32>
    %dot_general3A_19 = tpu.matmul %mul3A, %get3A_17, %dot_general3A_18 {dimension_numbers = #tpu.dot_dimension_numbers<[1], [0], [0], [1], [0, 0, 1, 1], [], []>, transpose_lhs_hint = false} : vector<400x128xf32>, vector<128x128xf32>, vector<400x128xf32> -> vector<400x128xf32>
    %get3A_20 = arith.constant 0 : index
    %get3A_21 = arith.constant 0 : index
    %get3A_22 = vector.load %arg6[%get3A_20, %get3A_21] : memref<1x128xf32, #tpu.memory_space<vmem>>, vector<1x128xf32>
    %add3A_23 = vector.broadcast %get3A_22 : vector<1x128xf32> to vector<400x128xf32>
    %add3A_24 = arith.addf %dot_general3A_19, %add3A_23 : vector<400x128xf32>
    %get3A_25 = arith.constant 0 : index
    %get3A_26 = arith.constant 0 : index
    %get3A_27 = vector.load %arg2[%get3A_25, %get3A_26] : memref<400x1280xf32, #tpu.memory_space<vmem>>, vector<400x1280xf32>
    %get3A_28 = arith.constant 0 : index
    %get3A_29 = arith.constant 0 : index
    %get3A_30 = vector.load %arg7[%get3A_28, %get3A_29] : memref<1280x256xf32, #tpu.memory_space<vmem>>, vector<1280x256xf32>
    %dot_general3A_31 = arith.constant dense<0.000000e+00> : vector<400x256xf32>
    %dot_general3A_32 = tpu.matmul %get3A_27, %get3A_30, %dot_general3A_31 {dimension_numbers = #tpu.dot_dimension_numbers<[1], [0], [0], [1], [0, 0, 1, 1], [], []>, transpose_lhs_hint = false} : vector<400x1280xf32>, vector<1280x256xf32>, vector<400x256xf32> -> vector<400x256xf32>
    %get3A_33 = arith.constant 0 : index
    %get3A_34 = arith.constant 0 : index
    %get3A_35 = vector.load %arg8[%get3A_33, %get3A_34] : memref<1x256xf32, #tpu.memory_space<vmem>>, vector<1x256xf32>
    %add3A_36 = vector.broadcast %get3A_35 : vector<1x256xf32> to vector<400x256xf32>
    %add3A_37 = arith.addf %dot_general3A_32, %add3A_36 : vector<400x256xf32>
    %max3A = arith.constant 0.000000e+00 : f32
    %max3A_38 = vector.broadcast %max3A : f32 to vector<400x256xf32>
    %max3A_39 = arith.maximumf %add3A_37, %max3A_38 : vector<400x256xf32>
    %get3A_40 = arith.constant 0 : index
    %get3A_41 = arith.constant 0 : index
    %get3A_42 = vector.load %arg9[%get3A_40, %get3A_41] : memref<256x128xf32, #tpu.memory_space<vmem>>, vector<256x128xf32>
    %dot_general3A_43 = arith.constant dense<0.000000e+00> : vector<400x128xf32>
    %dot_general3A_44 = tpu.matmul %max3A_39, %get3A_42, %dot_general3A_43 {dimension_numbers = #tpu.dot_dimension_numbers<[1], [0], [0], [1], [0, 0, 1, 1], [], []>, transpose_lhs_hint = false} : vector<400x256xf32>, vector<256x128xf32>, vector<400x128xf32> -> vector<400x128xf32>
    %get3A_45 = arith.constant 0 : index
    %get3A_46 = arith.constant 0 : index
    %get3A_47 = vector.load %arg10[%get3A_45, %get3A_46] : memref<1x128xf32, #tpu.memory_space<vmem>>, vector<1x128xf32>
    %add3A_48 = vector.broadcast %get3A_47 : vector<1x128xf32> to vector<400x128xf32>
    %add3A_49 = arith.addf %dot_general3A_44, %add3A_48 : vector<400x128xf32>
    %max3A_50 = arith.constant 0.000000e+00 : f32
    %max3A_51 = vector.broadcast %max3A_50 : f32 to vector<400x128xf32>
    %max3A_52 = arith.maximumf %add3A_49, %max3A_51 : vector<400x128xf32>
    %get3A_53 = arith.constant 0 : index
    %get3A_54 = arith.constant 0 : index
    %get3A_55 = vector.load %arg11[%get3A_53, %get3A_54] : memref<128x256xf32, #tpu.memory_space<vmem>>, vector<128x256xf32>
    %dot_general3A_56 = arith.constant dense<0.000000e+00> : vector<400x256xf32>
    %dot_general3A_57 = tpu.matmul %add3A_24, %get3A_55, %dot_general3A_56 {dimension_numbers = #tpu.dot_dimension_numbers<[1], [0], [0], [1], [0, 0, 1, 1], [], []>, transpose_lhs_hint = false} : vector<400x128xf32>, vector<128x256xf32>, vector<400x256xf32> -> vector<400x256xf32>
    %get3A_58 = arith.constant 0 : index
    %get3A_59 = arith.constant 0 : index
    %get3A_60 = vector.load %arg12[%get3A_58, %get3A_59] : memref<128x256xf32, #tpu.memory_space<vmem>>, vector<128x256xf32>
    %dot_general3A_61 = arith.constant dense<0.000000e+00> : vector<400x256xf32>
    %dot_general3A_62 = tpu.matmul %max3A_52, %get3A_60, %dot_general3A_61 {dimension_numbers = #tpu.dot_dimension_numbers<[1], [0], [0], [1], [0, 0, 1, 1], [], []>, transpose_lhs_hint = false} : vector<400x128xf32>, vector<128x256xf32>, vector<400x256xf32> -> vector<400x256xf32>
    %add3A_63 = arith.addf %dot_general3A_57, %dot_general3A_62 : vector<400x256xf32>
    %get3A_64 = arith.constant 0 : index
    %get3A_65 = arith.constant 0 : index
    %get3A_66 = vector.load %arg13[%get3A_64, %get3A_65] : memref<1x256xf32, #tpu.memory_space<vmem>>, vector<1x256xf32>
    %add3A_67 = vector.broadcast %get3A_66 : vector<1x256xf32> to vector<400x256xf32>
    %add3A_68 = arith.addf %add3A_63, %add3A_67 : vector<400x256xf32>
    %logistic3A_69 = arith.negf %add3A_68 : vector<400x256xf32>
    %logistic3A_70 = math.exp %logistic3A_69 : vector<400x256xf32>
    %logistic3A_71 = arith.constant 1.000000e+00 : f32
    %logistic3A_72 = vector.broadcast %logistic3A_71 : f32 to vector<400x256xf32>
    %logistic3A_73 = arith.addf %logistic3A_72, %logistic3A_70 : vector<400x256xf32>
    %logistic3A_74 = arith.divf %logistic3A_72, %logistic3A_73 : vector<400x256xf32>
    %mul3A_75 = arith.mulf %add3A_68, %logistic3A_74 : vector<400x256xf32>
    %get3A_76 = arith.constant 0 : index
    %get3A_77 = arith.constant 0 : index
    %get3A_78 = vector.load %arg14[%get3A_76, %get3A_77] : memref<1x256xf32, #tpu.memory_space<vmem>>, vector<1x256xf32>
    %mul3A_79 = vector.broadcast %get3A_78 : vector<1x256xf32> to vector<400x256xf32>
    %mul3A_80 = arith.mulf %mul3A_75, %mul3A_79 : vector<400x256xf32>
    %reduce_sum3A = arith.constant dense<0.000000e+00> : vector<400xf32>
    %reduce_sum3A_81 = vector.multi_reduction <add>, %mul3A_80, %reduce_sum3A [1] : vector<400x256xf32> to vector<400xf32>
    %broadcast_in_dim3A = vector.shape_cast %reduce_sum3A_81 : vector<400xf32> to vector<400x1xf32>
    %get3A_82 = arith.constant 0 : index
    %get3A_83 = arith.constant 0 : index
    %get3A_84 = vector.load %arg15[%get3A_82, %get3A_83] : memref<1x1xf32, #tpu.memory_space<vmem>>, vector<1x1xf32>
    %add3A_85 = vector.broadcast %get3A_84 : vector<1x1xf32> to vector<400x1xf32>
    %add3A_86 = arith.addf %broadcast_in_dim3A, %add3A_85 : vector<400x1xf32>
    %logistic3A_87 = arith.negf %add3A_86 : vector<400x1xf32>
    %logistic3A_88 = math.exp %logistic3A_87 : vector<400x1xf32>
    %logistic3A_89 = arith.constant 1.000000e+00 : f32
    %logistic3A_90 = vector.broadcast %logistic3A_89 : f32 to vector<400x1xf32>
    %logistic3A_91 = arith.addf %logistic3A_90, %logistic3A_88 : vector<400x1xf32>
    %logistic3A_92 = arith.divf %logistic3A_90, %logistic3A_91 : vector<400x1xf32>
    %swap3A = arith.constant 0 : index
    %swap3A_93 = arith.constant 0 : index
    %swap3A_94 = vector.load %arg16[%swap3A, %swap3A_93] : memref<400x1xf32, #tpu.memory_space<vmem>>, vector<400x1xf32>
    tpu.vector_store %arg16[%swap3A, %swap3A_93], %logistic3A_92 {strides = array<i32>} : memref<400x1xf32, #tpu.memory_space<vmem>>, vector<400x1xf32>,
    return
  }
  func.func @transform_0(%arg0: i32) -> (i32, i32) {
    %c0_i32 = arith.constant 0 : i32
    %c0_i32_0 = arith.constant 0 : i32
    return %arg0, %c0_i32 : i32, i32
  }
  func.func @transform_1(%arg0: i32) -> (i32, i32) {
    %c0_i32 = arith.constant 0 : i32
    %c0_i32_0 = arith.constant 0 : i32
    return %arg0, %c0_i32 : i32, i32
  }
  func.func @transform_2(%arg0: i32) -> (i32, i32) {
    %c0_i32 = arith.constant 0 : i32
    %c0_i32_0 = arith.constant 0 : i32
    %c0_i32_1 = arith.constant 0 : i32
    return %c0_i32, %c0_i32_0 : i32, i32
  }
  func.func @transform_3(%arg0: i32) -> (i32, i32) {
    %c0_i32 = arith.constant 0 : i32
    %c0_i32_0 = arith.constant 0 : i32
    %c0_i32_1 = arith.constant 0 : i32
    return %c0_i32, %c0_i32_0 : i32, i32
  }
  func.func @transform_4(%arg0: i32) -> (i32, i32) {
    %c0_i32 = arith.constant 0 : i32
    %c0_i32_0 = arith.constant 0 : i32
    %c0_i32_1 = arith.constant 0 : i32
    return %c0_i32, %c0_i32_0 : i32, i32
  }
  func.func @transform_5(%arg0: i32) -> (i32, i32) {
    %c0_i32 = arith.constant 0 : i32
    %c0_i32_0 = arith.constant 0 : i32
    %c0_i32_1 = arith.constant 0 : i32
    return %c0_i32, %c0_i32_0 : i32, i32
  }
  func.func @transform_6(%arg0: i32) -> (i32, i32) {
    %c0_i32 = arith.constant 0 : i32
    %c0_i32_0 = arith.constant 0 : i32
    %c0_i32_1 = arith.constant 0 : i32
    return %c0_i32, %c0_i32_0 : i32, i32
  }
  func.func @transform_7(%arg0: i32) -> (i32, i32) {
    %c0_i32 = arith.constant 0 : i32
    %c0_i32_0 = arith.constant 0 : i32
    %c0_i32_1 = arith.constant 0 : i32
    return %c0_i32, %c0_i32_0 : i32, i32
  }
  func.func @transform_8(%arg0: i32) -> (i32, i32) {
    %c0_i32 = arith.constant 0 : i32
    %c0_i32_0 = arith.constant 0 : i32
    %c0_i32_1 = arith.constant 0 : i32
    return %c0_i32, %c0_i32_0 : i32, i32
  }
  func.func @transform_9(%arg0: i32) -> (i32, i32) {
    %c0_i32 = arith.constant 0 : i32
    %c0_i32_0 = arith.constant 0 : i32
    %c0_i32_1 = arith.constant 0 : i32
    return %c0_i32, %c0_i32_0 : i32, i32
  }
  func.func @transform_10(%arg0: i32) -> (i32, i32) {
    %c0_i32 = arith.constant 0 : i32
    %c0_i32_0 = arith.constant 0 : i32
    %c0_i32_1 = arith.constant 0 : i32
    return %c0_i32, %c0_i32_0 : i32, i32
  }
  func.func @transform_11(%arg0: i32) -> (i32, i32) {
    %c0_i32 = arith.constant 0 : i32
    %c0_i32_0 = arith.constant 0 : i32
    %c0_i32_1 = arith.constant 0 : i32
    return %c0_i32, %c0_i32_0 : i32, i32
  }
  func.func @transform_12(%arg0: i32) -> (i32, i32) {
    %c0_i32 = arith.constant 0 : i32
    %c0_i32_0 = arith.constant 0 : i32
    %c0_i32_1 = arith.constant 0 : i32
    return %c0_i32, %c0_i32_0 : i32, i32
  }
  func.func @transform_13(%arg0: i32) -> (i32, i32) {
    %c0_i32 = arith.constant 0 : i32
    %c0_i32_0 = arith.constant 0 : i32
    %c0_i32_1 = arith.constant 0 : i32
    return %c0_i32, %c0_i32_0 : i32, i32
  }
  func.func @transform_14(%arg0: i32) -> (i32, i32) {
    %c0_i32 = arith.constant 0 : i32
    %c0_i32_0 = arith.constant 0 : i32
    %c0_i32_1 = arith.constant 0 : i32
    return %c0_i32, %c0_i32_0 : i32, i32
  }
  func.func @transform_15(%arg0: i32) -> (i32, i32) {
    %c0_i32 = arith.constant 0 : i32
    %c0_i32_0 = arith.constant 0 : i32
    return %arg0, %c0_i32 : i32, i32
  }
}

</mosaic_0001>

<sc_bundles>
// kernel: kernel.25.cloned.1.call-start
scs
__scs_entry_jumppad:
0x0: {  	(pc) =	sbr.rel $0x88, $3  }
0x1: {  	(tag) =	ssettag $0x0;
	lr =	simm.s32 $0x1  }
0x2: {  	[smem:$0x3F85] =	sst lr;
	_ =	strace $0xD0000000  }
0x3: {  	_ = 	snop  }
0x4: {  	_ = 	snop  }
0x5: {  	_ = 	snop  }
0x6: {  	_ = 	snop  }
0x7: {  	_ = 	snop  }
__scs_overlays_trampoline_lowered:
0x8: {  	[smem:$0x3F94] =	sst s0  }
0x9: {  	[smem:$0x3F95] =	sst s1  }
0xa: {  	[smem:$0x3F96] =	sst s2  }
0xb: {  	[smem:$0x3F97] =	sst s3  }
0xc: {  	[smem:$0x3F98] =	sst s4  }
0xd: {  	[smem:$0x3F99] =	sst s5  }
0xe: {  	[smem:$0x3F9A] =	sst s6  }
0xf: {  	[smem:$0x3F9B] =	sst s7  }
0x10: {  	[smem:$0x3F9C] =	sst s8  }
0x11: {  	[smem:$0x3F9D] =	sst s9;
	s0 =	simm.s32 @!p0 $0x0  }
0x12: {  	s1 =	sld [smem:$0x3F83];
	s0 =	simm.s32 @p0 $0x1  }
0x13: {  	[smem:$0x3F9E] =	sst s0;
	s0 =	simm.s32 @!p1 $0x0  }
0x14: {  	s2 =	sld [smem:$0x3F82];
	s0 =	simm.s32 @p1 $0x1  }
0x15: {  	[smem:$0x3F9F] =	sst s0;
	s0 =	simm.s32 @!p2 $0x0  }
0x16: {  	s3 =	sld [smem:$0x3FDB];
	s0 =	simm.s32 @p2 $0x1  }
0x17: {  	s4 =	simm.s32 $0x1BF5;
	[smem:$0x3FA1] =	sst s0  }
0x18: {  	s0 =	sld [smem:$0x3F84];
	_ =	swait.ge [sflag:s4], $0x0  }
0x19: {  	s7 =	sld [smem:$0x3F85]  }
0x1a: {  	s8 =	sadd.s32 $0xFFFFE003, lr  }
0x1b: {  	s9 =	sadd.s32 $0xFFFFFEF7, lr;
	s5 =	simm.s32 $0xFFFFFFFF;
	p2 =	slt.u32 s8, $0xFFFFF086  }
0x1c: {  	p1 =	slt.u32 s9, $0xF7A;
	s5 =	simm.s32 @!p2 $0x0  }
0x1d: {  	s5 =	simm.s32 @p1 $0x1;
	p0 =	seq.s32 s7, s2  }
0x1e: {  	s7 =	smul.u32 @!p0 $0xF7A, s2;
	p2 =	seq.s32 @!p0 s5, $0x0  }
0x1f: {  	s9 =	smul.u32 $0xF7A, s1;
	s8 =	simm.s32 @!p0 $0x1BF5;
	p2 =	por !p2, p0  }
0x20: {  	[sflag:s8] =	ssyncset.s32 @!p0 $0xFFFFF086;
	s6 =	sadd.s32 @!p0 s3, s7;
	s7 =	simm.s32 @!p0 $0x108  }
0x21: {  	s3 =	sadd.s32 s3, s9;
	s6 =	sadd.s32 @!p0 $0x88, s6;
	s7 =	simm.s32 @p2 $0x1082  }
0x22: {  	[simem:s7], [sflag:s8] =	dma.local @!p0 [hbm:s6], $0xF7A  }
0x23: {  	s9 =	sor.u32 $0xD0000000, s2;
	s6 =	simm.s32 $0x108;
	_ =	swait.ge @!p0 [sflag:s8], $0x0  }
0x24: {  	s3 =	sadd.s32 $0x88, s3;
	s6 =	simm.s32 @!p1 $0x1082;
	[sflag:s4] =	ssyncset.s32 $0xFFFFF086  }
0x25: {  	[simem:s6], [sflag:s4] =	dma.local [hbm:s3], $0xF7A  }
0x26: {  	[smem:$0x3F85] =	sst s1;
	(tag) =	ssettag s2;
	_ =	strace s9  }
0x27: {  	s1 =	sld [smem:$0x3F95]  }
0x28: {  	s2 =	sld [smem:$0x3F96]  }
0x29: {  	s4 =	sld [smem:$0x3F98]  }
0x2a: {  	p0 =	seq.s32 s5, $0x0;
	s5 =	sld [smem:$0x3F99]  }
0x2b: {  	s6 =	sld [smem:$0x3F9A]  }
0x2c: {  	s7 =	sld [smem:$0x3F9B]  }
0x2d: {  	s3 =	simm.s32 $0x108;
	s8 =	sld [smem:$0x3F9C]  }
0x2e: {  	s3 =	simm.s32 @!p0 $0x1082;
	s9 =	sld [smem:$0x3F9D]  }
0x2f: {  	lr =	sadd.s32 s0, s3;
	s0 =	sld [smem:$0x3F94]  }
0x30: {  	s3 =	sld [smem:$0x3F97]  }
0x31: {  	[smem:$0x3FA0] =	sst s10  }
0x32: {  	s10 =	sld [smem:$0x3F9E];
	_ =	sdelay $0x3  }
0x33: {  	p0 =	seq.s32 s10, $0x1;
	s10 =	sld [smem:$0x3FA0];
	_ =	sdelay $0x3  }
0x34: {  	[smem:$0x3FA0] =	sst s10  }
0x35: {  	s10 =	sld [smem:$0x3F9F];
	_ =	sdelay $0x3  }
0x36: {  	p1 =	seq.s32 s10, $0x1;
	s10 =	sld [smem:$0x3FA0];
	_ =	sdelay $0x3  }
0x37: {  	[smem:$0x3FA0] =	sst s10  }
0x38: {  	s10 =	sld [smem:$0x3FA1]  }
0x39: {  	_ = 	snop;
	(pc) =	sbr.ind lr, $3  }
0x3a: {  	_ = 	snop  }
0x3b: {  	_ = 	snop  }
0x3c: {  	p2 =	seq.s32 s10, $0x1;
	s10 =	sld [smem:$0x3FA0]  }
0x3d: {  	_ =	shalt  }
0x3e: {  	_ =	shalt  }
0x3f: {  	_ =	shalt  }
0x40: {  	_ =	shalt  }
0x41: {  	_ =	shalt  }
0x42: {  	_ =	shalt  }
0x43: {  	_ =	shalt  }
0x44: {  	_ =	shalt  }
0x45: {  	_ =	shalt  }
0x46: {  	_ =	shalt  }
0x47: {  	_ =	shalt  }
0x48: {  	_ =	shalt  }
0x49: {  	_ =	shalt  }
0x4a: {  	_ =	shalt  }
0x4b: {  	_ =	shalt  }
0x4c: {  	_ =	shalt  }
0x4d: {  	_ =	shalt  }
0x4e: {  	_ =	shalt  }
0x4f: {  	_ =	shalt  }
0x50: {  	_ =	shalt  }
0x51: {  	_ =	shalt  }
0x52: {  	_ =	shalt  }
0x53: {  	_ =	shalt  }
0x54: {  	_ =	shalt  }
0x55: {  	_ =	shalt  }
0x56: {  	_ =	shalt  }
0x57: {  	_ =	shalt  }
0x58: {  	_ =	shalt  }
0x59: {  	_ =	shalt  }
0x5a: {  	_ =	shalt  }
0x5b: {  	_ =	shalt  }
0x5c: {  	_ =	shalt  }
0x5d: {  	_ =	shalt  }
0x5e: {  	_ =	shalt  }
0x5f: {  	_ =	shalt  }
0x60: {  	_ =	shalt  }
0x61: {  	_ =	shalt  }
0x62: {  	_ =	shalt  }
0x63: {  	_ =	shalt  }
0x64: {  	_ =	shalt  }
0x65: {  	_ =	shalt  }
0x66: {  	_ =	shalt  }
0x67: {  	_ =	shalt  }
0x68: {  	_ =	shalt  }
0x69: {  	_ =	shalt  }
0x6a: {  	_ =	shalt  }
0x6b: {  	_ =	shalt  }
0x6c: {  	_ =	shalt  }
0x6d: {  	_ =	shalt  }
0x6e: {  	_ =	shalt  }
0x6f: {  	_ =	shalt  }
0x70: {  	_ =	shalt  }
0x71: {  	_ =	shalt  }
0x72: {  	_ =	shalt  }
0x73: {  	_ =	shalt  }
0x74: {  	_ =	shalt  }
0x75: {  	_ =	shalt  }
0x76: {  	_ =	shalt  }
0x77: {  	_ =	shalt  }
0x78: {  	_ =	shalt  }
0x79: {  	_ =	shalt  }
0x7a: {  	_ =	shalt  }
0x7b: {  	_ =	shalt  }
0x7c: {  	_ =	shalt  }
0x7d: {  	_ =	shalt  }
0x7e: {  	_ =	shalt  }
0x7f: {  	_ =	shalt  }
0x80: {  	_ =	shalt  }
0x81: {  	_ =	shalt  }
0x82: {  	_ =	shalt  }
0x83: {  	_ =	shalt  }
0x84: {  	_ =	shalt  }
0x85: {  	_ =	shalt  }
0x86: {  	_ =	shalt  }
0x87: {  	_ =	shalt  }
.Lfunc_end0:
.L_simem_size_0:
called_computation_lowered:
.L_overlay_start_0:
0x88: {  	s2 =	sld [smem:$0x3FD9]  }
0x89: {  	s3 =	sld [smem:$0x3FFE];
	_ =	sdelay $0x1  }
0x8a: {  	s1 =	srdreg.scid  }
0x8b: {  	s0 =	sand.u32 $0x1, s1  }
0x8c: {  	s16 =	sshll.u32 s0, $0xA;
	s2 =	sadd.s32 s3, s2  }
0x8d: {  	s2 =	sadd.s32 s2, s16  }
0x8e: {  	[smem:$0x3FAC] =	sst s2  }
0x8f: {  	_ = 	snop  }
0x90: {  	(tm) =	ssettm $0x1  }
0x91: {  	s17 =	sld [smem:$0x3FFB];
	_ =	sdelay $0x3  }
0x92: {  	_ =	strace s17  }
0x93: {  	s2 =	sld [smem:$0x3FFC];
	_ =	sdelay $0x3  }
0x94: {  	_ =	strace s2  }
0x95: {  	s2 =	sld [smem:$0x3FFD];
	_ =	sdelay $0x3  }
0x96: {  	_ =	strace s2  }
0x97: {  	_ =	strace $0x8FFFFFFF  }
0x98: {  	s18 =	sld [smem:$0x3FDB];
	_ =	sdelay $0x1  }
0x99: {  	s19 =	simm.s32 $_scs_section_size  }
0x9a: {  	s4 =	simm.s32 $_size__tile_overlayer_lowered;
	s5 =	simm.s32 $_tile_overlayer_lowered  }
0x9b: {  	s22 =	simm.s32 $0x1BFF;
	s21 =	sshll.u32 s5, $0x1;
	s2 =	sadd.s32 s19, s18  }
0x9c: {  	s6 =	simm.s32 $0x0;
	s20 =	sshll.u32 s4, $0x1;
	s4 =	sadd.s32 s21, s2  }
0x9d: {  	[timem:s6], [sflag:s22] =	dma.local [hbm:s4], s20  }
0x9e: {  	_ =	swait.ge [sflag:s22], s20  }
0x9f: {  	s3 =	ssub.s32 $0x0, s20;
	[sflag:s22] =	ssyncset.done $0x0  }
0xa0: {  	[sflag:s22] =	ssyncadd.s32 s3;
	_ =	sdelay $0x1  }
0xa1: {  	s23 =	simm.s32 $0x1B8B  }
0xa2: {  	_ =	swait.ge [sflag:s23], $0x1  }
0xa3: {  	[sflag:s23] =	ssyncset.done $0x0  }
0xa4: {  	s25 =	simm.s32 $0x1B8E;
	s24 =	sld [smem:$0x3FFE];
	[sflag:s23] =	ssyncadd.s32 $0xFFFFFFFF  }
0xa5: {  	s26 =	simm.s32 $execute0_lowered;
	[smem:$0x3FD2] =	sst s25  }
0xa6: {  	s4 =	sshll.u32 s26, $0x1;
	_ =	strace $0x80000046;
	[dreg:$0x1] =	wrdreg $0xFFFFFFFF  }
0xa7: {  	s28 =	simm.s32 $_size_execute0_lowered;
	s2 =	sadd.s32 s2, s4;
	[dreg:$0x0] =	wrdreg $0x0  }
0xa8: {  	s4 =	sshll.u32 s28, $0x1;
	[dreg:$0x2] =	wrdreg s2  }
0xa9: {  	[dreg:$0x3] =	wrdreg s4  }
0xaa: {  	[dreg:$0x4] =	wrdreg $0xC0  }
0xab: {  	_ =	task [dreg:s6], $0x5FFFF  }
0xac: {  	[dreg:$0x1] =	wrdreg $0xFFFFFFFF  }
0xad: {  	[dreg:$0x0] =	wrdreg $0x60  }
0xae: {  	[dreg:$0x2] =	wrdreg s24  }
0xaf: {  	[dreg:$0x3] =	wrdreg $0x9  }
0xb0: {  	_ =	task.clear_ibuf [dreg:s6], $0x4FFFF;
	_ =	strace $0x90000046  }
0xb1: {  	s29 =	simm.s32 $0x9;
	_ =	strace $0x80000048  }
0xb2: {  	_ =	swait.ge [sflag:s29], $0x1  }
0xb3: {  	[sflag:s29] =	ssyncadd.s32 $0xFFFFFFFF  }
0xb4: {  	_ =	strace $0x90000048  }
0xb5: {  	_ =	sfence  }
0xb6: {  	s30 =	sld [smem:$0x0];
	_ =	sdelay $0x2  }
0xb7: {  	s31 =	sshll.u32 s1, $0xD;
	s1 =	sshrl.u32 s1, $0x2  }
0xb8: {  	s3 =	sand.u32 $0x4000, s31;
	s1 =	sadd.s32 s1, s30  }
0xb9: {  	s0 =	sor.u32 s3, s0;
	s1 =	sshll.u32 s1, $0x11  }
0xba: {  	s0 =	sor.u32 s1, s0  }
0xbb: {  	s0 =	sadd.s32 $0x8F2B, s0  }
0xbc: {  	[sflag:s0] =	ssyncadd.remote.s32 $0x1  }
0xbd: {  	_ =	sfence.sel $0xFFFF  }
0xbe: {  	[dreg:$0x0] =	wrdreg $0xFFFFFFFF;
	(pc) =	sbr.abs _section_cstart, $3  }
0xbf: {  	[dreg:$0x1] =	wrdreg $0xFFFFFFFF  }
0xc0: {  	_ =	task.clear_ibuf [dreg:s6], $0x2FFFF;
	_ =	strace $0x9FFFFFFF  }
0xc1: {  	(tm) =	ssettm $0x7FFFFFFF  }
tec
execute0_lowered:
.L_overlay_start_1:
0x0: {  	(tag) =	ssettag $0x1  }
0x1: {  	s7 =	rddreg [dreg:$0x0]  }
0x2: {  	s0 =	rddreg [dreg:$0x1]  }
0x3: {  	s1 =	simm.s32 $0x0;
	s2 =	srdreg.scid;
	s12 =	simm.s32 $0x7D80  }
0x4: {  	s13 =	simm.s32 $0x8580;
	s14 =	simm.s32 $0x8D80;
	s15 =	simm.s32 $0x0  }
0x5: {  	[smem:$0x7FF] =	sst s1;
	s3 =	sadd.s32 $0x38C00, s7;
	s8 =	sand.u32 $0x1, s2  }
0x6: {  	s4 =	sadd.s32 $0x25200, s7;
	s2 =	stileid.u32;
	s5 =	sadd.s32 $0x11800, s7  }
0x7: {  	s6 =	sadd.s32 $0x60E00, s7;
	s7 =	sadd.s32 $0x39C00, s7;
	s9 =	ssub.s32 $0x2, s8  }
0x8: {  	_ =	strace $0x80000047;
	s11 =	sshll.u32 s2, $0x1;
	s10 =	sshrl.u32 s9, $0x1  }
0x9: {  	s8 =	sor.u32 s8, s11;
	s11 =	simm.s32 $0x7580;
	s9 =	ssub.s32 s9, s10  }
0xa: {  	s8 =	smul.u32 $0xA, s8;
	s10 =	simm.s32 $0x1;
	s9 =	smax.u32 s9, $0x1  }
.LBB2_1:
0xb: {  	[tilespmem:s1], [sflag:$0x1] =	stream.linear.gather [hbm4b:s3+s1], $0x7580, $0x38;
	[tilespmem:$0x9580] =	vst v63  }
0xc: {  	_ =	swait.ge [sflag:s10], $0x7580  }
0xd: {  	[sflag:s10] =	ssyncset.done $0x0  }
0xe: {  	s16 =	simm.s32 $0x0;
	[sflag:s10] =	ssyncadd.s32 $0xFFFF8A80  }
.LBB2_2:
0xf: {  	s17 =	sadd.s32 s8, s16  }
0x10: {  	s17 =	smul.u32 $0x7D0, s17;
	_ =	sdelay $0x1  }
0x11: {  	s17 =	sshrl.u32 s17, $0x3  }
0x12: {  	s19 =	simm.s32 $0x0;
	s18 =	sadd.s32 s4, s17  }
0x13: {  	[tilespmem:s11], [sflag:$0x1] =	stream.linear.gather [hbm4b:s18+s19], $0x7D0, $0x38;
	[tilespmem:$0x9580] =	vst v63  }
0x14: {  	_ =	swait.ge [sflag:s10], $0x7D0  }
0x15: {  	[sflag:s10] =	ssyncset.done $0x0  }
0x16: {  	s31 =	sadd.s32 s5, s17;
	[sflag:s10] =	ssyncadd.s32 $0xFFFFF830  }
0x17: {  	[tilespmem:s12], [sflag:$0x1] =	stream.linear.gather [hbm4b:s31+s19], $0x7D0, $0x38;
	[tilespmem:$0x9580] =	vst v63  }
0x18: {  	_ =	swait.ge [sflag:s10], $0x7D0  }
0x19: {  	[sflag:s10] =	ssyncset.done $0x0  }
0x1a: {  	s18 =	simm.s32 $0x0;
	[sflag:s10] =	ssyncadd.s32 $0xFFFFF830  }
0x1b: {  	v2 =	vld [tilespmem:s18+$0x7D80]  }
0x1c: {  	v0 =	vld [tilespmem:s18+$0x7580];
	_ =	sdelay $0x4  }
0x1d: {  	v1 =	vmul.u32 $0x3, v2;
	v0 =	vmul.u32 $0x3, v0;
	_ =	sdelay $0x1  }
0x1e: {  	v3 =	vadd.s32 $0x1, v1;
	_ =	sdelay $0x1  }
0x1f: {  	v4 =	vadd.s32 $0x1, v0  }
0x20: {  	v5 =	vadd.s32 $0x2, v1  }
0x21: {  	v7 =	vld.idx.msk [tilespmem:v0+s1+$0x0], $0xffff  }
0x22: {  	v6 =	vld.idx.msk [tilespmem:v3+s1+$0x0], $0xffff;
	v3 =	vadd.s32 $0x2, v0  }
0x23: {  	v8 =	vld.idx.msk [tilespmem:v1+s1+$0x0], $0xffff  }
0x24: {  	v9 =	vld.idx.msk [tilespmem:v4+s1+$0x0], $0xffff  }
0x25: {  	s19 =	simm.s32 $0x10;
	v1 =	vld.idx.msk [tilespmem:v5+s1+$0x0], $0xffff  }
0x26: {  	v0 =	vld [tilespmem:s19+$0x7D80]  }
0x27: {  	v3 =	vld.idx.msk [tilespmem:v3+s1+$0x0], $0xffff  }
0x28: {  	v2 =	vadd.s32 $0x2710, v2  }
0x29: {  	[tilespmem:s18+$0x8D80] =	vst v2  }
0x2a: {  	s20 =	simm.s32 $0x80;
	v4 =	vsub.f32 v7, v8;
	v5 =	vsub.f32 v9, v6;
	v2 =	vld [tilespmem:s19+$0x7580]  }
.LBB2_3:
0x2b: {  	p0 =	sne.s32 s20, $0x1F00;
	v6 =	vmul.u32 $0x3, v0  }
0x2c: {  	v1 =	vsub.f32 v3, v1;
	v3 =	vmul.f32 v4, v4;
	v4 =	vmul.f32 v5, v5;
	_ =	sdelay $0x1  }
0x2d: {  	v5 =	vadd.s32 $0x2, v6;
	v1 =	vmul.f32 v1, v1;
	v3 =	vadd.f32 v4, v3  }
0x2e: {  	v4 =	vadd.s32 $0x1, v6;
	v2 =	vmul.u32 $0x3, v2  }
0x2f: {  	v1 =	vadd.f32 v1, v3;
	_ =	sdelay $0x1  }
0x30: {  	v3 =	vadd.s32 $0x1, v2;
	[tilespmem:s18+$0x8580] =	vst v1;
	s18 =	smov.u32 s19  }
0x31: {  	v1 =	vld.idx.msk [tilespmem:v5+s1+$0x0], $0xffff  }
0x32: {  	v5 =	vld.idx.msk [tilespmem:v4+s1+$0x0], $0xffff;
	v4 =	vadd.s32 $0x2, v2  }
0x33: {  	v7 =	vld.idx.msk [tilespmem:v2+s1+$0x0], $0xffff  }
0x34: {  	v6 =	vld.idx.msk [tilespmem:v6+s1+$0x0], $0xffff  }
0x35: {  	s19 =	sshra.s32 s20, $0x2;
	v8 =	vld.idx.msk [tilespmem:v3+s1+$0x0], $0xffff  }
0x36: {  	v2 =	vadd.s32 $0x2710, v0;
	v0 =	vld [tilespmem:s19+$0x7D80]  }
.Ltmp0:
0x37: {  	v3 =	vld.idx.msk [tilespmem:v4+s1+$0x0], $0xffff;
	[tilespmem:s18+$0x8D80] =	vst v2;
	(pc) =	sbr.rel @p0 .LBB2_3-.Ltmp0, $2  }
0x38: {  	_ =	sdelay $0x2  }
0x39: {  	s20 =	sadd.s32 $0x40, s20;
	v4 =	vsub.f32 v7, v6;
	v5 =	vsub.f32 v8, v5;
	v2 =	vld [tilespmem:s19+$0x7580]  }
0x3a: {  	v6 =	vmul.u32 $0x3, v0  }
0x3b: {  	v1 =	vsub.f32 v3, v1;
	v4 =	vmul.f32 v4, v4;
	v5 =	vmul.f32 v5, v5;
	_ =	sdelay $0x1  }
0x3c: {  	v1 =	vmul.f32 v1, v1;
	v57 =	vadd.s32 $0x1, v6;
	v56 =	vadd.f32 v5, v4  }
0x3d: {  	v2 =	vmul.u32 $0x3, v2  }
0x3e: {  	v1 =	vadd.f32 v1, v56  }
0x3f: {  	v58 =	vadd.s32 $0x1, v2  }
0x40: {  	v59 =	vadd.s32 $0x2, v6;
	[tilespmem:s18+$0x8580] =	vst v1  }
0x41: {  	v60 =	vadd.s32 $0x2, v2;
	v1 =	vld.idx.msk [tilespmem:v57+s1+$0x0], $0xffff  }
0x42: {  	v6 =	vld.idx.msk [tilespmem:v6+s1+$0x0], $0xffff  }
0x43: {  	v2 =	vld.idx.msk [tilespmem:v2+s1+$0x0], $0xffff  }
0x44: {  	v3 =	vld.idx.msk [tilespmem:v58+s1+$0x0], $0xffff  }
0x45: {  	v5 =	vld.idx.msk [tilespmem:v59+s1+$0x0], $0xffff  }
0x46: {  	v4 =	vld.idx.msk [tilespmem:v60+s1+$0x0], $0xffff;
	_ =	sdelay $0x2  }
0x47: {  	v2 =	vsub.f32 v2, v6;
	v1 =	vsub.f32 v3, v1;
	_ =	sdelay $0x1  }
0x48: {  	v61 =	vsub.f32 v4, v5;
	v2 =	vmul.f32 v2, v2;
	v1 =	vmul.f32 v1, v1;
	_ =	sdelay $0x1  }
0x49: {  	v62 =	vmul.f32 v61, v61;
	v1 =	vadd.f32 v1, v2;
	_ =	sdelay $0x1  }
0x4a: {  	v63 =	vadd.s32 $0x2710, v0;
	v1 =	vadd.f32 v62, v1  }
0x4b: {  	[tilespmem:s19+$0x8D80] =	vst v63  }
0x4c: {  	s30 =	sadd.s32 s6, s17;
	[tilespmem:s19+$0x8580] =	vst v1  }
0x4d: {  	[hbm4b:s30+s1] =	stream.linear.scatter [tilespmem:s13], [sflag:$0x1], $0x7D0, $0x38;
	[tilespmem:$0x9580] =	vst v63  }
0x4e: {  	_ =	swait.ge [sflag:s10], $0x7D0  }
0x4f: {  	[sflag:s10] =	ssyncset.done $0x0  }
0x50: {  	s31 =	sadd.s32 s7, s17;
	[sflag:s10] =	ssyncadd.s32 $0xFFFFF830  }
0x51: {  	[hbm4b:s31+s1] =	stream.linear.scatter [tilespmem:s11], [sflag:$0x1], $0x7D0, $0x38;
	[tilespmem:$0x9580] =	vst v63  }
0x52: {  	s16 =	sadd.s32 $0x1, s16;
	_ =	swait.ge [sflag:s10], $0x7D0  }
0x53: {  	p0 =	sne.s32 s16, $0xA;
	[sflag:s10] =	ssyncset.done $0x0  }
.Ltmp1:
0x54: {  	s17 =	sadd.s32 $0x13880, s31;
	[sflag:s10] =	ssyncadd.s32 $0xFFFFF830;
	(pc) =	sbr.rel @p0 .LBB2_2-.Ltmp1, $4  }
0x55: {  	[hbm4b:s17+s1] =	stream.linear.scatter [tilespmem:s14], [sflag:$0x1], $0x7D0, $0x38;
	[tilespmem:$0x9580] =	vst v63  }
0x56: {  	_ =	swait.ge [sflag:s10], $0x7D0  }
0x57: {  	[sflag:s10] =	ssyncset.done $0x0  }
0x58: {  	[sflag:s10] =	ssyncadd.s32 $0xFFFFF830  }
0x59: {  	s15 =	sadd.s32 $0x1, s15  }
0x5a: {  	p0 =	sne.s32 s15, s9  }
.Ltmp2:
0x5b: {  	_ = 	snop;
	(pc) =	sbr.rel @p0 .LBB2_1-.Ltmp2, $1  }
0x5c: {  	_ =	sdelay $0x3  }
0x5d: {  	_ =	sfence.sel $0x180000  }
0x5e: {  	[bflag:$0x0] =	sbarrier.arrive $0xFFFF  }
0x5f: {  	p0 =	sne.s32 s2, $0x0;
	_ =	strace $0x90000047  }
0x60: {  	s0 =	sadd.s32 @!p0 $0x100000, s0;
	[bflag:$0x2] =	sbarrier.arrive $0xFFFF  }
0x61: {  	[sflag:s0] =	ssyncadd.tile.s32 @!p0 $0x1;
	_ =	shalt  }
.Lfunc_end2:
_tile_overlayer_lowered:
.L_overlay_start_2:
0x62: {  	(tag) =	ssettag $0x2  }
0x63: {  	s0 =	rddreg [dreg:$0x0];
	s2 =	stileid.u32  }
0x64: {  	s1 =	rddreg [dreg:$0x1];
	p0 =	sne.s32 s2, $0x0  }
0x65: {  	s3 =	rddreg [dreg:$0x2];
	[bflag:$0x3] =	sbarrier.arrive $0xFFFF;
	s2 =	simm.s32 @!p0 $0x1C01  }
0x66: {  	[timem:s3], [sflag:s2] =	dma.local @!p0 [hbm:s0], s1  }
0x67: {  	s0 =	simm.s32 @!p0 $0x1  }
0x68: {  	_ =	swait.ge @!p0 [sflag:s0], s1  }
0x69: {  	s1 =	ssub.s32 @!p0 $0x0, s1;
	[sflag:s0] =	ssyncset.done @!p0 $0x0  }
0x6a: {  	[sflag:s0] =	ssyncadd.s32 @!p0 s1  }
0x6b: {  	[bflag:$0x3] =	sbarrier.arrive $0xFFFF  }
0x6c: {  	_ =	shalt  }

// kernel: kernel.28.cloned.1.call-start
scs
__scs_entry_jumppad:
0x0: {  	(pc) =	sbr.rel $0x88, $3  }
0x1: {  	(tag) =	ssettag $0x0;
	lr =	simm.s32 $0x1  }
0x2: {  	[smem:$0x3F85] =	sst lr;
	_ =	strace $0xD0000000  }
0x3: {  	_ = 	snop  }
0x4: {  	_ = 	snop  }
0x5: {  	_ = 	snop  }
0x6: {  	_ = 	snop  }
0x7: {  	_ = 	snop  }
__scs_overlays_trampoline_lowered:
0x8: {  	[smem:$0x3F94] =	sst s0  }
0x9: {  	[smem:$0x3F95] =	sst s1  }
0xa: {  	[smem:$0x3F96] =	sst s2  }
0xb: {  	[smem:$0x3F97] =	sst s3  }
0xc: {  	[smem:$0x3F98] =	sst s4  }
0xd: {  	[smem:$0x3F99] =	sst s5  }
0xe: {  	[smem:$0x3F9A] =	sst s6  }
0xf: {  	[smem:$0x3F9B] =	sst s7  }
0x10: {  	[smem:$0x3F9C] =	sst s8  }
0x11: {  	[smem:$0x3F9D] =	sst s9;
	s0 =	simm.s32 @!p0 $0x0  }
0x12: {  	s1 =	sld [smem:$0x3F83];
	s0 =	simm.s32 @p0 $0x1  }
0x13: {  	[smem:$0x3F9E] =	sst s0;
	s0 =	simm.s32 @!p1 $0x0  }
0x14: {  	s2 =	sld [smem:$0x3F82];
	s0 =	simm.s32 @p1 $0x1  }
0x15: {  	[smem:$0x3F9F] =	sst s0;
	s0 =	simm.s32 @!p2 $0x0  }
0x16: {  	s3 =	sld [smem:$0x3FDB];
	s0 =	simm.s32 @p2 $0x1  }
0x17: {  	s4 =	simm.s32 $0x1BF5;
	[smem:$0x3FA1] =	sst s0  }
0x18: {  	s0 =	sld [smem:$0x3F84];
	_ =	swait.ge [sflag:s4], $0x0  }
0x19: {  	s7 =	sld [smem:$0x3F85]  }
0x1a: {  	s8 =	sadd.s32 $0xFFFFE003, lr  }
0x1b: {  	s9 =	sadd.s32 $0xFFFFFEF7, lr;
	s5 =	simm.s32 $0xFFFFFFFF;
	p2 =	slt.u32 s8, $0xFFFFF086  }
0x1c: {  	p1 =	slt.u32 s9, $0xF7A;
	s5 =	simm.s32 @!p2 $0x0  }
0x1d: {  	s5 =	simm.s32 @p1 $0x1;
	p0 =	seq.s32 s7, s2  }
0x1e: {  	s7 =	smul.u32 @!p0 $0xF7A, s2;
	p2 =	seq.s32 @!p0 s5, $0x0  }
0x1f: {  	s9 =	smul.u32 $0xF7A, s1;
	s8 =	simm.s32 @!p0 $0x1BF5;
	p2 =	por !p2, p0  }
0x20: {  	[sflag:s8] =	ssyncset.s32 @!p0 $0xFFFFF086;
	s6 =	sadd.s32 @!p0 s3, s7;
	s7 =	simm.s32 @!p0 $0x108  }
0x21: {  	s3 =	sadd.s32 s3, s9;
	s6 =	sadd.s32 @!p0 $0x88, s6;
	s7 =	simm.s32 @p2 $0x1082  }
0x22: {  	[simem:s7], [sflag:s8] =	dma.local @!p0 [hbm:s6], $0xF7A  }
0x23: {  	s9 =	sor.u32 $0xD0000000, s2;
	s6 =	simm.s32 $0x108;
	_ =	swait.ge @!p0 [sflag:s8], $0x0  }
0x24: {  	s3 =	sadd.s32 $0x88, s3;
	s6 =	simm.s32 @!p1 $0x1082;
	[sflag:s4] =	ssyncset.s32 $0xFFFFF086  }
0x25: {  	[simem:s6], [sflag:s4] =	dma.local [hbm:s3], $0xF7A  }
0x26: {  	[smem:$0x3F85] =	sst s1;
	(tag) =	ssettag s2;
	_ =	strace s9  }
0x27: {  	s1 =	sld [smem:$0x3F95]  }
0x28: {  	s2 =	sld [smem:$0x3F96]  }
0x29: {  	s4 =	sld [smem:$0x3F98]  }
0x2a: {  	p0 =	seq.s32 s5, $0x0;
	s5 =	sld [smem:$0x3F99]  }
0x2b: {  	s6 =	sld [smem:$0x3F9A]  }
0x2c: {  	s7 =	sld [smem:$0x3F9B]  }
0x2d: {  	s3 =	simm.s32 $0x108;
	s8 =	sld [smem:$0x3F9C]  }
0x2e: {  	s3 =	simm.s32 @!p0 $0x1082;
	s9 =	sld [smem:$0x3F9D]  }
0x2f: {  	lr =	sadd.s32 s0, s3;
	s0 =	sld [smem:$0x3F94]  }
0x30: {  	s3 =	sld [smem:$0x3F97]  }
0x31: {  	[smem:$0x3FA0] =	sst s10  }
0x32: {  	s10 =	sld [smem:$0x3F9E];
	_ =	sdelay $0x3  }
0x33: {  	p0 =	seq.s32 s10, $0x1;
	s10 =	sld [smem:$0x3FA0];
	_ =	sdelay $0x3  }
0x34: {  	[smem:$0x3FA0] =	sst s10  }
0x35: {  	s10 =	sld [smem:$0x3F9F];
	_ =	sdelay $0x3  }
0x36: {  	p1 =	seq.s32 s10, $0x1;
	s10 =	sld [smem:$0x3FA0];
	_ =	sdelay $0x3  }
0x37: {  	[smem:$0x3FA0] =	sst s10  }
0x38: {  	s10 =	sld [smem:$0x3FA1]  }
0x39: {  	_ = 	snop;
	(pc) =	sbr.ind lr, $3  }
0x3a: {  	_ = 	snop  }
0x3b: {  	_ = 	snop  }
0x3c: {  	p2 =	seq.s32 s10, $0x1;
	s10 =	sld [smem:$0x3FA0]  }
0x3d: {  	_ =	shalt  }
0x3e: {  	_ =	shalt  }
0x3f: {  	_ =	shalt  }
0x40: {  	_ =	shalt  }
0x41: {  	_ =	shalt  }
0x42: {  	_ =	shalt  }
0x43: {  	_ =	shalt  }
0x44: {  	_ =	shalt  }
0x45: {  	_ =	shalt  }
0x46: {  	_ =	shalt  }
0x47: {  	_ =	shalt  }
0x48: {  	_ =	shalt  }
0x49: {  	_ =	shalt  }
0x4a: {  	_ =	shalt  }
0x4b: {  	_ =	shalt  }
0x4c: {  	_ =	shalt  }
0x4d: {  	_ =	shalt  }
0x4e: {  	_ =	shalt  }
0x4f: {  	_ =	shalt  }
0x50: {  	_ =	shalt  }
0x51: {  	_ =	shalt  }
0x52: {  	_ =	shalt  }
0x53: {  	_ =	shalt  }
0x54: {  	_ =	shalt  }
0x55: {  	_ =	shalt  }
0x56: {  	_ =	shalt  }
0x57: {  	_ =	shalt  }
0x58: {  	_ =	shalt  }
0x59: {  	_ =	shalt  }
0x5a: {  	_ =	shalt  }
0x5b: {  	_ =	shalt  }
0x5c: {  	_ =	shalt  }
0x5d: {  	_ =	shalt  }
0x5e: {  	_ =	shalt  }
0x5f: {  	_ =	shalt  }
0x60: {  	_ =	shalt  }
0x61: {  	_ =	shalt  }
0x62: {  	_ =	shalt  }
0x63: {  	_ =	shalt  }
0x64: {  	_ =	shalt  }
0x65: {  	_ =	shalt  }
0x66: {  	_ =	shalt  }
0x67: {  	_ =	shalt  }
0x68: {  	_ =	shalt  }
0x69: {  	_ =	shalt  }
0x6a: {  	_ =	shalt  }
0x6b: {  	_ =	shalt  }
0x6c: {  	_ =	shalt  }
0x6d: {  	_ =	shalt  }
0x6e: {  	_ =	shalt  }
0x6f: {  	_ =	shalt  }
0x70: {  	_ =	shalt  }
0x71: {  	_ =	shalt  }
0x72: {  	_ =	shalt  }
0x73: {  	_ =	shalt  }
0x74: {  	_ =	shalt  }
0x75: {  	_ =	shalt  }
0x76: {  	_ =	shalt  }
0x77: {  	_ =	shalt  }
0x78: {  	_ =	shalt  }
0x79: {  	_ =	shalt  }
0x7a: {  	_ =	shalt  }
0x7b: {  	_ =	shalt  }
0x7c: {  	_ =	shalt  }
0x7d: {  	_ =	shalt  }
0x7e: {  	_ =	shalt  }
0x7f: {  	_ =	shalt  }
0x80: {  	_ =	shalt  }
0x81: {  	_ =	shalt  }
0x82: {  	_ =	shalt  }
0x83: {  	_ =	shalt  }
0x84: {  	_ =	shalt  }
0x85: {  	_ =	shalt  }
0x86: {  	_ =	shalt  }
0x87: {  	_ =	shalt  }
.Lfunc_end0:
.L_simem_size_0:
called_computation.1_lowered:
.L_overlay_start_0:
0x88: {  	s2 =	sld [smem:$0x3FD9]  }
0x89: {  	s3 =	sld [smem:$0x3FFE];
	_ =	sdelay $0x1  }
0x8a: {  	s1 =	srdreg.scid  }
0x8b: {  	s0 =	sand.u32 $0x1, s1  }
0x8c: {  	s16 =	sshll.u32 s0, $0xA;
	s2 =	sadd.s32 s3, s2  }
0x8d: {  	s2 =	sadd.s32 s2, s16  }
0x8e: {  	[smem:$0x3FAC] =	sst s2  }
0x8f: {  	_ = 	snop  }
0x90: {  	(tm) =	ssettm $0x1  }
0x91: {  	s17 =	sld [smem:$0x3FFB];
	_ =	sdelay $0x3  }
0x92: {  	_ =	strace s17  }
0x93: {  	s2 =	sld [smem:$0x3FFC];
	_ =	sdelay $0x3  }
0x94: {  	_ =	strace s2  }
0x95: {  	s2 =	sld [smem:$0x3FFD];
	_ =	sdelay $0x3  }
0x96: {  	_ =	strace s2  }
0x97: {  	_ =	strace $0x8FFFFFFF  }
0x98: {  	s18 =	sld [smem:$0x3FDB];
	_ =	sdelay $0x1  }
0x99: {  	s19 =	simm.s32 $_scs_section_size  }
0x9a: {  	s4 =	simm.s32 $_size__tile_overlayer_lowered;
	s5 =	simm.s32 $_tile_overlayer_lowered  }
0x9b: {  	s22 =	simm.s32 $0x1BFF;
	s21 =	sshll.u32 s5, $0x1;
	s2 =	sadd.s32 s19, s18  }
0x9c: {  	s6 =	simm.s32 $0x0;
	s20 =	sshll.u32 s4, $0x1;
	s4 =	sadd.s32 s21, s2  }
0x9d: {  	[timem:s6], [sflag:s22] =	dma.local [hbm:s4], s20  }
0x9e: {  	_ =	swait.ge [sflag:s22], s20  }
0x9f: {  	s3 =	ssub.s32 $0x0, s20;
	[sflag:s22] =	ssyncset.done $0x0  }
0xa0: {  	[sflag:s22] =	ssyncadd.s32 s3;
	_ =	sdelay $0x1  }
0xa1: {  	s23 =	simm.s32 $0x1B8B  }
0xa2: {  	_ =	swait.ge [sflag:s23], $0x1  }
0xa3: {  	[sflag:s23] =	ssyncset.done $0x0  }
0xa4: {  	s25 =	simm.s32 $0x1B8E;
	s24 =	sld [smem:$0x3FFE];
	[sflag:s23] =	ssyncadd.s32 $0xFFFFFFFF  }
0xa5: {  	s26 =	simm.s32 $execute0_lowered;
	[smem:$0x3FD2] =	sst s25  }
0xa6: {  	s4 =	sshll.u32 s26, $0x1;
	_ =	strace $0x80000049;
	[dreg:$0x1] =	wrdreg $0xFFFFFFFF  }
0xa7: {  	s28 =	simm.s32 $_size_execute0_lowered;
	s2 =	sadd.s32 s2, s4;
	[dreg:$0x0] =	wrdreg $0x0  }
0xa8: {  	s4 =	sshll.u32 s28, $0x1;
	[dreg:$0x2] =	wrdreg s2  }
0xa9: {  	[dreg:$0x3] =	wrdreg s4  }
0xaa: {  	[dreg:$0x4] =	wrdreg $0xC0  }
0xab: {  	_ =	task [dreg:s6], $0x5FFFF  }
0xac: {  	[dreg:$0x1] =	wrdreg $0xFFFFFFFF  }
0xad: {  	[dreg:$0x0] =	wrdreg $0x60  }
0xae: {  	[dreg:$0x2] =	wrdreg s24  }
0xaf: {  	[dreg:$0x3] =	wrdreg $0x9  }
0xb0: {  	_ =	task.clear_ibuf [dreg:s6], $0x4FFFF;
	_ =	strace $0x90000049  }
0xb1: {  	s29 =	simm.s32 $0x9;
	_ =	strace $0x8000004B  }
0xb2: {  	_ =	swait.ge [sflag:s29], $0x1  }
0xb3: {  	[sflag:s29] =	ssyncadd.s32 $0xFFFFFFFF  }
0xb4: {  	_ =	strace $0x9000004B  }
0xb5: {  	_ =	sfence  }
0xb6: {  	s30 =	sld [smem:$0x0];
	_ =	sdelay $0x2  }
0xb7: {  	s31 =	sshll.u32 s1, $0xD;
	s1 =	sshrl.u32 s1, $0x2  }
0xb8: {  	s3 =	sand.u32 $0x4000, s31;
	s1 =	sadd.s32 s1, s30  }
0xb9: {  	s0 =	sor.u32 s3, s0;
	s1 =	sshll.u32 s1, $0x11  }
0xba: {  	s0 =	sor.u32 s1, s0  }
0xbb: {  	s0 =	sadd.s32 $0x8F2B, s0  }
0xbc: {  	[sflag:s0] =	ssyncadd.remote.s32 $0x1  }
0xbd: {  	_ =	sfence.sel $0xFFFF  }
0xbe: {  	[dreg:$0x0] =	wrdreg $0xFFFFFFFF;
	(pc) =	sbr.abs _section_cstart, $3  }
0xbf: {  	[dreg:$0x1] =	wrdreg $0xFFFFFFFF  }
0xc0: {  	_ =	task.clear_ibuf [dreg:s6], $0x2FFFF;
	_ =	strace $0x9FFFFFFF  }
0xc1: {  	(tm) =	ssettm $0x7FFFFFFF  }
tec
execute0_lowered:
.L_overlay_start_1:
0x0: {  	(tag) =	ssettag $0x1  }
0x1: {  	s4 =	rddreg [dreg:$0x0]  }
0x2: {  	s0 =	rddreg [dreg:$0x1];
	s1 =	simm.s32 $0x0;
	s5 =	srdreg.scid  }
0x3: {  	s2 =	stileid.u32;
	[smem:$0x7FF] =	sst s1  }
0x4: {  	s3 =	sadd.s32 $0xC5C00, s4;
	s5 =	sand.u32 $0x1, s5;
	s6 =	sshll.u32 s2, $0x7  }
0x5: {  	s7 =	sshll.u32 s2, $0xE;
	_ =	strace $0x8000004A;
	s8 =	ssub.s32 $0x2, s5  }
0x6: {  	s6 =	sadd.s32 s6, s4;
	s7 =	sadd.s32 s7, s4;
	s9 =	sshll.u32 s5, $0xD  }
0x7: {  	s5 =	sshll.u32 s5, $0x6;
	s4 =	sshll.u32 s2, $0x1;
	s30 =	sshrl.u32 s8, $0x1  }
0x8: {  	s7 =	sadd.s32 s9, s7;
	s31 =	sadd.s32 s5, s6;
	s8 =	ssub.s32 s8, s30  }
0x9: {  	s6 =	sadd.s32 $0x113E00, s7;
	s7 =	sadd.s32 $0x39C00, s31;
	s5 =	smax.u32 s8, $0x1  }
.LBB2_1:
0xa: {  	s8 =	sadd.s32 $0x0, s4  }
0xb: {  	p0 =	sgt.u32 s8, $0x9C3  }
0xc: {  	s8 =	simm.s32 @!p0 $0x0;
	s9 =	simm.s32 @!p0 $0x3  }
0xd: {  	[tilespmem:s8], [sflag:$0x3] =	stream.linear.gather @!p0 [hbm4b:s7+s8], $0x200, $0x38;
	[tilespmem:$0x10200] =	vst v63  }
0xe: {  	_ =	swait.ge @!p0 [sflag:s9], $0x200  }
0xf: {  	[sflag:s9] =	ssyncset.done @!p0 $0x0;
	p0 =	por p0, p0  }
0x10: {  	[sflag:s9] =	ssyncadd.s32 @!p0 $0xFFFFFE00;
	s9 =	simm.s32 @!p0 $0x80;
	s10 =	simm.s32 @!p0 $0x200  }
0x11: {  	[tilespmem:s10], [sflag:$0x1] =	stream.indirect.gather @!p0 [hbm4b:s3+s9], $0x80, s8, s9, $0xb8;
	[tilespmem:$0x10200] =	vst v63  }
0x12: {  	s11 =	simm.s32 @!p0 $0x4200  }
0x13: {  	[tilespmem:s11], [sflag:$0x1] =	stream.indirect.gather @!p0 [hbm4b:s3+s9], $0x80, s9, s9, $0xb8;
	[tilespmem:$0x10200] =	vst v63  }
0x14: {  	s12 =	simm.s32 @!p0 $0x8200;
	s11 =	simm.s32 @!p0 $0x100  }
0x15: {  	[tilespmem:s12], [sflag:$0x1] =	stream.indirect.gather @!p0 [hbm4b:s3+s9], $0x80, s11, s9, $0xb8;
	[tilespmem:$0x10200] =	vst v63  }
0x16: {  	s13 =	simm.s32 @!p0 $0x1;
	s11 =	simm.s32 @!p0 $0x180;
	s12 =	simm.s32 @!p0 $0xC200  }
0x17: {  	[tilespmem:s12], [sflag:$0x1] =	stream.indirect.gather @!p0 [hbm4b:s3+s9], $0x80, s11, s9, $0xb8;
	[tilespmem:$0x10200] =	vst v63  }
0x18: {  	_ =	swait.ge @!p0 [sflag:s13], $0x4000  }
0x19: {  	[sflag:s13] =	ssyncset.done @!p0 $0x0  }
0x1a: {  	[sflag:s13] =	ssyncadd.s32 @!p0 $0xFFFFC000  }
0x1b: {  	_ =	swait.ge @!p0 [sflag:s13], $0x4000  }
0x1c: {  	[sflag:s13] =	ssyncset.done @!p0 $0x0  }
0x1d: {  	[sflag:s13] =	ssyncadd.s32 @!p0 $0xFFFFC000  }
0x1e: {  	_ =	swait.ge @!p0 [sflag:s13], $0x4000  }
0x1f: {  	[sflag:s13] =	ssyncset.done @!p0 $0x0  }
0x20: {  	[sflag:s13] =	ssyncadd.s32 @!p0 $0xFFFFC000  }
0x21: {  	_ =	swait.ge @!p0 [sflag:s13], $0x4000  }
0x22: {  	[sflag:s13] =	ssyncset.done @!p0 $0x0  }
0x23: {  	s31 =	sadd.s32 $0x20, s4;
	s11 =	simm.s32 @!p0 $0x2;
	[sflag:s13] =	ssyncadd.s32 @!p0 $0xFFFFC000  }
0x24: {  	[hbm4b:s6+s8] =	stream.linear.scatter @!p0 [tilespmem:s10], [sflag:$0x2], $0x10000, $0x38;
	[tilespmem:$0x10200] =	vst v63  }
0x25: {  	p2 =	sgt.u32 s31, $0x9C3;
	s9 =	simm.s32 $0x40;
	_ =	swait.ge @!p0 [sflag:s11], $0x10000  }
0x26: {  	s10 =	sadd.s32 $0x800, s7;
	s8 =	sadd.s32 $0x40000, s6;
	[sflag:s11] =	ssyncset.done @!p0 $0x0  }
.LBB2_2:
0x27: {  	s12 =	simm.s32 @!p2 $0x0;
	s13 =	simm.s32 @!p2 $0x3;
	[sflag:s11] =	ssyncadd.s32 @!p0 $0xFFFF0000  }
0x28: {  	[tilespmem:s12], [sflag:$0x3] =	stream.linear.gather @!p2 [hbm4b:s10+s12], $0x200, $0x38;
	[tilespmem:$0x10200] =	vst v63  }
0x29: {  	s14 =	smov.u32 s9;
	s9 =	sadd.s32 $0x20, s9;
	_ =	swait.ge @!p2 [sflag:s13], $0x200  }
0x2a: {  	p0 =	por p2, p2;
	p1 =	sne.s32 s9, $0x9E0;
	[sflag:s13] =	ssyncset.done @!p2 $0x0  }
0x2b: {  	s11 =	simm.s32 @!p0 $0x80;
	[sflag:s13] =	ssyncadd.s32 @!p0 $0xFFFFFE00;
	s13 =	simm.s32 @!p0 $0x200  }
0x2c: {  	[tilespmem:s13], [sflag:$0x1] =	stream.indirect.gather @!p0 [hbm4b:s3+s11], $0x80, s12, s11, $0xb8;
	[tilespmem:$0x10200] =	vst v63  }
0x2d: {  	s15 =	simm.s32 @!p0 $0x4200  }
0x2e: {  	[tilespmem:s15], [sflag:$0x1] =	stream.indirect.gather @!p0 [hbm4b:s3+s11], $0x80, s11, s11, $0xb8;
	[tilespmem:$0x10200] =	vst v63  }
0x2f: {  	s16 =	simm.s32 @!p0 $0x8200;
	s15 =	simm.s32 @!p0 $0x100  }
0x30: {  	[tilespmem:s16], [sflag:$0x1] =	stream.indirect.gather @!p0 [hbm4b:s3+s11], $0x80, s15, s11, $0xb8;
	[tilespmem:$0x10200] =	vst v63  }
0x31: {  	s17 =	simm.s32 @!p0 $0x1;
	s15 =	simm.s32 @!p0 $0x180;
	s16 =	simm.s32 @!p0 $0xC200  }
0x32: {  	[tilespmem:s16], [sflag:$0x1] =	stream.indirect.gather @!p0 [hbm4b:s3+s11], $0x80, s15, s11, $0xb8;
	[tilespmem:$0x10200] =	vst v63  }
0x33: {  	_ =	swait.ge @!p0 [sflag:s17], $0x4000  }
0x34: {  	[sflag:s17] =	ssyncset.done @!p0 $0x0  }
0x35: {  	[sflag:s17] =	ssyncadd.s32 @!p0 $0xFFFFC000  }
0x36: {  	_ =	swait.ge @!p0 [sflag:s17], $0x4000  }
0x37: {  	[sflag:s17] =	ssyncset.done @!p0 $0x0  }
0x38: {  	[sflag:s17] =	ssyncadd.s32 @!p0 $0xFFFFC000  }
0x39: {  	_ =	swait.ge @!p0 [sflag:s17], $0x4000  }
0x3a: {  	[sflag:s17] =	ssyncset.done @!p0 $0x0  }
0x3b: {  	[sflag:s17] =	ssyncadd.s32 @!p0 $0xFFFFC000  }
0x3c: {  	_ =	swait.ge @!p0 [sflag:s17], $0x4000  }
.Ltmp0:
0x3d: {  	[sflag:s17] =	ssyncset.done @!p0 $0x0;
	(pc) =	sbr.rel @p1 .LBB2_2-.Ltmp0, $4  }
0x3e: {  	s11 =	simm.s32 @!p0 $0x2;
	[sflag:s17] =	ssyncadd.s32 @!p0 $0xFFFFC000  }
0x3f: {  	[hbm4b:s8+s12] =	stream.linear.scatter @!p0 [tilespmem:s13], [sflag:$0x2], $0x10000, $0x38;
	[tilespmem:$0x10200] =	vst v63  }
0x40: {  	s10 =	sadd.s32 $0x800, s10;
	s12 =	sadd.s32 s14, s4;
	_ =	swait.ge @!p0 [sflag:s11], $0x10000  }
0x41: {  	s8 =	sadd.s32 $0x40000, s8;
	p2 =	sgt.u32 s12, $0x9C3;
	[sflag:s11] =	ssyncset.done @!p0 $0x0  }
0x42: {  	s9 =	simm.s32 @!p2 $0x0;
	s12 =	simm.s32 @!p2 $0x3;
	[sflag:s11] =	ssyncadd.s32 @!p0 $0xFFFF0000  }
0x43: {  	[tilespmem:s9], [sflag:$0x3] =	stream.linear.gather @!p2 [hbm4b:s10+s9], $0x200, $0x38;
	[tilespmem:$0x10200] =	vst v63  }
0x44: {  	_ =	swait.ge @!p2 [sflag:s12], $0x200  }
0x45: {  	p0 =	por p2, p2;
	[sflag:s12] =	ssyncset.done @!p2 $0x0  }
0x46: {  	s10 =	simm.s32 @!p0 $0x80;
	s11 =	simm.s32 @!p0 $0x200;
	[sflag:s12] =	ssyncadd.s32 @!p0 $0xFFFFFE00  }
0x47: {  	[tilespmem:s11], [sflag:$0x1] =	stream.indirect.gather @!p0 [hbm4b:s3+s10], $0x80, s9, s10, $0xb8;
	[tilespmem:$0x10200] =	vst v63  }
0x48: {  	s12 =	simm.s32 @!p0 $0x4200  }
0x49: {  	[tilespmem:s12], [sflag:$0x1] =	stream.indirect.gather @!p0 [hbm4b:s3+s10], $0x80, s10, s10, $0xb8;
	[tilespmem:$0x10200] =	vst v63  }
0x4a: {  	s13 =	simm.s32 @!p0 $0x8200;
	s12 =	simm.s32 @!p0 $0x100  }
0x4b: {  	[tilespmem:s13], [sflag:$0x1] =	stream.indirect.gather @!p0 [hbm4b:s3+s10], $0x80, s12, s10, $0xb8;
	[tilespmem:$0x10200] =	vst v63  }
0x4c: {  	s14 =	simm.s32 @!p0 $0x1;
	s12 =	simm.s32 @!p0 $0x180;
	s13 =	simm.s32 @!p0 $0xC200  }
0x4d: {  	[tilespmem:s13], [sflag:$0x1] =	stream.indirect.gather @!p0 [hbm4b:s3+s10], $0x80, s12, s10, $0xb8;
	[tilespmem:$0x10200] =	vst v63  }
0x4e: {  	_ =	swait.ge @!p0 [sflag:s14], $0x4000  }
0x4f: {  	[sflag:s14] =	ssyncset.done @!p0 $0x0  }
0x50: {  	[sflag:s14] =	ssyncadd.s32 @!p0 $0xFFFFC000  }
0x51: {  	_ =	swait.ge @!p0 [sflag:s14], $0x4000  }
0x52: {  	[sflag:s14] =	ssyncset.done @!p0 $0x0  }
0x53: {  	[sflag:s14] =	ssyncadd.s32 @!p0 $0xFFFFC000  }
0x54: {  	_ =	swait.ge @!p0 [sflag:s14], $0x4000  }
0x55: {  	[sflag:s14] =	ssyncset.done @!p0 $0x0  }
0x56: {  	[sflag:s14] =	ssyncadd.s32 @!p0 $0xFFFFC000  }
0x57: {  	s1 =	sadd.s32 $0x1, s1;
	_ =	swait.ge @!p0 [sflag:s14], $0x4000  }
0x58: {  	p1 =	sne.s32 s1, s5;
	[sflag:s14] =	ssyncset.done @!p0 $0x0  }
.Ltmp1:
0x59: {  	s10 =	simm.s32 @!p0 $0x2;
	[sflag:s14] =	ssyncadd.s32 @!p0 $0xFFFFC000;
	(pc) =	sbr.rel @p1 .LBB2_1-.Ltmp1, $4  }
0x5a: {  	[hbm4b:s8+s9] =	stream.linear.scatter @!p0 [tilespmem:s11], [sflag:$0x2], $0x10000, $0x38;
	[tilespmem:$0x10200] =	vst v63  }
0x5b: {  	_ =	swait.ge @!p0 [sflag:s10], $0x10000  }
0x5c: {  	[sflag:s10] =	ssyncset.done @!p0 $0x0  }
0x5d: {  	[sflag:s10] =	ssyncadd.s32 @!p0 $0xFFFF0000  }
0x5e: {  	_ =	sfence.sel $0x180000  }
0x5f: {  	[bflag:$0x0] =	sbarrier.arrive $0xFFFF  }
0x60: {  	p0 =	sne.s32 s2, $0x0;
	_ =	strace $0x9000004A  }
0x61: {  	s0 =	sadd.s32 @!p0 $0x100000, s0;
	[bflag:$0x2] =	sbarrier.arrive $0xFFFF  }
0x62: {  	[sflag:s0] =	ssyncadd.tile.s32 @!p0 $0x1;
	_ =	shalt  }
.Lfunc_end2:
_tile_overlayer_lowered:
.L_overlay_start_2:
0x63: {  	(tag) =	ssettag $0x2  }
0x64: {  	s0 =	rddreg [dreg:$0x0];
	s2 =	stileid.u32  }
0x65: {  	s1 =	rddreg [dreg:$0x1];
	p0 =	sne.s32 s2, $0x0  }
0x66: {  	s3 =	rddreg [dreg:$0x2];
	[bflag:$0x3] =	sbarrier.arrive $0xFFFF;
	s2 =	simm.s32 @!p0 $0x1C02  }
0x67: {  	[timem:s3], [sflag:s2] =	dma.local @!p0 [hbm:s0], s1  }
0x68: {  	s0 =	simm.s32 @!p0 $0x2  }
0x69: {  	_ =	swait.ge @!p0 [sflag:s0], s1  }
0x6a: {  	s1 =	ssub.s32 @!p0 $0x0, s1;
	[sflag:s0] =	ssyncset.done @!p0 $0x0  }
0x6b: {  	[sflag:s0] =	ssyncadd.s32 @!p0 s1  }
0x6c: {  	[bflag:$0x3] =	sbarrier.arrive $0xFFFF  }
0x6d: {  	_ =	shalt  }

// kernel: kernel.31.cloned.1.call-start
scs
__scs_entry_jumppad:
0x0: {  	(pc) =	sbr.rel $0x88, $3  }
0x1: {  	(tag) =	ssettag $0x0;
	lr =	simm.s32 $0x1  }
0x2: {  	[smem:$0x3F85] =	sst lr;
	_ =	strace $0xD0000000  }
0x3: {  	_ = 	snop  }
0x4: {  	_ = 	snop  }
0x5: {  	_ = 	snop  }
0x6: {  	_ = 	snop  }
0x7: {  	_ = 	snop  }
__scs_overlays_trampoline_lowered:
0x8: {  	[smem:$0x3F94] =	sst s0  }
0x9: {  	[smem:$0x3F95] =	sst s1  }
0xa: {  	[smem:$0x3F96] =	sst s2  }
0xb: {  	[smem:$0x3F97] =	sst s3  }
0xc: {  	[smem:$0x3F98] =	sst s4  }
0xd: {  	[smem:$0x3F99] =	sst s5  }
0xe: {  	[smem:$0x3F9A] =	sst s6  }
0xf: {  	[smem:$0x3F9B] =	sst s7  }
0x10: {  	[smem:$0x3F9C] =	sst s8  }
0x11: {  	[smem:$0x3F9D] =	sst s9;
	s0 =	simm.s32 @!p0 $0x0  }
0x12: {  	s1 =	sld [smem:$0x3F83];
	s0 =	simm.s32 @p0 $0x1  }
0x13: {  	[smem:$0x3F9E] =	sst s0;
	s0 =	simm.s32 @!p1 $0x0  }
0x14: {  	s2 =	sld [smem:$0x3F82];
	s0 =	simm.s32 @p1 $0x1  }
0x15: {  	[smem:$0x3F9F] =	sst s0;
	s0 =	simm.s32 @!p2 $0x0  }
0x16: {  	s3 =	sld [smem:$0x3FDB];
	s0 =	simm.s32 @p2 $0x1  }
0x17: {  	s4 =	simm.s32 $0x1BF5;
	[smem:$0x3FA1] =	sst s0  }
0x18: {  	s0 =	sld [smem:$0x3F84];
	_ =	swait.ge [sflag:s4], $0x0  }
0x19: {  	s7 =	sld [smem:$0x3F85]  }
0x1a: {  	s8 =	sadd.s32 $0xFFFFE003, lr  }
0x1b: {  	s9 =	sadd.s32 $0xFFFFFEF7, lr;
	s5 =	simm.s32 $0xFFFFFFFF;
	p2 =	slt.u32 s8, $0xFFFFF086  }
0x1c: {  	p1 =	slt.u32 s9, $0xF7A;
	s5 =	simm.s32 @!p2 $0x0  }
0x1d: {  	s5 =	simm.s32 @p1 $0x1;
	p0 =	seq.s32 s7, s2  }
0x1e: {  	s7 =	smul.u32 @!p0 $0xF7A, s2;
	p2 =	seq.s32 @!p0 s5, $0x0  }
0x1f: {  	s9 =	smul.u32 $0xF7A, s1;
	s8 =	simm.s32 @!p0 $0x1BF5;
	p2 =	por !p2, p0  }
0x20: {  	[sflag:s8] =	ssyncset.s32 @!p0 $0xFFFFF086;
	s6 =	sadd.s32 @!p0 s3, s7;
	s7 =	simm.s32 @!p0 $0x108  }
0x21: {  	s3 =	sadd.s32 s3, s9;
	s6 =	sadd.s32 @!p0 $0x88, s6;
	s7 =	simm.s32 @p2 $0x1082  }
0x22: {  	[simem:s7], [sflag:s8] =	dma.local @!p0 [hbm:s6], $0xF7A  }
0x23: {  	s9 =	sor.u32 $0xD0000000, s2;
	s6 =	simm.s32 $0x108;
	_ =	swait.ge @!p0 [sflag:s8], $0x0  }
0x24: {  	s3 =	sadd.s32 $0x88, s3;
	s6 =	simm.s32 @!p1 $0x1082;
	[sflag:s4] =	ssyncset.s32 $0xFFFFF086  }
0x25: {  	[simem:s6], [sflag:s4] =	dma.local [hbm:s3], $0xF7A  }
0x26: {  	[smem:$0x3F85] =	sst s1;
	(tag) =	ssettag s2;
	_ =	strace s9  }
0x27: {  	s1 =	sld [smem:$0x3F95]  }
0x28: {  	s2 =	sld [smem:$0x3F96]  }
0x29: {  	s4 =	sld [smem:$0x3F98]  }
0x2a: {  	p0 =	seq.s32 s5, $0x0;
	s5 =	sld [smem:$0x3F99]  }
0x2b: {  	s6 =	sld [smem:$0x3F9A]  }
0x2c: {  	s7 =	sld [smem:$0x3F9B]  }
0x2d: {  	s3 =	simm.s32 $0x108;
	s8 =	sld [smem:$0x3F9C]  }
0x2e: {  	s3 =	simm.s32 @!p0 $0x1082;
	s9 =	sld [smem:$0x3F9D]  }
0x2f: {  	lr =	sadd.s32 s0, s3;
	s0 =	sld [smem:$0x3F94]  }
0x30: {  	s3 =	sld [smem:$0x3F97]  }
0x31: {  	[smem:$0x3FA0] =	sst s10  }
0x32: {  	s10 =	sld [smem:$0x3F9E];
	_ =	sdelay $0x3  }
0x33: {  	p0 =	seq.s32 s10, $0x1;
	s10 =	sld [smem:$0x3FA0];
	_ =	sdelay $0x3  }
0x34: {  	[smem:$0x3FA0] =	sst s10  }
0x35: {  	s10 =	sld [smem:$0x3F9F];
	_ =	sdelay $0x3  }
0x36: {  	p1 =	seq.s32 s10, $0x1;
	s10 =	sld [smem:$0x3FA0];
	_ =	sdelay $0x3  }
0x37: {  	[smem:$0x3FA0] =	sst s10  }
0x38: {  	s10 =	sld [smem:$0x3FA1]  }
0x39: {  	_ = 	snop;
	(pc) =	sbr.ind lr, $3  }
0x3a: {  	_ = 	snop  }
0x3b: {  	_ = 	snop  }
0x3c: {  	p2 =	seq.s32 s10, $0x1;
	s10 =	sld [smem:$0x3FA0]  }
0x3d: {  	_ =	shalt  }
0x3e: {  	_ =	shalt  }
0x3f: {  	_ =	shalt  }
0x40: {  	_ =	shalt  }
0x41: {  	_ =	shalt  }
0x42: {  	_ =	shalt  }
0x43: {  	_ =	shalt  }
0x44: {  	_ =	shalt  }
0x45: {  	_ =	shalt  }
0x46: {  	_ =	shalt  }
0x47: {  	_ =	shalt  }
0x48: {  	_ =	shalt  }
0x49: {  	_ =	shalt  }
0x4a: {  	_ =	shalt  }
0x4b: {  	_ =	shalt  }
0x4c: {  	_ =	shalt  }
0x4d: {  	_ =	shalt  }
0x4e: {  	_ =	shalt  }
0x4f: {  	_ =	shalt  }
0x50: {  	_ =	shalt  }
0x51: {  	_ =	shalt  }
0x52: {  	_ =	shalt  }
0x53: {  	_ =	shalt  }
0x54: {  	_ =	shalt  }
0x55: {  	_ =	shalt  }
0x56: {  	_ =	shalt  }
0x57: {  	_ =	shalt  }
0x58: {  	_ =	shalt  }
0x59: {  	_ =	shalt  }
0x5a: {  	_ =	shalt  }
0x5b: {  	_ =	shalt  }
0x5c: {  	_ =	shalt  }
0x5d: {  	_ =	shalt  }
0x5e: {  	_ =	shalt  }
0x5f: {  	_ =	shalt  }
0x60: {  	_ =	shalt  }
0x61: {  	_ =	shalt  }
0x62: {  	_ =	shalt  }
0x63: {  	_ =	shalt  }
0x64: {  	_ =	shalt  }
0x65: {  	_ =	shalt  }
0x66: {  	_ =	shalt  }
0x67: {  	_ =	shalt  }
0x68: {  	_ =	shalt  }
0x69: {  	_ =	shalt  }
0x6a: {  	_ =	shalt  }
0x6b: {  	_ =	shalt  }
0x6c: {  	_ =	shalt  }
0x6d: {  	_ =	shalt  }
0x6e: {  	_ =	shalt  }
0x6f: {  	_ =	shalt  }
0x70: {  	_ =	shalt  }
0x71: {  	_ =	shalt  }
0x72: {  	_ =	shalt  }
0x73: {  	_ =	shalt  }
0x74: {  	_ =	shalt  }
0x75: {  	_ =	shalt  }
0x76: {  	_ =	shalt  }
0x77: {  	_ =	shalt  }
0x78: {  	_ =	shalt  }
0x79: {  	_ =	shalt  }
0x7a: {  	_ =	shalt  }
0x7b: {  	_ =	shalt  }
0x7c: {  	_ =	shalt  }
0x7d: {  	_ =	shalt  }
0x7e: {  	_ =	shalt  }
0x7f: {  	_ =	shalt  }
0x80: {  	_ =	shalt  }
0x81: {  	_ =	shalt  }
0x82: {  	_ =	shalt  }
0x83: {  	_ =	shalt  }
0x84: {  	_ =	shalt  }
0x85: {  	_ =	shalt  }
0x86: {  	_ =	shalt  }
0x87: {  	_ =	shalt  }
.Lfunc_end0:
.L_simem_size_0:
called_computation.2_lowered:
.L_overlay_start_0:
0x88: {  	s2 =	sld [smem:$0x3FD9]  }
0x89: {  	s3 =	sld [smem:$0x3FFE];
	_ =	sdelay $0x1  }
0x8a: {  	s1 =	srdreg.scid  }
0x8b: {  	s0 =	sand.u32 $0x1, s1  }
0x8c: {  	s16 =	sshll.u32 s0, $0xA;
	s2 =	sadd.s32 s3, s2  }
0x8d: {  	s2 =	sadd.s32 s2, s16  }
0x8e: {  	[smem:$0x3FAC] =	sst s2  }
0x8f: {  	_ = 	snop  }
0x90: {  	(tm) =	ssettm $0x1  }
0x91: {  	s17 =	sld [smem:$0x3FFB];
	_ =	sdelay $0x3  }
0x92: {  	_ =	strace s17  }
0x93: {  	s2 =	sld [smem:$0x3FFC];
	_ =	sdelay $0x3  }
0x94: {  	_ =	strace s2  }
0x95: {  	s2 =	sld [smem:$0x3FFD];
	_ =	sdelay $0x3  }
0x96: {  	_ =	strace s2  }
0x97: {  	_ =	strace $0x8FFFFFFF  }
0x98: {  	s18 =	sld [smem:$0x3FDB];
	_ =	sdelay $0x1  }
0x99: {  	s19 =	simm.s32 $_scs_section_size  }
0x9a: {  	s4 =	simm.s32 $_size__tile_overlayer_lowered;
	s5 =	simm.s32 $_tile_overlayer_lowered  }
0x9b: {  	s22 =	simm.s32 $0x1BFF;
	s21 =	sshll.u32 s5, $0x1;
	s2 =	sadd.s32 s19, s18  }
0x9c: {  	s6 =	simm.s32 $0x0;
	s20 =	sshll.u32 s4, $0x1;
	s4 =	sadd.s32 s21, s2  }
0x9d: {  	[timem:s6], [sflag:s22] =	dma.local [hbm:s4], s20  }
0x9e: {  	_ =	swait.ge [sflag:s22], s20  }
0x9f: {  	s3 =	ssub.s32 $0x0, s20;
	[sflag:s22] =	ssyncset.done $0x0  }
0xa0: {  	[sflag:s22] =	ssyncadd.s32 s3;
	_ =	sdelay $0x1  }
0xa1: {  	s23 =	simm.s32 $0x1B8B  }
0xa2: {  	_ =	swait.ge [sflag:s23], $0x1  }
0xa3: {  	[sflag:s23] =	ssyncset.done $0x0  }
0xa4: {  	s25 =	simm.s32 $0x1B8E;
	s24 =	sld [smem:$0x3FFE];
	[sflag:s23] =	ssyncadd.s32 $0xFFFFFFFF  }
0xa5: {  	s26 =	simm.s32 $execute0_lowered;
	[smem:$0x3FD2] =	sst s25  }
0xa6: {  	s4 =	sshll.u32 s26, $0x1;
	_ =	strace $0x8000004C;
	[dreg:$0x1] =	wrdreg $0xFFFFFFFF  }
0xa7: {  	s28 =	simm.s32 $_size_execute0_lowered;
	s2 =	sadd.s32 s2, s4;
	[dreg:$0x0] =	wrdreg $0x0  }
0xa8: {  	s4 =	sshll.u32 s28, $0x1;
	[dreg:$0x2] =	wrdreg s2  }
0xa9: {  	[dreg:$0x3] =	wrdreg s4  }
0xaa: {  	[dreg:$0x4] =	wrdreg $0xC0  }
0xab: {  	_ =	task [dreg:s6], $0x5FFFF  }
0xac: {  	[dreg:$0x1] =	wrdreg $0xFFFFFFFF  }
0xad: {  	[dreg:$0x0] =	wrdreg $0x60  }
0xae: {  	[dreg:$0x2] =	wrdreg s24  }
0xaf: {  	[dreg:$0x3] =	wrdreg $0x0  }
0xb0: {  	[dreg:$0x4] =	wrdreg $0x9  }
0xb1: {  	_ =	task.clear_ibuf [dreg:s6], $0x5FFFF;
	_ =	strace $0x9000004C  }
0xb2: {  	s29 =	simm.s32 $0x9;
	_ =	strace $0x8000004E  }
0xb3: {  	_ =	swait.ge [sflag:s29], $0x1  }
0xb4: {  	[sflag:s29] =	ssyncadd.s32 $0xFFFFFFFF  }
0xb5: {  	_ =	strace $0x9000004E  }
0xb6: {  	_ =	sfence  }
0xb7: {  	s30 =	sld [smem:$0x0];
	_ =	sdelay $0x2  }
0xb8: {  	s31 =	sshll.u32 s1, $0xD;
	s1 =	sshrl.u32 s1, $0x2  }
0xb9: {  	s3 =	sand.u32 $0x4000, s31;
	s1 =	sadd.s32 s1, s30  }
0xba: {  	s0 =	sor.u32 s3, s0;
	s1 =	sshll.u32 s1, $0x11  }
0xbb: {  	s0 =	sor.u32 s1, s0  }
0xbc: {  	s0 =	sadd.s32 $0x8F2B, s0  }
0xbd: {  	[sflag:s0] =	ssyncadd.remote.s32 $0x1  }
0xbe: {  	_ =	sfence.sel $0xFFFF  }
0xbf: {  	[dreg:$0x0] =	wrdreg $0xFFFFFFFF;
	(pc) =	sbr.abs _section_cstart, $3  }
0xc0: {  	[dreg:$0x1] =	wrdreg $0xFFFFFFFF  }
0xc1: {  	_ =	task.clear_ibuf [dreg:s6], $0x2FFFF;
	_ =	strace $0x9FFFFFFF  }
0xc2: {  	(tm) =	ssettm $0x7FFFFFFF  }
0xc3: {  	_ =	shalt  }
tec
execute0_lowered:
.L_overlay_start_1:
0x0: {  	(tag) =	ssettag $0x1  }
0x1: {  	s7 =	rddreg [dreg:$0x0];
	s0 =	srdreg.scid  }
0x2: {  	s1 =	rddreg [dreg:$0x1];
	s2 =	simm.s32 $0x0;
	s3 =	stileid.u32  }
0x3: {  	s4 =	sand.u32 $0x1, s0;
	s0 =	rddreg [dreg:$0x2];
	s8 =	smul.u32 $0x13800, s3  }
0x4: {  	[smem:$0x7FF] =	sst s2;
	s23 =	smul.u32 $0x4E000, s3  }
0x5: {  	s11 =	sadd.s32 $0xECE00, s7;
	s25 =	sshll.u32 s3, $0x6;
	s15 =	sadd.s32 $0x138000, s1  }
0x6: {  	s29 =	sshll.u32 s3, $0x5;
	s30 =	sshll.u32 s3, $0xC;
	s5 =	smul.u32 $0x4E2000, s4  }
0x7: {  	p0 =	sne.s32 s3, $0x0;
	s6 =	smul.u32 $0x9C40, s4;
	_ =	strace $0x8000004D  }
0x8: {  	s12 =	ssub.s32 $0x2, s4;
	s14 =	smul.u32 $0x138800, s4;
	s22 =	sshrl.u32 s8, $0x3  }
0x9: {  	s13 =	sshrl.u32 s12, $0x1;
	s10 =	sadd.s32 s5, s7;
	s9 =	sadd.s32 s6, s7  }
0xa: {  	s5 =	sadd.s32 s22, s7;
	s6 =	sshrl.u32 s23, $0x2;
	s12 =	ssub.s32 s12, s13  }
0xb: {  	s26 =	sadd.s32 s8, s14;
	s28 =	sshrl.u32 s14, $0x3;
	s7 =	sadd.s32 $0xECC00, s7  }
0xc: {  	s13 =	simm.s32 $0x1;
	s14 =	sshrl.u32 @!p0 s15, $0x3;
	s24 =	sadd.s32 s6, s1  }
0xd: {  	s4 =	sadd.s32 $0xC5C00, s5;
	s5 =	sor.u32 $0x1C01, s25;
	s6 =	sshrl.u32 s26, $0x3  }
0xe: {  	s8 =	sadd.s32 s11, s28;
	s31 =	sadd.s32 s30, s10;
	s6 =	sadd.s32 s11, s6  }
0xf: {  	s11 =	sadd.s32 s29, s9;
	s8 =	sadd.s32 $0x27000, s8;
	s9 =	smax.u32 s12, $0x1  }
0x10: {  	s12 =	sshrl.u32 s24, $0x3;
	s10 =	sadd.s32 $0x25200, s11;
	s11 =	sadd.s32 $0x149BE00, s31  }
.LBB2_1:
0x11: {  	[spmem:s12], [sflag:s5] =	dma.local [hbm:s4], $0x2700  }
0x12: {  	_ =	swait.ge [sflag:s13], $0x2700  }
0x13: {  	[sflag:s13] =	ssyncset.done $0x0  }
0x14: {  	s15 =	simm.s32 @!p0 $0x1;
	[sflag:s13] =	ssyncadd.s32 $0xFFFFD900  }
0x15: {  	[spmem:s14], [sflag:s5] =	dma.local @!p0 [hbm:s7], $0x100  }
0x16: {  	s30 =	sadd.s32 $0x0, s3;
	_ =	swait.ge @!p0 [sflag:s15], $0x100  }
0x17: {  	p1 =	sgt.u32 s30, $0x4E1;
	[sflag:s15] =	ssyncset.done @!p0 $0x0  }
0x18: {  	s16 =	simm.s32 @!p1 $0x13980;
	[sflag:s15] =	ssyncadd.s32 @!p0 $0xFFFFFF00  }
0x19: {  	s18 =	simm.s32 @!p1 $0x2;
	s15 =	simm.s32 @!p1 $0x0;
	[bflag:$0x0] =	sbarrier.arrive $0xFFFF  }
0x1a: {  	[tilespmem:s16], [sflag:$0x2] =	stream.linear.gather @!p1 [hbm4b:s11+s15], $0x8000, $0x38;
	[tilespmem:$0x1B980] =	vst v63  }
0x1b: {  	_ =	swait.ge @!p1 [sflag:s18], $0x8000;
	p1 =	por p1, p1  }
0x1c: {  	[sflag:s18] =	ssyncset.done @!p1 $0x0  }
0x1d: {  	s17 =	simm.s32 @!p1 $0x13880;
	[sflag:s18] =	ssyncadd.s32 @!p1 $0xFFFF8000  }
0x1e: {  	[tilespmem:s17], [sflag:$0x2] =	stream.linear.gather @!p1 [hbm4b:s10+s15], $0x100, $0x38;
	[tilespmem:$0x1B980] =	vst v63  }
0x1f: {  	_ =	swait.ge @!p1 [sflag:s18], $0x100  }
0x20: {  	[sflag:s18] =	ssyncset.done @!p1 $0x0  }
0x21: {  	s15 =	simm.s32 @!p1 $0x80;
	[sflag:s18] =	ssyncadd.s32 @!p1 $0xFFFFFF00  }
0x22: {  	[spmem:s1] =	stream.indirect.scatter.add.f32 @!p1 [tilespmem:s16], [sflag:$0x2], $0x80, s17, s15, $0xb8;
	[tilespmem:$0x1B980] =	vst v63  }
0x23: {  	_ =	swait.ge @!p1 [sflag:s18], $0x4000  }
0x24: {  	s31 =	sadd.s32 $0x10, s3;
	[sflag:s18] =	ssyncset.done @!p1 $0x0  }
0x25: {  	s16 =	simm.s32 @!p1 $0x13900;
	[sflag:s18] =	ssyncadd.s32 @!p1 $0xFFFFC000;
	s18 =	simm.s32 @!p1 $0x17980  }
0x26: {  	[spmem:s1] =	stream.indirect.scatter.add.f32 @!p1 [tilespmem:s18], [sflag:$0x1], $0x80, s16, s15, $0xb8;
	[tilespmem:$0x1B980] =	vst v63  }
0x27: {  	p3 =	sgt.u32 s31, $0x4E1;
	s17 =	simm.s32 $0x20;
	s18 =	simm.s32 @!p1 $0x1  }
0x28: {  	s16 =	sadd.s32 $0x10000, s11;
	s15 =	sadd.s32 $0x200, s10;
	_ =	swait.ge @!p1 [sflag:s18], $0x4000  }
.LBB2_2:
0x29: {  	s19 =	simm.s32 @!p3 $0x0  }
0x2a: {  	s20 =	simm.s32 @!p3 $0x13980;
	[sflag:s18] =	ssyncset.done @!p1 $0x0;
	s21 =	smov.u32 s17  }
0x2b: {  	s17 =	sadd.s32 $0x10, s17;
	s22 =	simm.s32 @!p3 $0x2;
	[sflag:s18] =	ssyncadd.s32 @!p1 $0xFFFFC000  }
0x2c: {  	[tilespmem:s20], [sflag:$0x2] =	stream.linear.gather @!p3 [hbm4b:s16+s19], $0x8000, $0x38;
	[tilespmem:$0x1B980] =	vst v63  }
0x2d: {  	p2 =	sne.s32 s17, $0x4F0;
	p1 =	por p3, p3;
	_ =	swait.ge @!p3 [sflag:s22], $0x8000  }
0x2e: {  	[sflag:s22] =	ssyncset.done @!p1 $0x0  }
0x2f: {  	s18 =	simm.s32 @!p1 $0x13880;
	[sflag:s22] =	ssyncadd.s32 @!p1 $0xFFFF8000  }
0x30: {  	[tilespmem:s18], [sflag:$0x2] =	stream.linear.gather @!p1 [hbm4b:s15+s19], $0x100, $0x38;
	[tilespmem:$0x1B980] =	vst v63  }
0x31: {  	_ =	swait.ge @!p1 [sflag:s22], $0x100  }
0x32: {  	[sflag:s22] =	ssyncset.done @!p1 $0x0  }
0x33: {  	s19 =	simm.s32 @!p1 $0x80;
	[sflag:s22] =	ssyncadd.s32 @!p1 $0xFFFFFF00  }
0x34: {  	[spmem:s1] =	stream.indirect.scatter.add.f32 @!p1 [tilespmem:s20], [sflag:$0x2], $0x80, s18, s19, $0xb8;
	[tilespmem:$0x1B980] =	vst v63  }
.Ltmp0:
0x35: {  	s16 =	sadd.s32 $0x10000, s16;
	_ =	swait.ge @!p1 [sflag:s22], $0x4000;
	(pc) =	sbr.rel @p2 .LBB2_2-.Ltmp0, $4  }
0x36: {  	s20 =	sadd.s32 s21, s3;
	s18 =	simm.s32 @!p1 $0x1;
	[sflag:s22] =	ssyncset.done @!p1 $0x0  }
0x37: {  	s21 =	simm.s32 @!p1 $0x13900;
	[sflag:s22] =	ssyncadd.s32 @!p1 $0xFFFFC000;
	s22 =	simm.s32 @!p1 $0x17980  }
0x38: {  	[spmem:s1] =	stream.indirect.scatter.add.f32 @!p1 [tilespmem:s22], [sflag:$0x1], $0x80, s21, s19, $0xb8;
	[tilespmem:$0x1B980] =	vst v63  }
0x39: {  	s15 =	sadd.s32 $0x200, s15;
	p3 =	sgt.u32 s20, $0x4E1;
	_ =	swait.ge @!p1 [sflag:s18], $0x4000  }
0x3a: {  	s17 =	simm.s32 @!p3 $0x0;
	[sflag:s18] =	ssyncset.done @!p1 $0x0  }
0x3b: {  	s19 =	simm.s32 @!p3 $0x13980;
	s20 =	simm.s32 @!p3 $0x2;
	[sflag:s18] =	ssyncadd.s32 @!p1 $0xFFFFC000  }
0x3c: {  	[tilespmem:s19], [sflag:$0x2] =	stream.linear.gather @!p3 [hbm4b:s16+s17], $0x8000, $0x38;
	[tilespmem:$0x1B980] =	vst v63  }
0x3d: {  	p1 =	por p3, p3;
	_ =	swait.ge @!p3 [sflag:s20], $0x8000  }
0x3e: {  	[sflag:s20] =	ssyncset.done @!p1 $0x0  }
0x3f: {  	s16 =	simm.s32 @!p1 $0x13880;
	[sflag:s20] =	ssyncadd.s32 @!p1 $0xFFFF8000  }
0x40: {  	[tilespmem:s16], [sflag:$0x2] =	stream.linear.gather @!p1 [hbm4b:s15+s17], $0x100, $0x38;
	[tilespmem:$0x1B980] =	vst v63  }
0x41: {  	_ =	swait.ge @!p1 [sflag:s20], $0x100  }
0x42: {  	[sflag:s20] =	ssyncset.done @!p1 $0x0  }
0x43: {  	s15 =	simm.s32 @!p1 $0x80;
	[sflag:s20] =	ssyncadd.s32 @!p1 $0xFFFFFF00  }
0x44: {  	[spmem:s1] =	stream.indirect.scatter.add.f32 @!p1 [tilespmem:s19], [sflag:$0x2], $0x80, s16, s15, $0xb8;
	[tilespmem:$0x1B980] =	vst v63  }
0x45: {  	_ =	swait.ge @!p1 [sflag:s20], $0x4000  }
0x46: {  	s18 =	simm.s32 @!p1 $0x17980;
	[sflag:s20] =	ssyncset.done @!p1 $0x0  }
0x47: {  	s17 =	simm.s32 @!p1 $0x13900;
	s16 =	simm.s32 @!p1 $0x1;
	[sflag:s20] =	ssyncadd.s32 @!p1 $0xFFFFC000  }
0x48: {  	[spmem:s1] =	stream.indirect.scatter.add.f32 @!p1 [tilespmem:s18], [sflag:$0x1], $0x80, s17, s15, $0xb8;
	[tilespmem:$0x1B980] =	vst v63  }
0x49: {  	_ =	swait.ge @!p1 [sflag:s16], $0x4000  }
0x4a: {  	[sflag:s16] =	ssyncset.done @!p1 $0x0  }
0x4b: {  	[sflag:s16] =	ssyncadd.s32 @!p1 $0xFFFFC000  }
0x4c: {  	[bflag:$0x0] =	sbarrier.arrive $0xFFFF  }
0x4d: {  	[hbm:s6], [sflag:s5] =	dma.local [spmem:s12], $0x2700  }
0x4e: {  	s2 =	sadd.s32 $0x1, s2;
	_ =	swait.ge [sflag:s13], $0x2700  }
0x4f: {  	p1 =	sne.s32 s2, s9;
	[sflag:s13] =	ssyncset.done $0x0  }
.Ltmp1:
0x50: {  	s15 =	simm.s32 @!p0 $0x1;
	[sflag:s13] =	ssyncadd.s32 $0xFFFFD900;
	(pc) =	sbr.rel @p1 .LBB2_1-.Ltmp1, $4  }
0x51: {  	[hbm:s8], [sflag:s5] =	dma.local @!p0 [spmem:s14], $0x100  }
0x52: {  	_ =	swait.ge @!p0 [sflag:s15], $0x100  }
0x53: {  	[sflag:s15] =	ssyncset.done @!p0 $0x0  }
0x54: {  	[sflag:s15] =	ssyncadd.s32 @!p0 $0xFFFFFF00  }
0x55: {  	_ =	sfence.sel $0x180000  }
0x56: {  	[bflag:$0x0] =	sbarrier.arrive $0xFFFF  }
0x57: {  	_ =	strace $0x9000004D  }
0x58: {  	s0 =	sadd.s32 @!p0 $0x100000, s0;
	[bflag:$0x2] =	sbarrier.arrive $0xFFFF  }
0x59: {  	[sflag:s0] =	ssyncadd.tile.s32 @!p0 $0x1;
	_ =	shalt  }
.Lfunc_end2:
_tile_overlayer_lowered:
.L_overlay_start_2:
0x5a: {  	(tag) =	ssettag $0x2  }
0x5b: {  	s0 =	rddreg [dreg:$0x0];
	s2 =	stileid.u32  }
0x5c: {  	s1 =	rddreg [dreg:$0x1];
	p0 =	sne.s32 s2, $0x0  }
0x5d: {  	s3 =	rddreg [dreg:$0x2];
	[bflag:$0x3] =	sbarrier.arrive $0xFFFF;
	s2 =	simm.s32 @!p0 $0x1C01  }
0x5e: {  	[timem:s3], [sflag:s2] =	dma.local @!p0 [hbm:s0], s1  }
0x5f: {  	s0 =	simm.s32 @!p0 $0x1  }
0x60: {  	_ =	swait.ge @!p0 [sflag:s0], s1  }
0x61: {  	s1 =	ssub.s32 @!p0 $0x0, s1;
	[sflag:s0] =	ssyncset.done @!p0 $0x0  }
0x62: {  	[sflag:s0] =	ssyncadd.s32 @!p0 s1  }
0x63: {  	[bflag:$0x3] =	sbarrier.arrive $0xFFFF  }
0x64: {  	_ =	shalt  }

// kernel: kernel.34.cloned.1.call-start
scs
__scs_entry_jumppad:
0x0: {  	(pc) =	sbr.rel $0x88, $3  }
0x1: {  	(tag) =	ssettag $0x0;
	lr =	simm.s32 $0x1  }
0x2: {  	[smem:$0x3F85] =	sst lr;
	_ =	strace $0xD0000000  }
0x3: {  	_ = 	snop  }
0x4: {  	_ = 	snop  }
0x5: {  	_ = 	snop  }
0x6: {  	_ = 	snop  }
0x7: {  	_ = 	snop  }
__scs_overlays_trampoline_lowered:
0x8: {  	[smem:$0x3F94] =	sst s0  }
0x9: {  	[smem:$0x3F95] =	sst s1  }
0xa: {  	[smem:$0x3F96] =	sst s2  }
0xb: {  	[smem:$0x3F97] =	sst s3  }
0xc: {  	[smem:$0x3F98] =	sst s4  }
0xd: {  	[smem:$0x3F99] =	sst s5  }
0xe: {  	[smem:$0x3F9A] =	sst s6  }
0xf: {  	[smem:$0x3F9B] =	sst s7  }
0x10: {  	[smem:$0x3F9C] =	sst s8  }
0x11: {  	[smem:$0x3F9D] =	sst s9;
	s0 =	simm.s32 @!p0 $0x0  }
0x12: {  	s1 =	sld [smem:$0x3F83];
	s0 =	simm.s32 @p0 $0x1  }
0x13: {  	[smem:$0x3F9E] =	sst s0;
	s0 =	simm.s32 @!p1 $0x0  }
0x14: {  	s2 =	sld [smem:$0x3F82];
	s0 =	simm.s32 @p1 $0x1  }
0x15: {  	[smem:$0x3F9F] =	sst s0;
	s0 =	simm.s32 @!p2 $0x0  }
0x16: {  	s3 =	sld [smem:$0x3FDB];
	s0 =	simm.s32 @p2 $0x1  }
0x17: {  	s4 =	simm.s32 $0x1BF5;
	[smem:$0x3FA1] =	sst s0  }
0x18: {  	s0 =	sld [smem:$0x3F84];
	_ =	swait.ge [sflag:s4], $0x0  }
0x19: {  	s7 =	sld [smem:$0x3F85]  }
0x1a: {  	s8 =	sadd.s32 $0xFFFFE003, lr  }
0x1b: {  	s9 =	sadd.s32 $0xFFFFFEF7, lr;
	s5 =	simm.s32 $0xFFFFFFFF;
	p2 =	slt.u32 s8, $0xFFFFF086  }
0x1c: {  	p1 =	slt.u32 s9, $0xF7A;
	s5 =	simm.s32 @!p2 $0x0  }
0x1d: {  	s5 =	simm.s32 @p1 $0x1;
	p0 =	seq.s32 s7, s2  }
0x1e: {  	s7 =	smul.u32 @!p0 $0xF7A, s2;
	p2 =	seq.s32 @!p0 s5, $0x0  }
0x1f: {  	s9 =	smul.u32 $0xF7A, s1;
	s8 =	simm.s32 @!p0 $0x1BF5;
	p2 =	por !p2, p0  }
0x20: {  	[sflag:s8] =	ssyncset.s32 @!p0 $0xFFFFF086;
	s6 =	sadd.s32 @!p0 s3, s7;
	s7 =	simm.s32 @!p0 $0x108  }
0x21: {  	s3 =	sadd.s32 s3, s9;
	s6 =	sadd.s32 @!p0 $0x88, s6;
	s7 =	simm.s32 @p2 $0x1082  }
0x22: {  	[simem:s7], [sflag:s8] =	dma.local @!p0 [hbm:s6], $0xF7A  }
0x23: {  	s9 =	sor.u32 $0xD0000000, s2;
	s6 =	simm.s32 $0x108;
	_ =	swait.ge @!p0 [sflag:s8], $0x0  }
0x24: {  	s3 =	sadd.s32 $0x88, s3;
	s6 =	simm.s32 @!p1 $0x1082;
	[sflag:s4] =	ssyncset.s32 $0xFFFFF086  }
0x25: {  	[simem:s6], [sflag:s4] =	dma.local [hbm:s3], $0xF7A  }
0x26: {  	[smem:$0x3F85] =	sst s1;
	(tag) =	ssettag s2;
	_ =	strace s9  }
0x27: {  	s1 =	sld [smem:$0x3F95]  }
0x28: {  	s2 =	sld [smem:$0x3F96]  }
0x29: {  	s4 =	sld [smem:$0x3F98]  }
0x2a: {  	p0 =	seq.s32 s5, $0x0;
	s5 =	sld [smem:$0x3F99]  }
0x2b: {  	s6 =	sld [smem:$0x3F9A]  }
0x2c: {  	s7 =	sld [smem:$0x3F9B]  }
0x2d: {  	s3 =	simm.s32 $0x108;
	s8 =	sld [smem:$0x3F9C]  }
0x2e: {  	s3 =	simm.s32 @!p0 $0x1082;
	s9 =	sld [smem:$0x3F9D]  }
0x2f: {  	lr =	sadd.s32 s0, s3;
	s0 =	sld [smem:$0x3F94]  }
0x30: {  	s3 =	sld [smem:$0x3F97]  }
0x31: {  	[smem:$0x3FA0] =	sst s10  }
0x32: {  	s10 =	sld [smem:$0x3F9E];
	_ =	sdelay $0x3  }
0x33: {  	p0 =	seq.s32 s10, $0x1;
	s10 =	sld [smem:$0x3FA0];
	_ =	sdelay $0x3  }
0x34: {  	[smem:$0x3FA0] =	sst s10  }
0x35: {  	s10 =	sld [smem:$0x3F9F];
	_ =	sdelay $0x3  }
0x36: {  	p1 =	seq.s32 s10, $0x1;
	s10 =	sld [smem:$0x3FA0];
	_ =	sdelay $0x3  }
0x37: {  	[smem:$0x3FA0] =	sst s10  }
0x38: {  	s10 =	sld [smem:$0x3FA1]  }
0x39: {  	_ = 	snop;
	(pc) =	sbr.ind lr, $3  }
0x3a: {  	_ = 	snop  }
0x3b: {  	_ = 	snop  }
0x3c: {  	p2 =	seq.s32 s10, $0x1;
	s10 =	sld [smem:$0x3FA0]  }
0x3d: {  	_ =	shalt  }
0x3e: {  	_ =	shalt  }
0x3f: {  	_ =	shalt  }
0x40: {  	_ =	shalt  }
0x41: {  	_ =	shalt  }
0x42: {  	_ =	shalt  }
0x43: {  	_ =	shalt  }
0x44: {  	_ =	shalt  }
0x45: {  	_ =	shalt  }
0x46: {  	_ =	shalt  }
0x47: {  	_ =	shalt  }
0x48: {  	_ =	shalt  }
0x49: {  	_ =	shalt  }
0x4a: {  	_ =	shalt  }
0x4b: {  	_ =	shalt  }
0x4c: {  	_ =	shalt  }
0x4d: {  	_ =	shalt  }
0x4e: {  	_ =	shalt  }
0x4f: {  	_ =	shalt  }
0x50: {  	_ =	shalt  }
0x51: {  	_ =	shalt  }
0x52: {  	_ =	shalt  }
0x53: {  	_ =	shalt  }
0x54: {  	_ =	shalt  }
0x55: {  	_ =	shalt  }
0x56: {  	_ =	shalt  }
0x57: {  	_ =	shalt  }
0x58: {  	_ =	shalt  }
0x59: {  	_ =	shalt  }
0x5a: {  	_ =	shalt  }
0x5b: {  	_ =	shalt  }
0x5c: {  	_ =	shalt  }
0x5d: {  	_ =	shalt  }
0x5e: {  	_ =	shalt  }
0x5f: {  	_ =	shalt  }
0x60: {  	_ =	shalt  }
0x61: {  	_ =	shalt  }
0x62: {  	_ =	shalt  }
0x63: {  	_ =	shalt  }
0x64: {  	_ =	shalt  }
0x65: {  	_ =	shalt  }
0x66: {  	_ =	shalt  }
0x67: {  	_ =	shalt  }
0x68: {  	_ =	shalt  }
0x69: {  	_ =	shalt  }
0x6a: {  	_ =	shalt  }
0x6b: {  	_ =	shalt  }
0x6c: {  	_ =	shalt  }
0x6d: {  	_ =	shalt  }
0x6e: {  	_ =	shalt  }
0x6f: {  	_ =	shalt  }
0x70: {  	_ =	shalt  }
0x71: {  	_ =	shalt  }
0x72: {  	_ =	shalt  }
0x73: {  	_ =	shalt  }
0x74: {  	_ =	shalt  }
0x75: {  	_ =	shalt  }
0x76: {  	_ =	shalt  }
0x77: {  	_ =	shalt  }
0x78: {  	_ =	shalt  }
0x79: {  	_ =	shalt  }
0x7a: {  	_ =	shalt  }
0x7b: {  	_ =	shalt  }
0x7c: {  	_ =	shalt  }
0x7d: {  	_ =	shalt  }
0x7e: {  	_ =	shalt  }
0x7f: {  	_ =	shalt  }
0x80: {  	_ =	shalt  }
0x81: {  	_ =	shalt  }
0x82: {  	_ =	shalt  }
0x83: {  	_ =	shalt  }
0x84: {  	_ =	shalt  }
0x85: {  	_ =	shalt  }
0x86: {  	_ =	shalt  }
0x87: {  	_ =	shalt  }
.Lfunc_end0:
.L_simem_size_0:
called_computation.3_lowered:
.L_overlay_start_0:
0x88: {  	s2 =	sld [smem:$0x3FD9]  }
0x89: {  	s3 =	sld [smem:$0x3FFE];
	_ =	sdelay $0x1  }
0x8a: {  	s1 =	srdreg.scid  }
0x8b: {  	s0 =	sand.u32 $0x1, s1  }
0x8c: {  	s16 =	sshll.u32 s0, $0xA;
	s2 =	sadd.s32 s3, s2  }
0x8d: {  	s2 =	sadd.s32 s2, s16  }
0x8e: {  	[smem:$0x3FAC] =	sst s2  }
0x8f: {  	_ = 	snop  }
0x90: {  	(tm) =	ssettm $0x1  }
0x91: {  	s17 =	sld [smem:$0x3FFB];
	_ =	sdelay $0x3  }
0x92: {  	_ =	strace s17  }
0x93: {  	s2 =	sld [smem:$0x3FFC];
	_ =	sdelay $0x3  }
0x94: {  	_ =	strace s2  }
0x95: {  	s2 =	sld [smem:$0x3FFD];
	_ =	sdelay $0x3  }
0x96: {  	_ =	strace s2  }
0x97: {  	_ =	strace $0x8FFFFFFF  }
0x98: {  	s18 =	sld [smem:$0x3FDB];
	_ =	sdelay $0x1  }
0x99: {  	s19 =	simm.s32 $_scs_section_size  }
0x9a: {  	s4 =	simm.s32 $_size__tile_overlayer_lowered;
	s5 =	simm.s32 $_tile_overlayer_lowered  }
0x9b: {  	s22 =	simm.s32 $0x1BFF;
	s21 =	sshll.u32 s5, $0x1;
	s2 =	sadd.s32 s19, s18  }
0x9c: {  	s6 =	simm.s32 $0x0;
	s20 =	sshll.u32 s4, $0x1;
	s4 =	sadd.s32 s21, s2  }
0x9d: {  	[timem:s6], [sflag:s22] =	dma.local [hbm:s4], s20  }
0x9e: {  	_ =	swait.ge [sflag:s22], s20  }
0x9f: {  	s3 =	ssub.s32 $0x0, s20;
	[sflag:s22] =	ssyncset.done $0x0  }
0xa0: {  	[sflag:s22] =	ssyncadd.s32 s3;
	_ =	sdelay $0x1  }
0xa1: {  	s23 =	simm.s32 $0x1B8B  }
0xa2: {  	_ =	swait.ge [sflag:s23], $0x1  }
0xa3: {  	[sflag:s23] =	ssyncset.done $0x0  }
0xa4: {  	s25 =	simm.s32 $0x1B8E;
	s24 =	sld [smem:$0x3FFE];
	[sflag:s23] =	ssyncadd.s32 $0xFFFFFFFF  }
0xa5: {  	s26 =	simm.s32 $execute0_lowered;
	[smem:$0x3FD2] =	sst s25  }
0xa6: {  	s4 =	sshll.u32 s26, $0x1;
	_ =	strace $0x8000004F;
	[dreg:$0x1] =	wrdreg $0xFFFFFFFF  }
0xa7: {  	s28 =	simm.s32 $_size_execute0_lowered;
	s2 =	sadd.s32 s2, s4;
	[dreg:$0x0] =	wrdreg $0x0  }
0xa8: {  	s4 =	sshll.u32 s28, $0x1;
	[dreg:$0x2] =	wrdreg s2  }
0xa9: {  	[dreg:$0x3] =	wrdreg s4  }
0xaa: {  	[dreg:$0x4] =	wrdreg $0xC0  }
0xab: {  	_ =	task [dreg:s6], $0x5FFFF  }
0xac: {  	[dreg:$0x1] =	wrdreg $0xFFFFFFFF  }
0xad: {  	[dreg:$0x0] =	wrdreg $0x60  }
0xae: {  	[dreg:$0x2] =	wrdreg s24  }
0xaf: {  	[dreg:$0x3] =	wrdreg $0x9  }
0xb0: {  	_ =	task.clear_ibuf [dreg:s6], $0x4FFFF;
	_ =	strace $0x9000004F  }
0xb1: {  	s29 =	simm.s32 $0x9;
	_ =	strace $0x80000051  }
0xb2: {  	_ =	swait.ge [sflag:s29], $0x1  }
0xb3: {  	[sflag:s29] =	ssyncadd.s32 $0xFFFFFFFF  }
0xb4: {  	_ =	strace $0x90000051  }
0xb5: {  	_ =	sfence  }
0xb6: {  	s30 =	sld [smem:$0x0];
	_ =	sdelay $0x2  }
0xb7: {  	s31 =	sshll.u32 s1, $0xD;
	s1 =	sshrl.u32 s1, $0x2  }
0xb8: {  	s3 =	sand.u32 $0x4000, s31;
	s1 =	sadd.s32 s1, s30  }
0xb9: {  	s0 =	sor.u32 s3, s0;
	s1 =	sshll.u32 s1, $0x11  }
0xba: {  	s0 =	sor.u32 s1, s0  }
0xbb: {  	s0 =	sadd.s32 $0x8F2B, s0  }
0xbc: {  	[sflag:s0] =	ssyncadd.remote.s32 $0x1  }
0xbd: {  	_ =	sfence.sel $0xFFFF  }
0xbe: {  	[dreg:$0x0] =	wrdreg $0xFFFFFFFF;
	(pc) =	sbr.abs _section_cstart, $3  }
0xbf: {  	[dreg:$0x1] =	wrdreg $0xFFFFFFFF  }
0xc0: {  	_ =	task.clear_ibuf [dreg:s6], $0x2FFFF;
	_ =	strace $0x9FFFFFFF  }
0xc1: {  	(tm) =	ssettm $0x7FFFFFFF  }
tec
execute0_lowered:
.L_overlay_start_1:
0x0: {  	(tag) =	ssettag $0x1  }
0x1: {  	s4 =	rddreg [dreg:$0x0]  }
0x2: {  	s0 =	rddreg [dreg:$0x1];
	s1 =	simm.s32 $0x0;
	s5 =	srdreg.scid  }
0x3: {  	s2 =	stileid.u32;
	[smem:$0x7FF] =	sst s1  }
0x4: {  	s3 =	sadd.s32 $0xECE00, s4;
	s5 =	sand.u32 $0x1, s5;
	s6 =	sshll.u32 s2, $0x7  }
0x5: {  	s7 =	sshll.u32 s2, $0xE;
	_ =	strace $0x80000050;
	s8 =	ssub.s32 $0x2, s5  }
0x6: {  	s6 =	sadd.s32 s6, s4;
	s7 =	sadd.s32 s7, s4;
	s9 =	sshll.u32 s5, $0xD  }
0x7: {  	s5 =	sshll.u32 s5, $0x6;
	s4 =	sshll.u32 s2, $0x1;
	s30 =	sshrl.u32 s8, $0x1  }
0x8: {  	s7 =	sadd.s32 s9, s7;
	s31 =	sadd.s32 s5, s6;
	s8 =	ssub.s32 s8, s30  }
0x9: {  	s6 =	sadd.s32 $0x13B000, s7;
	s7 =	sadd.s32 $0x39C00, s31;
	s5 =	smax.u32 s8, $0x1  }
.LBB2_1:
0xa: {  	s8 =	sadd.s32 $0x0, s4  }
0xb: {  	p0 =	sgt.u32 s8, $0x9C3  }
0xc: {  	s8 =	simm.s32 @!p0 $0x0;
	s9 =	simm.s32 @!p0 $0x3  }
0xd: {  	[tilespmem:s8], [sflag:$0x3] =	stream.linear.gather @!p0 [hbm4b:s7+s8], $0x200, $0x38;
	[tilespmem:$0x10200] =	vst v63  }
0xe: {  	_ =	swait.ge @!p0 [sflag:s9], $0x200  }
0xf: {  	[sflag:s9] =	ssyncset.done @!p0 $0x0;
	p0 =	por p0, p0  }
0x10: {  	[sflag:s9] =	ssyncadd.s32 @!p0 $0xFFFFFE00;
	s9 =	simm.s32 @!p0 $0x80;
	s10 =	simm.s32 @!p0 $0x200  }
0x11: {  	[tilespmem:s10], [sflag:$0x1] =	stream.indirect.gather @!p0 [hbm4b:s3+s9], $0x80, s8, s9, $0xb8;
	[tilespmem:$0x10200] =	vst v63  }
0x12: {  	s11 =	simm.s32 @!p0 $0x4200  }
0x13: {  	[tilespmem:s11], [sflag:$0x1] =	stream.indirect.gather @!p0 [hbm4b:s3+s9], $0x80, s9, s9, $0xb8;
	[tilespmem:$0x10200] =	vst v63  }
0x14: {  	s12 =	simm.s32 @!p0 $0x8200;
	s11 =	simm.s32 @!p0 $0x100  }
0x15: {  	[tilespmem:s12], [sflag:$0x1] =	stream.indirect.gather @!p0 [hbm4b:s3+s9], $0x80, s11, s9, $0xb8;
	[tilespmem:$0x10200] =	vst v63  }
0x16: {  	s13 =	simm.s32 @!p0 $0x1;
	s11 =	simm.s32 @!p0 $0x180;
	s12 =	simm.s32 @!p0 $0xC200  }
0x17: {  	[tilespmem:s12], [sflag:$0x1] =	stream.indirect.gather @!p0 [hbm4b:s3+s9], $0x80, s11, s9, $0xb8;
	[tilespmem:$0x10200] =	vst v63  }
0x18: {  	_ =	swait.ge @!p0 [sflag:s13], $0x4000  }
0x19: {  	[sflag:s13] =	ssyncset.done @!p0 $0x0  }
0x1a: {  	[sflag:s13] =	ssyncadd.s32 @!p0 $0xFFFFC000  }
0x1b: {  	_ =	swait.ge @!p0 [sflag:s13], $0x4000  }
0x1c: {  	[sflag:s13] =	ssyncset.done @!p0 $0x0  }
0x1d: {  	[sflag:s13] =	ssyncadd.s32 @!p0 $0xFFFFC000  }
0x1e: {  	_ =	swait.ge @!p0 [sflag:s13], $0x4000  }
0x1f: {  	[sflag:s13] =	ssyncset.done @!p0 $0x0  }
0x20: {  	[sflag:s13] =	ssyncadd.s32 @!p0 $0xFFFFC000  }
0x21: {  	_ =	swait.ge @!p0 [sflag:s13], $0x4000  }
0x22: {  	[sflag:s13] =	ssyncset.done @!p0 $0x0  }
0x23: {  	s31 =	sadd.s32 $0x20, s4;
	s11 =	simm.s32 @!p0 $0x2;
	[sflag:s13] =	ssyncadd.s32 @!p0 $0xFFFFC000  }
0x24: {  	[hbm4b:s6+s8] =	stream.linear.scatter @!p0 [tilespmem:s10], [sflag:$0x2], $0x10000, $0x38;
	[tilespmem:$0x10200] =	vst v63  }
0x25: {  	p2 =	sgt.u32 s31, $0x9C3;
	s9 =	simm.s32 $0x40;
	_ =	swait.ge @!p0 [sflag:s11], $0x10000  }
0x26: {  	s10 =	sadd.s32 $0x800, s7;
	s8 =	sadd.s32 $0x40000, s6;
	[sflag:s11] =	ssyncset.done @!p0 $0x0  }
.LBB2_2:
0x27: {  	s12 =	simm.s32 @!p2 $0x0;
	s13 =	simm.s32 @!p2 $0x3;
	[sflag:s11] =	ssyncadd.s32 @!p0 $0xFFFF0000  }
0x28: {  	[tilespmem:s12], [sflag:$0x3] =	stream.linear.gather @!p2 [hbm4b:s10+s12], $0x200, $0x38;
	[tilespmem:$0x10200] =	vst v63  }
0x29: {  	s14 =	smov.u32 s9;
	s9 =	sadd.s32 $0x20, s9;
	_ =	swait.ge @!p2 [sflag:s13], $0x200  }
0x2a: {  	p0 =	por p2, p2;
	p1 =	sne.s32 s9, $0x9E0;
	[sflag:s13] =	ssyncset.done @!p2 $0x0  }
0x2b: {  	s11 =	simm.s32 @!p0 $0x80;
	[sflag:s13] =	ssyncadd.s32 @!p0 $0xFFFFFE00;
	s13 =	simm.s32 @!p0 $0x200  }
0x2c: {  	[tilespmem:s13], [sflag:$0x1] =	stream.indirect.gather @!p0 [hbm4b:s3+s11], $0x80, s12, s11, $0xb8;
	[tilespmem:$0x10200] =	vst v63  }
0x2d: {  	s15 =	simm.s32 @!p0 $0x4200  }
0x2e: {  	[tilespmem:s15], [sflag:$0x1] =	stream.indirect.gather @!p0 [hbm4b:s3+s11], $0x80, s11, s11, $0xb8;
	[tilespmem:$0x10200] =	vst v63  }
0x2f: {  	s16 =	simm.s32 @!p0 $0x8200;
	s15 =	simm.s32 @!p0 $0x100  }
0x30: {  	[tilespmem:s16], [sflag:$0x1] =	stream.indirect.gather @!p0 [hbm4b:s3+s11], $0x80, s15, s11, $0xb8;
	[tilespmem:$0x10200] =	vst v63  }
0x31: {  	s17 =	simm.s32 @!p0 $0x1;
	s15 =	simm.s32 @!p0 $0x180;
	s16 =	simm.s32 @!p0 $0xC200  }
0x32: {  	[tilespmem:s16], [sflag:$0x1] =	stream.indirect.gather @!p0 [hbm4b:s3+s11], $0x80, s15, s11, $0xb8;
	[tilespmem:$0x10200] =	vst v63  }
0x33: {  	_ =	swait.ge @!p0 [sflag:s17], $0x4000  }
0x34: {  	[sflag:s17] =	ssyncset.done @!p0 $0x0  }
0x35: {  	[sflag:s17] =	ssyncadd.s32 @!p0 $0xFFFFC000  }
0x36: {  	_ =	swait.ge @!p0 [sflag:s17], $0x4000  }
0x37: {  	[sflag:s17] =	ssyncset.done @!p0 $0x0  }
0x38: {  	[sflag:s17] =	ssyncadd.s32 @!p0 $0xFFFFC000  }
0x39: {  	_ =	swait.ge @!p0 [sflag:s17], $0x4000  }
0x3a: {  	[sflag:s17] =	ssyncset.done @!p0 $0x0  }
0x3b: {  	[sflag:s17] =	ssyncadd.s32 @!p0 $0xFFFFC000  }
0x3c: {  	_ =	swait.ge @!p0 [sflag:s17], $0x4000  }
.Ltmp0:
0x3d: {  	[sflag:s17] =	ssyncset.done @!p0 $0x0;
	(pc) =	sbr.rel @p1 .LBB2_2-.Ltmp0, $4  }
0x3e: {  	s11 =	simm.s32 @!p0 $0x2;
	[sflag:s17] =	ssyncadd.s32 @!p0 $0xFFFFC000  }
0x3f: {  	[hbm4b:s8+s12] =	stream.linear.scatter @!p0 [tilespmem:s13], [sflag:$0x2], $0x10000, $0x38;
	[tilespmem:$0x10200] =	vst v63  }
0x40: {  	s10 =	sadd.s32 $0x800, s10;
	s12 =	sadd.s32 s14, s4;
	_ =	swait.ge @!p0 [sflag:s11], $0x10000  }
0x41: {  	s8 =	sadd.s32 $0x40000, s8;
	p2 =	sgt.u32 s12, $0x9C3;
	[sflag:s11] =	ssyncset.done @!p0 $0x0  }
0x42: {  	s9 =	simm.s32 @!p2 $0x0;
	s12 =	simm.s32 @!p2 $0x3;
	[sflag:s11] =	ssyncadd.s32 @!p0 $0xFFFF0000  }
0x43: {  	[tilespmem:s9], [sflag:$0x3] =	stream.linear.gather @!p2 [hbm4b:s10+s9], $0x200, $0x38;
	[tilespmem:$0x10200] =	vst v63  }
0x44: {  	_ =	swait.ge @!p2 [sflag:s12], $0x200  }
0x45: {  	p0 =	por p2, p2;
	[sflag:s12] =	ssyncset.done @!p2 $0x0  }
0x46: {  	s10 =	simm.s32 @!p0 $0x80;
	s11 =	simm.s32 @!p0 $0x200;
	[sflag:s12] =	ssyncadd.s32 @!p0 $0xFFFFFE00  }
0x47: {  	[tilespmem:s11], [sflag:$0x1] =	stream.indirect.gather @!p0 [hbm4b:s3+s10], $0x80, s9, s10, $0xb8;
	[tilespmem:$0x10200] =	vst v63  }
0x48: {  	s12 =	simm.s32 @!p0 $0x4200  }
0x49: {  	[tilespmem:s12], [sflag:$0x1] =	stream.indirect.gather @!p0 [hbm4b:s3+s10], $0x80, s10, s10, $0xb8;
	[tilespmem:$0x10200] =	vst v63  }
0x4a: {  	s13 =	simm.s32 @!p0 $0x8200;
	s12 =	simm.s32 @!p0 $0x100  }
0x4b: {  	[tilespmem:s13], [sflag:$0x1] =	stream.indirect.gather @!p0 [hbm4b:s3+s10], $0x80, s12, s10, $0xb8;
	[tilespmem:$0x10200] =	vst v63  }
0x4c: {  	s14 =	simm.s32 @!p0 $0x1;
	s12 =	simm.s32 @!p0 $0x180;
	s13 =	simm.s32 @!p0 $0xC200  }
0x4d: {  	[tilespmem:s13], [sflag:$0x1] =	stream.indirect.gather @!p0 [hbm4b:s3+s10], $0x80, s12, s10, $0xb8;
	[tilespmem:$0x10200] =	vst v63  }
0x4e: {  	_ =	swait.ge @!p0 [sflag:s14], $0x4000  }
0x4f: {  	[sflag:s14] =	ssyncset.done @!p0 $0x0  }
0x50: {  	[sflag:s14] =	ssyncadd.s32 @!p0 $0xFFFFC000  }
0x51: {  	_ =	swait.ge @!p0 [sflag:s14], $0x4000  }
0x52: {  	[sflag:s14] =	ssyncset.done @!p0 $0x0  }
0x53: {  	[sflag:s14] =	ssyncadd.s32 @!p0 $0xFFFFC000  }
0x54: {  	_ =	swait.ge @!p0 [sflag:s14], $0x4000  }
0x55: {  	[sflag:s14] =	ssyncset.done @!p0 $0x0  }
0x56: {  	[sflag:s14] =	ssyncadd.s32 @!p0 $0xFFFFC000  }
0x57: {  	s1 =	sadd.s32 $0x1, s1;
	_ =	swait.ge @!p0 [sflag:s14], $0x4000  }
0x58: {  	p1 =	sne.s32 s1, s5;
	[sflag:s14] =	ssyncset.done @!p0 $0x0  }
.Ltmp1:
0x59: {  	s10 =	simm.s32 @!p0 $0x2;
	[sflag:s14] =	ssyncadd.s32 @!p0 $0xFFFFC000;
	(pc) =	sbr.rel @p1 .LBB2_1-.Ltmp1, $4  }
0x5a: {  	[hbm4b:s8+s9] =	stream.linear.scatter @!p0 [tilespmem:s11], [sflag:$0x2], $0x10000, $0x38;
	[tilespmem:$0x10200] =	vst v63  }
0x5b: {  	_ =	swait.ge @!p0 [sflag:s10], $0x10000  }
0x5c: {  	[sflag:s10] =	ssyncset.done @!p0 $0x0  }
0x5d: {  	[sflag:s10] =	ssyncadd.s32 @!p0 $0xFFFF0000  }
0x5e: {  	_ =	sfence.sel $0x180000  }
0x5f: {  	[bflag:$0x0] =	sbarrier.arrive $0xFFFF  }
0x60: {  	p0 =	sne.s32 s2, $0x0;
	_ =	strace $0x90000050  }
0x61: {  	s0 =	sadd.s32 @!p0 $0x100000, s0;
	[bflag:$0x2] =	sbarrier.arrive $0xFFFF  }
0x62: {  	[sflag:s0] =	ssyncadd.tile.s32 @!p0 $0x1;
	_ =	shalt  }
.Lfunc_end2:
_tile_overlayer_lowered:
.L_overlay_start_2:
0x63: {  	(tag) =	ssettag $0x2  }
0x64: {  	s0 =	rddreg [dreg:$0x0];
	s2 =	stileid.u32  }
0x65: {  	s1 =	rddreg [dreg:$0x1];
	p0 =	sne.s32 s2, $0x0  }
0x66: {  	s3 =	rddreg [dreg:$0x2];
	[bflag:$0x3] =	sbarrier.arrive $0xFFFF;
	s2 =	simm.s32 @!p0 $0x1C02  }
0x67: {  	[timem:s3], [sflag:s2] =	dma.local @!p0 [hbm:s0], s1  }
0x68: {  	s0 =	simm.s32 @!p0 $0x2  }
0x69: {  	_ =	swait.ge @!p0 [sflag:s0], s1  }
0x6a: {  	s1 =	ssub.s32 @!p0 $0x0, s1;
	[sflag:s0] =	ssyncset.done @!p0 $0x0  }
0x6b: {  	[sflag:s0] =	ssyncadd.s32 @!p0 s1  }
0x6c: {  	[bflag:$0x3] =	sbarrier.arrive $0xFFFF  }
0x6d: {  	_ =	shalt  }

// kernel: kernel.37.cloned.1.call-start
scs
__scs_entry_jumppad:
0x0: {  	(pc) =	sbr.rel $0x88, $3  }
0x1: {  	(tag) =	ssettag $0x0;
	lr =	simm.s32 $0x1  }
0x2: {  	[smem:$0x3F85] =	sst lr;
	_ =	strace $0xD0000000  }
0x3: {  	_ = 	snop  }
0x4: {  	_ = 	snop  }
0x5: {  	_ = 	snop  }
0x6: {  	_ = 	snop  }
0x7: {  	_ = 	snop  }
__scs_overlays_trampoline_lowered:
0x8: {  	[smem:$0x3F94] =	sst s0  }
0x9: {  	[smem:$0x3F95] =	sst s1  }
0xa: {  	[smem:$0x3F96] =	sst s2  }
0xb: {  	[smem:$0x3F97] =	sst s3  }
0xc: {  	[smem:$0x3F98] =	sst s4  }
0xd: {  	[smem:$0x3F99] =	sst s5  }
0xe: {  	[smem:$0x3F9A] =	sst s6  }
0xf: {  	[smem:$0x3F9B] =	sst s7  }
0x10: {  	[smem:$0x3F9C] =	sst s8  }
0x11: {  	[smem:$0x3F9D] =	sst s9;
	s0 =	simm.s32 @!p0 $0x0  }
0x12: {  	s1 =	sld [smem:$0x3F83];
	s0 =	simm.s32 @p0 $0x1  }
0x13: {  	[smem:$0x3F9E] =	sst s0;
	s0 =	simm.s32 @!p1 $0x0  }
0x14: {  	s2 =	sld [smem:$0x3F82];
	s0 =	simm.s32 @p1 $0x1  }
0x15: {  	[smem:$0x3F9F] =	sst s0;
	s0 =	simm.s32 @!p2 $0x0  }
0x16: {  	s3 =	sld [smem:$0x3FDB];
	s0 =	simm.s32 @p2 $0x1  }
0x17: {  	s4 =	simm.s32 $0x1BF5;
	[smem:$0x3FA1] =	sst s0  }
0x18: {  	s0 =	sld [smem:$0x3F84];
	_ =	swait.ge [sflag:s4], $0x0  }
0x19: {  	s7 =	sld [smem:$0x3F85]  }
0x1a: {  	s8 =	sadd.s32 $0xFFFFE003, lr  }
0x1b: {  	s9 =	sadd.s32 $0xFFFFFEF7, lr;
	s5 =	simm.s32 $0xFFFFFFFF;
	p2 =	slt.u32 s8, $0xFFFFF086  }
0x1c: {  	p1 =	slt.u32 s9, $0xF7A;
	s5 =	simm.s32 @!p2 $0x0  }
0x1d: {  	s5 =	simm.s32 @p1 $0x1;
	p0 =	seq.s32 s7, s2  }
0x1e: {  	s7 =	smul.u32 @!p0 $0xF7A, s2;
	p2 =	seq.s32 @!p0 s5, $0x0  }
0x1f: {  	s9 =	smul.u32 $0xF7A, s1;
	s8 =	simm.s32 @!p0 $0x1BF5;
	p2 =	por !p2, p0  }
0x20: {  	[sflag:s8] =	ssyncset.s32 @!p0 $0xFFFFF086;
	s6 =	sadd.s32 @!p0 s3, s7;
	s7 =	simm.s32 @!p0 $0x108  }
0x21: {  	s3 =	sadd.s32 s3, s9;
	s6 =	sadd.s32 @!p0 $0x88, s6;
	s7 =	simm.s32 @p2 $0x1082  }
0x22: {  	[simem:s7], [sflag:s8] =	dma.local @!p0 [hbm:s6], $0xF7A  }
0x23: {  	s9 =	sor.u32 $0xD0000000, s2;
	s6 =	simm.s32 $0x108;
	_ =	swait.ge @!p0 [sflag:s8], $0x0  }
0x24: {  	s3 =	sadd.s32 $0x88, s3;
	s6 =	simm.s32 @!p1 $0x1082;
	[sflag:s4] =	ssyncset.s32 $0xFFFFF086  }
0x25: {  	[simem:s6], [sflag:s4] =	dma.local [hbm:s3], $0xF7A  }
0x26: {  	[smem:$0x3F85] =	sst s1;
	(tag) =	ssettag s2;
	_ =	strace s9  }
0x27: {  	s1 =	sld [smem:$0x3F95]  }
0x28: {  	s2 =	sld [smem:$0x3F96]  }
0x29: {  	s4 =	sld [smem:$0x3F98]  }
0x2a: {  	p0 =	seq.s32 s5, $0x0;
	s5 =	sld [smem:$0x3F99]  }
0x2b: {  	s6 =	sld [smem:$0x3F9A]  }
0x2c: {  	s7 =	sld [smem:$0x3F9B]  }
0x2d: {  	s3 =	simm.s32 $0x108;
	s8 =	sld [smem:$0x3F9C]  }
0x2e: {  	s3 =	simm.s32 @!p0 $0x1082;
	s9 =	sld [smem:$0x3F9D]  }
0x2f: {  	lr =	sadd.s32 s0, s3;
	s0 =	sld [smem:$0x3F94]  }
0x30: {  	s3 =	sld [smem:$0x3F97]  }
0x31: {  	[smem:$0x3FA0] =	sst s10  }
0x32: {  	s10 =	sld [smem:$0x3F9E];
	_ =	sdelay $0x3  }
0x33: {  	p0 =	seq.s32 s10, $0x1;
	s10 =	sld [smem:$0x3FA0];
	_ =	sdelay $0x3  }
0x34: {  	[smem:$0x3FA0] =	sst s10  }
0x35: {  	s10 =	sld [smem:$0x3F9F];
	_ =	sdelay $0x3  }
0x36: {  	p1 =	seq.s32 s10, $0x1;
	s10 =	sld [smem:$0x3FA0];
	_ =	sdelay $0x3  }
0x37: {  	[smem:$0x3FA0] =	sst s10  }
0x38: {  	s10 =	sld [smem:$0x3FA1]  }
0x39: {  	_ = 	snop;
	(pc) =	sbr.ind lr, $3  }
0x3a: {  	_ = 	snop  }
0x3b: {  	_ = 	snop  }
0x3c: {  	p2 =	seq.s32 s10, $0x1;
	s10 =	sld [smem:$0x3FA0]  }
0x3d: {  	_ =	shalt  }
0x3e: {  	_ =	shalt  }
0x3f: {  	_ =	shalt  }
0x40: {  	_ =	shalt  }
0x41: {  	_ =	shalt  }
0x42: {  	_ =	shalt  }
0x43: {  	_ =	shalt  }
0x44: {  	_ =	shalt  }
0x45: {  	_ =	shalt  }
0x46: {  	_ =	shalt  }
0x47: {  	_ =	shalt  }
0x48: {  	_ =	shalt  }
0x49: {  	_ =	shalt  }
0x4a: {  	_ =	shalt  }
0x4b: {  	_ =	shalt  }
0x4c: {  	_ =	shalt  }
0x4d: {  	_ =	shalt  }
0x4e: {  	_ =	shalt  }
0x4f: {  	_ =	shalt  }
0x50: {  	_ =	shalt  }
0x51: {  	_ =	shalt  }
0x52: {  	_ =	shalt  }
0x53: {  	_ =	shalt  }
0x54: {  	_ =	shalt  }
0x55: {  	_ =	shalt  }
0x56: {  	_ =	shalt  }
0x57: {  	_ =	shalt  }
0x58: {  	_ =	shalt  }
0x59: {  	_ =	shalt  }
0x5a: {  	_ =	shalt  }
0x5b: {  	_ =	shalt  }
0x5c: {  	_ =	shalt  }
0x5d: {  	_ =	shalt  }
0x5e: {  	_ =	shalt  }
0x5f: {  	_ =	shalt  }
0x60: {  	_ =	shalt  }
0x61: {  	_ =	shalt  }
0x62: {  	_ =	shalt  }
0x63: {  	_ =	shalt  }
0x64: {  	_ =	shalt  }
0x65: {  	_ =	shalt  }
0x66: {  	_ =	shalt  }
0x67: {  	_ =	shalt  }
0x68: {  	_ =	shalt  }
0x69: {  	_ =	shalt  }
0x6a: {  	_ =	shalt  }
0x6b: {  	_ =	shalt  }
0x6c: {  	_ =	shalt  }
0x6d: {  	_ =	shalt  }
0x6e: {  	_ =	shalt  }
0x6f: {  	_ =	shalt  }
0x70: {  	_ =	shalt  }
0x71: {  	_ =	shalt  }
0x72: {  	_ =	shalt  }
0x73: {  	_ =	shalt  }
0x74: {  	_ =	shalt  }
0x75: {  	_ =	shalt  }
0x76: {  	_ =	shalt  }
0x77: {  	_ =	shalt  }
0x78: {  	_ =	shalt  }
0x79: {  	_ =	shalt  }
0x7a: {  	_ =	shalt  }
0x7b: {  	_ =	shalt  }
0x7c: {  	_ =	shalt  }
0x7d: {  	_ =	shalt  }
0x7e: {  	_ =	shalt  }
0x7f: {  	_ =	shalt  }
0x80: {  	_ =	shalt  }
0x81: {  	_ =	shalt  }
0x82: {  	_ =	shalt  }
0x83: {  	_ =	shalt  }
0x84: {  	_ =	shalt  }
0x85: {  	_ =	shalt  }
0x86: {  	_ =	shalt  }
0x87: {  	_ =	shalt  }
.Lfunc_end0:
.L_simem_size_0:
called_computation.4_lowered:
.L_overlay_start_0:
0x88: {  	s2 =	sld [smem:$0x3FD9]  }
0x89: {  	s3 =	sld [smem:$0x3FFE];
	_ =	sdelay $0x1  }
0x8a: {  	s1 =	srdreg.scid  }
0x8b: {  	s0 =	sand.u32 $0x1, s1  }
0x8c: {  	s16 =	sshll.u32 s0, $0xA;
	s2 =	sadd.s32 s3, s2  }
0x8d: {  	s2 =	sadd.s32 s2, s16  }
0x8e: {  	[smem:$0x3FAC] =	sst s2  }
0x8f: {  	_ = 	snop  }
0x90: {  	(tm) =	ssettm $0x1  }
0x91: {  	s17 =	sld [smem:$0x3FFB];
	_ =	sdelay $0x3  }
0x92: {  	_ =	strace s17  }
0x93: {  	s2 =	sld [smem:$0x3FFC];
	_ =	sdelay $0x3  }
0x94: {  	_ =	strace s2  }
0x95: {  	s2 =	sld [smem:$0x3FFD];
	_ =	sdelay $0x3  }
0x96: {  	_ =	strace s2  }
0x97: {  	_ =	strace $0x8FFFFFFF  }
0x98: {  	s18 =	sld [smem:$0x3FDB];
	_ =	sdelay $0x1  }
0x99: {  	s19 =	simm.s32 $_scs_section_size  }
0x9a: {  	s4 =	simm.s32 $_size__tile_overlayer_lowered;
	s5 =	simm.s32 $_tile_overlayer_lowered  }
0x9b: {  	s22 =	simm.s32 $0x1BFF;
	s21 =	sshll.u32 s5, $0x1;
	s2 =	sadd.s32 s19, s18  }
0x9c: {  	s6 =	simm.s32 $0x0;
	s20 =	sshll.u32 s4, $0x1;
	s4 =	sadd.s32 s21, s2  }
0x9d: {  	[timem:s6], [sflag:s22] =	dma.local [hbm:s4], s20  }
0x9e: {  	_ =	swait.ge [sflag:s22], s20  }
0x9f: {  	s3 =	ssub.s32 $0x0, s20;
	[sflag:s22] =	ssyncset.done $0x0  }
0xa0: {  	[sflag:s22] =	ssyncadd.s32 s3;
	_ =	sdelay $0x1  }
0xa1: {  	s23 =	simm.s32 $0x1B8B  }
0xa2: {  	_ =	swait.ge [sflag:s23], $0x1  }
0xa3: {  	[sflag:s23] =	ssyncset.done $0x0  }
0xa4: {  	s25 =	simm.s32 $0x1B8E;
	s24 =	sld [smem:$0x3FFE];
	[sflag:s23] =	ssyncadd.s32 $0xFFFFFFFF  }
0xa5: {  	s26 =	simm.s32 $execute0_lowered;
	[smem:$0x3FD2] =	sst s25  }
0xa6: {  	s4 =	sshll.u32 s26, $0x1;
	_ =	strace $0x80000052;
	[dreg:$0x1] =	wrdreg $0xFFFFFFFF  }
0xa7: {  	s28 =	simm.s32 $_size_execute0_lowered;
	s2 =	sadd.s32 s2, s4;
	[dreg:$0x0] =	wrdreg $0x0  }
0xa8: {  	s4 =	sshll.u32 s28, $0x1;
	[dreg:$0x2] =	wrdreg s2  }
0xa9: {  	[dreg:$0x3] =	wrdreg s4  }
0xaa: {  	[dreg:$0x4] =	wrdreg $0xC0  }
0xab: {  	_ =	task [dreg:s6], $0x5FFFF  }
0xac: {  	[dreg:$0x1] =	wrdreg $0xFFFFFFFF  }
0xad: {  	[dreg:$0x0] =	wrdreg $0x60  }
0xae: {  	[dreg:$0x2] =	wrdreg s24  }
0xaf: {  	[dreg:$0x3] =	wrdreg $0x0  }
0xb0: {  	[dreg:$0x4] =	wrdreg $0x9  }
0xb1: {  	_ =	task.clear_ibuf [dreg:s6], $0x5FFFF;
	_ =	strace $0x90000052  }
0xb2: {  	s29 =	simm.s32 $0x9;
	_ =	strace $0x80000054  }
0xb3: {  	_ =	swait.ge [sflag:s29], $0x1  }
0xb4: {  	[sflag:s29] =	ssyncadd.s32 $0xFFFFFFFF  }
0xb5: {  	_ =	strace $0x90000054  }
0xb6: {  	_ =	sfence  }
0xb7: {  	s30 =	sld [smem:$0x0];
	_ =	sdelay $0x2  }
0xb8: {  	s31 =	sshll.u32 s1, $0xD;
	s1 =	sshrl.u32 s1, $0x2  }
0xb9: {  	s3 =	sand.u32 $0x4000, s31;
	s1 =	sadd.s32 s1, s30  }
0xba: {  	s0 =	sor.u32 s3, s0;
	s1 =	sshll.u32 s1, $0x11  }
0xbb: {  	s0 =	sor.u32 s1, s0  }
0xbc: {  	s0 =	sadd.s32 $0x8F2B, s0  }
0xbd: {  	[sflag:s0] =	ssyncadd.remote.s32 $0x1  }
0xbe: {  	_ =	sfence.sel $0xFFFF  }
0xbf: {  	[dreg:$0x0] =	wrdreg $0xFFFFFFFF;
	(pc) =	sbr.abs _section_cstart, $3  }
0xc0: {  	[dreg:$0x1] =	wrdreg $0xFFFFFFFF  }
0xc1: {  	_ =	task.clear_ibuf [dreg:s6], $0x2FFFF;
	_ =	strace $0x9FFFFFFF  }
0xc2: {  	(tm) =	ssettm $0x7FFFFFFF  }
0xc3: {  	_ =	shalt  }
tec
execute0_lowered:
.L_overlay_start_1:
0x0: {  	(tag) =	ssettag $0x1  }
0x1: {  	s7 =	rddreg [dreg:$0x0];
	s0 =	srdreg.scid  }
0x2: {  	s1 =	rddreg [dreg:$0x1];
	s2 =	simm.s32 $0x0;
	s3 =	stileid.u32  }
0x3: {  	s4 =	sand.u32 $0x1, s0;
	s0 =	rddreg [dreg:$0x2];
	s8 =	smul.u32 $0x13800, s3  }
0x4: {  	[smem:$0x7FF] =	sst s2;
	s23 =	smul.u32 $0x4E000, s3  }
0x5: {  	s11 =	sadd.s32 $0xECE00, s7;
	s25 =	sshll.u32 s3, $0x6;
	s15 =	sadd.s32 $0x138000, s1  }
0x6: {  	s29 =	sshll.u32 s3, $0x5;
	s30 =	sshll.u32 s3, $0xC;
	s5 =	smul.u32 $0x4E2000, s4  }
0x7: {  	p0 =	sne.s32 s3, $0x0;
	s6 =	smul.u32 $0x9C40, s4;
	_ =	strace $0x80000053  }
0x8: {  	s12 =	ssub.s32 $0x2, s4;
	s14 =	smul.u32 $0x138800, s4;
	s22 =	sshrl.u32 s8, $0x3  }
0x9: {  	s13 =	sshrl.u32 s12, $0x1;
	s10 =	sadd.s32 s5, s7;
	s9 =	sadd.s32 s6, s7  }
0xa: {  	s5 =	sadd.s32 s22, s7;
	s6 =	sshrl.u32 s23, $0x2;
	s12 =	ssub.s32 s12, s13  }
0xb: {  	s26 =	sadd.s32 s8, s14;
	s28 =	sshrl.u32 s14, $0x3;
	s7 =	sadd.s32 $0xECC00, s7  }
0xc: {  	s13 =	simm.s32 $0x1;
	s14 =	sshrl.u32 @!p0 s15, $0x3;
	s24 =	sadd.s32 s6, s1  }
0xd: {  	s4 =	sadd.s32 $0xC5C00, s5;
	s5 =	sor.u32 $0x1C01, s25;
	s6 =	sshrl.u32 s26, $0x3  }
0xe: {  	s8 =	sadd.s32 s11, s28;
	s31 =	sadd.s32 s30, s10;
	s6 =	sadd.s32 s11, s6  }
0xf: {  	s11 =	sadd.s32 s29, s9;
	s8 =	sadd.s32 $0x27000, s8;
	s9 =	smax.u32 s12, $0x1  }
0x10: {  	s12 =	sshrl.u32 s24, $0x3;
	s10 =	sadd.s32 $0x25200, s11;
	s11 =	sadd.s32 $0x14C3000, s31  }
.LBB2_1:
0x11: {  	[spmem:s12], [sflag:s5] =	dma.local [hbm:s4], $0x2700  }
0x12: {  	_ =	swait.ge [sflag:s13], $0x2700  }
0x13: {  	[sflag:s13] =	ssyncset.done $0x0  }
0x14: {  	s15 =	simm.s32 @!p0 $0x1;
	[sflag:s13] =	ssyncadd.s32 $0xFFFFD900  }
0x15: {  	[spmem:s14], [sflag:s5] =	dma.local @!p0 [hbm:s7], $0x100  }
0x16: {  	s30 =	sadd.s32 $0x0, s3;
	_ =	swait.ge @!p0 [sflag:s15], $0x100  }
0x17: {  	p1 =	sgt.u32 s30, $0x4E1;
	[sflag:s15] =	ssyncset.done @!p0 $0x0  }
0x18: {  	s16 =	simm.s32 @!p1 $0x13980;
	[sflag:s15] =	ssyncadd.s32 @!p0 $0xFFFFFF00  }
0x19: {  	s18 =	simm.s32 @!p1 $0x2;
	s15 =	simm.s32 @!p1 $0x0;
	[bflag:$0x0] =	sbarrier.arrive $0xFFFF  }
0x1a: {  	[tilespmem:s16], [sflag:$0x2] =	stream.linear.gather @!p1 [hbm4b:s11+s15], $0x8000, $0x38;
	[tilespmem:$0x1B980] =	vst v63  }
0x1b: {  	_ =	swait.ge @!p1 [sflag:s18], $0x8000;
	p1 =	por p1, p1  }
0x1c: {  	[sflag:s18] =	ssyncset.done @!p1 $0x0  }
0x1d: {  	s17 =	simm.s32 @!p1 $0x13880;
	[sflag:s18] =	ssyncadd.s32 @!p1 $0xFFFF8000  }
0x1e: {  	[tilespmem:s17], [sflag:$0x2] =	stream.linear.gather @!p1 [hbm4b:s10+s15], $0x100, $0x38;
	[tilespmem:$0x1B980] =	vst v63  }
0x1f: {  	_ =	swait.ge @!p1 [sflag:s18], $0x100  }
0x20: {  	[sflag:s18] =	ssyncset.done @!p1 $0x0  }
0x21: {  	s15 =	simm.s32 @!p1 $0x80;
	[sflag:s18] =	ssyncadd.s32 @!p1 $0xFFFFFF00  }
0x22: {  	[spmem:s1] =	stream.indirect.scatter.add.f32 @!p1 [tilespmem:s16], [sflag:$0x2], $0x80, s17, s15, $0xb8;
	[tilespmem:$0x1B980] =	vst v63  }
0x23: {  	_ =	swait.ge @!p1 [sflag:s18], $0x4000  }
0x24: {  	s31 =	sadd.s32 $0x10, s3;
	[sflag:s18] =	ssyncset.done @!p1 $0x0  }
0x25: {  	s16 =	simm.s32 @!p1 $0x13900;
	[sflag:s18] =	ssyncadd.s32 @!p1 $0xFFFFC000;
	s18 =	simm.s32 @!p1 $0x17980  }
0x26: {  	[spmem:s1] =	stream.indirect.scatter.add.f32 @!p1 [tilespmem:s18], [sflag:$0x1], $0x80, s16, s15, $0xb8;
	[tilespmem:$0x1B980] =	vst v63  }
0x27: {  	p3 =	sgt.u32 s31, $0x4E1;
	s17 =	simm.s32 $0x20;
	s18 =	simm.s32 @!p1 $0x1  }
0x28: {  	s16 =	sadd.s32 $0x10000, s11;
	s15 =	sadd.s32 $0x200, s10;
	_ =	swait.ge @!p1 [sflag:s18], $0x4000  }
.LBB2_2:
0x29: {  	s19 =	simm.s32 @!p3 $0x0  }
0x2a: {  	s20 =	simm.s32 @!p3 $0x13980;
	[sflag:s18] =	ssyncset.done @!p1 $0x0;
	s21 =	smov.u32 s17  }
0x2b: {  	s17 =	sadd.s32 $0x10, s17;
	s22 =	simm.s32 @!p3 $0x2;
	[sflag:s18] =	ssyncadd.s32 @!p1 $0xFFFFC000  }
0x2c: {  	[tilespmem:s20], [sflag:$0x2] =	stream.linear.gather @!p3 [hbm4b:s16+s19], $0x8000, $0x38;
	[tilespmem:$0x1B980] =	vst v63  }
0x2d: {  	p2 =	sne.s32 s17, $0x4F0;
	p1 =	por p3, p3;
	_ =	swait.ge @!p3 [sflag:s22], $0x8000  }
0x2e: {  	[sflag:s22] =	ssyncset.done @!p1 $0x0  }
0x2f: {  	s18 =	simm.s32 @!p1 $0x13880;
	[sflag:s22] =	ssyncadd.s32 @!p1 $0xFFFF8000  }
0x30: {  	[tilespmem:s18], [sflag:$0x2] =	stream.linear.gather @!p1 [hbm4b:s15+s19], $0x100, $0x38;
	[tilespmem:$0x1B980] =	vst v63  }
0x31: {  	_ =	swait.ge @!p1 [sflag:s22], $0x100  }
0x32: {  	[sflag:s22] =	ssyncset.done @!p1 $0x0  }
0x33: {  	s19 =	simm.s32 @!p1 $0x80;
	[sflag:s22] =	ssyncadd.s32 @!p1 $0xFFFFFF00  }
0x34: {  	[spmem:s1] =	stream.indirect.scatter.add.f32 @!p1 [tilespmem:s20], [sflag:$0x2], $0x80, s18, s19, $0xb8;
	[tilespmem:$0x1B980] =	vst v63  }
.Ltmp0:
0x35: {  	s16 =	sadd.s32 $0x10000, s16;
	_ =	swait.ge @!p1 [sflag:s22], $0x4000;
	(pc) =	sbr.rel @p2 .LBB2_2-.Ltmp0, $4  }
0x36: {  	s20 =	sadd.s32 s21, s3;
	s18 =	simm.s32 @!p1 $0x1;
	[sflag:s22] =	ssyncset.done @!p1 $0x0  }
0x37: {  	s21 =	simm.s32 @!p1 $0x13900;
	[sflag:s22] =	ssyncadd.s32 @!p1 $0xFFFFC000;
	s22 =	simm.s32 @!p1 $0x17980  }
0x38: {  	[spmem:s1] =	stream.indirect.scatter.add.f32 @!p1 [tilespmem:s22], [sflag:$0x1], $0x80, s21, s19, $0xb8;
	[tilespmem:$0x1B980] =	vst v63  }
0x39: {  	s15 =	sadd.s32 $0x200, s15;
	p3 =	sgt.u32 s20, $0x4E1;
	_ =	swait.ge @!p1 [sflag:s18], $0x4000  }
0x3a: {  	s17 =	simm.s32 @!p3 $0x0;
	[sflag:s18] =	ssyncset.done @!p1 $0x0  }
0x3b: {  	s19 =	simm.s32 @!p3 $0x13980;
	s20 =	simm.s32 @!p3 $0x2;
	[sflag:s18] =	ssyncadd.s32 @!p1 $0xFFFFC000  }
0x3c: {  	[tilespmem:s19], [sflag:$0x2] =	stream.linear.gather @!p3 [hbm4b:s16+s17], $0x8000, $0x38;
	[tilespmem:$0x1B980] =	vst v63  }
0x3d: {  	p1 =	por p3, p3;
	_ =	swait.ge @!p3 [sflag:s20], $0x8000  }
0x3e: {  	[sflag:s20] =	ssyncset.done @!p1 $0x0  }
0x3f: {  	s16 =	simm.s32 @!p1 $0x13880;
	[sflag:s20] =	ssyncadd.s32 @!p1 $0xFFFF8000  }
0x40: {  	[tilespmem:s16], [sflag:$0x2] =	stream.linear.gather @!p1 [hbm4b:s15+s17], $0x100, $0x38;
	[tilespmem:$0x1B980] =	vst v63  }
0x41: {  	_ =	swait.ge @!p1 [sflag:s20], $0x100  }
0x42: {  	[sflag:s20] =	ssyncset.done @!p1 $0x0  }
0x43: {  	s15 =	simm.s32 @!p1 $0x80;
	[sflag:s20] =	ssyncadd.s32 @!p1 $0xFFFFFF00  }
0x44: {  	[spmem:s1] =	stream.indirect.scatter.add.f32 @!p1 [tilespmem:s19], [sflag:$0x2], $0x80, s16, s15, $0xb8;
	[tilespmem:$0x1B980] =	vst v63  }
0x45: {  	_ =	swait.ge @!p1 [sflag:s20], $0x4000  }
0x46: {  	s18 =	simm.s32 @!p1 $0x17980;
	[sflag:s20] =	ssyncset.done @!p1 $0x0  }
0x47: {  	s17 =	simm.s32 @!p1 $0x13900;
	s16 =	simm.s32 @!p1 $0x1;
	[sflag:s20] =	ssyncadd.s32 @!p1 $0xFFFFC000  }
0x48: {  	[spmem:s1] =	stream.indirect.scatter.add.f32 @!p1 [tilespmem:s18], [sflag:$0x1], $0x80, s17, s15, $0xb8;
	[tilespmem:$0x1B980] =	vst v63  }
0x49: {  	_ =	swait.ge @!p1 [sflag:s16], $0x4000  }
0x4a: {  	[sflag:s16] =	ssyncset.done @!p1 $0x0  }
0x4b: {  	[sflag:s16] =	ssyncadd.s32 @!p1 $0xFFFFC000  }
0x4c: {  	[bflag:$0x0] =	sbarrier.arrive $0xFFFF  }
0x4d: {  	[hbm:s6], [sflag:s5] =	dma.local [spmem:s12], $0x2700  }
0x4e: {  	s2 =	sadd.s32 $0x1, s2;
	_ =	swait.ge [sflag:s13], $0x2700  }
0x4f: {  	p1 =	sne.s32 s2, s9;
	[sflag:s13] =	ssyncset.done $0x0  }
.Ltmp1:
0x50: {  	s15 =	simm.s32 @!p0 $0x1;
	[sflag:s13] =	ssyncadd.s32 $0xFFFFD900;
	(pc) =	sbr.rel @p1 .LBB2_1-.Ltmp1, $4  }
0x51: {  	[hbm:s8], [sflag:s5] =	dma.local @!p0 [spmem:s14], $0x100  }
0x52: {  	_ =	swait.ge @!p0 [sflag:s15], $0x100  }
0x53: {  	[sflag:s15] =	ssyncset.done @!p0 $0x0  }
0x54: {  	[sflag:s15] =	ssyncadd.s32 @!p0 $0xFFFFFF00  }
0x55: {  	_ =	sfence.sel $0x180000  }
0x56: {  	[bflag:$0x0] =	sbarrier.arrive $0xFFFF  }
0x57: {  	_ =	strace $0x90000053  }
0x58: {  	s0 =	sadd.s32 @!p0 $0x100000, s0;
	[bflag:$0x2] =	sbarrier.arrive $0xFFFF  }
0x59: {  	[sflag:s0] =	ssyncadd.tile.s32 @!p0 $0x1;
	_ =	shalt  }
.Lfunc_end2:
_tile_overlayer_lowered:
.L_overlay_start_2:
0x5a: {  	(tag) =	ssettag $0x2  }
0x5b: {  	s0 =	rddreg [dreg:$0x0];
	s2 =	stileid.u32  }
0x5c: {  	s1 =	rddreg [dreg:$0x1];
	p0 =	sne.s32 s2, $0x0  }
0x5d: {  	s3 =	rddreg [dreg:$0x2];
	[bflag:$0x3] =	sbarrier.arrive $0xFFFF;
	s2 =	simm.s32 @!p0 $0x1C01  }
0x5e: {  	[timem:s3], [sflag:s2] =	dma.local @!p0 [hbm:s0], s1  }
0x5f: {  	s0 =	simm.s32 @!p0 $0x1  }
0x60: {  	_ =	swait.ge @!p0 [sflag:s0], s1  }
0x61: {  	s1 =	ssub.s32 @!p0 $0x0, s1;
	[sflag:s0] =	ssyncset.done @!p0 $0x0  }
0x62: {  	[sflag:s0] =	ssyncadd.s32 @!p0 s1  }
0x63: {  	[bflag:$0x3] =	sbarrier.arrive $0xFFFF  }
0x64: {  	_ =	shalt  }

// kernel: kernel.40.cloned.1.call-start
scs
__scs_entry_jumppad:
0x0: {  	(pc) =	sbr.rel $0x88, $3  }
0x1: {  	(tag) =	ssettag $0x0;
	lr =	simm.s32 $0x1  }
0x2: {  	[smem:$0x3F85] =	sst lr;
	_ =	strace $0xD0000000  }
0x3: {  	_ = 	snop  }
0x4: {  	_ = 	snop  }
0x5: {  	_ = 	snop  }
0x6: {  	_ = 	snop  }
0x7: {  	_ = 	snop  }
__scs_overlays_trampoline_lowered:
0x8: {  	[smem:$0x3F94] =	sst s0  }
0x9: {  	[smem:$0x3F95] =	sst s1  }
0xa: {  	[smem:$0x3F96] =	sst s2  }
0xb: {  	[smem:$0x3F97] =	sst s3  }
0xc: {  	[smem:$0x3F98] =	sst s4  }
0xd: {  	[smem:$0x3F99] =	sst s5  }
0xe: {  	[smem:$0x3F9A] =	sst s6  }
0xf: {  	[smem:$0x3F9B] =	sst s7  }
0x10: {  	[smem:$0x3F9C] =	sst s8  }
0x11: {  	[smem:$0x3F9D] =	sst s9;
	s0 =	simm.s32 @!p0 $0x0  }
0x12: {  	s1 =	sld [smem:$0x3F83];
	s0 =	simm.s32 @p0 $0x1  }
0x13: {  	[smem:$0x3F9E] =	sst s0;
	s0 =	simm.s32 @!p1 $0x0  }
0x14: {  	s2 =	sld [smem:$0x3F82];
	s0 =	simm.s32 @p1 $0x1  }
0x15: {  	[smem:$0x3F9F] =	sst s0;
	s0 =	simm.s32 @!p2 $0x0  }
0x16: {  	s3 =	sld [smem:$0x3FDB];
	s0 =	simm.s32 @p2 $0x1  }
0x17: {  	s4 =	simm.s32 $0x1BF5;
	[smem:$0x3FA1] =	sst s0  }
0x18: {  	s0 =	sld [smem:$0x3F84];
	_ =	swait.ge [sflag:s4], $0x0  }
0x19: {  	s7 =	sld [smem:$0x3F85]  }
0x1a: {  	s8 =	sadd.s32 $0xFFFFE003, lr  }
0x1b: {  	s9 =	sadd.s32 $0xFFFFFEF7, lr;
	s5 =	simm.s32 $0xFFFFFFFF;
	p2 =	slt.u32 s8, $0xFFFFF086  }
0x1c: {  	p1 =	slt.u32 s9, $0xF7A;
	s5 =	simm.s32 @!p2 $0x0  }
0x1d: {  	s5 =	simm.s32 @p1 $0x1;
	p0 =	seq.s32 s7, s2  }
0x1e: {  	s7 =	smul.u32 @!p0 $0xF7A, s2;
	p2 =	seq.s32 @!p0 s5, $0x0  }
0x1f: {  	s9 =	smul.u32 $0xF7A, s1;
	s8 =	simm.s32 @!p0 $0x1BF5;
	p2 =	por !p2, p0  }
0x20: {  	[sflag:s8] =	ssyncset.s32 @!p0 $0xFFFFF086;
	s6 =	sadd.s32 @!p0 s3, s7;
	s7 =	simm.s32 @!p0 $0x108  }
0x21: {  	s3 =	sadd.s32 s3, s9;
	s6 =	sadd.s32 @!p0 $0x88, s6;
	s7 =	simm.s32 @p2 $0x1082  }
0x22: {  	[simem:s7], [sflag:s8] =	dma.local @!p0 [hbm:s6], $0xF7A  }
0x23: {  	s9 =	sor.u32 $0xD0000000, s2;
	s6 =	simm.s32 $0x108;
	_ =	swait.ge @!p0 [sflag:s8], $0x0  }
0x24: {  	s3 =	sadd.s32 $0x88, s3;
	s6 =	simm.s32 @!p1 $0x1082;
	[sflag:s4] =	ssyncset.s32 $0xFFFFF086  }
0x25: {  	[simem:s6], [sflag:s4] =	dma.local [hbm:s3], $0xF7A  }
0x26: {  	[smem:$0x3F85] =	sst s1;
	(tag) =	ssettag s2;
	_ =	strace s9  }
0x27: {  	s1 =	sld [smem:$0x3F95]  }
0x28: {  	s2 =	sld [smem:$0x3F96]  }
0x29: {  	s4 =	sld [smem:$0x3F98]  }
0x2a: {  	p0 =	seq.s32 s5, $0x0;
	s5 =	sld [smem:$0x3F99]  }
0x2b: {  	s6 =	sld [smem:$0x3F9A]  }
0x2c: {  	s7 =	sld [smem:$0x3F9B]  }
0x2d: {  	s3 =	simm.s32 $0x108;
	s8 =	sld [smem:$0x3F9C]  }
0x2e: {  	s3 =	simm.s32 @!p0 $0x1082;
	s9 =	sld [smem:$0x3F9D]  }
0x2f: {  	lr =	sadd.s32 s0, s3;
	s0 =	sld [smem:$0x3F94]  }
0x30: {  	s3 =	sld [smem:$0x3F97]  }
0x31: {  	[smem:$0x3FA0] =	sst s10  }
0x32: {  	s10 =	sld [smem:$0x3F9E];
	_ =	sdelay $0x3  }
0x33: {  	p0 =	seq.s32 s10, $0x1;
	s10 =	sld [smem:$0x3FA0];
	_ =	sdelay $0x3  }
0x34: {  	[smem:$0x3FA0] =	sst s10  }
0x35: {  	s10 =	sld [smem:$0x3F9F];
	_ =	sdelay $0x3  }
0x36: {  	p1 =	seq.s32 s10, $0x1;
	s10 =	sld [smem:$0x3FA0];
	_ =	sdelay $0x3  }
0x37: {  	[smem:$0x3FA0] =	sst s10  }
0x38: {  	s10 =	sld [smem:$0x3FA1]  }
0x39: {  	_ = 	snop;
	(pc) =	sbr.ind lr, $3  }
0x3a: {  	_ = 	snop  }
0x3b: {  	_ = 	snop  }
0x3c: {  	p2 =	seq.s32 s10, $0x1;
	s10 =	sld [smem:$0x3FA0]  }
0x3d: {  	_ =	shalt  }
0x3e: {  	_ =	shalt  }
0x3f: {  	_ =	shalt  }
0x40: {  	_ =	shalt  }
0x41: {  	_ =	shalt  }
0x42: {  	_ =	shalt  }
0x43: {  	_ =	shalt  }
0x44: {  	_ =	shalt  }
0x45: {  	_ =	shalt  }
0x46: {  	_ =	shalt  }
0x47: {  	_ =	shalt  }
0x48: {  	_ =	shalt  }
0x49: {  	_ =	shalt  }
0x4a: {  	_ =	shalt  }
0x4b: {  	_ =	shalt  }
0x4c: {  	_ =	shalt  }
0x4d: {  	_ =	shalt  }
0x4e: {  	_ =	shalt  }
0x4f: {  	_ =	shalt  }
0x50: {  	_ =	shalt  }
0x51: {  	_ =	shalt  }
0x52: {  	_ =	shalt  }
0x53: {  	_ =	shalt  }
0x54: {  	_ =	shalt  }
0x55: {  	_ =	shalt  }
0x56: {  	_ =	shalt  }
0x57: {  	_ =	shalt  }
0x58: {  	_ =	shalt  }
0x59: {  	_ =	shalt  }
0x5a: {  	_ =	shalt  }
0x5b: {  	_ =	shalt  }
0x5c: {  	_ =	shalt  }
0x5d: {  	_ =	shalt  }
0x5e: {  	_ =	shalt  }
0x5f: {  	_ =	shalt  }
0x60: {  	_ =	shalt  }
0x61: {  	_ =	shalt  }
0x62: {  	_ =	shalt  }
0x63: {  	_ =	shalt  }
0x64: {  	_ =	shalt  }
0x65: {  	_ =	shalt  }
0x66: {  	_ =	shalt  }
0x67: {  	_ =	shalt  }
0x68: {  	_ =	shalt  }
0x69: {  	_ =	shalt  }
0x6a: {  	_ =	shalt  }
0x6b: {  	_ =	shalt  }
0x6c: {  	_ =	shalt  }
0x6d: {  	_ =	shalt  }
0x6e: {  	_ =	shalt  }
0x6f: {  	_ =	shalt  }
0x70: {  	_ =	shalt  }
0x71: {  	_ =	shalt  }
0x72: {  	_ =	shalt  }
0x73: {  	_ =	shalt  }
0x74: {  	_ =	shalt  }
0x75: {  	_ =	shalt  }
0x76: {  	_ =	shalt  }
0x77: {  	_ =	shalt  }
0x78: {  	_ =	shalt  }
0x79: {  	_ =	shalt  }
0x7a: {  	_ =	shalt  }
0x7b: {  	_ =	shalt  }
0x7c: {  	_ =	shalt  }
0x7d: {  	_ =	shalt  }
0x7e: {  	_ =	shalt  }
0x7f: {  	_ =	shalt  }
0x80: {  	_ =	shalt  }
0x81: {  	_ =	shalt  }
0x82: {  	_ =	shalt  }
0x83: {  	_ =	shalt  }
0x84: {  	_ =	shalt  }
0x85: {  	_ =	shalt  }
0x86: {  	_ =	shalt  }
0x87: {  	_ =	shalt  }
.Lfunc_end0:
.L_simem_size_0:
called_computation.5_lowered:
.L_overlay_start_0:
0x88: {  	s2 =	sld [smem:$0x3FD9]  }
0x89: {  	s3 =	sld [smem:$0x3FFE];
	_ =	sdelay $0x1  }
0x8a: {  	s1 =	srdreg.scid  }
0x8b: {  	s0 =	sand.u32 $0x1, s1  }
0x8c: {  	s16 =	sshll.u32 s0, $0xA;
	s2 =	sadd.s32 s3, s2  }
0x8d: {  	s2 =	sadd.s32 s2, s16  }
0x8e: {  	[smem:$0x3FAC] =	sst s2  }
0x8f: {  	_ = 	snop  }
0x90: {  	(tm) =	ssettm $0x1  }
0x91: {  	s17 =	sld [smem:$0x3FFB];
	_ =	sdelay $0x3  }
0x92: {  	_ =	strace s17  }
0x93: {  	s2 =	sld [smem:$0x3FFC];
	_ =	sdelay $0x3  }
0x94: {  	_ =	strace s2  }
0x95: {  	s2 =	sld [smem:$0x3FFD];
	_ =	sdelay $0x3  }
0x96: {  	_ =	strace s2  }
0x97: {  	_ =	strace $0x8FFFFFFF  }
0x98: {  	s18 =	sld [smem:$0x3FDB];
	_ =	sdelay $0x1  }
0x99: {  	s19 =	simm.s32 $_scs_section_size  }
0x9a: {  	s4 =	simm.s32 $_size__tile_overlayer_lowered;
	s5 =	simm.s32 $_tile_overlayer_lowered  }
0x9b: {  	s22 =	simm.s32 $0x1BFF;
	s21 =	sshll.u32 s5, $0x1;
	s2 =	sadd.s32 s19, s18  }
0x9c: {  	s6 =	simm.s32 $0x0;
	s20 =	sshll.u32 s4, $0x1;
	s4 =	sadd.s32 s21, s2  }
0x9d: {  	[timem:s6], [sflag:s22] =	dma.local [hbm:s4], s20  }
0x9e: {  	_ =	swait.ge [sflag:s22], s20  }
0x9f: {  	s3 =	ssub.s32 $0x0, s20;
	[sflag:s22] =	ssyncset.done $0x0  }
0xa0: {  	[sflag:s22] =	ssyncadd.s32 s3;
	_ =	sdelay $0x1  }
0xa1: {  	s23 =	simm.s32 $0x1B8B  }
0xa2: {  	_ =	swait.ge [sflag:s23], $0x1  }
0xa3: {  	[sflag:s23] =	ssyncset.done $0x0  }
0xa4: {  	s25 =	simm.s32 $0x1B8E;
	s24 =	sld [smem:$0x3FFE];
	[sflag:s23] =	ssyncadd.s32 $0xFFFFFFFF  }
0xa5: {  	s26 =	simm.s32 $execute0_lowered;
	[smem:$0x3FD2] =	sst s25  }
0xa6: {  	s4 =	sshll.u32 s26, $0x1;
	_ =	strace $0x80000055;
	[dreg:$0x1] =	wrdreg $0xFFFFFFFF  }
0xa7: {  	s28 =	simm.s32 $_size_execute0_lowered;
	s2 =	sadd.s32 s2, s4;
	[dreg:$0x0] =	wrdreg $0x0  }
0xa8: {  	s4 =	sshll.u32 s28, $0x1;
	[dreg:$0x2] =	wrdreg s2  }
0xa9: {  	[dreg:$0x3] =	wrdreg s4  }
0xaa: {  	[dreg:$0x4] =	wrdreg $0xC0  }
0xab: {  	_ =	task [dreg:s6], $0x5FFFF  }
0xac: {  	[dreg:$0x1] =	wrdreg $0xFFFFFFFF  }
0xad: {  	[dreg:$0x0] =	wrdreg $0x60  }
0xae: {  	[dreg:$0x2] =	wrdreg s24  }
0xaf: {  	[dreg:$0x3] =	wrdreg $0x9  }
0xb0: {  	_ =	task.clear_ibuf [dreg:s6], $0x4FFFF;
	_ =	strace $0x90000055  }
0xb1: {  	s29 =	simm.s32 $0x9;
	_ =	strace $0x80000057  }
0xb2: {  	_ =	swait.ge [sflag:s29], $0x1  }
0xb3: {  	[sflag:s29] =	ssyncadd.s32 $0xFFFFFFFF  }
0xb4: {  	_ =	strace $0x90000057  }
0xb5: {  	_ =	sfence  }
0xb6: {  	s30 =	sld [smem:$0x0];
	_ =	sdelay $0x2  }
0xb7: {  	s31 =	sshll.u32 s1, $0xD;
	s1 =	sshrl.u32 s1, $0x2  }
0xb8: {  	s3 =	sand.u32 $0x4000, s31;
	s1 =	sadd.s32 s1, s30  }
0xb9: {  	s0 =	sor.u32 s3, s0;
	s1 =	sshll.u32 s1, $0x11  }
0xba: {  	s0 =	sor.u32 s1, s0  }
0xbb: {  	s0 =	sadd.s32 $0x8F2B, s0  }
0xbc: {  	[sflag:s0] =	ssyncadd.remote.s32 $0x1  }
0xbd: {  	_ =	sfence.sel $0xFFFF  }
0xbe: {  	[dreg:$0x0] =	wrdreg $0xFFFFFFFF;
	(pc) =	sbr.abs _section_cstart, $3  }
0xbf: {  	[dreg:$0x1] =	wrdreg $0xFFFFFFFF  }
0xc0: {  	_ =	task.clear_ibuf [dreg:s6], $0x2FFFF;
	_ =	strace $0x9FFFFFFF  }
0xc1: {  	(tm) =	ssettm $0x7FFFFFFF  }
tec
execute0_lowered:
.L_overlay_start_1:
0x0: {  	(tag) =	ssettag $0x1  }
0x1: {  	s4 =	rddreg [dreg:$0x0]  }
0x2: {  	s0 =	rddreg [dreg:$0x1];
	s1 =	simm.s32 $0x0;
	s5 =	srdreg.scid  }
0x3: {  	s2 =	stileid.u32;
	[smem:$0x7FF] =	sst s1  }
0x4: {  	s3 =	sadd.s32 $0xECE00, s4;
	s5 =	sand.u32 $0x1, s5;
	s6 =	sshll.u32 s2, $0x7  }
0x5: {  	s7 =	sshll.u32 s2, $0xE;
	_ =	strace $0x80000056;
	s8 =	ssub.s32 $0x2, s5  }
0x6: {  	s6 =	sadd.s32 s6, s4;
	s7 =	sadd.s32 s7, s4;
	s9 =	sshll.u32 s5, $0xD  }
0x7: {  	s5 =	sshll.u32 s5, $0x6;
	s4 =	sshll.u32 s2, $0x1;
	s30 =	sshrl.u32 s8, $0x1  }
0x8: {  	s7 =	sadd.s32 s9, s7;
	s31 =	sadd.s32 s5, s6;
	s8 =	ssub.s32 s8, s30  }
0x9: {  	s6 =	sadd.s32 $0x13B000, s7;
	s7 =	sadd.s32 $0x39C00, s31;
	s5 =	smax.u32 s8, $0x1  }
.LBB2_1:
0xa: {  	s8 =	sadd.s32 $0x0, s4  }
0xb: {  	p0 =	sgt.u32 s8, $0x9C3  }
0xc: {  	s8 =	simm.s32 @!p0 $0x0;
	s9 =	simm.s32 @!p0 $0x3  }
0xd: {  	[tilespmem:s8], [sflag:$0x3] =	stream.linear.gather @!p0 [hbm4b:s7+s8], $0x200, $0x38;
	[tilespmem:$0x10200] =	vst v63  }
0xe: {  	_ =	swait.ge @!p0 [sflag:s9], $0x200  }
0xf: {  	[sflag:s9] =	ssyncset.done @!p0 $0x0;
	p0 =	por p0, p0  }
0x10: {  	[sflag:s9] =	ssyncadd.s32 @!p0 $0xFFFFFE00;
	s9 =	simm.s32 @!p0 $0x80;
	s10 =	simm.s32 @!p0 $0x200  }
0x11: {  	[tilespmem:s10], [sflag:$0x1] =	stream.indirect.gather @!p0 [hbm4b:s3+s9], $0x80, s8, s9, $0xb8;
	[tilespmem:$0x10200] =	vst v63  }
0x12: {  	s11 =	simm.s32 @!p0 $0x4200  }
0x13: {  	[tilespmem:s11], [sflag:$0x1] =	stream.indirect.gather @!p0 [hbm4b:s3+s9], $0x80, s9, s9, $0xb8;
	[tilespmem:$0x10200] =	vst v63  }
0x14: {  	s12 =	simm.s32 @!p0 $0x8200;
	s11 =	simm.s32 @!p0 $0x100  }
0x15: {  	[tilespmem:s12], [sflag:$0x1] =	stream.indirect.gather @!p0 [hbm4b:s3+s9], $0x80, s11, s9, $0xb8;
	[tilespmem:$0x10200] =	vst v63  }
0x16: {  	s13 =	simm.s32 @!p0 $0x1;
	s11 =	simm.s32 @!p0 $0x180;
	s12 =	simm.s32 @!p0 $0xC200  }
0x17: {  	[tilespmem:s12], [sflag:$0x1] =	stream.indirect.gather @!p0 [hbm4b:s3+s9], $0x80, s11, s9, $0xb8;
	[tilespmem:$0x10200] =	vst v63  }
0x18: {  	_ =	swait.ge @!p0 [sflag:s13], $0x4000  }
0x19: {  	[sflag:s13] =	ssyncset.done @!p0 $0x0  }
0x1a: {  	[sflag:s13] =	ssyncadd.s32 @!p0 $0xFFFFC000  }
0x1b: {  	_ =	swait.ge @!p0 [sflag:s13], $0x4000  }
0x1c: {  	[sflag:s13] =	ssyncset.done @!p0 $0x0  }
0x1d: {  	[sflag:s13] =	ssyncadd.s32 @!p0 $0xFFFFC000  }
0x1e: {  	_ =	swait.ge @!p0 [sflag:s13], $0x4000  }
0x1f: {  	[sflag:s13] =	ssyncset.done @!p0 $0x0  }
0x20: {  	[sflag:s13] =	ssyncadd.s32 @!p0 $0xFFFFC000  }
0x21: {  	_ =	swait.ge @!p0 [sflag:s13], $0x4000  }
0x22: {  	[sflag:s13] =	ssyncset.done @!p0 $0x0  }
0x23: {  	s31 =	sadd.s32 $0x20, s4;
	s11 =	simm.s32 @!p0 $0x2;
	[sflag:s13] =	ssyncadd.s32 @!p0 $0xFFFFC000  }
0x24: {  	[hbm4b:s6+s8] =	stream.linear.scatter @!p0 [tilespmem:s10], [sflag:$0x2], $0x10000, $0x38;
	[tilespmem:$0x10200] =	vst v63  }
0x25: {  	p2 =	sgt.u32 s31, $0x9C3;
	s9 =	simm.s32 $0x40;
	_ =	swait.ge @!p0 [sflag:s11], $0x10000  }
0x26: {  	s10 =	sadd.s32 $0x800, s7;
	s8 =	sadd.s32 $0x40000, s6;
	[sflag:s11] =	ssyncset.done @!p0 $0x0  }
.LBB2_2:
0x27: {  	s12 =	simm.s32 @!p2 $0x0;
	s13 =	simm.s32 @!p2 $0x3;
	[sflag:s11] =	ssyncadd.s32 @!p0 $0xFFFF0000  }
0x28: {  	[tilespmem:s12], [sflag:$0x3] =	stream.linear.gather @!p2 [hbm4b:s10+s12], $0x200, $0x38;
	[tilespmem:$0x10200] =	vst v63  }
0x29: {  	s14 =	smov.u32 s9;
	s9 =	sadd.s32 $0x20, s9;
	_ =	swait.ge @!p2 [sflag:s13], $0x200  }
0x2a: {  	p0 =	por p2, p2;
	p1 =	sne.s32 s9, $0x9E0;
	[sflag:s13] =	ssyncset.done @!p2 $0x0  }
0x2b: {  	s11 =	simm.s32 @!p0 $0x80;
	[sflag:s13] =	ssyncadd.s32 @!p0 $0xFFFFFE00;
	s13 =	simm.s32 @!p0 $0x200  }
0x2c: {  	[tilespmem:s13], [sflag:$0x1] =	stream.indirect.gather @!p0 [hbm4b:s3+s11], $0x80, s12, s11, $0xb8;
	[tilespmem:$0x10200] =	vst v63  }
0x2d: {  	s15 =	simm.s32 @!p0 $0x4200  }
0x2e: {  	[tilespmem:s15], [sflag:$0x1] =	stream.indirect.gather @!p0 [hbm4b:s3+s11], $0x80, s11, s11, $0xb8;
	[tilespmem:$0x10200] =	vst v63  }
0x2f: {  	s16 =	simm.s32 @!p0 $0x8200;
	s15 =	simm.s32 @!p0 $0x100  }
0x30: {  	[tilespmem:s16], [sflag:$0x1] =	stream.indirect.gather @!p0 [hbm4b:s3+s11], $0x80, s15, s11, $0xb8;
	[tilespmem:$0x10200] =	vst v63  }
0x31: {  	s17 =	simm.s32 @!p0 $0x1;
	s15 =	simm.s32 @!p0 $0x180;
	s16 =	simm.s32 @!p0 $0xC200  }
0x32: {  	[tilespmem:s16], [sflag:$0x1] =	stream.indirect.gather @!p0 [hbm4b:s3+s11], $0x80, s15, s11, $0xb8;
	[tilespmem:$0x10200] =	vst v63  }
0x33: {  	_ =	swait.ge @!p0 [sflag:s17], $0x4000  }
0x34: {  	[sflag:s17] =	ssyncset.done @!p0 $0x0  }
0x35: {  	[sflag:s17] =	ssyncadd.s32 @!p0 $0xFFFFC000  }
0x36: {  	_ =	swait.ge @!p0 [sflag:s17], $0x4000  }
0x37: {  	[sflag:s17] =	ssyncset.done @!p0 $0x0  }
0x38: {  	[sflag:s17] =	ssyncadd.s32 @!p0 $0xFFFFC000  }
0x39: {  	_ =	swait.ge @!p0 [sflag:s17], $0x4000  }
0x3a: {  	[sflag:s17] =	ssyncset.done @!p0 $0x0  }
0x3b: {  	[sflag:s17] =	ssyncadd.s32 @!p0 $0xFFFFC000  }
0x3c: {  	_ =	swait.ge @!p0 [sflag:s17], $0x4000  }
.Ltmp0:
0x3d: {  	[sflag:s17] =	ssyncset.done @!p0 $0x0;
	(pc) =	sbr.rel @p1 .LBB2_2-.Ltmp0, $4  }
0x3e: {  	s11 =	simm.s32 @!p0 $0x2;
	[sflag:s17] =	ssyncadd.s32 @!p0 $0xFFFFC000  }
0x3f: {  	[hbm4b:s8+s12] =	stream.linear.scatter @!p0 [tilespmem:s13], [sflag:$0x2], $0x10000, $0x38;
	[tilespmem:$0x10200] =	vst v63  }
0x40: {  	s10 =	sadd.s32 $0x800, s10;
	s12 =	sadd.s32 s14, s4;
	_ =	swait.ge @!p0 [sflag:s11], $0x10000  }
0x41: {  	s8 =	sadd.s32 $0x40000, s8;
	p2 =	sgt.u32 s12, $0x9C3;
	[sflag:s11] =	ssyncset.done @!p0 $0x0  }
0x42: {  	s9 =	simm.s32 @!p2 $0x0;
	s12 =	simm.s32 @!p2 $0x3;
	[sflag:s11] =	ssyncadd.s32 @!p0 $0xFFFF0000  }
0x43: {  	[tilespmem:s9], [sflag:$0x3] =	stream.linear.gather @!p2 [hbm4b:s10+s9], $0x200, $0x38;
	[tilespmem:$0x10200] =	vst v63  }
0x44: {  	_ =	swait.ge @!p2 [sflag:s12], $0x200  }
0x45: {  	p0 =	por p2, p2;
	[sflag:s12] =	ssyncset.done @!p2 $0x0  }
0x46: {  	s10 =	simm.s32 @!p0 $0x80;
	s11 =	simm.s32 @!p0 $0x200;
	[sflag:s12] =	ssyncadd.s32 @!p0 $0xFFFFFE00  }
0x47: {  	[tilespmem:s11], [sflag:$0x1] =	stream.indirect.gather @!p0 [hbm4b:s3+s10], $0x80, s9, s10, $0xb8;
	[tilespmem:$0x10200] =	vst v63  }
0x48: {  	s12 =	simm.s32 @!p0 $0x4200  }
0x49: {  	[tilespmem:s12], [sflag:$0x1] =	stream.indirect.gather @!p0 [hbm4b:s3+s10], $0x80, s10, s10, $0xb8;
	[tilespmem:$0x10200] =	vst v63  }
0x4a: {  	s13 =	simm.s32 @!p0 $0x8200;
	s12 =	simm.s32 @!p0 $0x100  }
0x4b: {  	[tilespmem:s13], [sflag:$0x1] =	stream.indirect.gather @!p0 [hbm4b:s3+s10], $0x80, s12, s10, $0xb8;
	[tilespmem:$0x10200] =	vst v63  }
0x4c: {  	s14 =	simm.s32 @!p0 $0x1;
	s12 =	simm.s32 @!p0 $0x180;
	s13 =	simm.s32 @!p0 $0xC200  }
0x4d: {  	[tilespmem:s13], [sflag:$0x1] =	stream.indirect.gather @!p0 [hbm4b:s3+s10], $0x80, s12, s10, $0xb8;
	[tilespmem:$0x10200] =	vst v63  }
0x4e: {  	_ =	swait.ge @!p0 [sflag:s14], $0x4000  }
0x4f: {  	[sflag:s14] =	ssyncset.done @!p0 $0x0  }
0x50: {  	[sflag:s14] =	ssyncadd.s32 @!p0 $0xFFFFC000  }
0x51: {  	_ =	swait.ge @!p0 [sflag:s14], $0x4000  }
0x52: {  	[sflag:s14] =	ssyncset.done @!p0 $0x0  }
0x53: {  	[sflag:s14] =	ssyncadd.s32 @!p0 $0xFFFFC000  }
0x54: {  	_ =	swait.ge @!p0 [sflag:s14], $0x4000  }
0x55: {  	[sflag:s14] =	ssyncset.done @!p0 $0x0  }
0x56: {  	[sflag:s14] =	ssyncadd.s32 @!p0 $0xFFFFC000  }
0x57: {  	s1 =	sadd.s32 $0x1, s1;
	_ =	swait.ge @!p0 [sflag:s14], $0x4000  }
0x58: {  	p1 =	sne.s32 s1, s5;
	[sflag:s14] =	ssyncset.done @!p0 $0x0  }
.Ltmp1:
0x59: {  	s10 =	simm.s32 @!p0 $0x2;
	[sflag:s14] =	ssyncadd.s32 @!p0 $0xFFFFC000;
	(pc) =	sbr.rel @p1 .LBB2_1-.Ltmp1, $4  }
0x5a: {  	[hbm4b:s8+s9] =	stream.linear.scatter @!p0 [tilespmem:s11], [sflag:$0x2], $0x10000, $0x38;
	[tilespmem:$0x10200] =	vst v63  }
0x5b: {  	_ =	swait.ge @!p0 [sflag:s10], $0x10000  }
0x5c: {  	[sflag:s10] =	ssyncset.done @!p0 $0x0  }
0x5d: {  	[sflag:s10] =	ssyncadd.s32 @!p0 $0xFFFF0000  }
0x5e: {  	_ =	sfence.sel $0x180000  }
0x5f: {  	[bflag:$0x0] =	sbarrier.arrive $0xFFFF  }
0x60: {  	p0 =	sne.s32 s2, $0x0;
	_ =	strace $0x90000056  }
0x61: {  	s0 =	sadd.s32 @!p0 $0x100000, s0;
	[bflag:$0x2] =	sbarrier.arrive $0xFFFF  }
0x62: {  	[sflag:s0] =	ssyncadd.tile.s32 @!p0 $0x1;
	_ =	shalt  }
.Lfunc_end2:
_tile_overlayer_lowered:
.L_overlay_start_2:
0x63: {  	(tag) =	ssettag $0x2  }
0x64: {  	s0 =	rddreg [dreg:$0x0];
	s2 =	stileid.u32  }
0x65: {  	s1 =	rddreg [dreg:$0x1];
	p0 =	sne.s32 s2, $0x0  }
0x66: {  	s3 =	rddreg [dreg:$0x2];
	[bflag:$0x3] =	sbarrier.arrive $0xFFFF;
	s2 =	simm.s32 @!p0 $0x1C02  }
0x67: {  	[timem:s3], [sflag:s2] =	dma.local @!p0 [hbm:s0], s1  }
0x68: {  	s0 =	simm.s32 @!p0 $0x2  }
0x69: {  	_ =	swait.ge @!p0 [sflag:s0], s1  }
0x6a: {  	s1 =	ssub.s32 @!p0 $0x0, s1;
	[sflag:s0] =	ssyncset.done @!p0 $0x0  }
0x6b: {  	[sflag:s0] =	ssyncadd.s32 @!p0 s1  }
0x6c: {  	[bflag:$0x3] =	sbarrier.arrive $0xFFFF  }
0x6d: {  	_ =	shalt  }

// kernel: kernel.43.cloned.1.call-start
scs
__scs_entry_jumppad:
0x0: {  	(pc) =	sbr.rel $0x88, $3  }
0x1: {  	(tag) =	ssettag $0x0;
	lr =	simm.s32 $0x1  }
0x2: {  	[smem:$0x3F85] =	sst lr;
	_ =	strace $0xD0000000  }
0x3: {  	_ = 	snop  }
0x4: {  	_ = 	snop  }
0x5: {  	_ = 	snop  }
0x6: {  	_ = 	snop  }
0x7: {  	_ = 	snop  }
__scs_overlays_trampoline_lowered:
0x8: {  	[smem:$0x3F94] =	sst s0  }
0x9: {  	[smem:$0x3F95] =	sst s1  }
0xa: {  	[smem:$0x3F96] =	sst s2  }
0xb: {  	[smem:$0x3F97] =	sst s3  }
0xc: {  	[smem:$0x3F98] =	sst s4  }
0xd: {  	[smem:$0x3F99] =	sst s5  }
0xe: {  	[smem:$0x3F9A] =	sst s6  }
0xf: {  	[smem:$0x3F9B] =	sst s7  }
0x10: {  	[smem:$0x3F9C] =	sst s8  }
0x11: {  	[smem:$0x3F9D] =	sst s9;
	s0 =	simm.s32 @!p0 $0x0  }
0x12: {  	s1 =	sld [smem:$0x3F83];
	s0 =	simm.s32 @p0 $0x1  }
0x13: {  	[smem:$0x3F9E] =	sst s0;
	s0 =	simm.s32 @!p1 $0x0  }
0x14: {  	s2 =	sld [smem:$0x3F82];
	s0 =	simm.s32 @p1 $0x1  }
0x15: {  	[smem:$0x3F9F] =	sst s0;
	s0 =	simm.s32 @!p2 $0x0  }
0x16: {  	s3 =	sld [smem:$0x3FDB];
	s0 =	simm.s32 @p2 $0x1  }
0x17: {  	s4 =	simm.s32 $0x1BF5;
	[smem:$0x3FA1] =	sst s0  }
0x18: {  	s0 =	sld [smem:$0x3F84];
	_ =	swait.ge [sflag:s4], $0x0  }
0x19: {  	s7 =	sld [smem:$0x3F85]  }
0x1a: {  	s8 =	sadd.s32 $0xFFFFE003, lr  }
0x1b: {  	s9 =	sadd.s32 $0xFFFFFEF7, lr;
	s5 =	simm.s32 $0xFFFFFFFF;
	p2 =	slt.u32 s8, $0xFFFFF086  }
0x1c: {  	p1 =	slt.u32 s9, $0xF7A;
	s5 =	simm.s32 @!p2 $0x0  }
0x1d: {  	s5 =	simm.s32 @p1 $0x1;
	p0 =	seq.s32 s7, s2  }
0x1e: {  	s7 =	smul.u32 @!p0 $0xF7A, s2;
	p2 =	seq.s32 @!p0 s5, $0x0  }
0x1f: {  	s9 =	smul.u32 $0xF7A, s1;
	s8 =	simm.s32 @!p0 $0x1BF5;
	p2 =	por !p2, p0  }
0x20: {  	[sflag:s8] =	ssyncset.s32 @!p0 $0xFFFFF086;
	s6 =	sadd.s32 @!p0 s3, s7;
	s7 =	simm.s32 @!p0 $0x108  }
0x21: {  	s3 =	sadd.s32 s3, s9;
	s6 =	sadd.s32 @!p0 $0x88, s6;
	s7 =	simm.s32 @p2 $0x1082  }
0x22: {  	[simem:s7], [sflag:s8] =	dma.local @!p0 [hbm:s6], $0xF7A  }
0x23: {  	s9 =	sor.u32 $0xD0000000, s2;
	s6 =	simm.s32 $0x108;
	_ =	swait.ge @!p0 [sflag:s8], $0x0  }
0x24: {  	s3 =	sadd.s32 $0x88, s3;
	s6 =	simm.s32 @!p1 $0x1082;
	[sflag:s4] =	ssyncset.s32 $0xFFFFF086  }
0x25: {  	[simem:s6], [sflag:s4] =	dma.local [hbm:s3], $0xF7A  }
0x26: {  	[smem:$0x3F85] =	sst s1;
	(tag) =	ssettag s2;
	_ =	strace s9  }
0x27: {  	s1 =	sld [smem:$0x3F95]  }
0x28: {  	s2 =	sld [smem:$0x3F96]  }
0x29: {  	s4 =	sld [smem:$0x3F98]  }
0x2a: {  	p0 =	seq.s32 s5, $0x0;
	s5 =	sld [smem:$0x3F99]  }
0x2b: {  	s6 =	sld [smem:$0x3F9A]  }
0x2c: {  	s7 =	sld [smem:$0x3F9B]  }
0x2d: {  	s3 =	simm.s32 $0x108;
	s8 =	sld [smem:$0x3F9C]  }
0x2e: {  	s3 =	simm.s32 @!p0 $0x1082;
	s9 =	sld [smem:$0x3F9D]  }
0x2f: {  	lr =	sadd.s32 s0, s3;
	s0 =	sld [smem:$0x3F94]  }
0x30: {  	s3 =	sld [smem:$0x3F97]  }
0x31: {  	[smem:$0x3FA0] =	sst s10  }
0x32: {  	s10 =	sld [smem:$0x3F9E];
	_ =	sdelay $0x3  }
0x33: {  	p0 =	seq.s32 s10, $0x1;
	s10 =	sld [smem:$0x3FA0];
	_ =	sdelay $0x3  }
0x34: {  	[smem:$0x3FA0] =	sst s10  }
0x35: {  	s10 =	sld [smem:$0x3F9F];
	_ =	sdelay $0x3  }
0x36: {  	p1 =	seq.s32 s10, $0x1;
	s10 =	sld [smem:$0x3FA0];
	_ =	sdelay $0x3  }
0x37: {  	[smem:$0x3FA0] =	sst s10  }
0x38: {  	s10 =	sld [smem:$0x3FA1]  }
0x39: {  	_ = 	snop;
	(pc) =	sbr.ind lr, $3  }
0x3a: {  	_ = 	snop  }
0x3b: {  	_ = 	snop  }
0x3c: {  	p2 =	seq.s32 s10, $0x1;
	s10 =	sld [smem:$0x3FA0]  }
0x3d: {  	_ =	shalt  }
0x3e: {  	_ =	shalt  }
0x3f: {  	_ =	shalt  }
0x40: {  	_ =	shalt  }
0x41: {  	_ =	shalt  }
0x42: {  	_ =	shalt  }
0x43: {  	_ =	shalt  }
0x44: {  	_ =	shalt  }
0x45: {  	_ =	shalt  }
0x46: {  	_ =	shalt  }
0x47: {  	_ =	shalt  }
0x48: {  	_ =	shalt  }
0x49: {  	_ =	shalt  }
0x4a: {  	_ =	shalt  }
0x4b: {  	_ =	shalt  }
0x4c: {  	_ =	shalt  }
0x4d: {  	_ =	shalt  }
0x4e: {  	_ =	shalt  }
0x4f: {  	_ =	shalt  }
0x50: {  	_ =	shalt  }
0x51: {  	_ =	shalt  }
0x52: {  	_ =	shalt  }
0x53: {  	_ =	shalt  }
0x54: {  	_ =	shalt  }
0x55: {  	_ =	shalt  }
0x56: {  	_ =	shalt  }
0x57: {  	_ =	shalt  }
0x58: {  	_ =	shalt  }
0x59: {  	_ =	shalt  }
0x5a: {  	_ =	shalt  }
0x5b: {  	_ =	shalt  }
0x5c: {  	_ =	shalt  }
0x5d: {  	_ =	shalt  }
0x5e: {  	_ =	shalt  }
0x5f: {  	_ =	shalt  }
0x60: {  	_ =	shalt  }
0x61: {  	_ =	shalt  }
0x62: {  	_ =	shalt  }
0x63: {  	_ =	shalt  }
0x64: {  	_ =	shalt  }
0x65: {  	_ =	shalt  }
0x66: {  	_ =	shalt  }
0x67: {  	_ =	shalt  }
0x68: {  	_ =	shalt  }
0x69: {  	_ =	shalt  }
0x6a: {  	_ =	shalt  }
0x6b: {  	_ =	shalt  }
0x6c: {  	_ =	shalt  }
0x6d: {  	_ =	shalt  }
0x6e: {  	_ =	shalt  }
0x6f: {  	_ =	shalt  }
0x70: {  	_ =	shalt  }
0x71: {  	_ =	shalt  }
0x72: {  	_ =	shalt  }
0x73: {  	_ =	shalt  }
0x74: {  	_ =	shalt  }
0x75: {  	_ =	shalt  }
0x76: {  	_ =	shalt  }
0x77: {  	_ =	shalt  }
0x78: {  	_ =	shalt  }
0x79: {  	_ =	shalt  }
0x7a: {  	_ =	shalt  }
0x7b: {  	_ =	shalt  }
0x7c: {  	_ =	shalt  }
0x7d: {  	_ =	shalt  }
0x7e: {  	_ =	shalt  }
0x7f: {  	_ =	shalt  }
0x80: {  	_ =	shalt  }
0x81: {  	_ =	shalt  }
0x82: {  	_ =	shalt  }
0x83: {  	_ =	shalt  }
0x84: {  	_ =	shalt  }
0x85: {  	_ =	shalt  }
0x86: {  	_ =	shalt  }
0x87: {  	_ =	shalt  }
.Lfunc_end0:
.L_simem_size_0:
called_computation.6_lowered:
.L_overlay_start_0:
0x88: {  	s2 =	sld [smem:$0x3FD9]  }
0x89: {  	s3 =	sld [smem:$0x3FFE];
	_ =	sdelay $0x1  }
0x8a: {  	s1 =	srdreg.scid  }
0x8b: {  	s0 =	sand.u32 $0x1, s1  }
0x8c: {  	s16 =	sshll.u32 s0, $0xA;
	s2 =	sadd.s32 s3, s2  }
0x8d: {  	s2 =	sadd.s32 s2, s16  }
0x8e: {  	[smem:$0x3FAC] =	sst s2  }
0x8f: {  	_ = 	snop  }
0x90: {  	(tm) =	ssettm $0x1  }
0x91: {  	s17 =	sld [smem:$0x3FFB];
	_ =	sdelay $0x3  }
0x92: {  	_ =	strace s17  }
0x93: {  	s2 =	sld [smem:$0x3FFC];
	_ =	sdelay $0x3  }
0x94: {  	_ =	strace s2  }
0x95: {  	s2 =	sld [smem:$0x3FFD];
	_ =	sdelay $0x3  }
0x96: {  	_ =	strace s2  }
0x97: {  	_ =	strace $0x8FFFFFFF  }
0x98: {  	s18 =	sld [smem:$0x3FDB];
	_ =	sdelay $0x1  }
0x99: {  	s19 =	simm.s32 $_scs_section_size  }
0x9a: {  	s4 =	simm.s32 $_size__tile_overlayer_lowered;
	s5 =	simm.s32 $_tile_overlayer_lowered  }
0x9b: {  	s22 =	simm.s32 $0x1BFF;
	s21 =	sshll.u32 s5, $0x1;
	s2 =	sadd.s32 s19, s18  }
0x9c: {  	s6 =	simm.s32 $0x0;
	s20 =	sshll.u32 s4, $0x1;
	s4 =	sadd.s32 s21, s2  }
0x9d: {  	[timem:s6], [sflag:s22] =	dma.local [hbm:s4], s20  }
0x9e: {  	_ =	swait.ge [sflag:s22], s20  }
0x9f: {  	s3 =	ssub.s32 $0x0, s20;
	[sflag:s22] =	ssyncset.done $0x0  }
0xa0: {  	[sflag:s22] =	ssyncadd.s32 s3;
	_ =	sdelay $0x1  }
0xa1: {  	s23 =	simm.s32 $0x1B8B  }
0xa2: {  	_ =	swait.ge [sflag:s23], $0x1  }
0xa3: {  	[sflag:s23] =	ssyncset.done $0x0  }
0xa4: {  	s25 =	simm.s32 $0x1B8E;
	s24 =	sld [smem:$0x3FFE];
	[sflag:s23] =	ssyncadd.s32 $0xFFFFFFFF  }
0xa5: {  	s26 =	simm.s32 $execute0_lowered;
	[smem:$0x3FD2] =	sst s25  }
0xa6: {  	s4 =	sshll.u32 s26, $0x1;
	_ =	strace $0x80000058;
	[dreg:$0x1] =	wrdreg $0xFFFFFFFF  }
0xa7: {  	s28 =	simm.s32 $_size_execute0_lowered;
	s2 =	sadd.s32 s2, s4;
	[dreg:$0x0] =	wrdreg $0x0  }
0xa8: {  	s4 =	sshll.u32 s28, $0x1;
	[dreg:$0x2] =	wrdreg s2  }
0xa9: {  	[dreg:$0x3] =	wrdreg s4  }
0xaa: {  	[dreg:$0x4] =	wrdreg $0xC0  }
0xab: {  	_ =	task [dreg:s6], $0x5FFFF  }
0xac: {  	[dreg:$0x1] =	wrdreg $0xFFFFFFFF  }
0xad: {  	[dreg:$0x0] =	wrdreg $0x60  }
0xae: {  	[dreg:$0x2] =	wrdreg s24  }
0xaf: {  	[dreg:$0x3] =	wrdreg $0x0  }
0xb0: {  	[dreg:$0x4] =	wrdreg $0x9  }
0xb1: {  	_ =	task.clear_ibuf [dreg:s6], $0x5FFFF;
	_ =	strace $0x90000058  }
0xb2: {  	s29 =	simm.s32 $0x9;
	_ =	strace $0x8000005A  }
0xb3: {  	_ =	swait.ge [sflag:s29], $0x1  }
0xb4: {  	[sflag:s29] =	ssyncadd.s32 $0xFFFFFFFF  }
0xb5: {  	_ =	strace $0x9000005A  }
0xb6: {  	_ =	sfence  }
0xb7: {  	s30 =	sld [smem:$0x0];
	_ =	sdelay $0x2  }
0xb8: {  	s31 =	sshll.u32 s1, $0xD;
	s1 =	sshrl.u32 s1, $0x2  }
0xb9: {  	s3 =	sand.u32 $0x4000, s31;
	s1 =	sadd.s32 s1, s30  }
0xba: {  	s0 =	sor.u32 s3, s0;
	s1 =	sshll.u32 s1, $0x11  }
0xbb: {  	s0 =	sor.u32 s1, s0  }
0xbc: {  	s0 =	sadd.s32 $0x8F2B, s0  }
0xbd: {  	[sflag:s0] =	ssyncadd.remote.s32 $0x1  }
0xbe: {  	_ =	sfence.sel $0xFFFF  }
0xbf: {  	[dreg:$0x0] =	wrdreg $0xFFFFFFFF;
	(pc) =	sbr.abs _section_cstart, $3  }
0xc0: {  	[dreg:$0x1] =	wrdreg $0xFFFFFFFF  }
0xc1: {  	_ =	task.clear_ibuf [dreg:s6], $0x2FFFF;
	_ =	strace $0x9FFFFFFF  }
0xc2: {  	(tm) =	ssettm $0x7FFFFFFF  }
0xc3: {  	_ =	shalt  }
tec
execute0_lowered:
.L_overlay_start_1:
0x0: {  	(tag) =	ssettag $0x1  }
0x1: {  	s7 =	rddreg [dreg:$0x0];
	s0 =	srdreg.scid  }
0x2: {  	s1 =	rddreg [dreg:$0x1];
	s2 =	simm.s32 $0x0;
	s3 =	stileid.u32  }
0x3: {  	s4 =	sand.u32 $0x1, s0;
	s0 =	rddreg [dreg:$0x2];
	s8 =	smul.u32 $0x13800, s3  }
0x4: {  	[smem:$0x7FF] =	sst s2;
	s23 =	smul.u32 $0x4E000, s3  }
0x5: {  	s11 =	sadd.s32 $0xECE00, s7;
	s25 =	sshll.u32 s3, $0x6;
	s15 =	sadd.s32 $0x138000, s1  }
0x6: {  	s29 =	sshll.u32 s3, $0x5;
	s30 =	sshll.u32 s3, $0xC;
	s5 =	smul.u32 $0x4E2000, s4  }
0x7: {  	p0 =	sne.s32 s3, $0x0;
	s6 =	smul.u32 $0x9C40, s4;
	_ =	strace $0x80000059  }
0x8: {  	s12 =	ssub.s32 $0x2, s4;
	s14 =	smul.u32 $0x138800, s4;
	s22 =	sshrl.u32 s8, $0x3  }
0x9: {  	s13 =	sshrl.u32 s12, $0x1;
	s10 =	sadd.s32 s5, s7;
	s9 =	sadd.s32 s6, s7  }
0xa: {  	s5 =	sadd.s32 s22, s7;
	s6 =	sshrl.u32 s23, $0x2;
	s12 =	ssub.s32 s12, s13  }
0xb: {  	s26 =	sadd.s32 s8, s14;
	s28 =	sshrl.u32 s14, $0x3;
	s7 =	sadd.s32 $0xECC00, s7  }
0xc: {  	s13 =	simm.s32 $0x1;
	s14 =	sshrl.u32 @!p0 s15, $0x3;
	s24 =	sadd.s32 s6, s1  }
0xd: {  	s4 =	sadd.s32 $0xC5C00, s5;
	s5 =	sor.u32 $0x1C01, s25;
	s6 =	sshrl.u32 s26, $0x3  }
0xe: {  	s8 =	sadd.s32 s11, s28;
	s31 =	sadd.s32 s30, s10;
	s6 =	sadd.s32 s11, s6  }
0xf: {  	s11 =	sadd.s32 s29, s9;
	s8 =	sadd.s32 $0x27000, s8;
	s9 =	smax.u32 s12, $0x1  }
0x10: {  	s12 =	sshrl.u32 s24, $0x3;
	s10 =	sadd.s32 $0x25200, s11;
	s11 =	sadd.s32 $0x14C3000, s31  }
.LBB2_1:
0x11: {  	[spmem:s12], [sflag:s5] =	dma.local [hbm:s4], $0x2700  }
0x12: {  	_ =	swait.ge [sflag:s13], $0x2700  }
0x13: {  	[sflag:s13] =	ssyncset.done $0x0  }
0x14: {  	s15 =	simm.s32 @!p0 $0x1;
	[sflag:s13] =	ssyncadd.s32 $0xFFFFD900  }
0x15: {  	[spmem:s14], [sflag:s5] =	dma.local @!p0 [hbm:s7], $0x100  }
0x16: {  	s30 =	sadd.s32 $0x0, s3;
	_ =	swait.ge @!p0 [sflag:s15], $0x100  }
0x17: {  	p1 =	sgt.u32 s30, $0x4E1;
	[sflag:s15] =	ssyncset.done @!p0 $0x0  }
0x18: {  	s16 =	simm.s32 @!p1 $0x13980;
	[sflag:s15] =	ssyncadd.s32 @!p0 $0xFFFFFF00  }
0x19: {  	s18 =	simm.s32 @!p1 $0x2;
	s15 =	simm.s32 @!p1 $0x0;
	[bflag:$0x0] =	sbarrier.arrive $0xFFFF  }
0x1a: {  	[tilespmem:s16], [sflag:$0x2] =	stream.linear.gather @!p1 [hbm4b:s11+s15], $0x8000, $0x38;
	[tilespmem:$0x1B980] =	vst v63  }
0x1b: {  	_ =	swait.ge @!p1 [sflag:s18], $0x8000;
	p1 =	por p1, p1  }
0x1c: {  	[sflag:s18] =	ssyncset.done @!p1 $0x0  }
0x1d: {  	s17 =	simm.s32 @!p1 $0x13880;
	[sflag:s18] =	ssyncadd.s32 @!p1 $0xFFFF8000  }
0x1e: {  	[tilespmem:s17], [sflag:$0x2] =	stream.linear.gather @!p1 [hbm4b:s10+s15], $0x100, $0x38;
	[tilespmem:$0x1B980] =	vst v63  }
0x1f: {  	_ =	swait.ge @!p1 [sflag:s18], $0x100  }
0x20: {  	[sflag:s18] =	ssyncset.done @!p1 $0x0  }
0x21: {  	s15 =	simm.s32 @!p1 $0x80;
	[sflag:s18] =	ssyncadd.s32 @!p1 $0xFFFFFF00  }
0x22: {  	[spmem:s1] =	stream.indirect.scatter.add.f32 @!p1 [tilespmem:s16], [sflag:$0x2], $0x80, s17, s15, $0xb8;
	[tilespmem:$0x1B980] =	vst v63  }
0x23: {  	_ =	swait.ge @!p1 [sflag:s18], $0x4000  }
0x24: {  	s31 =	sadd.s32 $0x10, s3;
	[sflag:s18] =	ssyncset.done @!p1 $0x0  }
0x25: {  	s16 =	simm.s32 @!p1 $0x13900;
	[sflag:s18] =	ssyncadd.s32 @!p1 $0xFFFFC000;
	s18 =	simm.s32 @!p1 $0x17980  }
0x26: {  	[spmem:s1] =	stream.indirect.scatter.add.f32 @!p1 [tilespmem:s18], [sflag:$0x1], $0x80, s16, s15, $0xb8;
	[tilespmem:$0x1B980] =	vst v63  }
0x27: {  	p3 =	sgt.u32 s31, $0x4E1;
	s17 =	simm.s32 $0x20;
	s18 =	simm.s32 @!p1 $0x1  }
0x28: {  	s16 =	sadd.s32 $0x10000, s11;
	s15 =	sadd.s32 $0x200, s10;
	_ =	swait.ge @!p1 [sflag:s18], $0x4000  }
.LBB2_2:
0x29: {  	s19 =	simm.s32 @!p3 $0x0  }
0x2a: {  	s20 =	simm.s32 @!p3 $0x13980;
	[sflag:s18] =	ssyncset.done @!p1 $0x0;
	s21 =	smov.u32 s17  }
0x2b: {  	s17 =	sadd.s32 $0x10, s17;
	s22 =	simm.s32 @!p3 $0x2;
	[sflag:s18] =	ssyncadd.s32 @!p1 $0xFFFFC000  }
0x2c: {  	[tilespmem:s20], [sflag:$0x2] =	stream.linear.gather @!p3 [hbm4b:s16+s19], $0x8000, $0x38;
	[tilespmem:$0x1B980] =	vst v63  }
0x2d: {  	p2 =	sne.s32 s17, $0x4F0;
	p1 =	por p3, p3;
	_ =	swait.ge @!p3 [sflag:s22], $0x8000  }
0x2e: {  	[sflag:s22] =	ssyncset.done @!p1 $0x0  }
0x2f: {  	s18 =	simm.s32 @!p1 $0x13880;
	[sflag:s22] =	ssyncadd.s32 @!p1 $0xFFFF8000  }
0x30: {  	[tilespmem:s18], [sflag:$0x2] =	stream.linear.gather @!p1 [hbm4b:s15+s19], $0x100, $0x38;
	[tilespmem:$0x1B980] =	vst v63  }
0x31: {  	_ =	swait.ge @!p1 [sflag:s22], $0x100  }
0x32: {  	[sflag:s22] =	ssyncset.done @!p1 $0x0  }
0x33: {  	s19 =	simm.s32 @!p1 $0x80;
	[sflag:s22] =	ssyncadd.s32 @!p1 $0xFFFFFF00  }
0x34: {  	[spmem:s1] =	stream.indirect.scatter.add.f32 @!p1 [tilespmem:s20], [sflag:$0x2], $0x80, s18, s19, $0xb8;
	[tilespmem:$0x1B980] =	vst v63  }
.Ltmp0:
0x35: {  	s16 =	sadd.s32 $0x10000, s16;
	_ =	swait.ge @!p1 [sflag:s22], $0x4000;
	(pc) =	sbr.rel @p2 .LBB2_2-.Ltmp0, $4  }
0x36: {  	s20 =	sadd.s32 s21, s3;
	s18 =	simm.s32 @!p1 $0x1;
	[sflag:s22] =	ssyncset.done @!p1 $0x0  }
0x37: {  	s21 =	simm.s32 @!p1 $0x13900;
	[sflag:s22] =	ssyncadd.s32 @!p1 $0xFFFFC000;
	s22 =	simm.s32 @!p1 $0x17980  }
0x38: {  	[spmem:s1] =	stream.indirect.scatter.add.f32 @!p1 [tilespmem:s22], [sflag:$0x1], $0x80, s21, s19, $0xb8;
	[tilespmem:$0x1B980] =	vst v63  }
0x39: {  	s15 =	sadd.s32 $0x200, s15;
	p3 =	sgt.u32 s20, $0x4E1;
	_ =	swait.ge @!p1 [sflag:s18], $0x4000  }
0x3a: {  	s17 =	simm.s32 @!p3 $0x0;
	[sflag:s18] =	ssyncset.done @!p1 $0x0  }
0x3b: {  	s19 =	simm.s32 @!p3 $0x13980;
	s20 =	simm.s32 @!p3 $0x2;
	[sflag:s18] =	ssyncadd.s32 @!p1 $0xFFFFC000  }
0x3c: {  	[tilespmem:s19], [sflag:$0x2] =	stream.linear.gather @!p3 [hbm4b:s16+s17], $0x8000, $0x38;
	[tilespmem:$0x1B980] =	vst v63  }
0x3d: {  	p1 =	por p3, p3;
	_ =	swait.ge @!p3 [sflag:s20], $0x8000  }
0x3e: {  	[sflag:s20] =	ssyncset.done @!p1 $0x0  }
0x3f: {  	s16 =	simm.s32 @!p1 $0x13880;
	[sflag:s20] =	ssyncadd.s32 @!p1 $0xFFFF8000  }
0x40: {  	[tilespmem:s16], [sflag:$0x2] =	stream.linear.gather @!p1 [hbm4b:s15+s17], $0x100, $0x38;
	[tilespmem:$0x1B980] =	vst v63  }
0x41: {  	_ =	swait.ge @!p1 [sflag:s20], $0x100  }
0x42: {  	[sflag:s20] =	ssyncset.done @!p1 $0x0  }
0x43: {  	s15 =	simm.s32 @!p1 $0x80;
	[sflag:s20] =	ssyncadd.s32 @!p1 $0xFFFFFF00  }
0x44: {  	[spmem:s1] =	stream.indirect.scatter.add.f32 @!p1 [tilespmem:s19], [sflag:$0x2], $0x80, s16, s15, $0xb8;
	[tilespmem:$0x1B980] =	vst v63  }
0x45: {  	_ =	swait.ge @!p1 [sflag:s20], $0x4000  }
0x46: {  	s18 =	simm.s32 @!p1 $0x17980;
	[sflag:s20] =	ssyncset.done @!p1 $0x0  }
0x47: {  	s17 =	simm.s32 @!p1 $0x13900;
	s16 =	simm.s32 @!p1 $0x1;
	[sflag:s20] =	ssyncadd.s32 @!p1 $0xFFFFC000  }
0x48: {  	[spmem:s1] =	stream.indirect.scatter.add.f32 @!p1 [tilespmem:s18], [sflag:$0x1], $0x80, s17, s15, $0xb8;
	[tilespmem:$0x1B980] =	vst v63  }
0x49: {  	_ =	swait.ge @!p1 [sflag:s16], $0x4000  }
0x4a: {  	[sflag:s16] =	ssyncset.done @!p1 $0x0  }
0x4b: {  	[sflag:s16] =	ssyncadd.s32 @!p1 $0xFFFFC000  }
0x4c: {  	[bflag:$0x0] =	sbarrier.arrive $0xFFFF  }
0x4d: {  	[hbm:s6], [sflag:s5] =	dma.local [spmem:s12], $0x2700  }
0x4e: {  	s2 =	sadd.s32 $0x1, s2;
	_ =	swait.ge [sflag:s13], $0x2700  }
0x4f: {  	p1 =	sne.s32 s2, s9;
	[sflag:s13] =	ssyncset.done $0x0  }
.Ltmp1:
0x50: {  	s15 =	simm.s32 @!p0 $0x1;
	[sflag:s13] =	ssyncadd.s32 $0xFFFFD900;
	(pc) =	sbr.rel @p1 .LBB2_1-.Ltmp1, $4  }
0x51: {  	[hbm:s8], [sflag:s5] =	dma.local @!p0 [spmem:s14], $0x100  }
0x52: {  	_ =	swait.ge @!p0 [sflag:s15], $0x100  }
0x53: {  	[sflag:s15] =	ssyncset.done @!p0 $0x0  }
0x54: {  	[sflag:s15] =	ssyncadd.s32 @!p0 $0xFFFFFF00  }
0x55: {  	_ =	sfence.sel $0x180000  }
0x56: {  	[bflag:$0x0] =	sbarrier.arrive $0xFFFF  }
0x57: {  	_ =	strace $0x90000059  }
0x58: {  	s0 =	sadd.s32 @!p0 $0x100000, s0;
	[bflag:$0x2] =	sbarrier.arrive $0xFFFF  }
0x59: {  	[sflag:s0] =	ssyncadd.tile.s32 @!p0 $0x1;
	_ =	shalt  }
.Lfunc_end2:
_tile_overlayer_lowered:
.L_overlay_start_2:
0x5a: {  	(tag) =	ssettag $0x2  }
0x5b: {  	s0 =	rddreg [dreg:$0x0];
	s2 =	stileid.u32  }
0x5c: {  	s1 =	rddreg [dreg:$0x1];
	p0 =	sne.s32 s2, $0x0  }
0x5d: {  	s3 =	rddreg [dreg:$0x2];
	[bflag:$0x3] =	sbarrier.arrive $0xFFFF;
	s2 =	simm.s32 @!p0 $0x1C01  }
0x5e: {  	[timem:s3], [sflag:s2] =	dma.local @!p0 [hbm:s0], s1  }
0x5f: {  	s0 =	simm.s32 @!p0 $0x1  }
0x60: {  	_ =	swait.ge @!p0 [sflag:s0], s1  }
0x61: {  	s1 =	ssub.s32 @!p0 $0x0, s1;
	[sflag:s0] =	ssyncset.done @!p0 $0x0  }
0x62: {  	[sflag:s0] =	ssyncadd.s32 @!p0 s1  }
0x63: {  	[bflag:$0x3] =	sbarrier.arrive $0xFFFF  }
0x64: {  	_ =	shalt  }

// kernel: kernel.46.cloned.1.call-start
scs
__scs_entry_jumppad:
0x0: {  	(pc) =	sbr.rel $0x88, $3  }
0x1: {  	(tag) =	ssettag $0x0;
	lr =	simm.s32 $0x1  }
0x2: {  	[smem:$0x3F85] =	sst lr;
	_ =	strace $0xD0000000  }
0x3: {  	_ = 	snop  }
0x4: {  	_ = 	snop  }
0x5: {  	_ = 	snop  }
0x6: {  	_ = 	snop  }
0x7: {  	_ = 	snop  }
__scs_overlays_trampoline_lowered:
0x8: {  	[smem:$0x3F94] =	sst s0  }
0x9: {  	[smem:$0x3F95] =	sst s1  }
0xa: {  	[smem:$0x3F96] =	sst s2  }
0xb: {  	[smem:$0x3F97] =	sst s3  }
0xc: {  	[smem:$0x3F98] =	sst s4  }
0xd: {  	[smem:$0x3F99] =	sst s5  }
0xe: {  	[smem:$0x3F9A] =	sst s6  }
0xf: {  	[smem:$0x3F9B] =	sst s7  }
0x10: {  	[smem:$0x3F9C] =	sst s8  }
0x11: {  	[smem:$0x3F9D] =	sst s9;
	s0 =	simm.s32 @!p0 $0x0  }
0x12: {  	s1 =	sld [smem:$0x3F83];
	s0 =	simm.s32 @p0 $0x1  }
0x13: {  	[smem:$0x3F9E] =	sst s0;
	s0 =	simm.s32 @!p1 $0x0  }
0x14: {  	s2 =	sld [smem:$0x3F82];
	s0 =	simm.s32 @p1 $0x1  }
0x15: {  	[smem:$0x3F9F] =	sst s0;
	s0 =	simm.s32 @!p2 $0x0  }
0x16: {  	s3 =	sld [smem:$0x3FDB];
	s0 =	simm.s32 @p2 $0x1  }
0x17: {  	s4 =	simm.s32 $0x1BF5;
	[smem:$0x3FA1] =	sst s0  }
0x18: {  	s0 =	sld [smem:$0x3F84];
	_ =	swait.ge [sflag:s4], $0x0  }
0x19: {  	s7 =	sld [smem:$0x3F85]  }
0x1a: {  	s8 =	sadd.s32 $0xFFFFE003, lr  }
0x1b: {  	s9 =	sadd.s32 $0xFFFFFEF7, lr;
	s5 =	simm.s32 $0xFFFFFFFF;
	p2 =	slt.u32 s8, $0xFFFFF086  }
0x1c: {  	p1 =	slt.u32 s9, $0xF7A;
	s5 =	simm.s32 @!p2 $0x0  }
0x1d: {  	s5 =	simm.s32 @p1 $0x1;
	p0 =	seq.s32 s7, s2  }
0x1e: {  	s7 =	smul.u32 @!p0 $0xF7A, s2;
	p2 =	seq.s32 @!p0 s5, $0x0  }
0x1f: {  	s9 =	smul.u32 $0xF7A, s1;
	s8 =	simm.s32 @!p0 $0x1BF5;
	p2 =	por !p2, p0  }
0x20: {  	[sflag:s8] =	ssyncset.s32 @!p0 $0xFFFFF086;
	s6 =	sadd.s32 @!p0 s3, s7;
	s7 =	simm.s32 @!p0 $0x108  }
0x21: {  	s3 =	sadd.s32 s3, s9;
	s6 =	sadd.s32 @!p0 $0x88, s6;
	s7 =	simm.s32 @p2 $0x1082  }
0x22: {  	[simem:s7], [sflag:s8] =	dma.local @!p0 [hbm:s6], $0xF7A  }
0x23: {  	s9 =	sor.u32 $0xD0000000, s2;
	s6 =	simm.s32 $0x108;
	_ =	swait.ge @!p0 [sflag:s8], $0x0  }
0x24: {  	s3 =	sadd.s32 $0x88, s3;
	s6 =	simm.s32 @!p1 $0x1082;
	[sflag:s4] =	ssyncset.s32 $0xFFFFF086  }
0x25: {  	[simem:s6], [sflag:s4] =	dma.local [hbm:s3], $0xF7A  }
0x26: {  	[smem:$0x3F85] =	sst s1;
	(tag) =	ssettag s2;
	_ =	strace s9  }
0x27: {  	s1 =	sld [smem:$0x3F95]  }
0x28: {  	s2 =	sld [smem:$0x3F96]  }
0x29: {  	s4 =	sld [smem:$0x3F98]  }
0x2a: {  	p0 =	seq.s32 s5, $0x0;
	s5 =	sld [smem:$0x3F99]  }
0x2b: {  	s6 =	sld [smem:$0x3F9A]  }
0x2c: {  	s7 =	sld [smem:$0x3F9B]  }
0x2d: {  	s3 =	simm.s32 $0x108;
	s8 =	sld [smem:$0x3F9C]  }
0x2e: {  	s3 =	simm.s32 @!p0 $0x1082;
	s9 =	sld [smem:$0x3F9D]  }
0x2f: {  	lr =	sadd.s32 s0, s3;
	s0 =	sld [smem:$0x3F94]  }
0x30: {  	s3 =	sld [smem:$0x3F97]  }
0x31: {  	[smem:$0x3FA0] =	sst s10  }
0x32: {  	s10 =	sld [smem:$0x3F9E];
	_ =	sdelay $0x3  }
0x33: {  	p0 =	seq.s32 s10, $0x1;
	s10 =	sld [smem:$0x3FA0];
	_ =	sdelay $0x3  }
0x34: {  	[smem:$0x3FA0] =	sst s10  }
0x35: {  	s10 =	sld [smem:$0x3F9F];
	_ =	sdelay $0x3  }
0x36: {  	p1 =	seq.s32 s10, $0x1;
	s10 =	sld [smem:$0x3FA0];
	_ =	sdelay $0x3  }
0x37: {  	[smem:$0x3FA0] =	sst s10  }
0x38: {  	s10 =	sld [smem:$0x3FA1]  }
0x39: {  	_ = 	snop;
	(pc) =	sbr.ind lr, $3  }
0x3a: {  	_ = 	snop  }
0x3b: {  	_ = 	snop  }
0x3c: {  	p2 =	seq.s32 s10, $0x1;
	s10 =	sld [smem:$0x3FA0]  }
0x3d: {  	_ =	shalt  }
0x3e: {  	_ =	shalt  }
0x3f: {  	_ =	shalt  }
0x40: {  	_ =	shalt  }
0x41: {  	_ =	shalt  }
0x42: {  	_ =	shalt  }
0x43: {  	_ =	shalt  }
0x44: {  	_ =	shalt  }
0x45: {  	_ =	shalt  }
0x46: {  	_ =	shalt  }
0x47: {  	_ =	shalt  }
0x48: {  	_ =	shalt  }
0x49: {  	_ =	shalt  }
0x4a: {  	_ =	shalt  }
0x4b: {  	_ =	shalt  }
0x4c: {  	_ =	shalt  }
0x4d: {  	_ =	shalt  }
0x4e: {  	_ =	shalt  }
0x4f: {  	_ =	shalt  }
0x50: {  	_ =	shalt  }
0x51: {  	_ =	shalt  }
0x52: {  	_ =	shalt  }
0x53: {  	_ =	shalt  }
0x54: {  	_ =	shalt  }
0x55: {  	_ =	shalt  }
0x56: {  	_ =	shalt  }
0x57: {  	_ =	shalt  }
0x58: {  	_ =	shalt  }
0x59: {  	_ =	shalt  }
0x5a: {  	_ =	shalt  }
0x5b: {  	_ =	shalt  }
0x5c: {  	_ =	shalt  }
0x5d: {  	_ =	shalt  }
0x5e: {  	_ =	shalt  }
0x5f: {  	_ =	shalt  }
0x60: {  	_ =	shalt  }
0x61: {  	_ =	shalt  }
0x62: {  	_ =	shalt  }
0x63: {  	_ =	shalt  }
0x64: {  	_ =	shalt  }
0x65: {  	_ =	shalt  }
0x66: {  	_ =	shalt  }
0x67: {  	_ =	shalt  }
0x68: {  	_ =	shalt  }
0x69: {  	_ =	shalt  }
0x6a: {  	_ =	shalt  }
0x6b: {  	_ =	shalt  }
0x6c: {  	_ =	shalt  }
0x6d: {  	_ =	shalt  }
0x6e: {  	_ =	shalt  }
0x6f: {  	_ =	shalt  }
0x70: {  	_ =	shalt  }
0x71: {  	_ =	shalt  }
0x72: {  	_ =	shalt  }
0x73: {  	_ =	shalt  }
0x74: {  	_ =	shalt  }
0x75: {  	_ =	shalt  }
0x76: {  	_ =	shalt  }
0x77: {  	_ =	shalt  }
0x78: {  	_ =	shalt  }
0x79: {  	_ =	shalt  }
0x7a: {  	_ =	shalt  }
0x7b: {  	_ =	shalt  }
0x7c: {  	_ =	shalt  }
0x7d: {  	_ =	shalt  }
0x7e: {  	_ =	shalt  }
0x7f: {  	_ =	shalt  }
0x80: {  	_ =	shalt  }
0x81: {  	_ =	shalt  }
0x82: {  	_ =	shalt  }
0x83: {  	_ =	shalt  }
0x84: {  	_ =	shalt  }
0x85: {  	_ =	shalt  }
0x86: {  	_ =	shalt  }
0x87: {  	_ =	shalt  }
.Lfunc_end0:
.L_simem_size_0:
called_computation.7_lowered:
.L_overlay_start_0:
0x88: {  	s2 =	sld [smem:$0x3FD9]  }
0x89: {  	s3 =	sld [smem:$0x3FFE];
	_ =	sdelay $0x1  }
0x8a: {  	s1 =	srdreg.scid  }
0x8b: {  	s0 =	sand.u32 $0x1, s1  }
0x8c: {  	s16 =	sshll.u32 s0, $0xA;
	s2 =	sadd.s32 s3, s2  }
0x8d: {  	s2 =	sadd.s32 s2, s16  }
0x8e: {  	[smem:$0x3FAC] =	sst s2  }
0x8f: {  	_ = 	snop  }
0x90: {  	(tm) =	ssettm $0x1  }
0x91: {  	s17 =	sld [smem:$0x3FFB];
	_ =	sdelay $0x3  }
0x92: {  	_ =	strace s17  }
0x93: {  	s2 =	sld [smem:$0x3FFC];
	_ =	sdelay $0x3  }
0x94: {  	_ =	strace s2  }
0x95: {  	s2 =	sld [smem:$0x3FFD];
	_ =	sdelay $0x3  }
0x96: {  	_ =	strace s2  }
0x97: {  	_ =	strace $0x8FFFFFFF  }
0x98: {  	s18 =	sld [smem:$0x3FDB];
	_ =	sdelay $0x1  }
0x99: {  	s19 =	simm.s32 $_scs_section_size  }
0x9a: {  	s4 =	simm.s32 $_size__tile_overlayer_lowered;
	s5 =	simm.s32 $_tile_overlayer_lowered  }
0x9b: {  	s22 =	simm.s32 $0x1BFF;
	s21 =	sshll.u32 s5, $0x1;
	s2 =	sadd.s32 s19, s18  }
0x9c: {  	s6 =	simm.s32 $0x0;
	s20 =	sshll.u32 s4, $0x1;
	s4 =	sadd.s32 s21, s2  }
0x9d: {  	[timem:s6], [sflag:s22] =	dma.local [hbm:s4], s20  }
0x9e: {  	_ =	swait.ge [sflag:s22], s20  }
0x9f: {  	s3 =	ssub.s32 $0x0, s20;
	[sflag:s22] =	ssyncset.done $0x0  }
0xa0: {  	[sflag:s22] =	ssyncadd.s32 s3;
	_ =	sdelay $0x1  }
0xa1: {  	s23 =	simm.s32 $0x1B8B  }
0xa2: {  	_ =	swait.ge [sflag:s23], $0x1  }
0xa3: {  	[sflag:s23] =	ssyncset.done $0x0  }
0xa4: {  	s25 =	simm.s32 $0x1B8E;
	s24 =	sld [smem:$0x3FFE];
	[sflag:s23] =	ssyncadd.s32 $0xFFFFFFFF  }
0xa5: {  	s26 =	simm.s32 $execute0_lowered;
	[smem:$0x3FD2] =	sst s25  }
0xa6: {  	s4 =	sshll.u32 s26, $0x1;
	_ =	strace $0x8000005B;
	[dreg:$0x1] =	wrdreg $0xFFFFFFFF  }
0xa7: {  	s28 =	simm.s32 $_size_execute0_lowered;
	s2 =	sadd.s32 s2, s4;
	[dreg:$0x0] =	wrdreg $0x0  }
0xa8: {  	s4 =	sshll.u32 s28, $0x1;
	[dreg:$0x2] =	wrdreg s2  }
0xa9: {  	[dreg:$0x3] =	wrdreg s4  }
0xaa: {  	[dreg:$0x4] =	wrdreg $0xC0  }
0xab: {  	_ =	task [dreg:s6], $0x5FFFF  }
0xac: {  	[dreg:$0x1] =	wrdreg $0xFFFFFFFF  }
0xad: {  	[dreg:$0x0] =	wrdreg $0x60  }
0xae: {  	[dreg:$0x2] =	wrdreg s24  }
0xaf: {  	[dreg:$0x3] =	wrdreg $0x9  }
0xb0: {  	_ =	task.clear_ibuf [dreg:s6], $0x4FFFF;
	_ =	strace $0x9000005B  }
0xb1: {  	s29 =	simm.s32 $0x9;
	_ =	strace $0x8000005D  }
0xb2: {  	_ =	swait.ge [sflag:s29], $0x1  }
0xb3: {  	[sflag:s29] =	ssyncadd.s32 $0xFFFFFFFF  }
0xb4: {  	_ =	strace $0x9000005D  }
0xb5: {  	_ =	sfence  }
0xb6: {  	s30 =	sld [smem:$0x0];
	_ =	sdelay $0x2  }
0xb7: {  	s31 =	sshll.u32 s1, $0xD;
	s1 =	sshrl.u32 s1, $0x2  }
0xb8: {  	s3 =	sand.u32 $0x4000, s31;
	s1 =	sadd.s32 s1, s30  }
0xb9: {  	s0 =	sor.u32 s3, s0;
	s1 =	sshll.u32 s1, $0x11  }
0xba: {  	s0 =	sor.u32 s1, s0  }
0xbb: {  	s0 =	sadd.s32 $0x8F2B, s0  }
0xbc: {  	[sflag:s0] =	ssyncadd.remote.s32 $0x1  }
0xbd: {  	_ =	sfence.sel $0xFFFF  }
0xbe: {  	[dreg:$0x0] =	wrdreg $0xFFFFFFFF;
	(pc) =	sbr.abs _section_cstart, $3  }
0xbf: {  	[dreg:$0x1] =	wrdreg $0xFFFFFFFF  }
0xc0: {  	_ =	task.clear_ibuf [dreg:s6], $0x2FFFF;
	_ =	strace $0x9FFFFFFF  }
0xc1: {  	(tm) =	ssettm $0x7FFFFFFF  }
tec
execute0_lowered:
.L_overlay_start_1:
0x0: {  	(tag) =	ssettag $0x1  }
0x1: {  	s4 =	rddreg [dreg:$0x0]  }
0x2: {  	s0 =	rddreg [dreg:$0x1];
	s1 =	simm.s32 $0x0;
	s5 =	srdreg.scid  }
0x3: {  	s2 =	stileid.u32;
	[smem:$0x7FF] =	sst s1  }
0x4: {  	s3 =	sadd.s32 $0xECE00, s4;
	s5 =	sand.u32 $0x1, s5;
	s6 =	sshll.u32 s2, $0x7  }
0x5: {  	s7 =	sshll.u32 s2, $0xE;
	_ =	strace $0x8000005C;
	s8 =	ssub.s32 $0x2, s5  }
0x6: {  	s6 =	sadd.s32 s6, s4;
	s7 =	sadd.s32 s7, s4;
	s9 =	sshll.u32 s5, $0xD  }
0x7: {  	s5 =	sshll.u32 s5, $0x6;
	s4 =	sshll.u32 s2, $0x1;
	s30 =	sshrl.u32 s8, $0x1  }
0x8: {  	s7 =	sadd.s32 s9, s7;
	s31 =	sadd.s32 s5, s6;
	s8 =	ssub.s32 s8, s30  }
0x9: {  	s6 =	sadd.s32 $0x13B000, s7;
	s7 =	sadd.s32 $0x39C00, s31;
	s5 =	smax.u32 s8, $0x1  }
.LBB2_1:
0xa: {  	s8 =	sadd.s32 $0x0, s4  }
0xb: {  	p0 =	sgt.u32 s8, $0x9C3  }
0xc: {  	s8 =	simm.s32 @!p0 $0x0;
	s9 =	simm.s32 @!p0 $0x3  }
0xd: {  	[tilespmem:s8], [sflag:$0x3] =	stream.linear.gather @!p0 [hbm4b:s7+s8], $0x200, $0x38;
	[tilespmem:$0x10200] =	vst v63  }
0xe: {  	_ =	swait.ge @!p0 [sflag:s9], $0x200  }
0xf: {  	[sflag:s9] =	ssyncset.done @!p0 $0x0;
	p0 =	por p0, p0  }
0x10: {  	[sflag:s9] =	ssyncadd.s32 @!p0 $0xFFFFFE00;
	s9 =	simm.s32 @!p0 $0x80;
	s10 =	simm.s32 @!p0 $0x200  }
0x11: {  	[tilespmem:s10], [sflag:$0x1] =	stream.indirect.gather @!p0 [hbm4b:s3+s9], $0x80, s8, s9, $0xb8;
	[tilespmem:$0x10200] =	vst v63  }
0x12: {  	s11 =	simm.s32 @!p0 $0x4200  }
0x13: {  	[tilespmem:s11], [sflag:$0x1] =	stream.indirect.gather @!p0 [hbm4b:s3+s9], $0x80, s9, s9, $0xb8;
	[tilespmem:$0x10200] =	vst v63  }
0x14: {  	s12 =	simm.s32 @!p0 $0x8200;
	s11 =	simm.s32 @!p0 $0x100  }
0x15: {  	[tilespmem:s12], [sflag:$0x1] =	stream.indirect.gather @!p0 [hbm4b:s3+s9], $0x80, s11, s9, $0xb8;
	[tilespmem:$0x10200] =	vst v63  }
0x16: {  	s13 =	simm.s32 @!p0 $0x1;
	s11 =	simm.s32 @!p0 $0x180;
	s12 =	simm.s32 @!p0 $0xC200  }
0x17: {  	[tilespmem:s12], [sflag:$0x1] =	stream.indirect.gather @!p0 [hbm4b:s3+s9], $0x80, s11, s9, $0xb8;
	[tilespmem:$0x10200] =	vst v63  }
0x18: {  	_ =	swait.ge @!p0 [sflag:s13], $0x4000  }
0x19: {  	[sflag:s13] =	ssyncset.done @!p0 $0x0  }
0x1a: {  	[sflag:s13] =	ssyncadd.s32 @!p0 $0xFFFFC000  }
0x1b: {  	_ =	swait.ge @!p0 [sflag:s13], $0x4000  }
0x1c: {  	[sflag:s13] =	ssyncset.done @!p0 $0x0  }
0x1d: {  	[sflag:s13] =	ssyncadd.s32 @!p0 $0xFFFFC000  }
0x1e: {  	_ =	swait.ge @!p0 [sflag:s13], $0x4000  }
0x1f: {  	[sflag:s13] =	ssyncset.done @!p0 $0x0  }
0x20: {  	[sflag:s13] =	ssyncadd.s32 @!p0 $0xFFFFC000  }
0x21: {  	_ =	swait.ge @!p0 [sflag:s13], $0x4000  }
0x22: {  	[sflag:s13] =	ssyncset.done @!p0 $0x0  }
0x23: {  	s31 =	sadd.s32 $0x20, s4;
	s11 =	simm.s32 @!p0 $0x2;
	[sflag:s13] =	ssyncadd.s32 @!p0 $0xFFFFC000  }
0x24: {  	[hbm4b:s6+s8] =	stream.linear.scatter @!p0 [tilespmem:s10], [sflag:$0x2], $0x10000, $0x38;
	[tilespmem:$0x10200] =	vst v63  }
0x25: {  	p2 =	sgt.u32 s31, $0x9C3;
	s9 =	simm.s32 $0x40;
	_ =	swait.ge @!p0 [sflag:s11], $0x10000  }
0x26: {  	s10 =	sadd.s32 $0x800, s7;
	s8 =	sadd.s32 $0x40000, s6;
	[sflag:s11] =	ssyncset.done @!p0 $0x0  }
.LBB2_2:
0x27: {  	s12 =	simm.s32 @!p2 $0x0;
	s13 =	simm.s32 @!p2 $0x3;
	[sflag:s11] =	ssyncadd.s32 @!p0 $0xFFFF0000  }
0x28: {  	[tilespmem:s12], [sflag:$0x3] =	stream.linear.gather @!p2 [hbm4b:s10+s12], $0x200, $0x38;
	[tilespmem:$0x10200] =	vst v63  }
0x29: {  	s14 =	smov.u32 s9;
	s9 =	sadd.s32 $0x20, s9;
	_ =	swait.ge @!p2 [sflag:s13], $0x200  }
0x2a: {  	p0 =	por p2, p2;
	p1 =	sne.s32 s9, $0x9E0;
	[sflag:s13] =	ssyncset.done @!p2 $0x0  }
0x2b: {  	s11 =	simm.s32 @!p0 $0x80;
	[sflag:s13] =	ssyncadd.s32 @!p0 $0xFFFFFE00;
	s13 =	simm.s32 @!p0 $0x200  }
0x2c: {  	[tilespmem:s13], [sflag:$0x1] =	stream.indirect.gather @!p0 [hbm4b:s3+s11], $0x80, s12, s11, $0xb8;
	[tilespmem:$0x10200] =	vst v63  }
0x2d: {  	s15 =	simm.s32 @!p0 $0x4200  }
0x2e: {  	[tilespmem:s15], [sflag:$0x1] =	stream.indirect.gather @!p0 [hbm4b:s3+s11], $0x80, s11, s11, $0xb8;
	[tilespmem:$0x10200] =	vst v63  }
0x2f: {  	s16 =	simm.s32 @!p0 $0x8200;
	s15 =	simm.s32 @!p0 $0x100  }
0x30: {  	[tilespmem:s16], [sflag:$0x1] =	stream.indirect.gather @!p0 [hbm4b:s3+s11], $0x80, s15, s11, $0xb8;
	[tilespmem:$0x10200] =	vst v63  }
0x31: {  	s17 =	simm.s32 @!p0 $0x1;
	s15 =	simm.s32 @!p0 $0x180;
	s16 =	simm.s32 @!p0 $0xC200  }
0x32: {  	[tilespmem:s16], [sflag:$0x1] =	stream.indirect.gather @!p0 [hbm4b:s3+s11], $0x80, s15, s11, $0xb8;
	[tilespmem:$0x10200] =	vst v63  }
0x33: {  	_ =	swait.ge @!p0 [sflag:s17], $0x4000  }
0x34: {  	[sflag:s17] =	ssyncset.done @!p0 $0x0  }
0x35: {  	[sflag:s17] =	ssyncadd.s32 @!p0 $0xFFFFC000  }
0x36: {  	_ =	swait.ge @!p0 [sflag:s17], $0x4000  }
0x37: {  	[sflag:s17] =	ssyncset.done @!p0 $0x0  }
0x38: {  	[sflag:s17] =	ssyncadd.s32 @!p0 $0xFFFFC000  }
0x39: {  	_ =	swait.ge @!p0 [sflag:s17], $0x4000  }
0x3a: {  	[sflag:s17] =	ssyncset.done @!p0 $0x0  }
0x3b: {  	[sflag:s17] =	ssyncadd.s32 @!p0 $0xFFFFC000  }
0x3c: {  	_ =	swait.ge @!p0 [sflag:s17], $0x4000  }
.Ltmp0:
0x3d: {  	[sflag:s17] =	ssyncset.done @!p0 $0x0;
	(pc) =	sbr.rel @p1 .LBB2_2-.Ltmp0, $4  }
0x3e: {  	s11 =	simm.s32 @!p0 $0x2;
	[sflag:s17] =	ssyncadd.s32 @!p0 $0xFFFFC000  }
0x3f: {  	[hbm4b:s8+s12] =	stream.linear.scatter @!p0 [tilespmem:s13], [sflag:$0x2], $0x10000, $0x38;
	[tilespmem:$0x10200] =	vst v63  }
0x40: {  	s10 =	sadd.s32 $0x800, s10;
	s12 =	sadd.s32 s14, s4;
	_ =	swait.ge @!p0 [sflag:s11], $0x10000  }
0x41: {  	s8 =	sadd.s32 $0x40000, s8;
	p2 =	sgt.u32 s12, $0x9C3;
	[sflag:s11] =	ssyncset.done @!p0 $0x0  }
0x42: {  	s9 =	simm.s32 @!p2 $0x0;
	s12 =	simm.s32 @!p2 $0x3;
	[sflag:s11] =	ssyncadd.s32 @!p0 $0xFFFF0000  }
0x43: {  	[tilespmem:s9], [sflag:$0x3] =	stream.linear.gather @!p2 [hbm4b:s10+s9], $0x200, $0x38;
	[tilespmem:$0x10200] =	vst v63  }
0x44: {  	_ =	swait.ge @!p2 [sflag:s12], $0x200  }
0x45: {  	p0 =	por p2, p2;
	[sflag:s12] =	ssyncset.done @!p2 $0x0  }
0x46: {  	s10 =	simm.s32 @!p0 $0x80;
	s11 =	simm.s32 @!p0 $0x200;
	[sflag:s12] =	ssyncadd.s32 @!p0 $0xFFFFFE00  }
0x47: {  	[tilespmem:s11], [sflag:$0x1] =	stream.indirect.gather @!p0 [hbm4b:s3+s10], $0x80, s9, s10, $0xb8;
	[tilespmem:$0x10200] =	vst v63  }
0x48: {  	s12 =	simm.s32 @!p0 $0x4200  }
0x49: {  	[tilespmem:s12], [sflag:$0x1] =	stream.indirect.gather @!p0 [hbm4b:s3+s10], $0x80, s10, s10, $0xb8;
	[tilespmem:$0x10200] =	vst v63  }
0x4a: {  	s13 =	simm.s32 @!p0 $0x8200;
	s12 =	simm.s32 @!p0 $0x100  }
0x4b: {  	[tilespmem:s13], [sflag:$0x1] =	stream.indirect.gather @!p0 [hbm4b:s3+s10], $0x80, s12, s10, $0xb8;
	[tilespmem:$0x10200] =	vst v63  }
0x4c: {  	s14 =	simm.s32 @!p0 $0x1;
	s12 =	simm.s32 @!p0 $0x180;
	s13 =	simm.s32 @!p0 $0xC200  }
0x4d: {  	[tilespmem:s13], [sflag:$0x1] =	stream.indirect.gather @!p0 [hbm4b:s3+s10], $0x80, s12, s10, $0xb8;
	[tilespmem:$0x10200] =	vst v63  }
0x4e: {  	_ =	swait.ge @!p0 [sflag:s14], $0x4000  }
0x4f: {  	[sflag:s14] =	ssyncset.done @!p0 $0x0  }
0x50: {  	[sflag:s14] =	ssyncadd.s32 @!p0 $0xFFFFC000  }
0x51: {  	_ =	swait.ge @!p0 [sflag:s14], $0x4000  }
0x52: {  	[sflag:s14] =	ssyncset.done @!p0 $0x0  }
0x53: {  	[sflag:s14] =	ssyncadd.s32 @!p0 $0xFFFFC000  }
0x54: {  	_ =	swait.ge @!p0 [sflag:s14], $0x4000  }
0x55: {  	[sflag:s14] =	ssyncset.done @!p0 $0x0  }
0x56: {  	[sflag:s14] =	ssyncadd.s32 @!p0 $0xFFFFC000  }
0x57: {  	s1 =	sadd.s32 $0x1, s1;
	_ =	swait.ge @!p0 [sflag:s14], $0x4000  }
0x58: {  	p1 =	sne.s32 s1, s5;
	[sflag:s14] =	ssyncset.done @!p0 $0x0  }
.Ltmp1:
0x59: {  	s10 =	simm.s32 @!p0 $0x2;
	[sflag:s14] =	ssyncadd.s32 @!p0 $0xFFFFC000;
	(pc) =	sbr.rel @p1 .LBB2_1-.Ltmp1, $4  }
0x5a: {  	[hbm4b:s8+s9] =	stream.linear.scatter @!p0 [tilespmem:s11], [sflag:$0x2], $0x10000, $0x38;
	[tilespmem:$0x10200] =	vst v63  }
0x5b: {  	_ =	swait.ge @!p0 [sflag:s10], $0x10000  }
0x5c: {  	[sflag:s10] =	ssyncset.done @!p0 $0x0  }
0x5d: {  	[sflag:s10] =	ssyncadd.s32 @!p0 $0xFFFF0000  }
0x5e: {  	_ =	sfence.sel $0x180000  }
0x5f: {  	[bflag:$0x0] =	sbarrier.arrive $0xFFFF  }
0x60: {  	p0 =	sne.s32 s2, $0x0;
	_ =	strace $0x9000005C  }
0x61: {  	s0 =	sadd.s32 @!p0 $0x100000, s0;
	[bflag:$0x2] =	sbarrier.arrive $0xFFFF  }
0x62: {  	[sflag:s0] =	ssyncadd.tile.s32 @!p0 $0x1;
	_ =	shalt  }
.Lfunc_end2:
_tile_overlayer_lowered:
.L_overlay_start_2:
0x63: {  	(tag) =	ssettag $0x2  }
0x64: {  	s0 =	rddreg [dreg:$0x0];
	s2 =	stileid.u32  }
0x65: {  	s1 =	rddreg [dreg:$0x1];
	p0 =	sne.s32 s2, $0x0  }
0x66: {  	s3 =	rddreg [dreg:$0x2];
	[bflag:$0x3] =	sbarrier.arrive $0xFFFF;
	s2 =	simm.s32 @!p0 $0x1C02  }
0x67: {  	[timem:s3], [sflag:s2] =	dma.local @!p0 [hbm:s0], s1  }
0x68: {  	s0 =	simm.s32 @!p0 $0x2  }
0x69: {  	_ =	swait.ge @!p0 [sflag:s0], s1  }
0x6a: {  	s1 =	ssub.s32 @!p0 $0x0, s1;
	[sflag:s0] =	ssyncset.done @!p0 $0x0  }
0x6b: {  	[sflag:s0] =	ssyncadd.s32 @!p0 s1  }
0x6c: {  	[bflag:$0x3] =	sbarrier.arrive $0xFFFF  }
0x6d: {  	_ =	shalt  }

// kernel: kernel.49.cloned.1.call-start
scs
__scs_entry_jumppad:
0x0: {  	(pc) =	sbr.rel $0x88, $3  }
0x1: {  	(tag) =	ssettag $0x0;
	lr =	simm.s32 $0x1  }
0x2: {  	[smem:$0x3F85] =	sst lr;
	_ =	strace $0xD0000000  }
0x3: {  	_ = 	snop  }
0x4: {  	_ = 	snop  }
0x5: {  	_ = 	snop  }
0x6: {  	_ = 	snop  }
0x7: {  	_ = 	snop  }
__scs_overlays_trampoline_lowered:
0x8: {  	[smem:$0x3F94] =	sst s0  }
0x9: {  	[smem:$0x3F95] =	sst s1  }
0xa: {  	[smem:$0x3F96] =	sst s2  }
0xb: {  	[smem:$0x3F97] =	sst s3  }
0xc: {  	[smem:$0x3F98] =	sst s4  }
0xd: {  	[smem:$0x3F99] =	sst s5  }
0xe: {  	[smem:$0x3F9A] =	sst s6  }
0xf: {  	[smem:$0x3F9B] =	sst s7  }
0x10: {  	[smem:$0x3F9C] =	sst s8  }
0x11: {  	[smem:$0x3F9D] =	sst s9;
	s0 =	simm.s32 @!p0 $0x0  }
0x12: {  	s1 =	sld [smem:$0x3F83];
	s0 =	simm.s32 @p0 $0x1  }
0x13: {  	[smem:$0x3F9E] =	sst s0;
	s0 =	simm.s32 @!p1 $0x0  }
0x14: {  	s2 =	sld [smem:$0x3F82];
	s0 =	simm.s32 @p1 $0x1  }
0x15: {  	[smem:$0x3F9F] =	sst s0;
	s0 =	simm.s32 @!p2 $0x0  }
0x16: {  	s3 =	sld [smem:$0x3FDB];
	s0 =	simm.s32 @p2 $0x1  }
0x17: {  	s4 =	simm.s32 $0x1BF5;
	[smem:$0x3FA1] =	sst s0  }
0x18: {  	s0 =	sld [smem:$0x3F84];
	_ =	swait.ge [sflag:s4], $0x0  }
0x19: {  	s7 =	sld [smem:$0x3F85]  }
0x1a: {  	s8 =	sadd.s32 $0xFFFFE003, lr  }
0x1b: {  	s9 =	sadd.s32 $0xFFFFFEF7, lr;
	s5 =	simm.s32 $0xFFFFFFFF;
	p2 =	slt.u32 s8, $0xFFFFF086  }
0x1c: {  	p1 =	slt.u32 s9, $0xF7A;
	s5 =	simm.s32 @!p2 $0x0  }
0x1d: {  	s5 =	simm.s32 @p1 $0x1;
	p0 =	seq.s32 s7, s2  }
0x1e: {  	s7 =	smul.u32 @!p0 $0xF7A, s2;
	p2 =	seq.s32 @!p0 s5, $0x0  }
0x1f: {  	s9 =	smul.u32 $0xF7A, s1;
	s8 =	simm.s32 @!p0 $0x1BF5;
	p2 =	por !p2, p0  }
0x20: {  	[sflag:s8] =	ssyncset.s32 @!p0 $0xFFFFF086;
	s6 =	sadd.s32 @!p0 s3, s7;
	s7 =	simm.s32 @!p0 $0x108  }
0x21: {  	s3 =	sadd.s32 s3, s9;
	s6 =	sadd.s32 @!p0 $0x88, s6;
	s7 =	simm.s32 @p2 $0x1082  }
0x22: {  	[simem:s7], [sflag:s8] =	dma.local @!p0 [hbm:s6], $0xF7A  }
0x23: {  	s9 =	sor.u32 $0xD0000000, s2;
	s6 =	simm.s32 $0x108;
	_ =	swait.ge @!p0 [sflag:s8], $0x0  }
0x24: {  	s3 =	sadd.s32 $0x88, s3;
	s6 =	simm.s32 @!p1 $0x1082;
	[sflag:s4] =	ssyncset.s32 $0xFFFFF086  }
0x25: {  	[simem:s6], [sflag:s4] =	dma.local [hbm:s3], $0xF7A  }
0x26: {  	[smem:$0x3F85] =	sst s1;
	(tag) =	ssettag s2;
	_ =	strace s9  }
0x27: {  	s1 =	sld [smem:$0x3F95]  }
0x28: {  	s2 =	sld [smem:$0x3F96]  }
0x29: {  	s4 =	sld [smem:$0x3F98]  }
0x2a: {  	p0 =	seq.s32 s5, $0x0;
	s5 =	sld [smem:$0x3F99]  }
0x2b: {  	s6 =	sld [smem:$0x3F9A]  }
0x2c: {  	s7 =	sld [smem:$0x3F9B]  }
0x2d: {  	s3 =	simm.s32 $0x108;
	s8 =	sld [smem:$0x3F9C]  }
0x2e: {  	s3 =	simm.s32 @!p0 $0x1082;
	s9 =	sld [smem:$0x3F9D]  }
0x2f: {  	lr =	sadd.s32 s0, s3;
	s0 =	sld [smem:$0x3F94]  }
0x30: {  	s3 =	sld [smem:$0x3F97]  }
0x31: {  	[smem:$0x3FA0] =	sst s10  }
0x32: {  	s10 =	sld [smem:$0x3F9E];
	_ =	sdelay $0x3  }
0x33: {  	p0 =	seq.s32 s10, $0x1;
	s10 =	sld [smem:$0x3FA0];
	_ =	sdelay $0x3  }
0x34: {  	[smem:$0x3FA0] =	sst s10  }
0x35: {  	s10 =	sld [smem:$0x3F9F];
	_ =	sdelay $0x3  }
0x36: {  	p1 =	seq.s32 s10, $0x1;
	s10 =	sld [smem:$0x3FA0];
	_ =	sdelay $0x3  }
0x37: {  	[smem:$0x3FA0] =	sst s10  }
0x38: {  	s10 =	sld [smem:$0x3FA1]  }
0x39: {  	_ = 	snop;
	(pc) =	sbr.ind lr, $3  }
0x3a: {  	_ = 	snop  }
0x3b: {  	_ = 	snop  }
0x3c: {  	p2 =	seq.s32 s10, $0x1;
	s10 =	sld [smem:$0x3FA0]  }
0x3d: {  	_ =	shalt  }
0x3e: {  	_ =	shalt  }
0x3f: {  	_ =	shalt  }
0x40: {  	_ =	shalt  }
0x41: {  	_ =	shalt  }
0x42: {  	_ =	shalt  }
0x43: {  	_ =	shalt  }
0x44: {  	_ =	shalt  }
0x45: {  	_ =	shalt  }
0x46: {  	_ =	shalt  }
0x47: {  	_ =	shalt  }
0x48: {  	_ =	shalt  }
0x49: {  	_ =	shalt  }
0x4a: {  	_ =	shalt  }
0x4b: {  	_ =	shalt  }
0x4c: {  	_ =	shalt  }
0x4d: {  	_ =	shalt  }
0x4e: {  	_ =	shalt  }
0x4f: {  	_ =	shalt  }
0x50: {  	_ =	shalt  }
0x51: {  	_ =	shalt  }
0x52: {  	_ =	shalt  }
0x53: {  	_ =	shalt  }
0x54: {  	_ =	shalt  }
0x55: {  	_ =	shalt  }
0x56: {  	_ =	shalt  }
0x57: {  	_ =	shalt  }
0x58: {  	_ =	shalt  }
0x59: {  	_ =	shalt  }
0x5a: {  	_ =	shalt  }
0x5b: {  	_ =	shalt  }
0x5c: {  	_ =	shalt  }
0x5d: {  	_ =	shalt  }
0x5e: {  	_ =	shalt  }
0x5f: {  	_ =	shalt  }
0x60: {  	_ =	shalt  }
0x61: {  	_ =	shalt  }
0x62: {  	_ =	shalt  }
0x63: {  	_ =	shalt  }
0x64: {  	_ =	shalt  }
0x65: {  	_ =	shalt  }
0x66: {  	_ =	shalt  }
0x67: {  	_ =	shalt  }
0x68: {  	_ =	shalt  }
0x69: {  	_ =	shalt  }
0x6a: {  	_ =	shalt  }
0x6b: {  	_ =	shalt  }
0x6c: {  	_ =	shalt  }
0x6d: {  	_ =	shalt  }
0x6e: {  	_ =	shalt  }
0x6f: {  	_ =	shalt  }
0x70: {  	_ =	shalt  }
0x71: {  	_ =	shalt  }
0x72: {  	_ =	shalt  }
0x73: {  	_ =	shalt  }
0x74: {  	_ =	shalt  }
0x75: {  	_ =	shalt  }
0x76: {  	_ =	shalt  }
0x77: {  	_ =	shalt  }
0x78: {  	_ =	shalt  }
0x79: {  	_ =	shalt  }
0x7a: {  	_ =	shalt  }
0x7b: {  	_ =	shalt  }
0x7c: {  	_ =	shalt  }
0x7d: {  	_ =	shalt  }
0x7e: {  	_ =	shalt  }
0x7f: {  	_ =	shalt  }
0x80: {  	_ =	shalt  }
0x81: {  	_ =	shalt  }
0x82: {  	_ =	shalt  }
0x83: {  	_ =	shalt  }
0x84: {  	_ =	shalt  }
0x85: {  	_ =	shalt  }
0x86: {  	_ =	shalt  }
0x87: {  	_ =	shalt  }
.Lfunc_end0:
.L_simem_size_0:
called_computation.8_lowered:
.L_overlay_start_0:
0x88: {  	s2 =	sld [smem:$0x3FD9]  }
0x89: {  	s3 =	sld [smem:$0x3FFE];
	_ =	sdelay $0x1  }
0x8a: {  	s1 =	srdreg.scid  }
0x8b: {  	s0 =	sand.u32 $0x1, s1  }
0x8c: {  	s16 =	sshll.u32 s0, $0xA;
	s2 =	sadd.s32 s3, s2  }
0x8d: {  	s2 =	sadd.s32 s2, s16  }
0x8e: {  	[smem:$0x3FAC] =	sst s2  }
0x8f: {  	_ = 	snop  }
0x90: {  	(tm) =	ssettm $0x1  }
0x91: {  	s17 =	sld [smem:$0x3FFB];
	_ =	sdelay $0x3  }
0x92: {  	_ =	strace s17  }
0x93: {  	s2 =	sld [smem:$0x3FFC];
	_ =	sdelay $0x3  }
0x94: {  	_ =	strace s2  }
0x95: {  	s2 =	sld [smem:$0x3FFD];
	_ =	sdelay $0x3  }
0x96: {  	_ =	strace s2  }
0x97: {  	_ =	strace $0x8FFFFFFF  }
0x98: {  	s18 =	sld [smem:$0x3FDB];
	_ =	sdelay $0x1  }
0x99: {  	s19 =	simm.s32 $_scs_section_size  }
0x9a: {  	s4 =	simm.s32 $_size__tile_overlayer_lowered;
	s5 =	simm.s32 $_tile_overlayer_lowered  }
0x9b: {  	s22 =	simm.s32 $0x1BFF;
	s21 =	sshll.u32 s5, $0x1;
	s2 =	sadd.s32 s19, s18  }
0x9c: {  	s6 =	simm.s32 $0x0;
	s20 =	sshll.u32 s4, $0x1;
	s4 =	sadd.s32 s21, s2  }
0x9d: {  	[timem:s6], [sflag:s22] =	dma.local [hbm:s4], s20  }
0x9e: {  	_ =	swait.ge [sflag:s22], s20  }
0x9f: {  	s3 =	ssub.s32 $0x0, s20;
	[sflag:s22] =	ssyncset.done $0x0  }
0xa0: {  	[sflag:s22] =	ssyncadd.s32 s3;
	_ =	sdelay $0x1  }
0xa1: {  	s23 =	simm.s32 $0x1B8B  }
0xa2: {  	_ =	swait.ge [sflag:s23], $0x1  }
0xa3: {  	[sflag:s23] =	ssyncset.done $0x0  }
0xa4: {  	s25 =	simm.s32 $0x1B8E;
	s24 =	sld [smem:$0x3FFE];
	[sflag:s23] =	ssyncadd.s32 $0xFFFFFFFF  }
0xa5: {  	s26 =	simm.s32 $execute0_lowered;
	[smem:$0x3FD2] =	sst s25  }
0xa6: {  	s4 =	sshll.u32 s26, $0x1;
	_ =	strace $0x8000005E;
	[dreg:$0x1] =	wrdreg $0xFFFFFFFF  }
0xa7: {  	s28 =	simm.s32 $_size_execute0_lowered;
	s2 =	sadd.s32 s2, s4;
	[dreg:$0x0] =	wrdreg $0x0  }
0xa8: {  	s4 =	sshll.u32 s28, $0x1;
	[dreg:$0x2] =	wrdreg s2  }
0xa9: {  	[dreg:$0x3] =	wrdreg s4  }
0xaa: {  	[dreg:$0x4] =	wrdreg $0xC0  }
0xab: {  	_ =	task [dreg:s6], $0x5FFFF  }
0xac: {  	[dreg:$0x1] =	wrdreg $0xFFFFFFFF  }
0xad: {  	[dreg:$0x0] =	wrdreg $0x60  }
0xae: {  	[dreg:$0x2] =	wrdreg s24  }
0xaf: {  	[dreg:$0x3] =	wrdreg $0x0  }
0xb0: {  	[dreg:$0x4] =	wrdreg $0x9  }
0xb1: {  	_ =	task.clear_ibuf [dreg:s6], $0x5FFFF;
	_ =	strace $0x9000005E  }
0xb2: {  	s29 =	simm.s32 $0x9;
	_ =	strace $0x80000060  }
0xb3: {  	_ =	swait.ge [sflag:s29], $0x1  }
0xb4: {  	[sflag:s29] =	ssyncadd.s32 $0xFFFFFFFF  }
0xb5: {  	_ =	strace $0x90000060  }
0xb6: {  	_ =	sfence  }
0xb7: {  	s30 =	sld [smem:$0x0];
	_ =	sdelay $0x2  }
0xb8: {  	s31 =	sshll.u32 s1, $0xD;
	s1 =	sshrl.u32 s1, $0x2  }
0xb9: {  	s3 =	sand.u32 $0x4000, s31;
	s1 =	sadd.s32 s1, s30  }
0xba: {  	s0 =	sor.u32 s3, s0;
	s1 =	sshll.u32 s1, $0x11  }
0xbb: {  	s0 =	sor.u32 s1, s0  }
0xbc: {  	s0 =	sadd.s32 $0x8F2B, s0  }
0xbd: {  	[sflag:s0] =	ssyncadd.remote.s32 $0x1  }
0xbe: {  	_ =	sfence.sel $0xFFFF  }
0xbf: {  	[dreg:$0x0] =	wrdreg $0xFFFFFFFF;
	(pc) =	sbr.abs _section_cstart, $3  }
0xc0: {  	[dreg:$0x1] =	wrdreg $0xFFFFFFFF  }
0xc1: {  	_ =	task.clear_ibuf [dreg:s6], $0x2FFFF;
	_ =	strace $0x9FFFFFFF  }
0xc2: {  	(tm) =	ssettm $0x7FFFFFFF  }
0xc3: {  	_ =	shalt  }
tec
execute0_lowered:
.L_overlay_start_1:
0x0: {  	(tag) =	ssettag $0x1  }
0x1: {  	s7 =	rddreg [dreg:$0x0];
	s0 =	srdreg.scid  }
0x2: {  	s1 =	rddreg [dreg:$0x1];
	s2 =	simm.s32 $0x0;
	s3 =	stileid.u32  }
0x3: {  	s4 =	sand.u32 $0x1, s0;
	s0 =	rddreg [dreg:$0x2];
	s8 =	smul.u32 $0x13800, s3  }
0x4: {  	[smem:$0x7FF] =	sst s2;
	s23 =	smul.u32 $0x4E000, s3  }
0x5: {  	s11 =	sadd.s32 $0xECE00, s7;
	s25 =	sshll.u32 s3, $0x6;
	s15 =	sadd.s32 $0x138000, s1  }
0x6: {  	s29 =	sshll.u32 s3, $0x5;
	s30 =	sshll.u32 s3, $0xC;
	s5 =	smul.u32 $0x4E2000, s4  }
0x7: {  	p0 =	sne.s32 s3, $0x0;
	s6 =	smul.u32 $0x9C40, s4;
	_ =	strace $0x8000005F  }
0x8: {  	s12 =	ssub.s32 $0x2, s4;
	s14 =	smul.u32 $0x138800, s4;
	s22 =	sshrl.u32 s8, $0x3  }
0x9: {  	s13 =	sshrl.u32 s12, $0x1;
	s10 =	sadd.s32 s5, s7;
	s9 =	sadd.s32 s6, s7  }
0xa: {  	s5 =	sadd.s32 s22, s7;
	s6 =	sshrl.u32 s23, $0x2;
	s12 =	ssub.s32 s12, s13  }
0xb: {  	s26 =	sadd.s32 s8, s14;
	s28 =	sshrl.u32 s14, $0x3;
	s7 =	sadd.s32 $0xECC00, s7  }
0xc: {  	s13 =	simm.s32 $0x1;
	s14 =	sshrl.u32 @!p0 s15, $0x3;
	s24 =	sadd.s32 s6, s1  }
0xd: {  	s4 =	sadd.s32 $0xC5C00, s5;
	s5 =	sor.u32 $0x1C01, s25;
	s6 =	sshrl.u32 s26, $0x3  }
0xe: {  	s8 =	sadd.s32 s11, s28;
	s31 =	sadd.s32 s30, s10;
	s6 =	sadd.s32 s11, s6  }
0xf: {  	s11 =	sadd.s32 s29, s9;
	s8 =	sadd.s32 $0x27000, s8;
	s9 =	smax.u32 s12, $0x1  }
0x10: {  	s12 =	sshrl.u32 s24, $0x3;
	s10 =	sadd.s32 $0x25200, s11;
	s11 =	sadd.s32 $0x14C3000, s31  }
.LBB2_1:
0x11: {  	[spmem:s12], [sflag:s5] =	dma.local [hbm:s4], $0x2700  }
0x12: {  	_ =	swait.ge [sflag:s13], $0x2700  }
0x13: {  	[sflag:s13] =	ssyncset.done $0x0  }
0x14: {  	s15 =	simm.s32 @!p0 $0x1;
	[sflag:s13] =	ssyncadd.s32 $0xFFFFD900  }
0x15: {  	[spmem:s14], [sflag:s5] =	dma.local @!p0 [hbm:s7], $0x100  }
0x16: {  	s30 =	sadd.s32 $0x0, s3;
	_ =	swait.ge @!p0 [sflag:s15], $0x100  }
0x17: {  	p1 =	sgt.u32 s30, $0x4E1;
	[sflag:s15] =	ssyncset.done @!p0 $0x0  }
0x18: {  	s16 =	simm.s32 @!p1 $0x13980;
	[sflag:s15] =	ssyncadd.s32 @!p0 $0xFFFFFF00  }
0x19: {  	s18 =	simm.s32 @!p1 $0x2;
	s15 =	simm.s32 @!p1 $0x0;
	[bflag:$0x0] =	sbarrier.arrive $0xFFFF  }
0x1a: {  	[tilespmem:s16], [sflag:$0x2] =	stream.linear.gather @!p1 [hbm4b:s11+s15], $0x8000, $0x38;
	[tilespmem:$0x1B980] =	vst v63  }
0x1b: {  	_ =	swait.ge @!p1 [sflag:s18], $0x8000;
	p1 =	por p1, p1  }
0x1c: {  	[sflag:s18] =	ssyncset.done @!p1 $0x0  }
0x1d: {  	s17 =	simm.s32 @!p1 $0x13880;
	[sflag:s18] =	ssyncadd.s32 @!p1 $0xFFFF8000  }
0x1e: {  	[tilespmem:s17], [sflag:$0x2] =	stream.linear.gather @!p1 [hbm4b:s10+s15], $0x100, $0x38;
	[tilespmem:$0x1B980] =	vst v63  }
0x1f: {  	_ =	swait.ge @!p1 [sflag:s18], $0x100  }
0x20: {  	[sflag:s18] =	ssyncset.done @!p1 $0x0  }
0x21: {  	s15 =	simm.s32 @!p1 $0x80;
	[sflag:s18] =	ssyncadd.s32 @!p1 $0xFFFFFF00  }
0x22: {  	[spmem:s1] =	stream.indirect.scatter.add.f32 @!p1 [tilespmem:s16], [sflag:$0x2], $0x80, s17, s15, $0xb8;
	[tilespmem:$0x1B980] =	vst v63  }
0x23: {  	_ =	swait.ge @!p1 [sflag:s18], $0x4000  }
0x24: {  	s31 =	sadd.s32 $0x10, s3;
	[sflag:s18] =	ssyncset.done @!p1 $0x0  }
0x25: {  	s16 =	simm.s32 @!p1 $0x13900;
	[sflag:s18] =	ssyncadd.s32 @!p1 $0xFFFFC000;
	s18 =	simm.s32 @!p1 $0x17980  }
0x26: {  	[spmem:s1] =	stream.indirect.scatter.add.f32 @!p1 [tilespmem:s18], [sflag:$0x1], $0x80, s16, s15, $0xb8;
	[tilespmem:$0x1B980] =	vst v63  }
0x27: {  	p3 =	sgt.u32 s31, $0x4E1;
	s17 =	simm.s32 $0x20;
	s18 =	simm.s32 @!p1 $0x1  }
0x28: {  	s16 =	sadd.s32 $0x10000, s11;
	s15 =	sadd.s32 $0x200, s10;
	_ =	swait.ge @!p1 [sflag:s18], $0x4000  }
.LBB2_2:
0x29: {  	s19 =	simm.s32 @!p3 $0x0  }
0x2a: {  	s20 =	simm.s32 @!p3 $0x13980;
	[sflag:s18] =	ssyncset.done @!p1 $0x0;
	s21 =	smov.u32 s17  }
0x2b: {  	s17 =	sadd.s32 $0x10, s17;
	s22 =	simm.s32 @!p3 $0x2;
	[sflag:s18] =	ssyncadd.s32 @!p1 $0xFFFFC000  }
0x2c: {  	[tilespmem:s20], [sflag:$0x2] =	stream.linear.gather @!p3 [hbm4b:s16+s19], $0x8000, $0x38;
	[tilespmem:$0x1B980] =	vst v63  }
0x2d: {  	p2 =	sne.s32 s17, $0x4F0;
	p1 =	por p3, p3;
	_ =	swait.ge @!p3 [sflag:s22], $0x8000  }
0x2e: {  	[sflag:s22] =	ssyncset.done @!p1 $0x0  }
0x2f: {  	s18 =	simm.s32 @!p1 $0x13880;
	[sflag:s22] =	ssyncadd.s32 @!p1 $0xFFFF8000  }
0x30: {  	[tilespmem:s18], [sflag:$0x2] =	stream.linear.gather @!p1 [hbm4b:s15+s19], $0x100, $0x38;
	[tilespmem:$0x1B980] =	vst v63  }
0x31: {  	_ =	swait.ge @!p1 [sflag:s22], $0x100  }
0x32: {  	[sflag:s22] =	ssyncset.done @!p1 $0x0  }
0x33: {  	s19 =	simm.s32 @!p1 $0x80;
	[sflag:s22] =	ssyncadd.s32 @!p1 $0xFFFFFF00  }
0x34: {  	[spmem:s1] =	stream.indirect.scatter.add.f32 @!p1 [tilespmem:s20], [sflag:$0x2], $0x80, s18, s19, $0xb8;
	[tilespmem:$0x1B980] =	vst v63  }
.Ltmp0:
0x35: {  	s16 =	sadd.s32 $0x10000, s16;
	_ =	swait.ge @!p1 [sflag:s22], $0x4000;
	(pc) =	sbr.rel @p2 .LBB2_2-.Ltmp0, $4  }
0x36: {  	s20 =	sadd.s32 s21, s3;
	s18 =	simm.s32 @!p1 $0x1;
	[sflag:s22] =	ssyncset.done @!p1 $0x0  }
0x37: {  	s21 =	simm.s32 @!p1 $0x13900;
	[sflag:s22] =	ssyncadd.s32 @!p1 $0xFFFFC000;
	s22 =	simm.s32 @!p1 $0x17980  }
0x38: {  	[spmem:s1] =	stream.indirect.scatter.add.f32 @!p1 [tilespmem:s22], [sflag:$0x1], $0x80, s21, s19, $0xb8;
	[tilespmem:$0x1B980] =	vst v63  }
0x39: {  	s15 =	sadd.s32 $0x200, s15;
	p3 =	sgt.u32 s20, $0x4E1;
	_ =	swait.ge @!p1 [sflag:s18], $0x4000  }
0x3a: {  	s17 =	simm.s32 @!p3 $0x0;
	[sflag:s18] =	ssyncset.done @!p1 $0x0  }
0x3b: {  	s19 =	simm.s32 @!p3 $0x13980;
	s20 =	simm.s32 @!p3 $0x2;
	[sflag:s18] =	ssyncadd.s32 @!p1 $0xFFFFC000  }
0x3c: {  	[tilespmem:s19], [sflag:$0x2] =	stream.linear.gather @!p3 [hbm4b:s16+s17], $0x8000, $0x38;
	[tilespmem:$0x1B980] =	vst v63  }
0x3d: {  	p1 =	por p3, p3;
	_ =	swait.ge @!p3 [sflag:s20], $0x8000  }
0x3e: {  	[sflag:s20] =	ssyncset.done @!p1 $0x0  }
0x3f: {  	s16 =	simm.s32 @!p1 $0x13880;
	[sflag:s20] =	ssyncadd.s32 @!p1 $0xFFFF8000  }
0x40: {  	[tilespmem:s16], [sflag:$0x2] =	stream.linear.gather @!p1 [hbm4b:s15+s17], $0x100, $0x38;
	[tilespmem:$0x1B980] =	vst v63  }
0x41: {  	_ =	swait.ge @!p1 [sflag:s20], $0x100  }
0x42: {  	[sflag:s20] =	ssyncset.done @!p1 $0x0  }
0x43: {  	s15 =	simm.s32 @!p1 $0x80;
	[sflag:s20] =	ssyncadd.s32 @!p1 $0xFFFFFF00  }
0x44: {  	[spmem:s1] =	stream.indirect.scatter.add.f32 @!p1 [tilespmem:s19], [sflag:$0x2], $0x80, s16, s15, $0xb8;
	[tilespmem:$0x1B980] =	vst v63  }
0x45: {  	_ =	swait.ge @!p1 [sflag:s20], $0x4000  }
0x46: {  	s18 =	simm.s32 @!p1 $0x17980;
	[sflag:s20] =	ssyncset.done @!p1 $0x0  }
0x47: {  	s17 =	simm.s32 @!p1 $0x13900;
	s16 =	simm.s32 @!p1 $0x1;
	[sflag:s20] =	ssyncadd.s32 @!p1 $0xFFFFC000  }
0x48: {  	[spmem:s1] =	stream.indirect.scatter.add.f32 @!p1 [tilespmem:s18], [sflag:$0x1], $0x80, s17, s15, $0xb8;
	[tilespmem:$0x1B980] =	vst v63  }
0x49: {  	_ =	swait.ge @!p1 [sflag:s16], $0x4000  }
0x4a: {  	[sflag:s16] =	ssyncset.done @!p1 $0x0  }
0x4b: {  	[sflag:s16] =	ssyncadd.s32 @!p1 $0xFFFFC000  }
0x4c: {  	[bflag:$0x0] =	sbarrier.arrive $0xFFFF  }
0x4d: {  	[hbm:s6], [sflag:s5] =	dma.local [spmem:s12], $0x2700  }
0x4e: {  	s2 =	sadd.s32 $0x1, s2;
	_ =	swait.ge [sflag:s13], $0x2700  }
0x4f: {  	p1 =	sne.s32 s2, s9;
	[sflag:s13] =	ssyncset.done $0x0  }
.Ltmp1:
0x50: {  	s15 =	simm.s32 @!p0 $0x1;
	[sflag:s13] =	ssyncadd.s32 $0xFFFFD900;
	(pc) =	sbr.rel @p1 .LBB2_1-.Ltmp1, $4  }
0x51: {  	[hbm:s8], [sflag:s5] =	dma.local @!p0 [spmem:s14], $0x100  }
0x52: {  	_ =	swait.ge @!p0 [sflag:s15], $0x100  }
0x53: {  	[sflag:s15] =	ssyncset.done @!p0 $0x0  }
0x54: {  	[sflag:s15] =	ssyncadd.s32 @!p0 $0xFFFFFF00  }
0x55: {  	_ =	sfence.sel $0x180000  }
0x56: {  	[bflag:$0x0] =	sbarrier.arrive $0xFFFF  }
0x57: {  	_ =	strace $0x9000005F  }
0x58: {  	s0 =	sadd.s32 @!p0 $0x100000, s0;
	[bflag:$0x2] =	sbarrier.arrive $0xFFFF  }
0x59: {  	[sflag:s0] =	ssyncadd.tile.s32 @!p0 $0x1;
	_ =	shalt  }
.Lfunc_end2:
_tile_overlayer_lowered:
.L_overlay_start_2:
0x5a: {  	(tag) =	ssettag $0x2  }
0x5b: {  	s0 =	rddreg [dreg:$0x0];
	s2 =	stileid.u32  }
0x5c: {  	s1 =	rddreg [dreg:$0x1];
	p0 =	sne.s32 s2, $0x0  }
0x5d: {  	s3 =	rddreg [dreg:$0x2];
	[bflag:$0x3] =	sbarrier.arrive $0xFFFF;
	s2 =	simm.s32 @!p0 $0x1C01  }
0x5e: {  	[timem:s3], [sflag:s2] =	dma.local @!p0 [hbm:s0], s1  }
0x5f: {  	s0 =	simm.s32 @!p0 $0x1  }
0x60: {  	_ =	swait.ge @!p0 [sflag:s0], s1  }
0x61: {  	s1 =	ssub.s32 @!p0 $0x0, s1;
	[sflag:s0] =	ssyncset.done @!p0 $0x0  }
0x62: {  	[sflag:s0] =	ssyncadd.s32 @!p0 s1  }
0x63: {  	[bflag:$0x3] =	sbarrier.arrive $0xFFFF  }
0x64: {  	_ =	shalt  }

</sc_bundles>
